<compile_context>
chip_gen: v7x
topology: tpu7x:2x2x1
jax: 0.10.2.dev20260603
libtpu: 0.0.44.dev20260713+nightly
codegen_flags: <defaults>
</compile_context>

<pallas_src>
import functools

import jax
import jax.numpy as jnp
import numpy as np
from jax import lax
from jax.experimental import pallas as pl
from jax.experimental.pallas import tpu as pltpu
from jax.experimental.pallas import tpu_sc as plsc

T, N, F_IN = 12, 10000, 128
H, C = 4, 64
HC = H * C
LH = 64
NCLS = 10
E = 320000
NT = T * N
W0 = (T - 1) * N
HALF = N // 2
HPAD = 5120
RPT = HPAD // 16
MROWS = 320
MRPT = MROWS // 16
EPT = E // 16
CH = 400
NSUB = 5
GSUB = 5


def _table_body(x_ref, w1_ref, w2_ref, o1_ref, o2_ref):
    x = x_ref[...]
    o1_ref[...] = jnp.dot(x, w1_ref[...], preferred_element_type=jnp.float32)
    o2_ref[...] = jnp.dot(x, w2_ref[...], preferred_element_type=jnp.float32)


def _build_table(x_flat, w1, w2):
    bk = 2000
    return pl.pallas_call(
        _table_body,
        grid=(NT // bk,),
        in_specs=[
            pl.BlockSpec((bk, F_IN), lambda i: (i, 0)),
            pl.BlockSpec((F_IN, HC), lambda i: (0, 0)),
            pl.BlockSpec((F_IN, 16), lambda i: (0, 0)),
        ],
        out_specs=[
            pl.BlockSpec((bk, HC), lambda i: (i, 0)),
            pl.BlockSpec((bk, 16), lambda i: (i, 0)),
        ],
        out_shape=(
            jax.ShapeDtypeStruct((NT, HC), jnp.float32),
            jax.ShapeDtypeStruct((NT, 16), jnp.float32),
        ),
    )(x_flat, w1, w2)


def _sc_body(esrc, edst, eattr, asrcf, adstf, wvec,
             oexp,
             es_v, ed_v, ea_v, ibs, ibd, abuf, dbuf, xbuf, wv, sem):
    c = lax.axis_index("c")
    s = lax.axis_index("s")
    iota = lax.iota(jnp.int32, 16)

    pltpu.sync_copy(wvec, wv)
    w_h = [wv[h] for h in range(4)]

    half_lo = W0 + c * HALF
    dbase = c * (HALF * 4)
    ebase = s * EPT

    def chunk_body(ci, carry):
        cbase = ebase + ci * CH
        pltpu.sync_copy(esrc.at[pl.ds(cbase, CH)], es_v)
        pltpu.sync_copy(edst.at[pl.ds(cbase, CH)], ed_v)
        pltpu.sync_copy(eattr.at[pl.ds(cbase, CH)], ea_v)

        def idx_body(g, carry2):
            b = g * 16
            sv0 = es_v[pl.ds(b, 16)]
            dv = ed_v[pl.ds(b, 16)]
            dl = dv - half_lo
            msk = (dl >= 0) & (dl < HALF)
            sv = jnp.where(msk, sv0, 0)
            dlc = jnp.where(msk, dl, 0)
            for h in range(4):
                ibs[pl.ds(h * CH + b, 16)] = sv * 4 + h
                ibd[pl.ds(h * CH + b, 16)] = dbase + dlc * 4 + h
            return carry2

        lax.fori_loop(0, CH // 16, idx_body, 0)

        pltpu.async_copy(asrcf.at[ibs], abuf, sem).wait()
        pltpu.async_copy(adstf.at[ibd], dbuf, sem).wait()

        def grp_body(g, carry3):
            b = g * 16
            dv = ed_v[pl.ds(b, 16)]
            av0 = ea_v[pl.ds(b, 16)]
            dl = dv - half_lo
            msk = (dl >= 0) & (dl < HALF)
            av = jnp.where(msk, av0, 0.0)
            for h in range(4):
                a_s = abuf[pl.ds(h * CH + b, 16)]
                a_d = dbuf[pl.ds(h * CH + b, 16)]
                lg = a_s + a_d + av * w_h[h]
                lg = jnp.where(lg >= 0, lg, 0.2 * lg)
                e = jnp.where(msk, jnp.exp(lg), 0.0)
                xbuf[pl.ds(h * CH + b, 16)] = e
            return carry3

        lax.fori_loop(0, CH // 16, grp_body, 0)

        pltpu.sync_copy(xbuf, oexp.at[pl.ds(c * (16 * 4 * EPT) + s * 4 * EPT + ci * 4 * CH, 4 * CH)])
        return carry

    lax.fori_loop(0, EPT // CH, chunk_body, 0)


def _run_sc(esrc, edst, eaf, asrcf, adstf, wvec):
    mesh = plsc.VectorSubcoreMesh(core_axis_name="c", subcore_axis_name="s")
    f = pl.kernel(
        _sc_body,
        out_type=jax.ShapeDtypeStruct((2 * 16 * 4 * EPT,), jnp.float32),
        mesh=mesh,
        scratch_types=(
            pltpu.VMEM((CH,), jnp.int32),
            pltpu.VMEM((CH,), jnp.int32),
            pltpu.VMEM((CH,), jnp.float32),
            pltpu.VMEM((4 * CH,), jnp.int32),
            pltpu.VMEM((4 * CH,), jnp.int32),
            pltpu.VMEM((4 * CH,), jnp.float32),
            pltpu.VMEM((4 * CH,), jnp.float32),
            pltpu.VMEM((4 * CH,), jnp.float32),
            pltpu.VMEM((4, 16), jnp.float32),
            pltpu.SemaphoreType.DMA,
        ),
    )
    return f(esrc, edst, eaf, asrcf, adstf, wvec)


def _tail_body(xp_ref, asrc_ref, adst_ref, amsg_ref, ameta_ref,
               wrow_ref, hmask_ref, bgat_ref, wih_ref, brow_ref, o_ref):
    xp = xp_ref[...]
    meta = ameta_ref[...]
    easum = meta[:, 0:1]
    cnt = meta[:, 1:2]
    den4 = meta[:, 2:6]
    la = easum / jnp.maximum(cnt, 1.0)
    w4 = wrow_ref[0, 0:4][None, :]
    sl = asrc_ref[...] + adst_ref[...] + la * w4
    sl = jnp.where(sl >= 0, sl, 0.2 * sl)
    es = jnp.exp(sl)
    den = den4 + es
    hmask = hmask_ref[...]
    esx = jnp.dot(es, hmask, preferred_element_type=jnp.float32)
    denx = jnp.dot(den, hmask, preferred_element_type=jnp.float32)
    gat = (amsg_ref[...] + esx * xp) / (denx + 1e-16) + bgat_ref[...]
    gat = jnp.maximum(gat, 0.0)
    o_ref[...] = jnp.dot(gat, wih_ref[...], preferred_element_type=jnp.float32) + brow_ref[...]


def _run_tail(xp_w, asrc_w, adst_w, amsg, ameta, wrow, hmask, bgat, wih, brow):
    bk = 1000
    g = N // bk
    return pl.pallas_call(
        _tail_body,
        grid=(g,),
        in_specs=[
            pl.BlockSpec((bk, 256), lambda i: (i, 0)),
            pl.BlockSpec((bk, 4), lambda i: (i, 0)),
            pl.BlockSpec((bk, 4), lambda i: (i, 0)),
            pl.BlockSpec((bk, 256), lambda i: (i, 0)),
            pl.BlockSpec((bk, 16), lambda i: (i, 0)),
            pl.BlockSpec((1, 16), lambda i: (0, 0)),
            pl.BlockSpec((4, 256), lambda i: (0, 0)),
            pl.BlockSpec((1, 256), lambda i: (0, 0)),
            pl.BlockSpec((256, 256), lambda i: (0, 0)),
            pl.BlockSpec((1, 256), lambda i: (0, 0)),
        ],
        out_specs=pl.BlockSpec((bk, 256), lambda i: (i, 0)),
        out_shape=jax.ShapeDtypeStruct((N, 256), jnp.float32),
    )(xp_w, asrc_w, adst_w, amsg, ameta, wrow, hmask, bgat, wih, brow)


def _lstm_body(xg_ref, whh_ref, wfc_ref, bfc_ref, o_ref, h_ref, c_ref, hs_ref, *, bk):
    @pl.when(pl.program_id(0) == 0)
    def _init():
        h_ref[...] = jnp.zeros((1, LH), jnp.float32)
        c_ref[...] = jnp.zeros((1, LH), jnp.float32)

    whh = whh_ref[...]

    def row(i, carry):
        h, cc = carry
        g = xg_ref[pl.ds(i, 1), :] + jnp.dot(h, whh, preferred_element_type=jnp.float32)
        ii = jax.nn.sigmoid(g[:, 0:64])
        ff = jax.nn.sigmoid(g[:, 64:128])
        gg = jnp.tanh(g[:, 128:192])
        oo = jax.nn.sigmoid(g[:, 192:256])
        cc = ff * cc + ii * gg
        h = oo * jnp.tanh(cc)
        hs_ref[pl.ds(i, 1), :] = h
        return (h, cc)

    h, cc = lax.fori_loop(0, bk, row, (h_ref[...], c_ref[...]))
    h_ref[...] = h
    c_ref[...] = cc
    o_ref[...] = jnp.dot(hs_ref[...], wfc_ref[...], preferred_element_type=jnp.float32) + bfc_ref[...]


def _run_lstm(xg, whh, wfc, bfc_row):
    bk = 2000
    g = N // bk
    return pl.pallas_call(
        functools.partial(_lstm_body, bk=bk),
        grid=(g,),
        in_specs=[
            pl.BlockSpec((bk, 256), lambda i: (i, 0)),
            pl.BlockSpec((LH, 256), lambda i: (0, 0)),
            pl.BlockSpec((LH, NCLS), lambda i: (0, 0)),
            pl.BlockSpec((1, NCLS), lambda i: (0, 0)),
        ],
        out_specs=pl.BlockSpec((bk, NCLS), lambda i: (i, 0)),
        out_shape=jax.ShapeDtypeStruct((N, NCLS), jnp.float32),
        scratch_shapes=[
            pltpu.VMEM((1, LH), jnp.float32),
            pltpu.VMEM((1, LH), jnp.float32),
            pltpu.VMEM((bk, LH), jnp.float32),
        ],
    )(xg, whh, wfc, bfc_row)


def kernel(x_seq, edge_index, edge_attr, W_lin, att_src, att_dst, att_edge,
           W_edge, b_gat, W_ih, W_hh, b_ih, b_hh, W_fc, b_fc):
    x_flat = x_seq.reshape(NT, F_IN)

    m_src = (W_lin.reshape(F_IN, H, C) * att_src[0][None]).sum(-1)
    m_dst = (W_lin.reshape(F_IN, H, C) * att_dst[0][None]).sum(-1)
    w_e = (W_edge[0].reshape(H, C) * att_edge[0]).sum(-1)
    watt = jnp.concatenate(
        [m_src, m_dst, jnp.zeros((F_IN, 16 - 2 * H), jnp.float32)], axis=1)

    table, att = _build_table(x_flat, W_lin, watt)

    esrc = edge_index[0]
    edst = edge_index[1]
    eaf = edge_attr[:, 0]
    asrcf = att[:, :H].reshape(NT * H)
    adstf = att[W0:, H:2 * H].reshape(N * H)
    wvec = jnp.tile(w_e[:, None], (1, 16))

    oexp = _run_sc(esrc, edst, eaf, asrcf, adstf, wvec)
    oexp = oexp.reshape(2, 16, EPT // CH, 4, CH)
    alpha = (oexp[0] + oexp[1]).transpose(2, 0, 1, 3).reshape(H, E)

    inw = (edst >= W0) & (edst < W0 + N)
    dl = jnp.where(inw, edst - W0, 0)
    xps = table[esrc]
    amsg = jax.ops.segment_sum(
        xps * jnp.repeat(alpha.T, C, axis=1), dl, num_segments=N)
    den = jax.ops.segment_sum(alpha.T, dl, num_segments=N)
    easum = jax.ops.segment_sum(jnp.where(inw, eaf, 0.0), dl, num_segments=N)
    cnt = jax.ops.segment_sum(inw.astype(jnp.float32), dl, num_segments=N)
    ameta = jnp.concatenate(
        [easum[:, None], cnt[:, None], den,
         jnp.zeros((N, 10), jnp.float32)], axis=1)

    xp_w = table[W0:]
    asrc_w = att[W0:, :H]
    adst_w = att[W0:, H:2 * H]
    wrow = jnp.concatenate([w_e, jnp.zeros((16 - H,), jnp.float32)])[None, :]
    hmask = jnp.asarray(np.repeat(np.eye(4, dtype=np.float32), C, axis=1))
    bgat = b_gat[None, :]
    brow = (b_ih + b_hh)[None, :]

    xg = _run_tail(xp_w, asrc_w, adst_w, amsg, ameta, wrow, hmask, bgat, W_ih, brow)

    out = _run_lstm(xg, W_hh, W_fc, b_fc[None, :])
    return out

# --- scband reference (transcript-rebuilt; emitter-appended) ---
"""Pipeline reference for scband-gat-lstm-71373766525385 (READ-ONLY COPY).

The authoritative reference and input builder live on the scoring server;
editing this copy changes nothing except your own understanding.
"""

import jax, jax.numpy as jnp
import numpy as np

T, N, F_IN = 12, 10000, 128
H, C = 4, 64
HC = H * C
LH = 64
NC = 10
E = 320000
NT = T * N


def setup_inputs(seed: int = 0) -> dict:
    key = jax.random.key(seed)
    ks = jax.random.split(key, 16)
    s = 0.1
    return {
        "x_seq": jax.random.normal(ks[0], (T, N, F_IN), jnp.float32),
        "edge_index": jax.random.randint(ks[1], (2, E), 0, NT, dtype=jnp.int32),
        "edge_attr": jax.random.uniform(ks[2], (E, 1), jnp.float32),
        "W_lin": jax.random.normal(ks[3], (F_IN, HC), jnp.float32) * (1.0 / np.sqrt(F_IN)),
        "att_src": jax.random.normal(ks[4], (1, H, C), jnp.float32) * s,
        "att_dst": jax.random.normal(ks[5], (1, H, C), jnp.float32) * s,
        "att_edge": jax.random.normal(ks[6], (1, H, C), jnp.float32) * s,
        "W_edge": jax.random.normal(ks[7], (1, HC), jnp.float32) * s,
        "b_gat": jnp.zeros((HC,), jnp.float32),
        "W_ih": jax.random.normal(ks[8], (HC, 4 * LH), jnp.float32) * (1.0 / np.sqrt(HC)),
        "W_hh": jax.random.normal(ks[9], (LH, 4 * LH), jnp.float32) * (1.0 / np.sqrt(LH)),
        "b_ih": jnp.zeros((4 * LH,), jnp.float32),
        "b_hh": jnp.zeros((4 * LH,), jnp.float32),
        "W_fc": jax.random.normal(ks[10], (LH, NC), jnp.float32) * (1.0 / np.sqrt(LH)),
        "b_fc": jnp.zeros((NC,), jnp.float32),
    }


def _gat(x, edge_index, edge_attr, W_lin, att_src, att_dst, att_edge, W_edge, b_gat):
    Ntot = x.shape[0]
    src, dst = edge_index[0], edge_index[1]
    # add_self_loops with fill_value='mean': per-dst mean of incoming edge_attr
    sums = jax.ops.segment_sum(edge_attr, dst, num_segments=Ntot)
    cnt = jax.ops.segment_sum(jnp.ones((edge_attr.shape[0],), jnp.float32), dst, num_segments=Ntot)
    loop_attr = sums / jnp.clip(cnt, 1.0)[:, None]
    loop_idx = jnp.arange(Ntot, dtype=src.dtype)
    src = jnp.concatenate([src, loop_idx])
    dst = jnp.concatenate([dst, loop_idx])
    ea = jnp.concatenate([edge_attr, loop_attr], axis=0)
    # linear projection (shared src/dst in PyG GATConv for int in_channels)
    xp = (x @ W_lin).reshape(Ntot, H, C)
    a_src = (xp * att_src[0][None]).sum(-1)  # [Ntot, H]
    a_dst = (xp * att_dst[0][None]).sum(-1)
    ef = (ea @ W_edge).reshape(-1, H, C)
    a_edge = (ef * att_edge[0][None]).sum(-1)  # [Etot, H]
    alpha = a_src[src] + a_dst[dst] + a_edge
    alpha = jax.nn.leaky_relu(alpha, negative_slope=0.2)
    amax = jax.ops.segment_max(alpha, dst, num_segments=Ntot)
    alpha = jnp.exp(alpha - jax.lax.stop_gradient(amax)[dst])
    denom = jax.ops.segment_sum(alpha, dst, num_segments=Ntot)
    alpha = alpha / (denom[dst] + 1e-16)
    # dropout on attention skipped (eval mode)
    msg = xp[src] * alpha[..., None]
    out = jax.ops.segment_sum(msg, dst, num_segments=Ntot)
    return out.reshape(Ntot, HC) + b_gat


def _lstm(xs, W_ih, W_hh, b_ih, b_hh):
    # xs: [T, N, HC]; batch_first LSTM with batch=T, seq=N
    xg = xs @ W_ih + b_ih + b_hh  # [T, N, 4*LH]
    xg = jnp.swapaxes(xg, 0, 1)  # [N, T, 4*LH]

    def step(carry, g_t):
        h, c = carry
        g = g_t + h @ W_hh
        i, f, gg, o = jnp.split(g, 4, axis=-1)
        i = jax.nn.sigmoid(i)
        f = jax.nn.sigmoid(f)
        gg = jnp.tanh(gg)
        o = jax.nn.sigmoid(o)
        c = (f * c + i * gg).astype(carry[1].dtype)
        h = (o * jnp.tanh(c)).astype(carry[0].dtype)
        return (h, c), h

    init = (jnp.zeros((xs.shape[0], LH), jnp.float32), jnp.zeros((xs.shape[0], LH), jnp.float32))
    _, hs = jax.lax.scan(step, init, xg)  # [N, T, LH]
    return jnp.swapaxes(hs, 0, 1)  # [T, N, LH]


def reference(x_seq, edge_index, edge_attr, W_lin, att_src, att_dst, att_edge, W_edge, b_gat, W_ih, W_hh, b_ih, b_hh, W_fc, b_fc):
    t, n, f = x_seq.shape
    x = x_seq.reshape(t * n, f)
    x = _gat(x, edge_index, edge_attr, W_lin, att_src, att_dst, att_edge, W_edge, b_gat)
    x = jax.nn.relu(x)
    x = x.reshape(t, n, HC)
    hs = _lstm(x, W_ih, W_hh, b_ih, b_hh)
    out = hs[-1] @ W_fc + b_fc  # [N, num_classes]
    return out

if __name__ == "__main__":
    import jax
    _d = setup_inputs()
    print(jax.jit(kernel)(*tuple(_d.values())))

</pallas_src>

<mosaic_0001>
#map = affine_map<(d0, d1) -> (0)>
#map1 = affine_map<(d0, d1) -> (0, 0)>
module attributes {stable_mosaic.version = 14 : i64} {
  func.func @_sc_body(%arg0: i32, %arg1: i32, %arg2: memref<320000xi32, #tpu.memory_space<hbm>>, %arg3: memref<320000xi32, #tpu.memory_space<hbm>>, %arg4: memref<320000xf32, #tpu.memory_space<hbm>>, %arg5: memref<480000xf32, #tpu.memory_space<hbm>>, %arg6: memref<40000xf32, #tpu.memory_space<hbm>>, %arg7: memref<4x16xf32, #tpu.memory_space<hbm>>, %arg8: memref<2560000xf32, #tpu.memory_space<hbm>>, %arg9: memref<400xi32, #tpu.memory_space<vmem>>, %arg10: memref<400xi32, #tpu.memory_space<vmem>>, %arg11: memref<400xf32, #tpu.memory_space<vmem>>, %arg12: memref<1600xi32, #tpu.memory_space<vmem>>, %arg13: memref<1600xi32, #tpu.memory_space<vmem>>, %arg14: memref<1600xf32, #tpu.memory_space<vmem>>, %arg15: memref<1600xf32, #tpu.memory_space<vmem>>, %arg16: memref<1600xf32, #tpu.memory_space<vmem>>, %arg17: memref<4x16xf32, #tpu.memory_space<vmem>>, %arg18: memref<!tpu.dma_semaphore, #tpu.memory_space<semaphore_mem>>) attributes {dimension_semantics = [#tpu.dimension_semantics<core_parallel>, #tpu.dimension_semantics<subcore_parallel>], iteration_bounds = array<i64: 2, 16>, scalar_prefetch = 0 : i64, scratch_operands = 10 : i64, tpu.core_type = #tpu.core_type<sc_vector_subcore>, window_params = [{transform_indices = #map}, {transform_indices = #map}, {transform_indices = #map}, {transform_indices = #map}, {transform_indices = #map}, {transform_indices = #map1}, {transform_indices = #map}]} {
    %iota3A = tpu.iota {dimensions = array<i32: 0>} : vector<16xi32>
    "tpu.region"() ({
      %run_scoped3A = tpu.sem_alloc : memref<!tpu.dma_semaphore, #tpu.memory_space<semaphore_mem>>
      tpu.enqueue_dma source(%arg7 : memref<4x16xf32, #tpu.memory_space<hbm>>) target(%arg17 : memref<4x16xf32, #tpu.memory_space<vmem>>) target_semaphore(%run_scoped3A : memref<!tpu.dma_semaphore, #tpu.memory_space<semaphore_mem>>)
      tpu.wait_dma2 semaphore(%run_scoped3A : memref<!tpu.dma_semaphore, #tpu.memory_space<semaphore_mem>>) src(%arg7 : memref<4x16xf32, #tpu.memory_space<hbm>>) dst(%arg17 : memref<4x16xf32, #tpu.memory_space<vmem>>)
      tpu.yield
    }) : () -> ()
    %get3A = arith.constant 0 : i32
    %get3A_0 = arith.index_cast %get3A : i32 to index
    %get3A_1 = arith.constant 0 : index
    %get3A_2 = tpu.vector_load %arg17[%get3A_0, %get3A_1] {strides = array<i32>} : memref<4x16xf32, #tpu.memory_space<vmem>>, vector<1x16xf32>,
    %get3A_3 = vector.shape_cast %get3A_2 : vector<1x16xf32> to vector<16xf32>
    %get3A_4 = arith.constant 1 : i32
    %get3A_5 = arith.index_cast %get3A_4 : i32 to index
    %get3A_6 = arith.constant 0 : index
    %get3A_7 = tpu.vector_load %arg17[%get3A_5, %get3A_6] {strides = array<i32>} : memref<4x16xf32, #tpu.memory_space<vmem>>, vector<1x16xf32>,
    %get3A_8 = vector.shape_cast %get3A_7 : vector<1x16xf32> to vector<16xf32>
    %get3A_9 = arith.constant 2 : i32
    %get3A_10 = arith.index_cast %get3A_9 : i32 to index
    %get3A_11 = arith.constant 0 : index
    %get3A_12 = tpu.vector_load %arg17[%get3A_10, %get3A_11] {strides = array<i32>} : memref<4x16xf32, #tpu.memory_space<vmem>>, vector<1x16xf32>,
    %get3A_13 = vector.shape_cast %get3A_12 : vector<1x16xf32> to vector<16xf32>
    %get3A_14 = arith.constant 3 : i32
    %get3A_15 = arith.index_cast %get3A_14 : i32 to index
    %get3A_16 = arith.constant 0 : index
    %get3A_17 = tpu.vector_load %arg17[%get3A_15, %get3A_16] {strides = array<i32>} : memref<4x16xf32, #tpu.memory_space<vmem>>, vector<1x16xf32>,
    %get3A_18 = vector.shape_cast %get3A_17 : vector<1x16xf32> to vector<16xf32>
    %mul3A = arith.constant 5000 : i32
    %mul3A_19 = arith.muli %arg0, %mul3A : i32
    %add3A = arith.constant 110000 : i32
    %add3A_20 = arith.addi %add3A, %mul3A_19 : i32
    %mul3A_21 = arith.constant 20000 : i32
    %mul3A_22 = arith.muli %arg0, %mul3A_21 : i32
    %mul3A_23 = arith.constant 20000 : i32
    %mul3A_24 = arith.muli %arg1, %mul3A_23 : i32
    %scan3A = arith.constant 0 : i32
    %scan3A_25 = arith.constant 0 : i32
    %scan3A_26 = arith.constant 50 : i32
    %scan3A_27 = arith.addi %scan3A_25, %scan3A_26 : i32
    %scan3A_28 = arith.constant 1 : i32
    scf.for %scan3A_30 = %scan3A_25 to %scan3A_27 step %scan3A_28  : i32 {
      %mul3A_31 = arith.constant 400 : i32
      %mul3A_32 = arith.muli %scan3A_30, %mul3A_31 : i32
      %add3A_33 = arith.addi %mul3A_24, %mul3A_32 : i32
      "tpu.region"() ({
        %run_scoped3A = tpu.sem_alloc : memref<!tpu.dma_semaphore, #tpu.memory_space<semaphore_mem>>
        %dma_start3A_64 = tpu.memref_slice %arg2[%add3A_33] : memref<320000xi32, #tpu.memory_space<hbm>> -> memref<400xi32, #tpu.memory_space<hbm>>
        %dma_start3A_65 = tpu.memref_slice %arg2[%add3A_33] : memref<320000xi32, #tpu.memory_space<hbm>> -> memref<400xi32, #tpu.memory_space<hbm>>
        tpu.enqueue_dma source(%dma_start3A_65 : memref<400xi32, #tpu.memory_space<hbm>>) target(%arg9 : memref<400xi32, #tpu.memory_space<vmem>>) target_semaphore(%run_scoped3A : memref<!tpu.dma_semaphore, #tpu.memory_space<semaphore_mem>>)
        %dma_wait3A_66 = tpu.memref_slice %arg2[%add3A_33] : memref<320000xi32, #tpu.memory_space<hbm>> -> memref<400xi32, #tpu.memory_space<hbm>>
        %dma_wait3A_67 = tpu.memref_slice %arg2[%add3A_33] : memref<320000xi32, #tpu.memory_space<hbm>> -> memref<400xi32, #tpu.memory_space<hbm>>
        tpu.wait_dma2 semaphore(%run_scoped3A : memref<!tpu.dma_semaphore, #tpu.memory_space<semaphore_mem>>) src(%dma_wait3A_67 : memref<400xi32, #tpu.memory_space<hbm>>) dst(%arg9 : memref<400xi32, #tpu.memory_space<vmem>>)
        tpu.yield
      }) : () -> ()
      "tpu.region"() ({
        %run_scoped3A = tpu.sem_alloc : memref<!tpu.dma_semaphore, #tpu.memory_space<semaphore_mem>>
        %dma_start3A_64 = tpu.memref_slice %arg3[%add3A_33] : memref<320000xi32, #tpu.memory_space<hbm>> -> memref<400xi32, #tpu.memory_space<hbm>>
        %dma_start3A_65 = tpu.memref_slice %arg3[%add3A_33] : memref<320000xi32, #tpu.memory_space<hbm>> -> memref<400xi32, #tpu.memory_space<hbm>>
        tpu.enqueue_dma source(%dma_start3A_65 : memref<400xi32, #tpu.memory_space<hbm>>) target(%arg10 : memref<400xi32, #tpu.memory_space<vmem>>) target_semaphore(%run_scoped3A : memref<!tpu.dma_semaphore, #tpu.memory_space<semaphore_mem>>)
        %dma_wait3A_66 = tpu.memref_slice %arg3[%add3A_33] : memref<320000xi32, #tpu.memory_space<hbm>> -> memref<400xi32, #tpu.memory_space<hbm>>
        %dma_wait3A_67 = tpu.memref_slice %arg3[%add3A_33] : memref<320000xi32, #tpu.memory_space<hbm>> -> memref<400xi32, #tpu.memory_space<hbm>>
        tpu.wait_dma2 semaphore(%run_scoped3A : memref<!tpu.dma_semaphore, #tpu.memory_space<semaphore_mem>>) src(%dma_wait3A_67 : memref<400xi32, #tpu.memory_space<hbm>>) dst(%arg10 : memref<400xi32, #tpu.memory_space<vmem>>)
        tpu.yield
      }) : () -> ()
      "tpu.region"() ({
        %run_scoped3A = tpu.sem_alloc : memref<!tpu.dma_semaphore, #tpu.memory_space<semaphore_mem>>
        %dma_start3A_64 = tpu.memref_slice %arg4[%add3A_33] : memref<320000xf32, #tpu.memory_space<hbm>> -> memref<400xf32, #tpu.memory_space<hbm>>
        %dma_start3A_65 = tpu.memref_slice %arg4[%add3A_33] : memref<320000xf32, #tpu.memory_space<hbm>> -> memref<400xf32, #tpu.memory_space<hbm>>
        tpu.enqueue_dma source(%dma_start3A_65 : memref<400xf32, #tpu.memory_space<hbm>>) target(%arg11 : memref<400xf32, #tpu.memory_space<vmem>>) target_semaphore(%run_scoped3A : memref<!tpu.dma_semaphore, #tpu.memory_space<semaphore_mem>>)
        %dma_wait3A_66 = tpu.memref_slice %arg4[%add3A_33] : memref<320000xf32, #tpu.memory_space<hbm>> -> memref<400xf32, #tpu.memory_space<hbm>>
        %dma_wait3A_67 = tpu.memref_slice %arg4[%add3A_33] : memref<320000xf32, #tpu.memory_space<hbm>> -> memref<400xf32, #tpu.memory_space<hbm>>
        tpu.wait_dma2 semaphore(%run_scoped3A : memref<!tpu.dma_semaphore, #tpu.memory_space<semaphore_mem>>) src(%dma_wait3A_67 : memref<400xf32, #tpu.memory_space<hbm>>) dst(%arg11 : memref<400xf32, #tpu.memory_space<vmem>>)
        tpu.yield
      }) : () -> ()
      %scan3A_34 = arith.constant 0 : i32
      %scan3A_35 = arith.constant 0 : i32
      %scan3A_36 = arith.constant 25 : i32
      %scan3A_37 = arith.addi %scan3A_35, %scan3A_36 : i32
      %scan3A_38 = arith.constant 1 : i32
      scf.for %scan3A_64 = %scan3A_35 to %scan3A_37 step %scan3A_38  : i32 {
        %mul3A_65 = arith.constant 16 : i32
        %mul3A_66 = arith.muli %scan3A_64, %mul3A_65 : i32
        %get3A_67 = arith.index_cast %mul3A_66 : i32 to index
        %get3A_68 = tpu.vector_load %arg9[%get3A_67] {strides = array<i32>} : memref<400xi32, #tpu.memory_space<vmem>>, vector<16xi32>,
        %get3A_69 = vector.shape_cast %get3A_68 : vector<16xi32> to vector<16xi32>
        %get3A_70 = arith.index_cast %mul3A_66 : i32 to index
        %get3A_71 = tpu.vector_load %arg10[%get3A_70] {strides = array<i32>} : memref<400xi32, #tpu.memory_space<vmem>>, vector<16xi32>,
        %get3A_72 = vector.shape_cast %get3A_71 : vector<16xi32> to vector<16xi32>
        %sub3A = vector.broadcast %add3A_20 : i32 to vector<16xi32>
        %sub3A_73 = arith.subi %get3A_72, %sub3A : vector<16xi32>
        %ge3A = arith.constant 0 : i32
        %ge3A_74 = vector.broadcast %ge3A : i32 to vector<16xi32>
        %ge3A_75 = arith.cmpi sge, %sub3A_73, %ge3A_74 : vector<16xi32>
        %lt3A = arith.constant 5000 : i32
        %lt3A_76 = vector.broadcast %lt3A : i32 to vector<16xi32>
        %lt3A_77 = arith.cmpi slt, %sub3A_73, %lt3A_76 : vector<16xi32>
        %and3A = arith.andi %ge3A_75, %lt3A_77 : vector<16xi1>
        %jit3A = arith.constant 0 : i32
        %broadcast_in_dim3A = vector.broadcast %jit3A : i32 to vector<16xi32>
        %select_n3A = arith.select %and3A, %get3A_69, %broadcast_in_dim3A : vector<16xi1>, vector<16xi32>
        %jit3A_78 = arith.constant 0 : i32
        %broadcast_in_dim3A_79 = vector.broadcast %jit3A_78 : i32 to vector<16xi32>
        %select_n3A_80 = arith.select %and3A, %sub3A_73, %broadcast_in_dim3A_79 : vector<16xi1>, vector<16xi32>
        %mul3A_81 = arith.constant 4 : i32
        %mul3A_82 = vector.broadcast %mul3A_81 : i32 to vector<16xi32>
        %mul3A_83 = arith.muli %select_n3A, %mul3A_82 : vector<16xi32>
        %add3A_84 = arith.constant 0 : i32
        %add3A_85 = vector.broadcast %add3A_84 : i32 to vector<16xi32>
        %add3A_86 = arith.addi %mul3A_83, %add3A_85 : vector<16xi32>
        %add3A_87 = arith.constant 0 : i32
        %add3A_88 = arith.addi %add3A_87, %mul3A_66 : i32
        %swap3A = arith.index_cast %add3A_88 : i32 to index
        %swap3A_89 = tpu.vector_load %arg12[%swap3A] {strides = array<i32>} : memref<1600xi32, #tpu.memory_space<vmem>>, vector<16xi32>,
        %swap3A_90 = vector.shape_cast %swap3A_89 : vector<16xi32> to vector<16xi32>
        %swap3A_91 = vector.shape_cast %add3A_86 : vector<16xi32> to vector<16xi32>
        tpu.vector_store %arg12[%swap3A], %swap3A_91 {strides = array<i32>} : memref<1600xi32, #tpu.memory_space<vmem>>, vector<16xi32>,
        %mul3A_92 = arith.constant 4 : i32
        %mul3A_93 = vector.broadcast %mul3A_92 : i32 to vector<16xi32>
        %mul3A_94 = arith.muli %select_n3A_80, %mul3A_93 : vector<16xi32>
        %add3A_95 = vector.broadcast %mul3A_22 : i32 to vector<16xi32>
        %add3A_96 = arith.addi %add3A_95, %mul3A_94 : vector<16xi32>
        %add3A_97 = arith.constant 0 : i32
        %add3A_98 = vector.broadcast %add3A_97 : i32 to vector<16xi32>
        %add3A_99 = arith.addi %add3A_96, %add3A_98 : vector<16xi32>
        %add3A_100 = arith.constant 0 : i32
        %add3A_101 = arith.addi %add3A_100, %mul3A_66 : i32
        %swap3A_102 = arith.index_cast %add3A_101 : i32 to index
        %swap3A_103 = tpu.vector_load %arg13[%swap3A_102] {strides = array<i32>} : memref<1600xi32, #tpu.memory_space<vmem>>, vector<16xi32>,
        %swap3A_104 = vector.shape_cast %swap3A_103 : vector<16xi32> to vector<16xi32>
        %swap3A_105 = vector.shape_cast %add3A_99 : vector<16xi32> to vector<16xi32>
        tpu.vector_store %arg13[%swap3A_102], %swap3A_105 {strides = array<i32>} : memref<1600xi32, #tpu.memory_space<vmem>>, vector<16xi32>,
        %mul3A_106 = arith.constant 4 : i32
        %mul3A_107 = vector.broadcast %mul3A_106 : i32 to vector<16xi32>
        %mul3A_108 = arith.muli %select_n3A, %mul3A_107 : vector<16xi32>
        %add3A_109 = arith.constant 1 : i32
        %add3A_110 = vector.broadcast %add3A_109 : i32 to vector<16xi32>
        %add3A_111 = arith.addi %mul3A_108, %add3A_110 : vector<16xi32>
        %add3A_112 = arith.constant 400 : i32
        %add3A_113 = arith.addi %add3A_112, %mul3A_66 : i32
        %swap3A_114 = arith.index_cast %add3A_113 : i32 to index
        %swap3A_115 = tpu.vector_load %arg12[%swap3A_114] {strides = array<i32>} : memref<1600xi32, #tpu.memory_space<vmem>>, vector<16xi32>,
        %swap3A_116 = vector.shape_cast %swap3A_115 : vector<16xi32> to vector<16xi32>
        %swap3A_117 = vector.shape_cast %add3A_111 : vector<16xi32> to vector<16xi32>
        tpu.vector_store %arg12[%swap3A_114], %swap3A_117 {strides = array<i32>} : memref<1600xi32, #tpu.memory_space<vmem>>, vector<16xi32>,
        %mul3A_118 = arith.constant 4 : i32
        %mul3A_119 = vector.broadcast %mul3A_118 : i32 to vector<16xi32>
        %mul3A_120 = arith.muli %select_n3A_80, %mul3A_119 : vector<16xi32>
        %add3A_121 = vector.broadcast %mul3A_22 : i32 to vector<16xi32>
        %add3A_122 = arith.addi %add3A_121, %mul3A_120 : vector<16xi32>
        %add3A_123 = arith.constant 1 : i32
        %add3A_124 = vector.broadcast %add3A_123 : i32 to vector<16xi32>
        %add3A_125 = arith.addi %add3A_122, %add3A_124 : vector<16xi32>
        %add3A_126 = arith.constant 400 : i32
        %add3A_127 = arith.addi %add3A_126, %mul3A_66 : i32
        %swap3A_128 = arith.index_cast %add3A_127 : i32 to index
        %swap3A_129 = tpu.vector_load %arg13[%swap3A_128] {strides = array<i32>} : memref<1600xi32, #tpu.memory_space<vmem>>, vector<16xi32>,
        %swap3A_130 = vector.shape_cast %swap3A_129 : vector<16xi32> to vector<16xi32>
        %swap3A_131 = vector.shape_cast %add3A_125 : vector<16xi32> to vector<16xi32>
        tpu.vector_store %arg13[%swap3A_128], %swap3A_131 {strides = array<i32>} : memref<1600xi32, #tpu.memory_space<vmem>>, vector<16xi32>,
        %mul3A_132 = arith.constant 4 : i32
        %mul3A_133 = vector.broadcast %mul3A_132 : i32 to vector<16xi32>
        %mul3A_134 = arith.muli %select_n3A, %mul3A_133 : vector<16xi32>
        %add3A_135 = arith.constant 2 : i32
        %add3A_136 = vector.broadcast %add3A_135 : i32 to vector<16xi32>
        %add3A_137 = arith.addi %mul3A_134, %add3A_136 : vector<16xi32>
        %add3A_138 = arith.constant 800 : i32
        %add3A_139 = arith.addi %add3A_138, %mul3A_66 : i32
        %swap3A_140 = arith.index_cast %add3A_139 : i32 to index
        %swap3A_141 = tpu.vector_load %arg12[%swap3A_140] {strides = array<i32>} : memref<1600xi32, #tpu.memory_space<vmem>>, vector<16xi32>,
        %swap3A_142 = vector.shape_cast %swap3A_141 : vector<16xi32> to vector<16xi32>
        %swap3A_143 = vector.shape_cast %add3A_137 : vector<16xi32> to vector<16xi32>
        tpu.vector_store %arg12[%swap3A_140], %swap3A_143 {strides = array<i32>} : memref<1600xi32, #tpu.memory_space<vmem>>, vector<16xi32>,
        %mul3A_144 = arith.constant 4 : i32
        %mul3A_145 = vector.broadcast %mul3A_144 : i32 to vector<16xi32>
        %mul3A_146 = arith.muli %select_n3A_80, %mul3A_145 : vector<16xi32>
        %add3A_147 = vector.broadcast %mul3A_22 : i32 to vector<16xi32>
        %add3A_148 = arith.addi %add3A_147, %mul3A_146 : vector<16xi32>
        %add3A_149 = arith.constant 2 : i32
        %add3A_150 = vector.broadcast %add3A_149 : i32 to vector<16xi32>
        %add3A_151 = arith.addi %add3A_148, %add3A_150 : vector<16xi32>
        %add3A_152 = arith.constant 800 : i32
        %add3A_153 = arith.addi %add3A_152, %mul3A_66 : i32
        %swap3A_154 = arith.index_cast %add3A_153 : i32 to index
        %swap3A_155 = tpu.vector_load %arg13[%swap3A_154] {strides = array<i32>} : memref<1600xi32, #tpu.memory_space<vmem>>, vector<16xi32>,
        %swap3A_156 = vector.shape_cast %swap3A_155 : vector<16xi32> to vector<16xi32>
        %swap3A_157 = vector.shape_cast %add3A_151 : vector<16xi32> to vector<16xi32>
        tpu.vector_store %arg13[%swap3A_154], %swap3A_157 {strides = array<i32>} : memref<1600xi32, #tpu.memory_space<vmem>>, vector<16xi32>,
        %mul3A_158 = arith.constant 4 : i32
        %mul3A_159 = vector.broadcast %mul3A_158 : i32 to vector<16xi32>
        %mul3A_160 = arith.muli %select_n3A, %mul3A_159 : vector<16xi32>
        %add3A_161 = arith.constant 3 : i32
        %add3A_162 = vector.broadcast %add3A_161 : i32 to vector<16xi32>
        %add3A_163 = arith.addi %mul3A_160, %add3A_162 : vector<16xi32>
        %add3A_164 = arith.constant 1200 : i32
        %add3A_165 = arith.addi %add3A_164, %mul3A_66 : i32
        %swap3A_166 = arith.index_cast %add3A_165 : i32 to index
        %swap3A_167 = tpu.vector_load %arg12[%swap3A_166] {strides = array<i32>} : memref<1600xi32, #tpu.memory_space<vmem>>, vector<16xi32>,
        %swap3A_168 = vector.shape_cast %swap3A_167 : vector<16xi32> to vector<16xi32>
        %swap3A_169 = vector.shape_cast %add3A_163 : vector<16xi32> to vector<16xi32>
        tpu.vector_store %arg12[%swap3A_166], %swap3A_169 {strides = array<i32>} : memref<1600xi32, #tpu.memory_space<vmem>>, vector<16xi32>,
        %mul3A_170 = arith.constant 4 : i32
        %mul3A_171 = vector.broadcast %mul3A_170 : i32 to vector<16xi32>
        %mul3A_172 = arith.muli %select_n3A_80, %mul3A_171 : vector<16xi32>
        %add3A_173 = vector.broadcast %mul3A_22 : i32 to vector<16xi32>
        %add3A_174 = arith.addi %add3A_173, %mul3A_172 : vector<16xi32>
        %add3A_175 = arith.constant 3 : i32
        %add3A_176 = vector.broadcast %add3A_175 : i32 to vector<16xi32>
        %add3A_177 = arith.addi %add3A_174, %add3A_176 : vector<16xi32>
        %add3A_178 = arith.constant 1200 : i32
        %add3A_179 = arith.addi %add3A_178, %mul3A_66 : i32
        %swap3A_180 = arith.index_cast %add3A_179 : i32 to index
        %swap3A_181 = tpu.vector_load %arg13[%swap3A_180] {strides = array<i32>} : memref<1600xi32, #tpu.memory_space<vmem>>, vector<16xi32>,
        %swap3A_182 = vector.shape_cast %swap3A_181 : vector<16xi32> to vector<16xi32>
        %swap3A_183 = vector.shape_cast %add3A_177 : vector<16xi32> to vector<16xi32>
        tpu.vector_store %arg13[%swap3A_180], %swap3A_183 {strides = array<i32>} : memref<1600xi32, #tpu.memory_space<vmem>>, vector<16xi32>,
      }
      %scan3A_39 = arith.constant 25 : i32
      %dma_start3A = arith.constant 0 : i32
      %dma_start3A_40 = tpu.memref_slice %arg5[%dma_start3A] : memref<480000xf32, #tpu.memory_space<hbm>> -> memref<480000xf32, #tpu.memory_space<hbm>>
      tpu.enqueue_indirect_dma source(%dma_start3A_40 : memref<480000xf32, #tpu.memory_space<hbm>>) target(%arg14 : memref<1600xf32, #tpu.memory_space<vmem>>) offsets(%arg12 : memref<1600xi32, #tpu.memory_space<vmem>>) semaphore(%arg18 : memref<!tpu.dma_semaphore, #tpu.memory_space<semaphore_mem>>)
      %dma_wait3A = arith.constant 0 : i32
      %dma_wait3A_41 = tpu.memref_slice %arg5[%dma_wait3A] : memref<480000xf32, #tpu.memory_space<hbm>> -> memref<480000xf32, #tpu.memory_space<hbm>>
      tpu.wait_indirect_dma semaphore(%arg18 : memref<!tpu.dma_semaphore, #tpu.memory_space<semaphore_mem>>) src(%dma_wait3A_41 : memref<480000xf32, #tpu.memory_space<hbm>>) dst(%arg14 : memref<1600xf32, #tpu.memory_space<vmem>>)
      %dma_start3A_42 = arith.constant 0 : i32
      %dma_start3A_43 = tpu.memref_slice %arg6[%dma_start3A_42] : memref<40000xf32, #tpu.memory_space<hbm>> -> memref<40000xf32, #tpu.memory_space<hbm>>
      tpu.enqueue_indirect_dma source(%dma_start3A_43 : memref<40000xf32, #tpu.memory_space<hbm>>) target(%arg15 : memref<1600xf32, #tpu.memory_space<vmem>>) offsets(%arg13 : memref<1600xi32, #tpu.memory_space<vmem>>) semaphore(%arg18 : memref<!tpu.dma_semaphore, #tpu.memory_space<semaphore_mem>>)
      %dma_wait3A_44 = arith.constant 0 : i32
      %dma_wait3A_45 = tpu.memref_slice %arg6[%dma_wait3A_44] : memref<40000xf32, #tpu.memory_space<hbm>> -> memref<40000xf32, #tpu.memory_space<hbm>>
      tpu.wait_indirect_dma semaphore(%arg18 : memref<!tpu.dma_semaphore, #tpu.memory_space<semaphore_mem>>) src(%dma_wait3A_45 : memref<40000xf32, #tpu.memory_space<hbm>>) dst(%arg15 : memref<1600xf32, #tpu.memory_space<vmem>>)
      %scan3A_46 = arith.constant 0 : i32
      %scan3A_47 = arith.constant 0 : i32
      %scan3A_48 = arith.constant 25 : i32
      %scan3A_49 = arith.addi %scan3A_47, %scan3A_48 : i32
      %scan3A_50 = arith.constant 1 : i32
      scf.for %scan3A_64 = %scan3A_47 to %scan3A_49 step %scan3A_50  : i32 {
        %mul3A_65 = arith.constant 16 : i32
        %mul3A_66 = arith.muli %scan3A_64, %mul3A_65 : i32
        %get3A_67 = arith.index_cast %mul3A_66 : i32 to index
        %get3A_68 = tpu.vector_load %arg10[%get3A_67] {strides = array<i32>} : memref<400xi32, #tpu.memory_space<vmem>>, vector<16xi32>,
        %get3A_69 = vector.shape_cast %get3A_68 : vector<16xi32> to vector<16xi32>
        %get3A_70 = arith.index_cast %mul3A_66 : i32 to index
        %get3A_71 = tpu.vector_load %arg11[%get3A_70] {strides = array<i32>} : memref<400xf32, #tpu.memory_space<vmem>>, vector<16xf32>,
        %get3A_72 = vector.shape_cast %get3A_71 : vector<16xf32> to vector<16xf32>
        %sub3A = vector.broadcast %add3A_20 : i32 to vector<16xi32>
        %sub3A_73 = arith.subi %get3A_69, %sub3A : vector<16xi32>
        %ge3A = arith.constant 0 : i32
        %ge3A_74 = vector.broadcast %ge3A : i32 to vector<16xi32>
        %ge3A_75 = arith.cmpi sge, %sub3A_73, %ge3A_74 : vector<16xi32>
        %lt3A = arith.constant 5000 : i32
        %lt3A_76 = vector.broadcast %lt3A : i32 to vector<16xi32>
        %lt3A_77 = arith.cmpi slt, %sub3A_73, %lt3A_76 : vector<16xi32>
        %and3A = arith.andi %ge3A_75, %lt3A_77 : vector<16xi1>
        %jit3A = arith.constant 0.000000e+00 : f32
        %broadcast_in_dim3A = vector.broadcast %jit3A : f32 to vector<16xf32>
        %select_n3A = arith.select %and3A, %get3A_72, %broadcast_in_dim3A : vector<16xi1>, vector<16xf32>
        %add3A_78 = arith.constant 0 : i32
        %add3A_79 = arith.addi %add3A_78, %mul3A_66 : i32
        %get3A_80 = arith.index_cast %add3A_79 : i32 to index
        %get3A_81 = tpu.vector_load %arg14[%get3A_80] {strides = array<i32>} : memref<1600xf32, #tpu.memory_space<vmem>>, vector<16xf32>,
        %get3A_82 = vector.shape_cast %get3A_81 : vector<16xf32> to vector<16xf32>
        %add3A_83 = arith.constant 0 : i32
        %add3A_84 = arith.addi %add3A_83, %mul3A_66 : i32
        %get3A_85 = arith.index_cast %add3A_84 : i32 to index
        %get3A_86 = tpu.vector_load %arg15[%get3A_85] {strides = array<i32>} : memref<1600xf32, #tpu.memory_space<vmem>>, vector<16xf32>,
        %get3A_87 = vector.shape_cast %get3A_86 : vector<16xf32> to vector<16xf32>
        %add3A_88 = arith.addf %get3A_82, %get3A_87 : vector<16xf32>
        %mul3A_89 = arith.mulf %select_n3A, %get3A_3 : vector<16xf32>
        %add3A_90 = arith.addf %add3A_88, %mul3A_89 : vector<16xf32>
        %ge3A_91 = arith.constant 0.000000e+00 : f32
        %ge3A_92 = vector.broadcast %ge3A_91 : f32 to vector<16xf32>
        %ge3A_93 = arith.cmpf oge, %add3A_90, %ge3A_92 : vector<16xf32>
        %mul3A_94 = arith.constant 2.000000e-01 : f32
        %mul3A_95 = vector.broadcast %mul3A_94 : f32 to vector<16xf32>
        %mul3A_96 = arith.mulf %mul3A_95, %add3A_90 : vector<16xf32>
        %select_n3A_97 = arith.select %ge3A_93, %add3A_90, %mul3A_96 : vector<16xi1>, vector<16xf32>
        %exp3A = math.exp %select_n3A_97 : vector<16xf32>
        %jit3A_98 = arith.constant 0.000000e+00 : f32
        %broadcast_in_dim3A_99 = vector.broadcast %jit3A_98 : f32 to vector<16xf32>
        %select_n3A_100 = arith.select %and3A, %exp3A, %broadcast_in_dim3A_99 : vector<16xi1>, vector<16xf32>
        %add3A_101 = arith.constant 0 : i32
        %add3A_102 = arith.addi %add3A_101, %mul3A_66 : i32
        %swap3A = arith.index_cast %add3A_102 : i32 to index
        %swap3A_103 = tpu.vector_load %arg16[%swap3A] {strides = array<i32>} : memref<1600xf32, #tpu.memory_space<vmem>>, vector<16xf32>,
        %swap3A_104 = vector.shape_cast %swap3A_103 : vector<16xf32> to vector<16xf32>
        %swap3A_105 = vector.shape_cast %select_n3A_100 : vector<16xf32> to vector<16xf32>
        tpu.vector_store %arg16[%swap3A], %swap3A_105 {strides = array<i32>} : memref<1600xf32, #tpu.memory_space<vmem>>, vector<16xf32>,
        %add3A_106 = arith.constant 400 : i32
        %add3A_107 = arith.addi %add3A_106, %mul3A_66 : i32
        %get3A_108 = arith.index_cast %add3A_107 : i32 to index
        %get3A_109 = tpu.vector_load %arg14[%get3A_108] {strides = array<i32>} : memref<1600xf32, #tpu.memory_space<vmem>>, vector<16xf32>,
        %get3A_110 = vector.shape_cast %get3A_109 : vector<16xf32> to vector<16xf32>
        %add3A_111 = arith.constant 400 : i32
        %add3A_112 = arith.addi %add3A_111, %mul3A_66 : i32
        %get3A_113 = arith.index_cast %add3A_112 : i32 to index
        %get3A_114 = tpu.vector_load %arg15[%get3A_113] {strides = array<i32>} : memref<1600xf32, #tpu.memory_space<vmem>>, vector<16xf32>,
        %get3A_115 = vector.shape_cast %get3A_114 : vector<16xf32> to vector<16xf32>
        %add3A_116 = arith.addf %get3A_110, %get3A_115 : vector<16xf32>
        %mul3A_117 = arith.mulf %select_n3A, %get3A_8 : vector<16xf32>
        %add3A_118 = arith.addf %add3A_116, %mul3A_117 : vector<16xf32>
        %ge3A_119 = arith.constant 0.000000e+00 : f32
        %ge3A_120 = vector.broadcast %ge3A_119 : f32 to vector<16xf32>
        %ge3A_121 = arith.cmpf oge, %add3A_118, %ge3A_120 : vector<16xf32>
        %mul3A_122 = arith.constant 2.000000e-01 : f32
        %mul3A_123 = vector.broadcast %mul3A_122 : f32 to vector<16xf32>
        %mul3A_124 = arith.mulf %mul3A_123, %add3A_118 : vector<16xf32>
        %select_n3A_125 = arith.select %ge3A_121, %add3A_118, %mul3A_124 : vector<16xi1>, vector<16xf32>
        %exp3A_126 = math.exp %select_n3A_125 : vector<16xf32>
        %jit3A_127 = arith.constant 0.000000e+00 : f32
        %broadcast_in_dim3A_128 = vector.broadcast %jit3A_127 : f32 to vector<16xf32>
        %select_n3A_129 = arith.select %and3A, %exp3A_126, %broadcast_in_dim3A_128 : vector<16xi1>, vector<16xf32>
        %add3A_130 = arith.constant 400 : i32
        %add3A_131 = arith.addi %add3A_130, %mul3A_66 : i32
        %swap3A_132 = arith.index_cast %add3A_131 : i32 to index
        %swap3A_133 = tpu.vector_load %arg16[%swap3A_132] {strides = array<i32>} : memref<1600xf32, #tpu.memory_space<vmem>>, vector<16xf32>,
        %swap3A_134 = vector.shape_cast %swap3A_133 : vector<16xf32> to vector<16xf32>
        %swap3A_135 = vector.shape_cast %select_n3A_129 : vector<16xf32> to vector<16xf32>
        tpu.vector_store %arg16[%swap3A_132], %swap3A_135 {strides = array<i32>} : memref<1600xf32, #tpu.memory_space<vmem>>, vector<16xf32>,
        %add3A_136 = arith.constant 800 : i32
        %add3A_137 = arith.addi %add3A_136, %mul3A_66 : i32
        %get3A_138 = arith.index_cast %add3A_137 : i32 to index
        %get3A_139 = tpu.vector_load %arg14[%get3A_138] {strides = array<i32>} : memref<1600xf32, #tpu.memory_space<vmem>>, vector<16xf32>,
        %get3A_140 = vector.shape_cast %get3A_139 : vector<16xf32> to vector<16xf32>
        %add3A_141 = arith.constant 800 : i32
        %add3A_142 = arith.addi %add3A_141, %mul3A_66 : i32
        %get3A_143 = arith.index_cast %add3A_142 : i32 to index
        %get3A_144 = tpu.vector_load %arg15[%get3A_143] {strides = array<i32>} : memref<1600xf32, #tpu.memory_space<vmem>>, vector<16xf32>,
        %get3A_145 = vector.shape_cast %get3A_144 : vector<16xf32> to vector<16xf32>
        %add3A_146 = arith.addf %get3A_140, %get3A_145 : vector<16xf32>
        %mul3A_147 = arith.mulf %select_n3A, %get3A_13 : vector<16xf32>
        %add3A_148 = arith.addf %add3A_146, %mul3A_147 : vector<16xf32>
        %ge3A_149 = arith.constant 0.000000e+00 : f32
        %ge3A_150 = vector.broadcast %ge3A_149 : f32 to vector<16xf32>
        %ge3A_151 = arith.cmpf oge, %add3A_148, %ge3A_150 : vector<16xf32>
        %mul3A_152 = arith.constant 2.000000e-01 : f32
        %mul3A_153 = vector.broadcast %mul3A_152 : f32 to vector<16xf32>
        %mul3A_154 = arith.mulf %mul3A_153, %add3A_148 : vector<16xf32>
        %select_n3A_155 = arith.select %ge3A_151, %add3A_148, %mul3A_154 : vector<16xi1>, vector<16xf32>
        %exp3A_156 = math.exp %select_n3A_155 : vector<16xf32>
        %jit3A_157 = arith.constant 0.000000e+00 : f32
        %broadcast_in_dim3A_158 = vector.broadcast %jit3A_157 : f32 to vector<16xf32>
        %select_n3A_159 = arith.select %and3A, %exp3A_156, %broadcast_in_dim3A_158 : vector<16xi1>, vector<16xf32>
        %add3A_160 = arith.constant 800 : i32
        %add3A_161 = arith.addi %add3A_160, %mul3A_66 : i32
        %swap3A_162 = arith.index_cast %add3A_161 : i32 to index
        %swap3A_163 = tpu.vector_load %arg16[%swap3A_162] {strides = array<i32>} : memref<1600xf32, #tpu.memory_space<vmem>>, vector<16xf32>,
        %swap3A_164 = vector.shape_cast %swap3A_163 : vector<16xf32> to vector<16xf32>
        %swap3A_165 = vector.shape_cast %select_n3A_159 : vector<16xf32> to vector<16xf32>
        tpu.vector_store %arg16[%swap3A_162], %swap3A_165 {strides = array<i32>} : memref<1600xf32, #tpu.memory_space<vmem>>, vector<16xf32>,
        %add3A_166 = arith.constant 1200 : i32
        %add3A_167 = arith.addi %add3A_166, %mul3A_66 : i32
        %get3A_168 = arith.index_cast %add3A_167 : i32 to index
        %get3A_169 = tpu.vector_load %arg14[%get3A_168] {strides = array<i32>} : memref<1600xf32, #tpu.memory_space<vmem>>, vector<16xf32>,
        %get3A_170 = vector.shape_cast %get3A_169 : vector<16xf32> to vector<16xf32>
        %add3A_171 = arith.constant 1200 : i32
        %add3A_172 = arith.addi %add3A_171, %mul3A_66 : i32
        %get3A_173 = arith.index_cast %add3A_172 : i32 to index
        %get3A_174 = tpu.vector_load %arg15[%get3A_173] {strides = array<i32>} : memref<1600xf32, #tpu.memory_space<vmem>>, vector<16xf32>,
        %get3A_175 = vector.shape_cast %get3A_174 : vector<16xf32> to vector<16xf32>
        %add3A_176 = arith.addf %get3A_170, %get3A_175 : vector<16xf32>
        %mul3A_177 = arith.mulf %select_n3A, %get3A_18 : vector<16xf32>
        %add3A_178 = arith.addf %add3A_176, %mul3A_177 : vector<16xf32>
        %ge3A_179 = arith.constant 0.000000e+00 : f32
        %ge3A_180 = vector.broadcast %ge3A_179 : f32 to vector<16xf32>
        %ge3A_181 = arith.cmpf oge, %add3A_178, %ge3A_180 : vector<16xf32>
        %mul3A_182 = arith.constant 2.000000e-01 : f32
        %mul3A_183 = vector.broadcast %mul3A_182 : f32 to vector<16xf32>
        %mul3A_184 = arith.mulf %mul3A_183, %add3A_178 : vector<16xf32>
        %select_n3A_185 = arith.select %ge3A_181, %add3A_178, %mul3A_184 : vector<16xi1>, vector<16xf32>
        %exp3A_186 = math.exp %select_n3A_185 : vector<16xf32>
        %jit3A_187 = arith.constant 0.000000e+00 : f32
        %broadcast_in_dim3A_188 = vector.broadcast %jit3A_187 : f32 to vector<16xf32>
        %select_n3A_189 = arith.select %and3A, %exp3A_186, %broadcast_in_dim3A_188 : vector<16xi1>, vector<16xf32>
        %add3A_190 = arith.constant 1200 : i32
        %add3A_191 = arith.addi %add3A_190, %mul3A_66 : i32
        %swap3A_192 = arith.index_cast %add3A_191 : i32 to index
        %swap3A_193 = tpu.vector_load %arg16[%swap3A_192] {strides = array<i32>} : memref<1600xf32, #tpu.memory_space<vmem>>, vector<16xf32>,
        %swap3A_194 = vector.shape_cast %swap3A_193 : vector<16xf32> to vector<16xf32>
        %swap3A_195 = vector.shape_cast %select_n3A_189 : vector<16xf32> to vector<16xf32>
        tpu.vector_store %arg16[%swap3A_192], %swap3A_195 {strides = array<i32>} : memref<1600xf32, #tpu.memory_space<vmem>>, vector<16xf32>,
      }
      %scan3A_51 = arith.constant 25 : i32
      %mul3A_52 = arith.constant 1280000 : i32
      %mul3A_53 = arith.muli %arg0, %mul3A_52 : i32
      %mul3A_54 = arith.constant 4 : i32
      %mul3A_55 = arith.muli %arg1, %mul3A_54 : i32
      %mul3A_56 = arith.constant 20000 : i32
      %mul3A_57 = arith.muli %mul3A_55, %mul3A_56 : i32
      %add3A_58 = arith.addi %mul3A_53, %mul3A_57 : i32
      %mul3A_59 = arith.constant 4 : i32
      %mul3A_60 = arith.muli %scan3A_30, %mul3A_59 : i32
      %mul3A_61 = arith.constant 400 : i32
      %mul3A_62 = arith.muli %mul3A_60, %mul3A_61 : i32
      %add3A_63 = arith.addi %add3A_58, %mul3A_62 : i32
      "tpu.region"() ({
        %run_scoped3A = tpu.sem_alloc : memref<!tpu.dma_semaphore, #tpu.memory_space<semaphore_mem>>
        %dma_start3A_64 = tpu.memref_slice %arg8[%add3A_63] : memref<2560000xf32, #tpu.memory_space<hbm>> -> memref<1600xf32, #tpu.memory_space<hbm>>
        %dma_start3A_65 = tpu.memref_slice %arg8[%add3A_63] : memref<2560000xf32, #tpu.memory_space<hbm>> -> memref<1600xf32, #tpu.memory_space<hbm>>
        tpu.enqueue_dma source(%arg16 : memref<1600xf32, #tpu.memory_space<vmem>>) target(%dma_start3A_65 : memref<1600xf32, #tpu.memory_space<hbm>>) target_semaphore(%run_scoped3A : memref<!tpu.dma_semaphore, #tpu.memory_space<semaphore_mem>>)
        %dma_wait3A_66 = tpu.memref_slice %arg8[%add3A_63] : memref<2560000xf32, #tpu.memory_space<hbm>> -> memref<1600xf32, #tpu.memory_space<hbm>>
        %dma_wait3A_67 = tpu.memref_slice %arg8[%add3A_63] : memref<2560000xf32, #tpu.memory_space<hbm>> -> memref<1600xf32, #tpu.memory_space<hbm>>
        tpu.wait_dma2 semaphore(%run_scoped3A : memref<!tpu.dma_semaphore, #tpu.memory_space<semaphore_mem>>) src(%arg16 : memref<1600xf32, #tpu.memory_space<vmem>>) dst(%dma_wait3A_67 : memref<1600xf32, #tpu.memory_space<hbm>>)
        tpu.yield
      }) : () -> ()
    }
    %scan3A_29 = arith.constant 50 : i32
    return
  }
}

module attributes {stable_mosaic.version = 14 : i64} {
  func.func @_table_body(%arg0: i32, %arg1: memref<2000x128xf32, #tpu.memory_space<vmem>>, %arg2: memref<128x256xf32, #tpu.memory_space<vmem>>, %arg3: memref<128x16xf32, #tpu.memory_space<vmem>>, %arg4: memref<2000x256xf32, #tpu.memory_space<vmem>>, %arg5: memref<2000x16xf32, #tpu.memory_space<vmem>>) attributes {dimension_semantics = [#tpu.dimension_semantics<arbitrary>], iteration_bounds = array<i64: 60>, scalar_prefetch = 0 : i64, scratch_operands = 0 : i64, tpu.core_type = #tpu.core_type<tc>, window_params = [{transform_indices = @transform_0, window_bounds = array<i64: 2000, 128>}, {pipeline_mode = #tpu.pipeline_mode<synchronous>, transform_indices = @transform_1, window_bounds = array<i64: 128, 256>}, {pipeline_mode = #tpu.pipeline_mode<synchronous>, transform_indices = @transform_2, window_bounds = array<i64: 128, 16>}, {transform_indices = @transform_3, window_bounds = array<i64: 2000, 256>}, {transform_indices = @transform_4, window_bounds = array<i64: 2000, 16>}]} {
    %get3A = arith.constant 0 : index
    %get3A_0 = arith.constant 0 : index
    %get3A_1 = vector.load %arg1[%get3A, %get3A_0] : memref<2000x128xf32, #tpu.memory_space<vmem>>, vector<2000x128xf32>
    %get3A_2 = arith.constant 0 : index
    %get3A_3 = arith.constant 0 : index
    %get3A_4 = vector.load %arg2[%get3A_2, %get3A_3] : memref<128x256xf32, #tpu.memory_space<vmem>>, vector<128x256xf32>
    %dot_general3A = arith.constant dense<0.000000e+00> : vector<2000x256xf32>
    %dot_general3A_5 = tpu.matmul %get3A_1, %get3A_4, %dot_general3A {dimension_numbers = #tpu.dot_dimension_numbers<[1], [0], [0], [1], [0, 0, 1, 1], [], []>, transpose_lhs_hint = false} : vector<2000x128xf32>, vector<128x256xf32>, vector<2000x256xf32> -> vector<2000x256xf32>
    %swap3A = arith.constant 0 : index
    %swap3A_6 = arith.constant 0 : index
    %swap3A_7 = vector.load %arg4[%swap3A, %swap3A_6] : memref<2000x256xf32, #tpu.memory_space<vmem>>, vector<2000x256xf32>
    tpu.vector_store %arg4[%swap3A, %swap3A_6], %dot_general3A_5 {strides = array<i32>} : memref<2000x256xf32, #tpu.memory_space<vmem>>, vector<2000x256xf32>,
    %get3A_8 = arith.constant 0 : index
    %get3A_9 = arith.constant 0 : index
    %get3A_10 = vector.load %arg3[%get3A_8, %get3A_9] : memref<128x16xf32, #tpu.memory_space<vmem>>, vector<128x16xf32>
    %dot_general3A_11 = arith.constant dense<0.000000e+00> : vector<2000x16xf32>
    %dot_general3A_12 = tpu.matmul %get3A_1, %get3A_10, %dot_general3A_11 {dimension_numbers = #tpu.dot_dimension_numbers<[1], [0], [0], [1], [0, 0, 1, 1], [], []>, transpose_lhs_hint = false} : vector<2000x128xf32>, vector<128x16xf32>, vector<2000x16xf32> -> vector<2000x16xf32>
    %swap3A_13 = arith.constant 0 : index
    %swap3A_14 = arith.constant 0 : index
    %swap3A_15 = vector.load %arg5[%swap3A_13, %swap3A_14] : memref<2000x16xf32, #tpu.memory_space<vmem>>, vector<2000x16xf32>
    tpu.vector_store %arg5[%swap3A_13, %swap3A_14], %dot_general3A_12 {strides = array<i32>} : memref<2000x16xf32, #tpu.memory_space<vmem>>, vector<2000x16xf32>,
    return
  }
  func.func @transform_0(%arg0: i32) -> (i32, i32) {
    %c0_i32 = arith.constant 0 : i32
    %c0_i32_0 = arith.constant 0 : i32
    return %arg0, %c0_i32 : i32, i32
  }
  func.func @transform_1(%arg0: i32) -> (i32, i32) {
    %c0_i32 = arith.constant 0 : i32
    %c0_i32_0 = arith.constant 0 : i32
    %c0_i32_1 = arith.constant 0 : i32
    return %c0_i32, %c0_i32_0 : i32, i32
  }
  func.func @transform_2(%arg0: i32) -> (i32, i32) {
    %c0_i32 = arith.constant 0 : i32
    %c0_i32_0 = arith.constant 0 : i32
    %c0_i32_1 = arith.constant 0 : i32
    return %c0_i32, %c0_i32_0 : i32, i32
  }
  func.func @transform_3(%arg0: i32) -> (i32, i32) {
    %c0_i32 = arith.constant 0 : i32
    %c0_i32_0 = arith.constant 0 : i32
    return %arg0, %c0_i32 : i32, i32
  }
  func.func @transform_4(%arg0: i32) -> (i32, i32) {
    %c0_i32 = arith.constant 0 : i32
    %c0_i32_0 = arith.constant 0 : i32
    return %arg0, %c0_i32 : i32, i32
  }
}

module attributes {stable_mosaic.version = 14 : i64} {
  func.func @_tail_body(%arg0: i32, %arg1: memref<1000x256xf32, #tpu.memory_space<vmem>>, %arg2: memref<1000x4xf32, #tpu.memory_space<vmem>>, %arg3: memref<1000x4xf32, #tpu.memory_space<vmem>>, %arg4: memref<1000x256xf32, #tpu.memory_space<vmem>>, %arg5: memref<1000x16xf32, #tpu.memory_space<vmem>>, %arg6: memref<1x16xf32, #tpu.memory_space<vmem>>, %arg7: memref<4x256xf32, #tpu.memory_space<vmem>>, %arg8: memref<1x256xf32, #tpu.memory_space<vmem>>, %arg9: memref<256x256xf32, #tpu.memory_space<vmem>>, %arg10: memref<1x256xf32, #tpu.memory_space<vmem>>, %arg11: memref<1000x256xf32, #tpu.memory_space<vmem>>) attributes {dimension_semantics = [#tpu.dimension_semantics<arbitrary>], iteration_bounds = array<i64: 10>, scalar_prefetch = 0 : i64, scratch_operands = 0 : i64, tpu.core_type = #tpu.core_type<tc>, window_params = [{transform_indices = @transform_0, window_bounds = array<i64: 1000, 256>}, {transform_indices = @transform_1, window_bounds = array<i64: 1000, 4>}, {transform_indices = @transform_2, window_bounds = array<i64: 1000, 4>}, {transform_indices = @transform_3, window_bounds = array<i64: 1000, 256>}, {transform_indices = @transform_4, window_bounds = array<i64: 1000, 16>}, {pipeline_mode = #tpu.pipeline_mode<synchronous>, transform_indices = @transform_5, window_bounds = array<i64: 1, 16>}, {pipeline_mode = #tpu.pipeline_mode<synchronous>, transform_indices = @transform_6, window_bounds = array<i64: 4, 256>}, {pipeline_mode = #tpu.pipeline_mode<synchronous>, transform_indices = @transform_7, window_bounds = array<i64: 1, 256>}, {pipeline_mode = #tpu.pipeline_mode<synchronous>, transform_indices = @transform_8, window_bounds = array<i64: 256, 256>}, {pipeline_mode = #tpu.pipeline_mode<synchronous>, transform_indices = @transform_9, window_bounds = array<i64: 1, 256>}, {transform_indices = @transform_10, window_bounds = array<i64: 1000, 256>}]} {
    %get3A = arith.constant 0 : index
    %get3A_0 = arith.constant 0 : index
    %get3A_1 = vector.load %arg1[%get3A, %get3A_0] : memref<1000x256xf32, #tpu.memory_space<vmem>>, vector<1000x256xf32>
    %get3A_2 = arith.constant 0 : index
    %get3A_3 = arith.constant 0 : index
    %get3A_4 = vector.load %arg5[%get3A_2, %get3A_3] : memref<1000x16xf32, #tpu.memory_space<vmem>>, vector<1000x16xf32>
    %slice3A = vector.extract_strided_slice %get3A_4 {offsets = [0, 0], sizes = [1000, 1], strides = [1, 1]} : vector<1000x16xf32> to vector<1000x1xf32>
    %slice3A_5 = vector.extract_strided_slice %get3A_4 {offsets = [0, 1], sizes = [1000, 1], strides = [1, 1]} : vector<1000x16xf32> to vector<1000x1xf32>
    %slice3A_6 = vector.extract_strided_slice %get3A_4 {offsets = [0, 2], sizes = [1000, 4], strides = [1, 1]} : vector<1000x16xf32> to vector<1000x4xf32>
    %max3A = arith.constant 1.000000e+00 : f32
    %max3A_7 = vector.broadcast %max3A : f32 to vector<1000x1xf32>
    %max3A_8 = arith.maximumf %slice3A_5, %max3A_7 : vector<1000x1xf32>
    %div3A = arith.divf %slice3A, %max3A_8 : vector<1000x1xf32>
    %get3A_9 = arith.constant 0 : index
    %get3A_10 = arith.constant 0 : index
    %get3A_11 = vector.load %arg6[%get3A_9, %get3A_10] : memref<1x16xf32, #tpu.memory_space<vmem>>, vector<1x4xf32>
    %get3A_12 = vector.shape_cast %get3A_11 : vector<1x4xf32> to vector<4xf32>
    %broadcast_in_dim3A = vector.shape_cast %get3A_12 : vector<4xf32> to vector<1x4xf32>
    %get3A_13 = arith.constant 0 : index
    %get3A_14 = arith.constant 0 : index
    %get3A_15 = vector.load %arg2[%get3A_13, %get3A_14] : memref<1000x4xf32, #tpu.memory_space<vmem>>, vector<1000x4xf32>
    %get3A_16 = arith.constant 0 : index
    %get3A_17 = arith.constant 0 : index
    %get3A_18 = vector.load %arg3[%get3A_16, %get3A_17] : memref<1000x4xf32, #tpu.memory_space<vmem>>, vector<1000x4xf32>
    %add3A = arith.addf %get3A_15, %get3A_18 : vector<1000x4xf32>
    %mul3A = vector.broadcast %div3A : vector<1000x1xf32> to vector<1000x4xf32>
    %mul3A_19 = vector.broadcast %broadcast_in_dim3A : vector<1x4xf32> to vector<1000x4xf32>
    %mul3A_20 = arith.mulf %mul3A, %mul3A_19 : vector<1000x4xf32>
    %add3A_21 = arith.addf %add3A, %mul3A_20 : vector<1000x4xf32>
    %ge3A = arith.constant 0.000000e+00 : f32
    %ge3A_22 = vector.broadcast %ge3A : f32 to vector<1000x4xf32>
    %ge3A_23 = arith.cmpf oge, %add3A_21, %ge3A_22 : vector<1000x4xf32>
    %mul3A_24 = arith.constant 2.000000e-01 : f32
    %mul3A_25 = vector.broadcast %mul3A_24 : f32 to vector<1000x4xf32>
    %mul3A_26 = arith.mulf %mul3A_25, %add3A_21 : vector<1000x4xf32>
    %select_n3A = arith.select %ge3A_23, %add3A_21, %mul3A_26 : vector<1000x4xi1>, vector<1000x4xf32>
    %exp3A = math.exp %select_n3A : vector<1000x4xf32>
    %add3A_27 = arith.addf %slice3A_6, %exp3A : vector<1000x4xf32>
    %get3A_28 = arith.constant 0 : index
    %get3A_29 = arith.constant 0 : index
    %get3A_30 = vector.load %arg7[%get3A_28, %get3A_29] : memref<4x256xf32, #tpu.memory_space<vmem>>, vector<4x256xf32>
    %dot_general3A = arith.constant dense<0.000000e+00> : vector<1000x256xf32>
    %dot_general3A_31 = tpu.matmul %exp3A, %get3A_30, %dot_general3A {dimension_numbers = #tpu.dot_dimension_numbers<[1], [0], [0], [1], [0, 0, 1, 1], [], []>, transpose_lhs_hint = false} : vector<1000x4xf32>, vector<4x256xf32>, vector<1000x256xf32> -> vector<1000x256xf32>
    %dot_general3A_32 = arith.constant dense<0.000000e+00> : vector<1000x256xf32>
    %dot_general3A_33 = tpu.matmul %add3A_27, %get3A_30, %dot_general3A_32 {dimension_numbers = #tpu.dot_dimension_numbers<[1], [0], [0], [1], [0, 0, 1, 1], [], []>, transpose_lhs_hint = false} : vector<1000x4xf32>, vector<4x256xf32>, vector<1000x256xf32> -> vector<1000x256xf32>
    %get3A_34 = arith.constant 0 : index
    %get3A_35 = arith.constant 0 : index
    %get3A_36 = vector.load %arg4[%get3A_34, %get3A_35] : memref<1000x256xf32, #tpu.memory_space<vmem>>, vector<1000x256xf32>
    %mul3A_37 = arith.mulf %dot_general3A_31, %get3A_1 : vector<1000x256xf32>
    %add3A_38 = arith.addf %get3A_36, %mul3A_37 : vector<1000x256xf32>
    %add3A_39 = arith.constant 1.000000e-16 : f32
    %add3A_40 = vector.broadcast %add3A_39 : f32 to vector<1000x256xf32>
    %add3A_41 = arith.addf %dot_general3A_33, %add3A_40 : vector<1000x256xf32>
    %div3A_42 = arith.divf %add3A_38, %add3A_41 : vector<1000x256xf32>
    %get3A_43 = arith.constant 0 : index
    %get3A_44 = arith.constant 0 : index
    %get3A_45 = vector.load %arg8[%get3A_43, %get3A_44] : memref<1x256xf32, #tpu.memory_space<vmem>>, vector<1x256xf32>
    %add3A_46 = vector.broadcast %get3A_45 : vector<1x256xf32> to vector<1000x256xf32>
    %add3A_47 = arith.addf %div3A_42, %add3A_46 : vector<1000x256xf32>
    %max3A_48 = arith.constant 0.000000e+00 : f32
    %max3A_49 = vector.broadcast %max3A_48 : f32 to vector<1000x256xf32>
    %max3A_50 = arith.maximumf %add3A_47, %max3A_49 : vector<1000x256xf32>
    %get3A_51 = arith.constant 0 : index
    %get3A_52 = arith.constant 0 : index
    %get3A_53 = vector.load %arg9[%get3A_51, %get3A_52] : memref<256x256xf32, #tpu.memory_space<vmem>>, vector<256x256xf32>
    %dot_general3A_54 = arith.constant dense<0.000000e+00> : vector<1000x256xf32>
    %dot_general3A_55 = tpu.matmul %max3A_50, %get3A_53, %dot_general3A_54 {dimension_numbers = #tpu.dot_dimension_numbers<[1], [0], [0], [1], [0, 0, 1, 1], [], []>, transpose_lhs_hint = false} : vector<1000x256xf32>, vector<256x256xf32>, vector<1000x256xf32> -> vector<1000x256xf32>
    %get3A_56 = arith.constant 0 : index
    %get3A_57 = arith.constant 0 : index
    %get3A_58 = vector.load %arg10[%get3A_56, %get3A_57] : memref<1x256xf32, #tpu.memory_space<vmem>>, vector<1x256xf32>
    %add3A_59 = vector.broadcast %get3A_58 : vector<1x256xf32> to vector<1000x256xf32>
    %add3A_60 = arith.addf %dot_general3A_55, %add3A_59 : vector<1000x256xf32>
    %swap3A = arith.constant 0 : index
    %swap3A_61 = arith.constant 0 : index
    %swap3A_62 = vector.load %arg11[%swap3A, %swap3A_61] : memref<1000x256xf32, #tpu.memory_space<vmem>>, vector<1000x256xf32>
    tpu.vector_store %arg11[%swap3A, %swap3A_61], %add3A_60 {strides = array<i32>} : memref<1000x256xf32, #tpu.memory_space<vmem>>, vector<1000x256xf32>,
    return
  }
  func.func @transform_0(%arg0: i32) -> (i32, i32) {
    %c0_i32 = arith.constant 0 : i32
    %c0_i32_0 = arith.constant 0 : i32
    return %arg0, %c0_i32 : i32, i32
  }
  func.func @transform_1(%arg0: i32) -> (i32, i32) {
    %c0_i32 = arith.constant 0 : i32
    %c0_i32_0 = arith.constant 0 : i32
    return %arg0, %c0_i32 : i32, i32
  }
  func.func @transform_2(%arg0: i32) -> (i32, i32) {
    %c0_i32 = arith.constant 0 : i32
    %c0_i32_0 = arith.constant 0 : i32
    return %arg0, %c0_i32 : i32, i32
  }
  func.func @transform_3(%arg0: i32) -> (i32, i32) {
    %c0_i32 = arith.constant 0 : i32
    %c0_i32_0 = arith.constant 0 : i32
    return %arg0, %c0_i32 : i32, i32
  }
  func.func @transform_4(%arg0: i32) -> (i32, i32) {
    %c0_i32 = arith.constant 0 : i32
    %c0_i32_0 = arith.constant 0 : i32
    return %arg0, %c0_i32 : i32, i32
  }
  func.func @transform_5(%arg0: i32) -> (i32, i32) {
    %c0_i32 = arith.constant 0 : i32
    %c0_i32_0 = arith.constant 0 : i32
    %c0_i32_1 = arith.constant 0 : i32
    return %c0_i32, %c0_i32_0 : i32, i32
  }
  func.func @transform_6(%arg0: i32) -> (i32, i32) {
    %c0_i32 = arith.constant 0 : i32
    %c0_i32_0 = arith.constant 0 : i32
    %c0_i32_1 = arith.constant 0 : i32
    return %c0_i32, %c0_i32_0 : i32, i32
  }
  func.func @transform_7(%arg0: i32) -> (i32, i32) {
    %c0_i32 = arith.constant 0 : i32
    %c0_i32_0 = arith.constant 0 : i32
    %c0_i32_1 = arith.constant 0 : i32
    return %c0_i32, %c0_i32_0 : i32, i32
  }
  func.func @transform_8(%arg0: i32) -> (i32, i32) {
    %c0_i32 = arith.constant 0 : i32
    %c0_i32_0 = arith.constant 0 : i32
    %c0_i32_1 = arith.constant 0 : i32
    return %c0_i32, %c0_i32_0 : i32, i32
  }
  func.func @transform_9(%arg0: i32) -> (i32, i32) {
    %c0_i32 = arith.constant 0 : i32
    %c0_i32_0 = arith.constant 0 : i32
    %c0_i32_1 = arith.constant 0 : i32
    return %c0_i32, %c0_i32_0 : i32, i32
  }
  func.func @transform_10(%arg0: i32) -> (i32, i32) {
    %c0_i32 = arith.constant 0 : i32
    %c0_i32_0 = arith.constant 0 : i32
    return %arg0, %c0_i32 : i32, i32
  }
}

module attributes {stable_mosaic.version = 14 : i64} {
  func.func @_lstm_body(%arg0: i32, %arg1: memref<2000x256xf32, #tpu.memory_space<vmem>>, %arg2: memref<64x256xf32, #tpu.memory_space<vmem>>, %arg3: memref<64x10xf32, #tpu.memory_space<vmem>>, %arg4: memref<1x10xf32, #tpu.memory_space<vmem>>, %arg5: memref<2000x10xf32, #tpu.memory_space<vmem>>, %arg6: memref<1x64xf32, #tpu.memory_space<vmem>>, %arg7: memref<1x64xf32, #tpu.memory_space<vmem>>, %arg8: memref<2000x64xf32, #tpu.memory_space<vmem>>) attributes {dimension_semantics = [#tpu.dimension_semantics<arbitrary>], iteration_bounds = array<i64: 5>, scalar_prefetch = 0 : i64, scratch_operands = 3 : i64, tpu.core_type = #tpu.core_type<tc>, window_params = [{transform_indices = @transform_0, window_bounds = array<i64: 2000, 256>}, {pipeline_mode = #tpu.pipeline_mode<synchronous>, transform_indices = @transform_1, window_bounds = array<i64: 64, 256>}, {pipeline_mode = #tpu.pipeline_mode<synchronous>, transform_indices = @transform_2, window_bounds = array<i64: 64, 10>}, {pipeline_mode = #tpu.pipeline_mode<synchronous>, transform_indices = @transform_3, window_bounds = array<i64: 1, 10>}, {transform_indices = @transform_4, window_bounds = array<i64: 2000, 10>}]} {
    %eq3A = arith.constant 0 : i32
    %eq3A_0 = arith.cmpi eq, %arg0, %eq3A : i32
    %convert_element_type3A = arith.extui %eq3A_0 : i1 to i32
    %cond3A = arith.constant 0 : i32
    %cond3A_1 = arith.cmpi ne, %convert_element_type3A, %cond3A : i32
    scf.if %cond3A_1 {
      %broadcast_in_dim3A = arith.constant 0.000000e+00 : f32
      %broadcast_in_dim3A_34 = vector.broadcast %broadcast_in_dim3A : f32 to vector<1x64xf32>
      %swap3A_35 = arith.constant 0 : index
      %swap3A_36 = arith.constant 0 : index
      %swap3A_37 = vector.load %arg6[%swap3A_35, %swap3A_36] : memref<1x64xf32, #tpu.memory_space<vmem>>, vector<1x64xf32>
      tpu.vector_store %arg6[%swap3A_35, %swap3A_36], %broadcast_in_dim3A_34 {strides = array<i32>} : memref<1x64xf32, #tpu.memory_space<vmem>>, vector<1x64xf32>,
      %broadcast_in_dim3A_38 = arith.constant 0.000000e+00 : f32
      %broadcast_in_dim3A_39 = vector.broadcast %broadcast_in_dim3A_38 : f32 to vector<1x64xf32>
      %swap3A_40 = arith.constant 0 : index
      %swap3A_41 = arith.constant 0 : index
      %swap3A_42 = vector.load %arg7[%swap3A_40, %swap3A_41] : memref<1x64xf32, #tpu.memory_space<vmem>>, vector<1x64xf32>
      tpu.vector_store %arg7[%swap3A_40, %swap3A_41], %broadcast_in_dim3A_39 {strides = array<i32>} : memref<1x64xf32, #tpu.memory_space<vmem>>, vector<1x64xf32>,
    } else {
    }
    %get3A = arith.constant 0 : index
    %get3A_2 = arith.constant 0 : index
    %get3A_3 = vector.load %arg2[%get3A, %get3A_2] : memref<64x256xf32, #tpu.memory_space<vmem>>, vector<64x256xf32>
    %get3A_4 = arith.constant 0 : index
    %get3A_5 = arith.constant 0 : index
    %get3A_6 = vector.load %arg6[%get3A_4, %get3A_5] : memref<1x64xf32, #tpu.memory_space<vmem>>, vector<1x64xf32>
    %get3A_7 = arith.constant 0 : index
    %get3A_8 = arith.constant 0 : index
    %get3A_9 = vector.load %arg7[%get3A_7, %get3A_8] : memref<1x64xf32, #tpu.memory_space<vmem>>, vector<1x64xf32>
    %scan3A = arith.constant 0 : i32
    %scan3A_10 = arith.constant 2000 : i32
    %scan3A_11 = arith.addi %scan3A, %scan3A_10 : i32
    %scan3A_12 = arith.constant 1 : i32
    %scan3A_13:2 = scf.for %scan3A_34 = %scan3A to %scan3A_11 step %scan3A_12 iter_args(%scan3A_35 = %get3A_6, %scan3A_36 = %get3A_9) -> (vector<1x64xf32>, vector<1x64xf32>)  : i32 {
      %get3A_37 = arith.index_cast %scan3A_34 : i32 to index
      %get3A_38 = arith.constant 0 : index
      %get3A_39 = vector.load %arg1[%get3A_37, %get3A_38] : memref<2000x256xf32, #tpu.memory_space<vmem>>, vector<1x256xf32>
      %dot_general3A_40 = arith.constant dense<0.000000e+00> : vector<1x256xf32>
      %dot_general3A_41 = tpu.matmul %scan3A_35, %get3A_3, %dot_general3A_40 {dimension_numbers = #tpu.dot_dimension_numbers<[1], [0], [0], [1], [0, 0, 1, 1], [], []>, transpose_lhs_hint = false} : vector<1x64xf32>, vector<64x256xf32>, vector<1x256xf32> -> vector<1x256xf32>
      %add3A_42 = arith.addf %get3A_39, %dot_general3A_41 : vector<1x256xf32>
      %slice3A = vector.extract_strided_slice %add3A_42 {offsets = [0, 0], sizes = [1, 64], strides = [1, 1]} : vector<1x256xf32> to vector<1x64xf32>
      %logistic3A = arith.negf %slice3A : vector<1x64xf32>
      %logistic3A_43 = math.exp %logistic3A : vector<1x64xf32>
      %logistic3A_44 = arith.constant 1.000000e+00 : f32
      %logistic3A_45 = vector.broadcast %logistic3A_44 : f32 to vector<1x64xf32>
      %logistic3A_46 = arith.addf %logistic3A_45, %logistic3A_43 : vector<1x64xf32>
      %logistic3A_47 = arith.divf %logistic3A_45, %logistic3A_46 : vector<1x64xf32>
      %slice3A_48 = vector.extract_strided_slice %add3A_42 {offsets = [0, 64], sizes = [1, 64], strides = [1, 1]} : vector<1x256xf32> to vector<1x64xf32>
      %logistic3A_49 = arith.negf %slice3A_48 : vector<1x64xf32>
      %logistic3A_50 = math.exp %logistic3A_49 : vector<1x64xf32>
      %logistic3A_51 = arith.constant 1.000000e+00 : f32
      %logistic3A_52 = vector.broadcast %logistic3A_51 : f32 to vector<1x64xf32>
      %logistic3A_53 = arith.addf %logistic3A_52, %logistic3A_50 : vector<1x64xf32>
      %logistic3A_54 = arith.divf %logistic3A_52, %logistic3A_53 : vector<1x64xf32>
      %slice3A_55 = vector.extract_strided_slice %add3A_42 {offsets = [0, 128], sizes = [1, 64], strides = [1, 1]} : vector<1x256xf32> to vector<1x64xf32>
      %tanh3A = math.tanh %slice3A_55 : vector<1x64xf32>
      %slice3A_56 = vector.extract_strided_slice %add3A_42 {offsets = [0, 192], sizes = [1, 64], strides = [1, 1]} : vector<1x256xf32> to vector<1x64xf32>
      %logistic3A_57 = arith.negf %slice3A_56 : vector<1x64xf32>
      %logistic3A_58 = math.exp %logistic3A_57 : vector<1x64xf32>
      %logistic3A_59 = arith.constant 1.000000e+00 : f32
      %logistic3A_60 = vector.broadcast %logistic3A_59 : f32 to vector<1x64xf32>
      %logistic3A_61 = arith.addf %logistic3A_60, %logistic3A_58 : vector<1x64xf32>
      %logistic3A_62 = arith.divf %logistic3A_60, %logistic3A_61 : vector<1x64xf32>
      %mul3A = arith.mulf %logistic3A_54, %scan3A_36 : vector<1x64xf32>
      %mul3A_63 = arith.mulf %logistic3A_47, %tanh3A : vector<1x64xf32>
      %add3A_64 = arith.addf %mul3A, %mul3A_63 : vector<1x64xf32>
      %tanh3A_65 = math.tanh %add3A_64 : vector<1x64xf32>
      %mul3A_66 = arith.mulf %logistic3A_62, %tanh3A_65 : vector<1x64xf32>
      %swap3A_67 = arith.index_cast %scan3A_34 : i32 to index
      %swap3A_68 = arith.constant 0 : index
      %swap3A_69 = vector.load %arg8[%swap3A_67, %swap3A_68] : memref<2000x64xf32, #tpu.memory_space<vmem>>, vector<1x64xf32>
      tpu.vector_store %arg8[%swap3A_67, %swap3A_68], %mul3A_66 {strides = array<i32>} : memref<2000x64xf32, #tpu.memory_space<vmem>>, vector<1x64xf32>,
      scf.yield %mul3A_66, %add3A_64 : vector<1x64xf32>, vector<1x64xf32>
    }
    %scan3A_14 = arith.constant 2000 : i32
    %swap3A = arith.constant 0 : index
    %swap3A_15 = arith.constant 0 : index
    %swap3A_16 = vector.load %arg6[%swap3A, %swap3A_15] : memref<1x64xf32, #tpu.memory_space<vmem>>, vector<1x64xf32>
    tpu.vector_store %arg6[%swap3A, %swap3A_15], %scan3A_13#0 {strides = array<i32>} : memref<1x64xf32, #tpu.memory_space<vmem>>, vector<1x64xf32>,
    %swap3A_17 = arith.constant 0 : index
    %swap3A_18 = arith.constant 0 : index
    %swap3A_19 = vector.load %arg7[%swap3A_17, %swap3A_18] : memref<1x64xf32, #tpu.memory_space<vmem>>, vector<1x64xf32>
    tpu.vector_store %arg7[%swap3A_17, %swap3A_18], %scan3A_13#1 {strides = array<i32>} : memref<1x64xf32, #tpu.memory_space<vmem>>, vector<1x64xf32>,
    %get3A_20 = arith.constant 0 : index
    %get3A_21 = arith.constant 0 : index
    %get3A_22 = vector.load %arg8[%get3A_20, %get3A_21] : memref<2000x64xf32, #tpu.memory_space<vmem>>, vector<2000x64xf32>
    %get3A_23 = arith.constant 0 : index
    %get3A_24 = arith.constant 0 : index
    %get3A_25 = vector.load %arg3[%get3A_23, %get3A_24] : memref<64x10xf32, #tpu.memory_space<vmem>>, vector<64x10xf32>
    %dot_general3A = arith.constant dense<0.000000e+00> : vector<2000x10xf32>
    %dot_general3A_26 = tpu.matmul %get3A_22, %get3A_25, %dot_general3A {dimension_numbers = #tpu.dot_dimension_numbers<[1], [0], [0], [1], [0, 0, 1, 1], [], []>, transpose_lhs_hint = false} : vector<2000x64xf32>, vector<64x10xf32>, vector<2000x10xf32> -> vector<2000x10xf32>
    %get3A_27 = arith.constant 0 : index
    %get3A_28 = arith.constant 0 : index
    %get3A_29 = vector.load %arg4[%get3A_27, %get3A_28] : memref<1x10xf32, #tpu.memory_space<vmem>>, vector<1x10xf32>
    %add3A = vector.broadcast %get3A_29 : vector<1x10xf32> to vector<2000x10xf32>
    %add3A_30 = arith.addf %dot_general3A_26, %add3A : vector<2000x10xf32>
    %swap3A_31 = arith.constant 0 : index
    %swap3A_32 = arith.constant 0 : index
    %swap3A_33 = vector.load %arg5[%swap3A_31, %swap3A_32] : memref<2000x10xf32, #tpu.memory_space<vmem>>, vector<2000x10xf32>
    tpu.vector_store %arg5[%swap3A_31, %swap3A_32], %add3A_30 {strides = array<i32>} : memref<2000x10xf32, #tpu.memory_space<vmem>>, vector<2000x10xf32>,
    return
  }
  func.func @transform_0(%arg0: i32) -> (i32, i32) {
    %c0_i32 = arith.constant 0 : i32
    %c0_i32_0 = arith.constant 0 : i32
    return %arg0, %c0_i32 : i32, i32
  }
  func.func @transform_1(%arg0: i32) -> (i32, i32) {
    %c0_i32 = arith.constant 0 : i32
    %c0_i32_0 = arith.constant 0 : i32
    %c0_i32_1 = arith.constant 0 : i32
    return %c0_i32, %c0_i32_0 : i32, i32
  }
  func.func @transform_2(%arg0: i32) -> (i32, i32) {
    %c0_i32 = arith.constant 0 : i32
    %c0_i32_0 = arith.constant 0 : i32
    %c0_i32_1 = arith.constant 0 : i32
    return %c0_i32, %c0_i32_0 : i32, i32
  }
  func.func @transform_3(%arg0: i32) -> (i32, i32) {
    %c0_i32 = arith.constant 0 : i32
    %c0_i32_0 = arith.constant 0 : i32
    %c0_i32_1 = arith.constant 0 : i32
    return %c0_i32, %c0_i32_0 : i32, i32
  }
  func.func @transform_4(%arg0: i32) -> (i32, i32) {
    %c0_i32 = arith.constant 0 : i32
    %c0_i32_0 = arith.constant 0 : i32
    return %arg0, %c0_i32 : i32, i32
  }
}

</mosaic_0001>

<sc_bundles>
// kernel: gather_offload_async_start
scs
__scs_entry_jumppad:
0x0: {  	(pc) =	sbr.rel $0x88, $3  }
0x1: {  	(tag) =	ssettag $0x0;
	lr =	simm.s32 $0x1  }
0x2: {  	[smem:$0x3F92] =	sst lr;
	_ =	strace $0xD0000000  }
0x3: {  	_ = 	snop  }
0x4: {  	_ = 	snop  }
0x5: {  	_ = 	snop  }
0x6: {  	_ = 	snop  }
0x7: {  	_ = 	snop  }
__scs_overlays_trampoline_lowered:
0x8: {  	[smem:$0x3FA1] =	sst s0  }
0x9: {  	[smem:$0x3FA2] =	sst s1  }
0xa: {  	[smem:$0x3FA3] =	sst s2  }
0xb: {  	[smem:$0x3FA4] =	sst s3  }
0xc: {  	[smem:$0x3FA5] =	sst s4  }
0xd: {  	[smem:$0x3FA6] =	sst s5  }
0xe: {  	[smem:$0x3FA7] =	sst s6  }
0xf: {  	[smem:$0x3FA8] =	sst s7  }
0x10: {  	[smem:$0x3FA9] =	sst s8  }
0x11: {  	[smem:$0x3FAA] =	sst s9;
	s0 =	simm.s32 @!p0 $0x0  }
0x12: {  	s1 =	sld [smem:$0x3F90];
	s0 =	simm.s32 @p0 $0x1  }
0x13: {  	[smem:$0x3FAB] =	sst s0;
	s0 =	simm.s32 @!p1 $0x0  }
0x14: {  	s2 =	sld [smem:$0x3F8F];
	s0 =	simm.s32 @p1 $0x1  }
0x15: {  	[smem:$0x3FAC] =	sst s0;
	s0 =	simm.s32 @!p2 $0x0  }
0x16: {  	s3 =	sld [smem:$0x3FDB];
	s0 =	simm.s32 @p2 $0x1  }
0x17: {  	s4 =	simm.s32 $0x1BF5;
	[smem:$0x3FAE] =	sst s0  }
0x18: {  	s0 =	sld [smem:$0x3F91];
	_ =	swait.ge [sflag:s4], $0x0  }
0x19: {  	s7 =	sld [smem:$0x3F92]  }
0x1a: {  	s8 =	sadd.s32 $0xFFFFE003, lr  }
0x1b: {  	s9 =	sadd.s32 $0xFFFFFEF7, lr;
	s5 =	simm.s32 $0xFFFFFFFF;
	p2 =	slt.u32 s8, $0xFFFFF086  }
0x1c: {  	p1 =	slt.u32 s9, $0xF7A;
	s5 =	simm.s32 @!p2 $0x0  }
0x1d: {  	s5 =	simm.s32 @p1 $0x1;
	p0 =	seq.s32 s7, s2  }
0x1e: {  	s7 =	smul.u32 @!p0 $0xF7A, s2;
	p2 =	seq.s32 @!p0 s5, $0x0  }
0x1f: {  	s9 =	smul.u32 $0xF7A, s1;
	s8 =	simm.s32 @!p0 $0x1BF5;
	p2 =	por !p2, p0  }
0x20: {  	[sflag:s8] =	ssyncset.s32 @!p0 $0xFFFFF086;
	s6 =	sadd.s32 @!p0 s3, s7;
	s7 =	simm.s32 @!p0 $0x108  }
0x21: {  	s3 =	sadd.s32 s3, s9;
	s6 =	sadd.s32 @!p0 $0x88, s6;
	s7 =	simm.s32 @p2 $0x1082  }
0x22: {  	[simem:s7], [sflag:s8] =	dma.local @!p0 [hbm:s6], $0xF7A  }
0x23: {  	s9 =	sor.u32 $0xD0000000, s2;
	s6 =	simm.s32 $0x108;
	_ =	swait.ge @!p0 [sflag:s8], $0x0  }
0x24: {  	s3 =	sadd.s32 $0x88, s3;
	s6 =	simm.s32 @!p1 $0x1082;
	[sflag:s4] =	ssyncset.s32 $0xFFFFF086  }
0x25: {  	[simem:s6], [sflag:s4] =	dma.local [hbm:s3], $0xF7A  }
0x26: {  	[smem:$0x3F92] =	sst s1;
	(tag) =	ssettag s2;
	_ =	strace s9  }
0x27: {  	s1 =	sld [smem:$0x3FA2]  }
0x28: {  	s2 =	sld [smem:$0x3FA3]  }
0x29: {  	s4 =	sld [smem:$0x3FA5]  }
0x2a: {  	p0 =	seq.s32 s5, $0x0;
	s5 =	sld [smem:$0x3FA6]  }
0x2b: {  	s6 =	sld [smem:$0x3FA7]  }
0x2c: {  	s7 =	sld [smem:$0x3FA8]  }
0x2d: {  	s3 =	simm.s32 $0x108;
	s8 =	sld [smem:$0x3FA9]  }
0x2e: {  	s3 =	simm.s32 @!p0 $0x1082;
	s9 =	sld [smem:$0x3FAA]  }
0x2f: {  	lr =	sadd.s32 s0, s3;
	s0 =	sld [smem:$0x3FA1]  }
0x30: {  	s3 =	sld [smem:$0x3FA4]  }
0x31: {  	[smem:$0x3FAD] =	sst s10  }
0x32: {  	s10 =	sld [smem:$0x3FAB];
	_ =	sdelay $0x3  }
0x33: {  	p0 =	seq.s32 s10, $0x1;
	s10 =	sld [smem:$0x3FAD];
	_ =	sdelay $0x3  }
0x34: {  	[smem:$0x3FAD] =	sst s10  }
0x35: {  	s10 =	sld [smem:$0x3FAC];
	_ =	sdelay $0x3  }
0x36: {  	p1 =	seq.s32 s10, $0x1;
	s10 =	sld [smem:$0x3FAD];
	_ =	sdelay $0x3  }
0x37: {  	[smem:$0x3FAD] =	sst s10  }
0x38: {  	s10 =	sld [smem:$0x3FAE]  }
0x39: {  	_ = 	snop;
	(pc) =	sbr.ind lr, $3  }
0x3a: {  	_ = 	snop  }
0x3b: {  	_ = 	snop  }
0x3c: {  	p2 =	seq.s32 s10, $0x1;
	s10 =	sld [smem:$0x3FAD]  }
0x3d: {  	_ =	shalt  }
0x3e: {  	_ =	shalt  }
0x3f: {  	_ =	shalt  }
0x40: {  	_ =	shalt  }
0x41: {  	_ =	shalt  }
0x42: {  	_ =	shalt  }
0x43: {  	_ =	shalt  }
0x44: {  	_ =	shalt  }
0x45: {  	_ =	shalt  }
0x46: {  	_ =	shalt  }
0x47: {  	_ =	shalt  }
0x48: {  	_ =	shalt  }
0x49: {  	_ =	shalt  }
0x4a: {  	_ =	shalt  }
0x4b: {  	_ =	shalt  }
0x4c: {  	_ =	shalt  }
0x4d: {  	_ =	shalt  }
0x4e: {  	_ =	shalt  }
0x4f: {  	_ =	shalt  }
0x50: {  	_ =	shalt  }
0x51: {  	_ =	shalt  }
0x52: {  	_ =	shalt  }
0x53: {  	_ =	shalt  }
0x54: {  	_ =	shalt  }
0x55: {  	_ =	shalt  }
0x56: {  	_ =	shalt  }
0x57: {  	_ =	shalt  }
0x58: {  	_ =	shalt  }
0x59: {  	_ =	shalt  }
0x5a: {  	_ =	shalt  }
0x5b: {  	_ =	shalt  }
0x5c: {  	_ =	shalt  }
0x5d: {  	_ =	shalt  }
0x5e: {  	_ =	shalt  }
0x5f: {  	_ =	shalt  }
0x60: {  	_ =	shalt  }
0x61: {  	_ =	shalt  }
0x62: {  	_ =	shalt  }
0x63: {  	_ =	shalt  }
0x64: {  	_ =	shalt  }
0x65: {  	_ =	shalt  }
0x66: {  	_ =	shalt  }
0x67: {  	_ =	shalt  }
0x68: {  	_ =	shalt  }
0x69: {  	_ =	shalt  }
0x6a: {  	_ =	shalt  }
0x6b: {  	_ =	shalt  }
0x6c: {  	_ =	shalt  }
0x6d: {  	_ =	shalt  }
0x6e: {  	_ =	shalt  }
0x6f: {  	_ =	shalt  }
0x70: {  	_ =	shalt  }
0x71: {  	_ =	shalt  }
0x72: {  	_ =	shalt  }
0x73: {  	_ =	shalt  }
0x74: {  	_ =	shalt  }
0x75: {  	_ =	shalt  }
0x76: {  	_ =	shalt  }
0x77: {  	_ =	shalt  }
0x78: {  	_ =	shalt  }
0x79: {  	_ =	shalt  }
0x7a: {  	_ =	shalt  }
0x7b: {  	_ =	shalt  }
0x7c: {  	_ =	shalt  }
0x7d: {  	_ =	shalt  }
0x7e: {  	_ =	shalt  }
0x7f: {  	_ =	shalt  }
0x80: {  	_ =	shalt  }
0x81: {  	_ =	shalt  }
0x82: {  	_ =	shalt  }
0x83: {  	_ =	shalt  }
0x84: {  	_ =	shalt  }
0x85: {  	_ =	shalt  }
0x86: {  	_ =	shalt  }
0x87: {  	_ =	shalt  }
.Lfunc_end0:
.L_simem_size_0:
called_computation.5_lowered:
.L_overlay_start_0:
0x88: {  	s2 =	sld [smem:$0x3FD9]  }
0x89: {  	s3 =	sld [smem:$0x3FFE];
	_ =	sdelay $0x1  }
0x8a: {  	s1 =	srdreg.scid  }
0x8b: {  	s0 =	sand.u32 $0x1, s1  }
0x8c: {  	s17 =	sshll.u32 s0, $0xA;
	s2 =	sadd.s32 s3, s2  }
0x8d: {  	s2 =	sadd.s32 s2, s17  }
0x8e: {  	[smem:$0x3FB9] =	sst s2  }
0x8f: {  	_ = 	snop  }
0x90: {  	(tm) =	ssettm $0x1  }
0x91: {  	s18 =	sld [smem:$0x3FFB];
	_ =	sdelay $0x3  }
0x92: {  	_ =	strace s18  }
0x93: {  	s2 =	sld [smem:$0x3FFC];
	_ =	sdelay $0x3  }
0x94: {  	_ =	strace s2  }
0x95: {  	s2 =	sld [smem:$0x3FFD];
	_ =	sdelay $0x3  }
0x96: {  	_ =	strace s2  }
0x97: {  	_ =	strace $0x8FFFFFFF  }
0x98: {  	s19 =	sld [smem:$0x3FDB];
	_ =	sdelay $0x1  }
0x99: {  	s20 =	simm.s32 $_scs_section_size  }
0x9a: {  	s4 =	simm.s32 $_size__tile_overlayer_lowered;
	s5 =	simm.s32 $_tile_overlayer_lowered  }
0x9b: {  	s6 =	simm.s32 $0x1BFF;
	s21 =	sshll.u32 s5, $0x1;
	s3 =	sadd.s32 s20, s19  }
0x9c: {  	s22 =	simm.s32 $0x0;
	s4 =	sshll.u32 s4, $0x1;
	s5 =	sadd.s32 s21, s3  }
0x9d: {  	[timem:s22], [sflag:s6] =	dma.local [hbm:s5], s4  }
0x9e: {  	_ =	swait.ge [sflag:s6], s4  }
0x9f: {  	s4 =	ssub.s32 $0x0, s4;
	[sflag:s6] =	ssyncset.done $0x0  }
0xa0: {  	[sflag:s6] =	ssyncadd.s32 s4;
	_ =	sdelay $0x1  }
0xa1: {  	s23 =	simm.s32 $0x1B8B  }
0xa2: {  	_ =	swait.ge [sflag:s23], $0x1  }
0xa3: {  	[sflag:s23] =	ssyncset.done $0x0  }
0xa4: {  	[sflag:s23] =	ssyncadd.s32 $0xFFFFFFFF  }
0xa5: {  	s4 =	sld [smem:$0x0]  }
0xa6: {  	s5 =	sand.u32 $0xFFFFFFFE, s1  }
0xa7: {  	p0 =	sne.s32 s1, s5  }
0xa8: {  	s5 =	sshll.u32 @p0 s5, $0xE  }
0xa9: {  	s5 =	sadd.s32 @p0 $0x11B8D, s5;
	s6 =	sshll.u32 @p0 s4, $0x11  }
0xaa: {  	s5 =	sor.u32 @p0 s6, s5  }
0xab: {  	[sflag:s5] =	ssyncadd.remote.s32 @p0 $0x1;
	_ =	sdelay $0x1  }
0xac: {  	s5 =	simm.s32 @p0 $0x1B8D  }
0xad: {  	_ =	swait.eq @p0 [sflag:s5], $0x1  }
0xae: {  	[sflag:s5] =	ssyncadd.s32 @p0 $0xFFFFFFFF  }
0xaf: {  	s6 =	sshll.u32 @!p0 s1, $0xE  }
0xb0: {  	s6 =	sor.u32 @!p0 $0x4000, s6;
	s5 =	simm.s32 @!p0 $0x1B8D  }
0xb1: {  	s4 =	sshll.u32 @!p0 s4, $0x11;
	s6 =	sadd.s32 @!p0 $0x11B8D, s6;
	_ =	swait.eq @!p0 [sflag:s5], $0x1  }
0xb2: {  	s4 =	sor.u32 @!p0 s4, s6;
	[sflag:s5] =	ssyncadd.s32 @!p0 $0xFFFFFFFF  }
0xb3: {  	s25 =	simm.s32 $0x1B8E;
	s24 =	sld [smem:$0x3FFE];
	[sflag:s4] =	ssyncadd.remote.s32 @!p0 $0x1  }
0xb4: {  	s26 =	simm.s32 $execute0_lowered;
	[smem:$0x3FD2] =	sst s25  }
0xb5: {  	s5 =	sshll.u32 s26, $0x1;
	_ =	strace $0x80000049;
	[dreg:$0x1] =	wrdreg $0xFFFFFFFF  }
0xb6: {  	s28 =	simm.s32 $_size_execute0_lowered;
	s3 =	sadd.s32 s3, s5;
	[dreg:$0x0] =	wrdreg $0x0  }
0xb7: {  	s5 =	sshll.u32 s28, $0x1;
	[dreg:$0x2] =	wrdreg s3  }
0xb8: {  	[dreg:$0x3] =	wrdreg s5  }
0xb9: {  	[dreg:$0x4] =	wrdreg $0xC0  }
0xba: {  	_ =	task [dreg:s22], $0x5FFFF  }
0xbb: {  	[dreg:$0x1] =	wrdreg $0xFFFFFFFF  }
0xbc: {  	[dreg:$0x0] =	wrdreg $0x60  }
0xbd: {  	[dreg:$0x2] =	wrdreg s24  }
0xbe: {  	[dreg:$0x3] =	wrdreg $0xE  }
0xbf: {  	_ =	task.clear_ibuf [dreg:s22], $0x4FFFF;
	_ =	strace $0x90000049  }
0xc0: {  	s29 =	simm.s32 $0xE;
	_ =	strace $0x8000004B  }
0xc1: {  	_ =	swait.ge [sflag:s29], $0x1  }
0xc2: {  	[sflag:s29] =	ssyncadd.s32 $0xFFFFFFFF  }
0xc3: {  	_ =	strace $0x9000004B  }
0xc4: {  	_ =	sfence  }
0xc5: {  	s30 =	sld [smem:$0x0];
	_ =	sdelay $0x2  }
0xc6: {  	s31 =	sshll.u32 s1, $0xD;
	s1 =	sshrl.u32 s1, $0x2  }
0xc7: {  	s4 =	sand.u32 $0x4000, s31;
	s1 =	sadd.s32 s1, s30  }
0xc8: {  	s0 =	sor.u32 s4, s0;
	s1 =	sshll.u32 s1, $0x11  }
0xc9: {  	s0 =	sor.u32 s1, s0  }
0xca: {  	s0 =	sadd.s32 $0x8F2B, s0  }
0xcb: {  	[sflag:s0] =	ssyncadd.remote.s32 $0x1  }
0xcc: {  	_ =	sfence.sel $0xFFFF  }
0xcd: {  	[dreg:$0x0] =	wrdreg $0xFFFFFFFF;
	(pc) =	sbr.abs _section_cstart, $3  }
0xce: {  	[dreg:$0x1] =	wrdreg $0xFFFFFFFF  }
0xcf: {  	_ =	task.clear_ibuf [dreg:s22], $0x2FFFF;
	_ =	strace $0x9FFFFFFF  }
0xd0: {  	(tm) =	ssettm $0x7FFFFFFF  }
0xd1: {  	_ =	shalt  }
tec
execute0_lowered:
.L_overlay_start_1:
0x0: {  	(tag) =	ssettag $0x1  }
0x1: {  	s0 =	srdreg.scid  }
0x2: {  	s1 =	sshll.u32 s0, $0x4  }
0x3: {  	s0 =	stileid.u32;
	s1 =	sand.u32 $0x10, s1  }
0x4: {  	s2 =	sor.u32 s0, s1  }
0x5: {  	s3 =	smul.u32 $0x3E, s2  }
0x6: {  	s1 =	sshrl.u32 s1, $0x4;
	s2 =	smin.u32 s2, $0x10  }
0x7: {  	s1 =	sxor.u32 $0x3F, s1;
	s2 =	sadd.s32 s2, s3  }
0x8: {  	s1 =	sadd.s32 s1, s2  }
0x9: {  	s1 =	smul.u32 $0xA0, s1  }
0xa: {  	s2 =	smul.u32 $0xA0, s2  }
0xb: {  	s3 =	smin.u32 s1, $0x4E200  }
0xc: {  	s7 =	ssub.s32 s3, s2  }
0xd: {  	p0 =	sgt.s32 s7, $0x0  }
0xe: {  	s7 =	simm.s32 @!p0 $0x0  }
0xf: {  	s4 =	smulhi.u32 $0x66666667, s7  }
0x10: {  	s9 =	rddreg [dreg:$0x0];
	s6 =	simm.s32 $0x1;
	s11 =	simm.s32 $0x3  }
0x11: {  	s13 =	simm.s32 $0x0;
	s12 =	simm.s32 $0x0;
	s8 =	sshrl.u32 s4, $0x6  }
0x12: {  	s1 =	rddreg [dreg:$0x1];
	_ =	strace $0x8000004A;
	s10 =	smul.u32 $0xA0, s8  }
.Ltmp0:
0x13: {  	s5 =	sadd.s32 $0x75E00, s9;
	[sflag:s6] =	ssyncpa.u1 $0x0;
	(pc) =	sbr.rel .LBB2_1-.Ltmp0, $4  }
0x14: {  	s4 =	sadd.s32 $0x1FC400, s9;
	p0 =	sne.s32 s7, s10;
	s10 =	simm.s32 $0x1  }
0x15: {  	s9 =	sadd.s32 $0x602C00, s9;
	s7 =	simm.s32 $0x2;
	s10 =	simm.s32 @!p0 $0x0  }
0x16: {  	[sflag:s7] =	ssyncpa.u1 $0x0;
	p0 =	por $0x0, $0x0;
	s8 =	sadd.s32 s10, s8  }
0x17: {  	vm0 =	vmmov $0xff;
	vm1 =	vcmask $0x3F20;
	[sflag:s11] =	ssyncpa.u1 $0x0;
	s11 =	smov.u32 s2;
	s10 =	sadd.s32 $0x1, s8  }
.LBB2_8:
0x18: {  	[hbm:s17] =	stream.linear.scatter [tilespmem:s14], [sflag:$0x3], $0x800, $0x38;
	[tilespmem:$0x14140] =	vst v63  }
.LBB2_9:
0x19: {  	s13 =	sadd.s32 $0xA0, s11  }
0x1a: {  	s15 =	smov.u32 s2;
	p2 =	slt.s32 s13, s3  }
0x1b: {  	s15 =	smov.u32 @p2 s13;
	p2 =	sne.s32 s12, s10  }
.Ltmp1:
0x1c: {  	p1 =	slt.u32 s12, $0x2;
	(pc) =	sbr.rel @!p2 .LBB2_10-.Ltmp1, $4  }
0x1d: {  	s14 =	simm.s32 @!p1 $0x3  }
0x1e: {  	s16 =	sadd.s32 $0x1, s12;
	_ =	swait.ge @!p1 [sflag:s14], $0xA000  }
0x1f: {  	p0 =	por !p0, !p0;
	s13 =	smov.u32 s11;
	[sflag:s14] =	ssyncset.done @!p1 $0x0  }
0x20: {  	s12 =	smov.u32 s16;
	s11 =	smov.u32 s15;
	[sflag:s14] =	ssyncadd.s32 @!p1 $0xFFFF6000  }
.LBB2_1:
0x21: {  	p1 =	sge.u32 s12, s8  }
0x22: {  	s14 =	sxor.u32 @!p1 $0xFFFFFFFF, s12  }
0x23: {  	s14 =	sand.u32 @!p1 $0x1, s14  }
0x24: {  	s14 =	smul.u32 @!p1 $0x280, s14  }
0x25: {  	s31 =	sadd.s32 $0xFFFFFFFF, s12;
	s15 =	sshrl.u32 @!p1 s11, $0x3  }
0x26: {  	s16 =	sand.u32 @!p1 $0x7, s11;
	s15 =	sadd.s32 @!p1 s5, s15;
	s14 =	sshrl.u32 @!p1 s14, $0x2  }
0x27: {  	[tilespmem:s14], [sflag:$0x2] =	stream.linear.gather @!p1 [hbm4b:s15+s16], $0xA0, $0x38;
	[tilespmem:$0x14140] =	vst v63  }
0x28: {  	p1 =	sge.u32 s31, s8  }
.Ltmp2:
0x29: {  	_ = 	snop;
	(pc) =	sbr.rel @p1 .LBB2_9-.Ltmp2, $1  }
0x2a: {  	_ =	sdelay $0x3  }
0x2b: {  	s14 =	simm.s32 $0x1;
	s15 =	sand.u32 $0x1, s12  }
0x2c: {  	s14 =	simm.s32 @!p0 $0x0;
	s16 =	smul.u32 $0x28000, s15  }
0x2d: {  	_ =	swait.ge [sflag:s7], $0xA0;
	s14 =	smul.u32 $0x28000, s14  }
0x2e: {  	s17 =	simm.s32 $0x0;
	[sflag:s7] =	ssyncset.done $0x0;
	s15 =	smul.u32 $0x280, s15  }
0x2f: {  	[sflag:s7] =	ssyncadd.s32 $0xFFFFFF60;
	s16 =	sshrl.u32 s16, $0x2;
	s14 =	sshrl.u32 s14, $0x2  }
0x30: {  	s15 =	sshrl.u32 s15, $0x2;
	s16 =	sor.u32 $0x140, s16;
	s14 =	sor.u32 $0x140, s14  }
.LBB2_3:
0x31: {  	s18 =	sshll.u32 s17, $0x4  }
0x32: {  	s18 =	sand.u32 $0x3FFFFFF0, s18  }
0x33: {  	s18 =	sadd.s32 s18, s15  }
0x34: {  	v0 =	vld.msk [tilespmem:s18+$0x0 ss:$0x1], $0xffff;
	_ =	sdelay $0x4  }
0x35: {  	vm2 =	vgt.s32 v0, $0x0  }
0x36: {  	v0 =	vnsel vm2, $0x0, v0  }
0x37: {  	v0 =	vmin.u32 v0, $0x1D4BF  }
0x38: {  	s31 =	sshll.u32 s17, $0xC;
	v1 =	vshll.u32 v0, $0x5;
	v0 =	vshll.u32 v0, $0x4  }
0x39: {  	s18 =	sand.u32 $0x3FFFF000, s31;
	v1 =	vand.u32 $0x3FFF00, v1;
	v0 =	vand.u32 $0x70, v0  }
0x3a: {  	p1 =	por $0x1, $0x1;
	s19 =	simm.s32 $0x0;
	s18 =	sadd.s32 s18, s16;
	v0 =	vor.u32 v0, v1  }
.LBB2_4:
0x3b: {  	_ =	sdelay $0x1  }
0x3c: {  	s19 =	sshra.s32 s19, $0x2;
	p2 =	por p1, p1  }
.Ltmp3:
0x3d: {  	s19 =	sadd.s32 s19, s18;
	(pc) =	sbr.rel @p2 .LBB2_4-.Ltmp3, $4  }
0x3e: {  	[tilespmem:s19], [sflag:$0x1] =	stream.indirect_vreg.gather [hbm:s4], $0x80, v0, vm0, $0x38;
	[tilespmem:$0x14140] =	vst v63  }
0x3f: {  	s19 =	sadd.s32 $0x800, s19  }
0x40: {  	[tilespmem:s19], [sflag:$0x1] =	stream.indirect_vreg.gather [hbm:s4], $0x80, v0, vm1, $0x38;
	[tilespmem:$0x14140] =	vst v63  }
0x41: {  	p1 =	por $0x0, $0x0;
	v0 =	vadd.s32 $0x80, v0;
	s19 =	simm.s32 $0x1000  }
0x42: {  	s17 =	sadd.s32 $0x1, s17  }
0x43: {  	p1 =	sne.s32 s17, $0xA  }
.Ltmp4:
0x44: {  	_ = 	snop;
	(pc) =	sbr.rel @p1 .LBB2_3-.Ltmp4, $1  }
0x45: {  	_ =	sdelay $0x3  }
0x46: {  	s15 =	sshll.u32 s13, $0x5  }
0x47: {  	s31 =	sshll.u32 s13, $0x4;
	s15 =	sand.u32 $0xFFFFFF00, s15  }
0x48: {  	_ =	swait.ge [sflag:s6], $0xA000;
	s13 =	sand.u32 $0x70, s31;
	s15 =	sadd.s32 s15, s9  }
0x49: {  	s16 =	sadd.s32 $0x800, s14;
	[sflag:s6] =	ssyncset.done $0x0;
	s13 =	sadd.s32 s13, s15  }
0x4a: {  	[sflag:s6] =	ssyncadd.s32 $0xFFFF6000;
	s15 =	simm.s32 $0x100;
	s17 =	sadd.s32 $0x0, s13  }
.LBB2_7:
0x4b: {  	[hbm:s17] =	stream.linear.scatter [tilespmem:s14], [sflag:$0x3], $0x800, $0x38;
	[tilespmem:$0x14140] =	vst v63  }
0x4c: {  	s17 =	smov.u32 s15;
	s14 =	smov.u32 s16;
	p1 =	sne.s32 s15, $0x1300  }
.Ltmp5:
0x4d: {  	s15 =	sadd.s32 $0x100, s15;
	(pc) =	sbr.rel @p1 .LBB2_7-.Ltmp5, $2  }
0x4e: {  	_ =	sdelay $0x2  }
0x4f: {  	s16 =	sadd.s32 $0x800, s16;
	s17 =	sadd.s32 s17, s13  }
.Ltmp6:
0x50: {  	_ = 	snop;
	(pc) =	sbr.rel .LBB2_8-.Ltmp6, $1  }
0x51: {  	_ =	sdelay $0x3  }
.LBB2_10:
0x52: {  	_ =	sfence.sel $0x180000  }
0x53: {  	s2 =	simm.s32 $0x2;
	[bflag:$0x0] =	sbarrier.arrive $0xFFFF  }
0x54: {  	s30 =	simm.s32 $0x3;
	[sflag:s2] =	ssyncpa.u1 $0x1  }
0x55: {  	s31 =	simm.s32 $0x1;
	[sflag:s30] =	ssyncpa.u1 $0x1  }
0x56: {  	[sflag:s31] =	ssyncpa.u1 $0x1  }
0x57: {  	p0 =	sne.s32 s0, $0x0;
	_ =	strace $0x9000004A  }
0x58: {  	s0 =	sadd.s32 @!p0 $0x100000, s1;
	[bflag:$0x2] =	sbarrier.arrive $0xFFFF  }
0x59: {  	[sflag:s0] =	ssyncadd.tile.s32 @!p0 $0x1;
	_ =	shalt  }
.Lfunc_end2:
_tile_overlayer_lowered:
.L_overlay_start_2:
0x5a: {  	(tag) =	ssettag $0x2  }
0x5b: {  	s0 =	rddreg [dreg:$0x0];
	s2 =	stileid.u32  }
0x5c: {  	s1 =	rddreg [dreg:$0x1];
	p0 =	sne.s32 s2, $0x0  }
0x5d: {  	s3 =	rddreg [dreg:$0x2];
	[bflag:$0x3] =	sbarrier.arrive $0xFFFF;
	s2 =	simm.s32 @!p0 $0x1C01  }
0x5e: {  	[timem:s3], [sflag:s2] =	dma.local @!p0 [hbm:s0], s1  }
0x5f: {  	s0 =	simm.s32 @!p0 $0x1  }
0x60: {  	_ =	swait.ge @!p0 [sflag:s0], s1  }
0x61: {  	s1 =	ssub.s32 @!p0 $0x0, s1;
	[sflag:s0] =	ssyncset.done @!p0 $0x0  }
0x62: {  	[sflag:s0] =	ssyncadd.s32 @!p0 s1  }
0x63: {  	[bflag:$0x3] =	sbarrier.arrive $0xFFFF  }
0x64: {  	_ =	shalt  }

// kernel: kernel.6.cloned.1.call-start
scs
__scs_entry_jumppad:
0x0: {  	(pc) =	sbr.rel $0x88, $3  }
0x1: {  	(tag) =	ssettag $0x0;
	lr =	simm.s32 $0x1  }
0x2: {  	[smem:$0x3F92] =	sst lr;
	_ =	strace $0xD0000000  }
0x3: {  	_ = 	snop  }
0x4: {  	_ = 	snop  }
0x5: {  	_ = 	snop  }
0x6: {  	_ = 	snop  }
0x7: {  	_ = 	snop  }
__scs_overlays_trampoline_lowered:
0x8: {  	[smem:$0x3FA1] =	sst s0  }
0x9: {  	[smem:$0x3FA2] =	sst s1  }
0xa: {  	[smem:$0x3FA3] =	sst s2  }
0xb: {  	[smem:$0x3FA4] =	sst s3  }
0xc: {  	[smem:$0x3FA5] =	sst s4  }
0xd: {  	[smem:$0x3FA6] =	sst s5  }
0xe: {  	[smem:$0x3FA7] =	sst s6  }
0xf: {  	[smem:$0x3FA8] =	sst s7  }
0x10: {  	[smem:$0x3FA9] =	sst s8  }
0x11: {  	[smem:$0x3FAA] =	sst s9;
	s0 =	simm.s32 @!p0 $0x0  }
0x12: {  	s1 =	sld [smem:$0x3F90];
	s0 =	simm.s32 @p0 $0x1  }
0x13: {  	[smem:$0x3FAB] =	sst s0;
	s0 =	simm.s32 @!p1 $0x0  }
0x14: {  	s2 =	sld [smem:$0x3F8F];
	s0 =	simm.s32 @p1 $0x1  }
0x15: {  	[smem:$0x3FAC] =	sst s0;
	s0 =	simm.s32 @!p2 $0x0  }
0x16: {  	s3 =	sld [smem:$0x3FDB];
	s0 =	simm.s32 @p2 $0x1  }
0x17: {  	s4 =	simm.s32 $0x1BF5;
	[smem:$0x3FAE] =	sst s0  }
0x18: {  	s0 =	sld [smem:$0x3F91];
	_ =	swait.ge [sflag:s4], $0x0  }
0x19: {  	s7 =	sld [smem:$0x3F92]  }
0x1a: {  	s8 =	sadd.s32 $0xFFFFE003, lr  }
0x1b: {  	s9 =	sadd.s32 $0xFFFFFEF7, lr;
	s5 =	simm.s32 $0xFFFFFFFF;
	p2 =	slt.u32 s8, $0xFFFFF086  }
0x1c: {  	p1 =	slt.u32 s9, $0xF7A;
	s5 =	simm.s32 @!p2 $0x0  }
0x1d: {  	s5 =	simm.s32 @p1 $0x1;
	p0 =	seq.s32 s7, s2  }
0x1e: {  	s7 =	smul.u32 @!p0 $0xF7A, s2;
	p2 =	seq.s32 @!p0 s5, $0x0  }
0x1f: {  	s9 =	smul.u32 $0xF7A, s1;
	s8 =	simm.s32 @!p0 $0x1BF5;
	p2 =	por !p2, p0  }
0x20: {  	[sflag:s8] =	ssyncset.s32 @!p0 $0xFFFFF086;
	s6 =	sadd.s32 @!p0 s3, s7;
	s7 =	simm.s32 @!p0 $0x108  }
0x21: {  	s3 =	sadd.s32 s3, s9;
	s6 =	sadd.s32 @!p0 $0x88, s6;
	s7 =	simm.s32 @p2 $0x1082  }
0x22: {  	[simem:s7], [sflag:s8] =	dma.local @!p0 [hbm:s6], $0xF7A  }
0x23: {  	s9 =	sor.u32 $0xD0000000, s2;
	s6 =	simm.s32 $0x108;
	_ =	swait.ge @!p0 [sflag:s8], $0x0  }
0x24: {  	s3 =	sadd.s32 $0x88, s3;
	s6 =	simm.s32 @!p1 $0x1082;
	[sflag:s4] =	ssyncset.s32 $0xFFFFF086  }
0x25: {  	[simem:s6], [sflag:s4] =	dma.local [hbm:s3], $0xF7A  }
0x26: {  	[smem:$0x3F92] =	sst s1;
	(tag) =	ssettag s2;
	_ =	strace s9  }
0x27: {  	s1 =	sld [smem:$0x3FA2]  }
0x28: {  	s2 =	sld [smem:$0x3FA3]  }
0x29: {  	s4 =	sld [smem:$0x3FA5]  }
0x2a: {  	p0 =	seq.s32 s5, $0x0;
	s5 =	sld [smem:$0x3FA6]  }
0x2b: {  	s6 =	sld [smem:$0x3FA7]  }
0x2c: {  	s7 =	sld [smem:$0x3FA8]  }
0x2d: {  	s3 =	simm.s32 $0x108;
	s8 =	sld [smem:$0x3FA9]  }
0x2e: {  	s3 =	simm.s32 @!p0 $0x1082;
	s9 =	sld [smem:$0x3FAA]  }
0x2f: {  	lr =	sadd.s32 s0, s3;
	s0 =	sld [smem:$0x3FA1]  }
0x30: {  	s3 =	sld [smem:$0x3FA4]  }
0x31: {  	[smem:$0x3FAD] =	sst s10  }
0x32: {  	s10 =	sld [smem:$0x3FAB];
	_ =	sdelay $0x3  }
0x33: {  	p0 =	seq.s32 s10, $0x1;
	s10 =	sld [smem:$0x3FAD];
	_ =	sdelay $0x3  }
0x34: {  	[smem:$0x3FAD] =	sst s10  }
0x35: {  	s10 =	sld [smem:$0x3FAC];
	_ =	sdelay $0x3  }
0x36: {  	p1 =	seq.s32 s10, $0x1;
	s10 =	sld [smem:$0x3FAD];
	_ =	sdelay $0x3  }
0x37: {  	[smem:$0x3FAD] =	sst s10  }
0x38: {  	s10 =	sld [smem:$0x3FAE]  }
0x39: {  	_ = 	snop;
	(pc) =	sbr.ind lr, $3  }
0x3a: {  	_ = 	snop  }
0x3b: {  	_ = 	snop  }
0x3c: {  	p2 =	seq.s32 s10, $0x1;
	s10 =	sld [smem:$0x3FAD]  }
0x3d: {  	_ =	shalt  }
0x3e: {  	_ =	shalt  }
0x3f: {  	_ =	shalt  }
0x40: {  	_ =	shalt  }
0x41: {  	_ =	shalt  }
0x42: {  	_ =	shalt  }
0x43: {  	_ =	shalt  }
0x44: {  	_ =	shalt  }
0x45: {  	_ =	shalt  }
0x46: {  	_ =	shalt  }
0x47: {  	_ =	shalt  }
0x48: {  	_ =	shalt  }
0x49: {  	_ =	shalt  }
0x4a: {  	_ =	shalt  }
0x4b: {  	_ =	shalt  }
0x4c: {  	_ =	shalt  }
0x4d: {  	_ =	shalt  }
0x4e: {  	_ =	shalt  }
0x4f: {  	_ =	shalt  }
0x50: {  	_ =	shalt  }
0x51: {  	_ =	shalt  }
0x52: {  	_ =	shalt  }
0x53: {  	_ =	shalt  }
0x54: {  	_ =	shalt  }
0x55: {  	_ =	shalt  }
0x56: {  	_ =	shalt  }
0x57: {  	_ =	shalt  }
0x58: {  	_ =	shalt  }
0x59: {  	_ =	shalt  }
0x5a: {  	_ =	shalt  }
0x5b: {  	_ =	shalt  }
0x5c: {  	_ =	shalt  }
0x5d: {  	_ =	shalt  }
0x5e: {  	_ =	shalt  }
0x5f: {  	_ =	shalt  }
0x60: {  	_ =	shalt  }
0x61: {  	_ =	shalt  }
0x62: {  	_ =	shalt  }
0x63: {  	_ =	shalt  }
0x64: {  	_ =	shalt  }
0x65: {  	_ =	shalt  }
0x66: {  	_ =	shalt  }
0x67: {  	_ =	shalt  }
0x68: {  	_ =	shalt  }
0x69: {  	_ =	shalt  }
0x6a: {  	_ =	shalt  }
0x6b: {  	_ =	shalt  }
0x6c: {  	_ =	shalt  }
0x6d: {  	_ =	shalt  }
0x6e: {  	_ =	shalt  }
0x6f: {  	_ =	shalt  }
0x70: {  	_ =	shalt  }
0x71: {  	_ =	shalt  }
0x72: {  	_ =	shalt  }
0x73: {  	_ =	shalt  }
0x74: {  	_ =	shalt  }
0x75: {  	_ =	shalt  }
0x76: {  	_ =	shalt  }
0x77: {  	_ =	shalt  }
0x78: {  	_ =	shalt  }
0x79: {  	_ =	shalt  }
0x7a: {  	_ =	shalt  }
0x7b: {  	_ =	shalt  }
0x7c: {  	_ =	shalt  }
0x7d: {  	_ =	shalt  }
0x7e: {  	_ =	shalt  }
0x7f: {  	_ =	shalt  }
0x80: {  	_ =	shalt  }
0x81: {  	_ =	shalt  }
0x82: {  	_ =	shalt  }
0x83: {  	_ =	shalt  }
0x84: {  	_ =	shalt  }
0x85: {  	_ =	shalt  }
0x86: {  	_ =	shalt  }
0x87: {  	_ =	shalt  }
.Lfunc_end0:
.L_simem_size_0:
called_computation.6_lowered:
.L_overlay_start_0:
0x88: {  	s2 =	sld [smem:$0x3FD9]  }
0x89: {  	s3 =	sld [smem:$0x3FFE];
	_ =	sdelay $0x1  }
0x8a: {  	s1 =	srdreg.scid  }
0x8b: {  	s0 =	sand.u32 $0x1, s1  }
0x8c: {  	s17 =	sshll.u32 s0, $0xA;
	s2 =	sadd.s32 s3, s2  }
0x8d: {  	s2 =	sadd.s32 s2, s17  }
0x8e: {  	[smem:$0x3FB9] =	sst s2  }
0x8f: {  	_ = 	snop  }
0x90: {  	s2 =	sld [smem:$0x3FD0];
	(tm) =	ssettm $0x1  }
0x91: {  	s18 =	sld [smem:$0x3FFB];
	_ =	sdelay $0x3  }
0x92: {  	_ =	strace s18  }
0x93: {  	s3 =	sld [smem:$0x3FFC];
	_ =	sdelay $0x3  }
0x94: {  	_ =	strace s3  }
0x95: {  	s3 =	sld [smem:$0x3FFD];
	_ =	sdelay $0x3  }
0x96: {  	_ =	strace s3  }
0x97: {  	_ =	strace $0x8FFFFFFF  }
0x98: {  	s19 =	sld [smem:$0x3FDB];
	_ =	sdelay $0x1  }
0x99: {  	s4 =	simm.s32 $_scs_section_size  }
0x9a: {  	s5 =	simm.s32 $_size__tile_overlayer_lowered;
	s6 =	simm.s32 $_tile_overlayer_lowered  }
0x9b: {  	s22 =	simm.s32 $0x1BFF;
	s21 =	sshll.u32 s6, $0x1;
	s3 =	sadd.s32 s4, s19  }
0x9c: {  	s7 =	simm.s32 $0x0;
	s20 =	sshll.u32 s5, $0x1;
	s5 =	sadd.s32 s21, s3  }
0x9d: {  	[timem:s7], [sflag:s22] =	dma.local [hbm:s5], s20  }
0x9e: {  	_ =	swait.ge [sflag:s22], s20  }
0x9f: {  	s4 =	ssub.s32 $0x0, s20;
	[sflag:s22] =	ssyncset.done $0x0  }
0xa0: {  	[sflag:s22] =	ssyncadd.s32 s4;
	_ =	sdelay $0x1  }
0xa1: {  	s23 =	simm.s32 $0x1B8B  }
0xa2: {  	_ =	swait.ge [sflag:s23], $0x1  }
0xa3: {  	[sflag:s23] =	ssyncset.done $0x0  }
0xa4: {  	s25 =	simm.s32 $0x1B8E;
	s24 =	sld [smem:$0x3FFE];
	[sflag:s23] =	ssyncadd.s32 $0xFFFFFFFF  }
0xa5: {  	s26 =	simm.s32 $execute0_lowered;
	[smem:$0x3FD2] =	sst s25  }
0xa6: {  	s5 =	sshll.u32 s26, $0x1;
	_ =	strace $0x80000046;
	[dreg:$0x1] =	wrdreg $0xFFFFFFFF  }
0xa7: {  	s28 =	simm.s32 $_size_execute0_lowered;
	s3 =	sadd.s32 s3, s5;
	[dreg:$0x0] =	wrdreg $0x0  }
0xa8: {  	s5 =	sshll.u32 s28, $0x1;
	[dreg:$0x2] =	wrdreg s3  }
0xa9: {  	[dreg:$0x3] =	wrdreg s5  }
0xaa: {  	[dreg:$0x4] =	wrdreg $0xC0  }
0xab: {  	_ =	task [dreg:s7], $0x5FFFF  }
0xac: {  	[dreg:$0x1] =	wrdreg $0xFFFFFFFF  }
0xad: {  	[dreg:$0x0] =	wrdreg $0x60  }
0xae: {  	[dreg:$0x2] =	wrdreg s24  }
0xaf: {  	[dreg:$0x3] =	wrdreg s2  }
0xb0: {  	[dreg:$0x4] =	wrdreg $0x9  }
0xb1: {  	_ =	task.clear_ibuf [dreg:s7], $0x5FFFF;
	_ =	strace $0x90000046  }
0xb2: {  	s29 =	simm.s32 $0x9;
	_ =	strace $0x80000048  }
0xb3: {  	_ =	swait.ge [sflag:s29], $0x1  }
0xb4: {  	[sflag:s29] =	ssyncadd.s32 $0xFFFFFFFF  }
0xb5: {  	_ =	strace $0x90000048  }
0xb6: {  	_ =	sfence  }
0xb7: {  	s30 =	sld [smem:$0x0];
	_ =	sdelay $0x2  }
0xb8: {  	s31 =	sshll.u32 s1, $0xD;
	s1 =	sshrl.u32 s1, $0x2  }
0xb9: {  	s3 =	sand.u32 $0x4000, s31;
	s1 =	sadd.s32 s1, s30  }
0xba: {  	s0 =	sor.u32 s3, s0;
	s1 =	sshll.u32 s1, $0x11  }
0xbb: {  	s0 =	sor.u32 s1, s0  }
0xbc: {  	s0 =	sadd.s32 $0x8F2B, s0  }
0xbd: {  	[sflag:s0] =	ssyncadd.remote.s32 $0x1  }
0xbe: {  	_ =	sfence.sel $0xFFFF  }
0xbf: {  	[dreg:$0x0] =	wrdreg $0xFFFFFFFF;
	(pc) =	sbr.abs _section_cstart, $3  }
0xc0: {  	[dreg:$0x1] =	wrdreg $0xFFFFFFFF  }
0xc1: {  	_ =	task.clear_ibuf [dreg:s7], $0x2FFFF;
	_ =	strace $0x9FFFFFFF  }
0xc2: {  	(tm) =	ssettm $0x7FFFFFFF  }
0xc3: {  	_ =	shalt  }
tec
execute0_lowered:
.L_overlay_start_1:
0x0: {  	(tag) =	ssettag $0x1  }
0x1: {  	s1 =	rddreg [dreg:$0x0]  }
0x2: {  	s2 =	rddreg [dreg:$0x1]  }
0x3: {  	s0 =	rddreg [dreg:$0x2];
	s3 =	simm.s32 $0x0  }
0x4: {  	s6 =	srdreg.scid;
	s16 =	simm.s32 $0x400;
	s17 =	simm.s32 $0x640  }
0x5: {  	s18 =	simm.s32 $0x600;
	s19 =	simm.s32 $0x1300;
	s20 =	simm.s32 $0x1  }
0x6: {  	s21 =	simm.s32 $0xC80;
	s24 =	simm.s32 $0x0;
	s10 =	sand.u32 $0x1, s6  }
0x7: {  	[smem:$0x7FF] =	sst s3;
	s4 =	sadd.s32 $0x9E00, s1;
	s11 =	smul.u32 $0x1388, s10  }
0x8: {  	s5 =	sadd.s32 $0x13C00, s1;
	s6 =	stileid.u32;
	s13 =	smul.u32 $0x138800, s10  }
0x9: {  	s7 =	sadd.s32 $0x5F4000, s1;
	s8 =	sadd.s32 $0x27A00, s1;
	s15 =	smul.u32 $0x13880, s6  }
0xa: {  	s9 =	sadd.s32 $0x27C00, s1;
	s12 =	ssub.s32 $0x2, s10;
	s23 =	smul.u32 $0x4E20, s10  }
0xb: {  	_ =	strace $0x80000047;
	s10 =	smul.u32 $0x4E20, s6;
	s14 =	sshrl.u32 s12, $0x1  }
0xc: {  	s12 =	ssub.s32 s12, s14;
	s22 =	sadd.s32 $0x1ADB0, s11;
	s11 =	sadd.s32 s15, s13  }
0xd: {  	s13 =	simm.s32 $0x2680;
	s14 =	simm.s32 $0x2;
	s15 =	simm.s32 $0x200  }
0xe: {  	v1 =	vmov s23;
	s23 =	simm.s32 $0x2000;
	s12 =	smax.u32 s12, $0x1;
	v0 =	vmov s22;
	s22 =	simm.s32 $0x1980  }
.LBB2_1:
0xf: {  	[tilespmem:s13], [sflag:$0x2] =	stream.linear.gather [hbm4b:s8+s3], $0x200, $0x38;
	[tilespmem:$0x2880] =	vst v63  }
0x10: {  	_ =	swait.ge [sflag:s14], $0x200  }
0x11: {  	[sflag:s14] =	ssyncset.done $0x0  }
0x12: {  	[sflag:s14] =	ssyncadd.s32 $0xFFFFFE00  }
0x13: {  	v2 =	vld [tilespmem:$0x2680]  }
0x14: {  	v3 =	vld [tilespmem:$0x2700]  }
0x15: {  	v4 =	vld [tilespmem:$0x2780]  }
0x16: {  	s25 =	simm.s32 $0x0;
	v5 =	vld [tilespmem:$0x2800]  }
.LBB2_2:
0x17: {  	s26 =	smul.u32 $0x190, s25;
	_ =	sdelay $0x1  }
0x18: {  	s26 =	sadd.s32 s10, s26  }
0x19: {  	s26 =	sshrl.u32 s26, $0x3  }
0x1a: {  	s29 =	simm.s32 $0x0;
	s28 =	sadd.s32 s4, s26  }
0x1b: {  	[tilespmem:s29], [sflag:$0x2] =	stream.linear.gather [hbm4b:s28+s29], $0x190, $0x38;
	[tilespmem:$0x2880] =	vst v63  }
0x1c: {  	_ =	swait.ge [sflag:s14], $0x190  }
0x1d: {  	[sflag:s14] =	ssyncset.done $0x0  }
0x1e: {  	s28 =	sadd.s32 s5, s26;
	[sflag:s14] =	ssyncadd.s32 $0xFFFFFE70  }
0x1f: {  	[tilespmem:s15], [sflag:$0x2] =	stream.linear.gather [hbm4b:s28+s29], $0x190, $0x38;
	[tilespmem:$0x2880] =	vst v63  }
0x20: {  	_ =	swait.ge [sflag:s14], $0x190  }
0x21: {  	[sflag:s14] =	ssyncset.done $0x0  }
0x22: {  	s26 =	sadd.s32 s1, s26;
	[sflag:s14] =	ssyncadd.s32 $0xFFFFFE70  }
0x23: {  	[tilespmem:s16], [sflag:$0x2] =	stream.linear.gather [hbm4b:s26+s29], $0x190, $0x38;
	[tilespmem:$0x2880] =	vst v63  }
0x24: {  	_ =	swait.ge [sflag:s14], $0x190  }
0x25: {  	[sflag:s14] =	ssyncset.done $0x0  }
0x26: {  	s28 =	simm.s32 $0x0;
	[sflag:s14] =	ssyncadd.s32 $0xFFFFFE70  }
0x27: {  	v6 =	vld [tilespmem:s28+$0x200]  }
0x28: {  	v7 =	vld [tilespmem:s28+$0x0];
	_ =	sdelay $0x3  }
0x29: {  	v6 =	vsub.s32 v6, v0  }
0x2a: {  	v7 =	vshll.u32 v7, $0x2;
	vm0 =	vlt.u32 v6, $0x1388;
	v8 =	vshll.u32 v6, $0x2  }
0x2b: {  	s26 =	simm.s32 $0x10;
	s29 =	simm.s32 $0x80;
	v6 =	vnsel vm0, $0x0, v7;
	v7 =	vnsel vm0, $0x0, v8  }
.LBB2_3:
0x2c: {  	p0 =	sne.s32 s29, $0x600;
	v8 =	vld [tilespmem:s26+$0x200];
	[tilespmem:s28+$0x600] =	vst v6;
	v7 =	vadd.s32 v1, v7;
	v9 =	vor.u32 $0x1, v6;
	v10 =	vor.u32 $0x2, v6  }
0x2d: {  	v11 =	vld [tilespmem:s26+$0x0];
	[tilespmem:s28+$0xC80] =	vst v7;
	v12 =	vor.u32 $0x1, v7;
	v13 =	vor.u32 $0x2, v7;
	v7 =	vor.u32 $0x3, v7  }
0x2e: {  	v14 =	vor.u32 $0x3, v6;
	[tilespmem:s28+$0x1130] =	vst v7  }
.Ltmp0:
0x2f: {  	[tilespmem:s28+$0xE10] =	vst v12;
	(pc) =	sbr.rel @p0 .LBB2_3-.Ltmp0, $4  }
0x30: {  	[tilespmem:s28+$0xFA0] =	vst v13  }
0x31: {  	v6 =	vsub.s32 v8, v0;
	[tilespmem:s28+$0x790] =	vst v9  }
0x32: {  	vm0 =	vlt.u32 v6, $0x1388;
	v7 =	vshll.u32 v11, $0x2;
	v8 =	vshll.u32 v6, $0x2;
	[tilespmem:s28+$0x920] =	vst v10  }
0x33: {  	v6 =	vnsel vm0, $0x0, v7;
	v7 =	vnsel vm0, $0x0, v8;
	[tilespmem:s28+$0xAB0] =	vst v14;
	s28 =	smov.u32 s26;
	s26 =	sshra.s32 s29, $0x2;
	s29 =	sadd.s32 $0x40, s29  }
0x34: {  	v8 =	vld [tilespmem:s26+$0x200];
	[tilespmem:s28+$0x600] =	vst v6;
	v7 =	vadd.s32 v1, v7  }
0x35: {  	v9 =	vld [tilespmem:s26+$0x0];
	[tilespmem:s28+$0xC80] =	vst v7;
	v10 =	vor.u32 $0x3, v7  }
0x36: {  	v11 =	vor.u32 $0x1, v7;
	[tilespmem:s28+$0x1130] =	vst v10  }
0x37: {  	v7 =	vor.u32 $0x2, v7;
	[tilespmem:s28+$0xE10] =	vst v11  }
0x38: {  	v10 =	vor.u32 $0x1, v6;
	[tilespmem:s28+$0xFA0] =	vst v7  }
0x39: {  	v7 =	vor.u32 $0x2, v6;
	v6 =	vor.u32 $0x3, v6;
	[tilespmem:s28+$0x790] =	vst v10;
	v8 =	vsub.s32 v8, v0  }
0x3a: {  	[tilespmem:s28+$0x920] =	vst v7;
	vm0 =	vlt.u32 v8, $0x1388;
	v9 =	vshll.u32 v9, $0x2;
	v8 =	vshll.u32 v8, $0x2  }
0x3b: {  	[tilespmem:s28+$0xAB0] =	vst v6;
	v7 =	vnsel vm0, $0x0, v9;
	v8 =	vnsel vm0, $0x0, v8  }
0x3c: {  	[tilespmem:s26+$0x600] =	vst v7;
	v6 =	vadd.s32 v1, v8  }
0x3d: {  	[tilespmem:s26+$0xC80] =	vst v6;
	v8 =	vor.u32 $0x3, v6  }
0x3e: {  	v9 =	vor.u32 $0x1, v6;
	[tilespmem:s26+$0x1130] =	vst v8  }
0x3f: {  	v6 =	vor.u32 $0x2, v6;
	[tilespmem:s26+$0xE10] =	vst v9  }
0x40: {  	v8 =	vor.u32 $0x1, v7;
	[tilespmem:s26+$0xFA0] =	vst v6  }
0x41: {  	v6 =	vor.u32 $0x2, v7;
	[tilespmem:s26+$0x790] =	vst v8  }
0x42: {  	v7 =	vor.u32 $0x3, v7;
	[tilespmem:s26+$0x920] =	vst v6  }
0x43: {  	[tilespmem:s26+$0xAB0] =	vst v7  }
0x44: {  	[tilespmem:s19], [sflag:$0x1] =	stream.indirect.gather [hbm4b:s7+s17], $0x1, s18, s17, $0xb8;
	[tilespmem:$0x2880] =	vst v63  }
0x45: {  	_ =	swait.ge [sflag:s20], $0x640  }
0x46: {  	[sflag:s20] =	ssyncset.done $0x0  }
0x47: {  	[sflag:s20] =	ssyncadd.s32 $0xFFFFF9C0  }
0x48: {  	[tilespmem:s22], [sflag:$0x1] =	stream.indirect.gather [hbm4b:s2+s17], $0x1, s21, s17, $0xb8;
	[tilespmem:$0x2880] =	vst v63  }
0x49: {  	_ =	swait.ge [sflag:s20], $0x640  }
0x4a: {  	[sflag:s20] =	ssyncset.done $0x0  }
0x4b: {  	s29 =	simm.s32 $0x0;
	[sflag:s20] =	ssyncadd.s32 $0xFFFFF9C0  }
0x4c: {  	v6 =	vld [tilespmem:s29+$0x200]  }
0x4d: {  	v7 =	vld [tilespmem:s29+$0x17B0]  }
0x4e: {  	v8 =	vld [tilespmem:s29+$0x400]  }
0x4f: {  	v9 =	vld [tilespmem:s29+$0x1E30]  }
0x50: {  	v10 =	vld [tilespmem:s29+$0x1300]  }
0x51: {  	v11 =	vld [tilespmem:s29+$0x1980];
	v6 =	vsub.s32 v6, v0  }
0x52: {  	s26 =	simm.s32 $0x10;
	v12 =	vld [tilespmem:s29+$0x1B10];
	vm0 =	vlt.u32 v6, $0x1388  }
0x53: {  	v16 =	vld [tilespmem:s26+$0x200];
	v8 =	vnsel vm0, $0x0, v8  }
0x54: {  	v13 =	vld [tilespmem:s29+$0x1620];
	v7 =	vadd.f32 v9, v7;
	v9 =	vmul.f32 v8, v5  }
0x55: {  	v6 =	vld [tilespmem:s29+$0x1490]  }
0x56: {  	v14 =	vld [tilespmem:s29+$0x1CA0];
	v7 =	vadd.f32 v7, v9  }
0x57: {  	v10 =	vadd.f32 v11, v10  }
0x58: {  	v16 =	vsub.s32 v16, v0;
	v9 =	vmul.f32 v8, v2;
	v11 =	vmul.f32 $2.000000030e-01, v7  }
0x59: {  	vm4 =	vlt.u32 v16, $0x1388;
	v16 =	vld [tilespmem:s26+$0x1490];
	v15 =	vmul.f32 v8, v3;
	vm1 =	vge.f32 v7, $0.0e+00  }
0x5a: {  	v6 =	vadd.f32 v12, v6;
	v12 =	vld [tilespmem:s26+$0x17B0];
	v9 =	vadd.f32 v9, v10;
	v7 =	vsel vm1, v7, v11  }
0x5b: {  	v8 =	vmul.f32 v8, v4;
	v10 =	vadd.f32 v14, v13;
	v13 =	vld [tilespmem:s26+$0x1E30];
	v7 =	vmul.f32 $1.442695020e+00, v7  }
0x5c: {  	v6 =	vadd.f32 v6, v15;
	v11 =	vld [tilespmem:s26+$0x400];
	v14 =	vmul.f32 $2.000000030e-01, v9  }
0x5d: {  	v8 =	vadd.f32 v10, v8;
	v10 =	vld [tilespmem:s26+$0x1300];
	vm1 =	vge.f32 v9, $0.0e+00;
	(erf) = vpow2.f32 v7  }
0x5e: {  	vm0 =	vmmov vm0;
	v15 =	vmul.f32 $2.000000030e-01, v6;
	v9 =	vsel vm1, v9, v14;
	v14 =	vld [tilespmem:s26+$0x1B10]  }
0x5f: {  	vm2 =	vge.f32 v6, $0.0e+00;
	vm3 =	vge.f32 v8, $0.0e+00;
	v17 =	vmul.f32 $2.000000030e-01, v8;
	v7 =	vld [tilespmem:s26+$0x1980]  }
0x60: {  	v19 =	vld [tilespmem:s26+$0x1CA0];
	vm1 =	vmmov vm4;
	v6 =	vsel vm2, v6, v15;
	v9 =	vmul.f32 $1.442695020e+00, v9  }
0x61: {  	v15 =	vld [tilespmem:s26+$0x1620];
	v12 =	vadd.f32 v13, v12;
	v6 =	vmul.f32 $1.442695020e+00, v6;
	v11 =	vnsel vm4, $0x0, v11  }
0x62: {  	v8 =	vsel vm3, v8, v17;
	(erf) = vpow2.f32 v9;
	v13 =	vmul.f32 v11, v5  }
0x63: {  	v17 =	vmul.f32 v11, v2;
	v18 =	vmul.f32 v11, v3;
	v9 =	vadd.f32 v14, v16  }
0x64: {  	v7 =	vadd.f32 v7, v10;
	v10 =	vmul.f32 v11, v4;
	v11 =	vadd.f32 v12, v13  }
0x65: {  	s28 =	simm.s32 $0x20;
	vm2 =	vmmov vm0;
	v8 =	vmul.f32 $1.442695020e+00, v8;
	(erf) = vpow2.f32 v6  }
0x66: {  	v13 =	vld [tilespmem:s28+$0x200];
	v15 =	vadd.f32 v19, v15;
	v9 =	vadd.f32 v9, v18;
	v12 =	vmul.f32 $2.000000030e-01, v11;
	v6 =	vpop (erf)  }
0x67: {  	v14 =	vld [tilespmem:s28+$0x17B0];
	v7 =	vadd.f32 v17, v7;
	vm3 =	vge.f32 v11, $0.0e+00;
	v6 =	vnsel vm2, $0x0, v6  }
0x68: {  	(erf) = vpow2.f32 v8;
	v10 =	vadd.f32 v15, v10;
	v11 =	vsel vm3, v11, v12;
	v12 =	vld [tilespmem:s28+$0x400];
	[tilespmem:s29+$0x24B0] =	vst v6  }
0x69: {  	vm15 =	vge.f32 v9, $0.0e+00;
	v16 =	vmul.f32 $2.000000030e-01, v7;
	v11 =	vmul.f32 $1.442695020e+00, v11;
	v6 =	vld [tilespmem:s28+$0x1E30]  }
0x6a: {  	v8 =	vmul.f32 $2.000000030e-01, v9;
	vm3 =	vge.f32 v7, $0.0e+00;
	v17 =	vmul.f32 $2.000000030e-01, v10;
	v15 =	vld [tilespmem:s28+$0x1300]  }
0x6b: {  	v7 =	vsel vm3, v7, v16;
	(erf) = vpow2.f32 v11;
	v11 =	vsub.s32 v13, v0;
	v13 =	vld [tilespmem:s28+$0x1980]  }
0x6c: {  	vm5 =	vge.f32 v10, $0.0e+00;
	v18 =	vld [tilespmem:s28+$0x1490];
	v7 =	vmul.f32 $1.442695020e+00, v7;
	vm0 =	vlt.u32 v11, $0x1388  }
0x6d: {  	v9 =	vsel vm15, v9, v8;
	v17 =	vsel vm5, v10, v17;
	v16 =	vld [tilespmem:s28+$0x1B10];
	v11 =	vnsel vm0, $0x0, v12  }
0x6e: {  	v12 =	vpop (erf);
	(erf) = vpow2.f32 v7;
	v20 =	vmul.f32 v11, v5;
	v14 =	vadd.f32 v6, v14  }
0x6f: {  	v10 =	vld [tilespmem:s28+$0x1620];
	v19 =	vmul.f32 v11, v2;
	v8 =	vmul.f32 v11, v3;
	v21 =	vnsel vm2, $0x0, v12  }
0x70: {  	v22 =	vpop (erf);
	v6 =	vmul.f32 v11, v4;
	v11 =	vld [tilespmem:s28+$0x1CA0];
	v13 =	vadd.f32 v13, v15;
	v12 =	vadd.f32 v14, v20  }
0x71: {  	[tilespmem:s29+$0x2000] =	vst v21;
	v14 =	vmul.f32 $1.442695020e+00, v9;
	v9 =	vmul.f32 $1.442695020e+00, v17;
	v17 =	vnsel vm2, $0x0, v22  }
0x72: {  	s30 =	simm.s32 $0x30;
	s31 =	simm.s32 $0x100;
	v7 =	vadd.f32 v19, v13;
	v13 =	vadd.f32 v16, v18;
	v16 =	vpop (erf);
	[tilespmem:s29+$0x2190] =	vst v17;
	v15 =	vmul.f32 $2.000000030e-01, v12  }
.LBB2_5:
0x73: {  	vm3 =	vge.f32 v12, $0.0e+00;
	(erf) = vpow2.f32 v14  }
0x74: {  	p0 =	sne.s32 s31, $0x600;
	v17 =	vld [tilespmem:s30+$0x200];
	v14 =	vpop (erf);
	v16 =	vnsel vm2, $0x0, v16;
	vm2 =	vmmov vm1;
	vm1 =	vmmov vm0  }
0x75: {  	v18 =	vld [tilespmem:s30+$0x17B0];
	v10 =	vadd.f32 v11, v10;
	v11 =	vsel vm3, v12, v15;
	v12 =	vnsel vm2, $0x0, v14;
	[tilespmem:s29+$0x2320] =	vst v16;
	s29 =	smov.u32 s26;
	s26 =	smov.u32 s28;
	s28 =	smov.u32 s30  }
0x76: {  	v15 =	vmul.f32 $2.000000030e-01, v7;
	v8 =	vadd.f32 v13, v8;
	v14 =	vld [tilespmem:s28+$0x400];
	v11 =	vmul.f32 $1.442695020e+00, v11;
	[tilespmem:s29+$0x24B0] =	vst v12  }
0x77: {  	vm3 =	vge.f32 v7, $0.0e+00;
	v12 =	vld [tilespmem:s28+$0x1E30];
	v6 =	vadd.f32 v10, v6;
	(erf) = vpow2.f32 v9  }
0x78: {  	vm4 =	vge.f32 v8, $0.0e+00;
	v10 =	vmul.f32 $2.000000030e-01, v8;
	v9 =	vld [tilespmem:s28+$0x1300];
	(erf) = vpow2.f32 v11  }
0x79: {  	v11 =	vsub.s32 v17, v0;
	v13 =	vld [tilespmem:s28+$0x1980];
	vm5 =	vge.f32 v6, $0.0e+00;
	v16 =	vmul.f32 $2.000000030e-01, v6  }
0x7a: {  	v7 =	vsel vm3, v7, v15;
	v15 =	vsel vm4, v8, v10;
	vm0 =	vlt.u32 v11, $0x1388;
	v17 =	vld [tilespmem:s28+$0x1490]  }
0x7b: {  	v7 =	vmul.f32 $1.442695020e+00, v7;
	v14 =	vnsel vm0, $0x0, v14;
	v19 =	vld [tilespmem:s28+$0x1B10];
	v16 =	vsel vm5, v6, v16;
	v20 =	vpop (erf)  }
.Ltmp1:
0x7c: {  	v21 =	vmul.f32 v14, v2;
	v10 =	vld [tilespmem:s28+$0x1620];
	v12 =	vadd.f32 v12, v18;
	v18 =	vmul.f32 v14, v5;
	(pc) =	sbr.rel @p0 .LBB2_5-.Ltmp1, $4  }
0x7d: {  	v8 =	vmul.f32 v14, v3;
	v6 =	vmul.f32 v14, v4;
	v20 =	vnsel vm2, $0x0, v20;
	v11 =	vld [tilespmem:s28+$0x1CA0];
	v22 =	vpop (erf)  }
0x7e: {  	v14 =	vmul.f32 $1.442695020e+00, v15;
	v13 =	vadd.f32 v13, v9;
	v12 =	vadd.f32 v12, v18;
	[tilespmem:s29+$0x2000] =	vst v20  }
0x7f: {  	v9 =	vmul.f32 $1.442695020e+00, v16;
	v18 =	vnsel vm2, $0x0, v22;
	(erf) = vpow2.f32 v7  }
0x80: {  	s30 =	sshra.s32 s31, $0x2;
	s31 =	sadd.s32 $0x40, s31;
	v7 =	vadd.f32 v21, v13;
	v13 =	vadd.f32 v19, v17;
	v15 =	vmul.f32 $2.000000030e-01, v12;
	[tilespmem:s29+$0x2190] =	vst v18;
	v16 =	vpop (erf)  }
0x81: {  	v17 =	vld [tilespmem:s30+$0x200];
	v16 =	vnsel vm2, $0x0, v16;
	v19 =	vpop (erf);
	vm1 =	vmmov vm1  }
0x82: {  	v18 =	vld [tilespmem:s30+$0x17B0];
	[tilespmem:s29+$0x2320] =	vst v16;
	v38 =	vnsel vm1, $0x0, v19  }
0x83: {  	v39 =	vld [tilespmem:s30+$0x400];
	[tilespmem:s26+$0x24B0] =	vst v38  }
0x84: {  	vm8 =	vge.f32 v12, $0.0e+00;
	v41 =	vld [tilespmem:s30+$0x1E30]  }
0x85: {  	(erf) = vpow2.f32 v14;
	v10 =	vadd.f32 v11, v10;
	v40 =	vsel vm8, v12, v15;
	v43 =	vld [tilespmem:s30+$0x1300]  }
0x86: {  	v42 =	vmul.f32 $2.000000030e-01, v7;
	v8 =	vadd.f32 v13, v8;
	vm3 =	vge.f32 v7, $0.0e+00;
	v44 =	vld [tilespmem:s30+$0x1980]  }
0x87: {  	(erf) = vpow2.f32 v9;
	v11 =	vmul.f32 $1.442695020e+00, v40;
	v6 =	vadd.f32 v10, v6;
	v16 =	vld [tilespmem:s30+$0x1490]  }
0x88: {  	vm4 =	vge.f32 v8, $0.0e+00;
	v45 =	vmul.f32 $2.000000030e-01, v8;
	v47 =	vld [tilespmem:s30+$0x1B10];
	v7 =	vsel vm3, v7, v42  }
0x89: {  	v50 =	vld [tilespmem:s30+$0x1620];
	(erf) = vpow2.f32 v11;
	v7 =	vmul.f32 $1.442695020e+00, v7;
	v46 =	vsub.s32 v17, v0  }
0x8a: {  	v53 =	vld [tilespmem:s30+$0x1CA0];
	vm5 =	vge.f32 v6, $0.0e+00;
	v48 =	vmul.f32 $2.000000030e-01, v6;
	v8 =	vsel vm4, v8, v45  }
0x8b: {  	vm9 =	vlt.u32 v46, $0x1388;
	v8 =	vmul.f32 $1.442695020e+00, v8;
	(erf) = vpow2.f32 v7  }
0x8c: {  	v49 =	vnsel vm9, $0x0, v39;
	v6 =	vsel vm5, v6, v48;
	v51 =	vadd.f32 v41, v18  }
0x8d: {  	v52 =	vmul.f32 v49, v5;
	v54 =	vmul.f32 v49, v2;
	v9 =	vadd.f32 v44, v43  }
0x8e: {  	v19 =	vmul.f32 v49, v3;
	v14 =	vmul.f32 v49, v4;
	v7 =	vadd.f32 v47, v16  }
0x8f: {  	v6 =	vmul.f32 $1.442695020e+00, v6;
	v56 =	vadd.f32 v53, v50;
	v9 =	vadd.f32 v54, v9  }
0x90: {  	(erf) = vpow2.f32 v8;
	v10 =	vadd.f32 v51, v52;
	v7 =	vadd.f32 v7, v19  }
0x91: {  	v59 =	vadd.f32 v56, v14;
	(erf) = vpow2.f32 v6;
	v58 =	vmul.f32 $2.000000030e-01, v9  }
0x92: {  	v55 =	vmul.f32 $2.000000030e-01, v10;
	vm11 =	vge.f32 v9, $0.0e+00;
	v6 =	vmul.f32 $2.000000030e-01, v7  }
0x93: {  	vm10 =	vge.f32 v10, $0.0e+00;
	vm12 =	vge.f32 v7, $0.0e+00;
	v9 =	vsel vm11, v9, v58  }
0x94: {  	v57 =	vsel vm10, v10, v55;
	v6 =	vsel vm12, v7, v6;
	v7 =	vmul.f32 $1.442695020e+00, v9  }
0x95: {  	v8 =	vmul.f32 $1.442695020e+00, v57  }
0x96: {  	v12 =	vmul.f32 $2.000000030e-01, v59  }
0x97: {  	v6 =	vmul.f32 $1.442695020e+00, v6;
	(erf) = vpow2.f32 v8  }
0x98: {  	vm13 =	vge.f32 v59, $0.0e+00;
	(erf) = vpow2.f32 v7;
	v7 =	vpop (erf)  }
0x99: {  	v60 =	vsel vm13, v59, v12;
	(erf) = vpow2.f32 v6;
	v6 =	vnsel vm1, $0x0, v7;
	v7 =	vpop (erf)  }
0x9a: {  	v8 =	vmul.f32 $1.442695020e+00, v60;
	v61 =	vpop (erf);
	[tilespmem:s26+$0x2000] =	vst v6;
	v6 =	vnsel vm1, $0x0, v7  }
0x9b: {  	[tilespmem:s26+$0x2190] =	vst v6;
	v6 =	vnsel vm1, $0x0, v61  }
0x9c: {  	vm0 =	vmmov vm0;
	(erf) = vpow2.f32 v8;
	v7 =	vpop (erf)  }
0x9d: {  	vm0 =	vmmov vm0;
	v62 =	vpop (erf)  }
0x9e: {  	v7 =	vnsel vm0, $0x0, v7;
	[tilespmem:s26+$0x2320] =	vst v6;
	v6 =	vpop (erf)  }
0x9f: {  	[tilespmem:s28+$0x24B0] =	vst v7;
	v7 =	vnsel vm0, $0x0, v62;
	v63 =	vpop (erf);
	v6 =	vnsel vm0, $0x0, v6  }
0xa0: {  	[tilespmem:s28+$0x2000] =	vst v7;
	v7 =	vnsel vm0, $0x0, v63  }
0xa1: {  	vm14 =	vmmov vm9  }
0xa2: {  	vm15 =	vmmov vm14;
	[tilespmem:s28+$0x2190] =	vst v6;
	v6 =	vpop (erf)  }
0xa3: {  	s31 =	smul.u32 $0x640, s25;
	[tilespmem:s28+$0x2320] =	vst v7;
	v6 =	vnsel vm15, $0x0, v6;
	v7 =	vpop (erf)  }
0xa4: {  	[tilespmem:s30+$0x24B0] =	vst v6;
	v6 =	vnsel vm15, $0x0, v7;
	v7 =	vpop (erf)  }
0xa5: {  	s25 =	sadd.s32 $0x1, s25;
	s26 =	sadd.s32 s31, s11;
	[tilespmem:s30+$0x2000] =	vst v6;
	v6 =	vnsel vm15, $0x0, v7;
	v7 =	vpop (erf)  }
0xa6: {  	p0 =	sne.s32 s25, $0x32;
	s26 =	sshrl.u32 s26, $0x3;
	[tilespmem:s30+$0x2190] =	vst v6;
	v6 =	vnsel vm15, $0x0, v7  }
.Ltmp2:
0xa7: {  	s26 =	sadd.s32 s9, s26;
	[tilespmem:s30+$0x2320] =	vst v6;
	(pc) =	sbr.rel @p0 .LBB2_2-.Ltmp2, $4  }
0xa8: {  	[hbm4b:s26+s3] =	stream.linear.scatter [tilespmem:s23], [sflag:$0x2], $0x640, $0x38;
	[tilespmem:$0x2880] =	vst v63  }
0xa9: {  	_ =	swait.ge [sflag:s14], $0x640  }
0xaa: {  	[sflag:s14] =	ssyncset.done $0x0  }
0xab: {  	[sflag:s14] =	ssyncadd.s32 $0xFFFFF9C0  }
0xac: {  	s24 =	sadd.s32 $0x1, s24  }
0xad: {  	p0 =	sne.s32 s24, s12  }
.Ltmp3:
0xae: {  	_ = 	snop;
	(pc) =	sbr.rel @p0 .LBB2_1-.Ltmp3, $1  }
0xaf: {  	_ =	sdelay $0x3  }
0xb0: {  	_ =	sfence.sel $0x180000  }
0xb1: {  	[bflag:$0x0] =	sbarrier.arrive $0xFFFF  }
0xb2: {  	p0 =	sne.s32 s6, $0x0;
	_ =	strace $0x90000047  }
0xb3: {  	s0 =	sadd.s32 @!p0 $0x100000, s0;
	[bflag:$0x2] =	sbarrier.arrive $0xFFFF  }
0xb4: {  	[sflag:s0] =	ssyncadd.tile.s32 @!p0 $0x1;
	_ =	shalt  }
.Lfunc_end2:
_tile_overlayer_lowered:
.L_overlay_start_2:
0xb5: {  	(tag) =	ssettag $0x2  }
0xb6: {  	s0 =	rddreg [dreg:$0x0];
	s2 =	stileid.u32  }
0xb7: {  	s1 =	rddreg [dreg:$0x1];
	p0 =	sne.s32 s2, $0x0  }
0xb8: {  	s3 =	rddreg [dreg:$0x2];
	[bflag:$0x3] =	sbarrier.arrive $0xFFFF;
	s2 =	simm.s32 @!p0 $0x1C02  }
0xb9: {  	[timem:s3], [sflag:s2] =	dma.local @!p0 [hbm:s0], s1  }
0xba: {  	s0 =	simm.s32 @!p0 $0x2  }
0xbb: {  	_ =	swait.ge @!p0 [sflag:s0], s1  }
0xbc: {  	s1 =	ssub.s32 @!p0 $0x0, s1;
	[sflag:s0] =	ssyncset.done @!p0 $0x0  }
0xbd: {  	[sflag:s0] =	ssyncadd.s32 @!p0 s1  }
0xbe: {  	[bflag:$0x3] =	sbarrier.arrive $0xFFFF  }
0xbf: {  	_ =	shalt  }

// kernel: scatter_offload_async_start.1
scs
__scs_entry_jumppad:
0x0: {  	(pc) =	sbr.rel $0x88, $3  }
0x1: {  	(tag) =	ssettag $0x0;
	lr =	simm.s32 $0x1  }
0x2: {  	[smem:$0x3F92] =	sst lr;
	_ =	strace $0xD0000000  }
0x3: {  	_ = 	snop  }
0x4: {  	_ = 	snop  }
0x5: {  	_ = 	snop  }
0x6: {  	_ = 	snop  }
0x7: {  	_ = 	snop  }
__scs_overlays_trampoline_lowered:
0x8: {  	[smem:$0x3FA1] =	sst s0  }
0x9: {  	[smem:$0x3FA2] =	sst s1  }
0xa: {  	[smem:$0x3FA3] =	sst s2  }
0xb: {  	[smem:$0x3FA4] =	sst s3  }
0xc: {  	[smem:$0x3FA5] =	sst s4  }
0xd: {  	[smem:$0x3FA6] =	sst s5  }
0xe: {  	[smem:$0x3FA7] =	sst s6  }
0xf: {  	[smem:$0x3FA8] =	sst s7  }
0x10: {  	[smem:$0x3FA9] =	sst s8  }
0x11: {  	[smem:$0x3FAA] =	sst s9;
	s0 =	simm.s32 @!p0 $0x0  }
0x12: {  	s1 =	sld [smem:$0x3F90];
	s0 =	simm.s32 @p0 $0x1  }
0x13: {  	[smem:$0x3FAB] =	sst s0;
	s0 =	simm.s32 @!p1 $0x0  }
0x14: {  	s2 =	sld [smem:$0x3F8F];
	s0 =	simm.s32 @p1 $0x1  }
0x15: {  	[smem:$0x3FAC] =	sst s0;
	s0 =	simm.s32 @!p2 $0x0  }
0x16: {  	s3 =	sld [smem:$0x3FDB];
	s0 =	simm.s32 @p2 $0x1  }
0x17: {  	s4 =	simm.s32 $0x1BF5;
	[smem:$0x3FAE] =	sst s0  }
0x18: {  	s0 =	sld [smem:$0x3F91];
	_ =	swait.ge [sflag:s4], $0x0  }
0x19: {  	s7 =	sld [smem:$0x3F92]  }
0x1a: {  	s8 =	sadd.s32 $0xFFFFE003, lr  }
0x1b: {  	s9 =	sadd.s32 $0xFFFFFEF7, lr;
	s5 =	simm.s32 $0xFFFFFFFF;
	p2 =	slt.u32 s8, $0xFFFFF086  }
0x1c: {  	p1 =	slt.u32 s9, $0xF7A;
	s5 =	simm.s32 @!p2 $0x0  }
0x1d: {  	s5 =	simm.s32 @p1 $0x1;
	p0 =	seq.s32 s7, s2  }
0x1e: {  	s7 =	smul.u32 @!p0 $0xF7A, s2;
	p2 =	seq.s32 @!p0 s5, $0x0  }
0x1f: {  	s9 =	smul.u32 $0xF7A, s1;
	s8 =	simm.s32 @!p0 $0x1BF5;
	p2 =	por !p2, p0  }
0x20: {  	[sflag:s8] =	ssyncset.s32 @!p0 $0xFFFFF086;
	s6 =	sadd.s32 @!p0 s3, s7;
	s7 =	simm.s32 @!p0 $0x108  }
0x21: {  	s3 =	sadd.s32 s3, s9;
	s6 =	sadd.s32 @!p0 $0x88, s6;
	s7 =	simm.s32 @p2 $0x1082  }
0x22: {  	[simem:s7], [sflag:s8] =	dma.local @!p0 [hbm:s6], $0xF7A  }
0x23: {  	s9 =	sor.u32 $0xD0000000, s2;
	s6 =	simm.s32 $0x108;
	_ =	swait.ge @!p0 [sflag:s8], $0x0  }
0x24: {  	s3 =	sadd.s32 $0x88, s3;
	s6 =	simm.s32 @!p1 $0x1082;
	[sflag:s4] =	ssyncset.s32 $0xFFFFF086  }
0x25: {  	[simem:s6], [sflag:s4] =	dma.local [hbm:s3], $0xF7A  }
0x26: {  	[smem:$0x3F92] =	sst s1;
	(tag) =	ssettag s2;
	_ =	strace s9  }
0x27: {  	s1 =	sld [smem:$0x3FA2]  }
0x28: {  	s2 =	sld [smem:$0x3FA3]  }
0x29: {  	s4 =	sld [smem:$0x3FA5]  }
0x2a: {  	p0 =	seq.s32 s5, $0x0;
	s5 =	sld [smem:$0x3FA6]  }
0x2b: {  	s6 =	sld [smem:$0x3FA7]  }
0x2c: {  	s7 =	sld [smem:$0x3FA8]  }
0x2d: {  	s3 =	simm.s32 $0x108;
	s8 =	sld [smem:$0x3FA9]  }
0x2e: {  	s3 =	simm.s32 @!p0 $0x1082;
	s9 =	sld [smem:$0x3FAA]  }
0x2f: {  	lr =	sadd.s32 s0, s3;
	s0 =	sld [smem:$0x3FA1]  }
0x30: {  	s3 =	sld [smem:$0x3FA4]  }
0x31: {  	[smem:$0x3FAD] =	sst s10  }
0x32: {  	s10 =	sld [smem:$0x3FAB];
	_ =	sdelay $0x3  }
0x33: {  	p0 =	seq.s32 s10, $0x1;
	s10 =	sld [smem:$0x3FAD];
	_ =	sdelay $0x3  }
0x34: {  	[smem:$0x3FAD] =	sst s10  }
0x35: {  	s10 =	sld [smem:$0x3FAC];
	_ =	sdelay $0x3  }
0x36: {  	p1 =	seq.s32 s10, $0x1;
	s10 =	sld [smem:$0x3FAD];
	_ =	sdelay $0x3  }
0x37: {  	[smem:$0x3FAD] =	sst s10  }
0x38: {  	s10 =	sld [smem:$0x3FAE]  }
0x39: {  	_ = 	snop;
	(pc) =	sbr.ind lr, $3  }
0x3a: {  	_ = 	snop  }
0x3b: {  	_ = 	snop  }
0x3c: {  	p2 =	seq.s32 s10, $0x1;
	s10 =	sld [smem:$0x3FAD]  }
0x3d: {  	_ =	shalt  }
0x3e: {  	_ =	shalt  }
0x3f: {  	_ =	shalt  }
0x40: {  	_ =	shalt  }
0x41: {  	_ =	shalt  }
0x42: {  	_ =	shalt  }
0x43: {  	_ =	shalt  }
0x44: {  	_ =	shalt  }
0x45: {  	_ =	shalt  }
0x46: {  	_ =	shalt  }
0x47: {  	_ =	shalt  }
0x48: {  	_ =	shalt  }
0x49: {  	_ =	shalt  }
0x4a: {  	_ =	shalt  }
0x4b: {  	_ =	shalt  }
0x4c: {  	_ =	shalt  }
0x4d: {  	_ =	shalt  }
0x4e: {  	_ =	shalt  }
0x4f: {  	_ =	shalt  }
0x50: {  	_ =	shalt  }
0x51: {  	_ =	shalt  }
0x52: {  	_ =	shalt  }
0x53: {  	_ =	shalt  }
0x54: {  	_ =	shalt  }
0x55: {  	_ =	shalt  }
0x56: {  	_ =	shalt  }
0x57: {  	_ =	shalt  }
0x58: {  	_ =	shalt  }
0x59: {  	_ =	shalt  }
0x5a: {  	_ =	shalt  }
0x5b: {  	_ =	shalt  }
0x5c: {  	_ =	shalt  }
0x5d: {  	_ =	shalt  }
0x5e: {  	_ =	shalt  }
0x5f: {  	_ =	shalt  }
0x60: {  	_ =	shalt  }
0x61: {  	_ =	shalt  }
0x62: {  	_ =	shalt  }
0x63: {  	_ =	shalt  }
0x64: {  	_ =	shalt  }
0x65: {  	_ =	shalt  }
0x66: {  	_ =	shalt  }
0x67: {  	_ =	shalt  }
0x68: {  	_ =	shalt  }
0x69: {  	_ =	shalt  }
0x6a: {  	_ =	shalt  }
0x6b: {  	_ =	shalt  }
0x6c: {  	_ =	shalt  }
0x6d: {  	_ =	shalt  }
0x6e: {  	_ =	shalt  }
0x6f: {  	_ =	shalt  }
0x70: {  	_ =	shalt  }
0x71: {  	_ =	shalt  }
0x72: {  	_ =	shalt  }
0x73: {  	_ =	shalt  }
0x74: {  	_ =	shalt  }
0x75: {  	_ =	shalt  }
0x76: {  	_ =	shalt  }
0x77: {  	_ =	shalt  }
0x78: {  	_ =	shalt  }
0x79: {  	_ =	shalt  }
0x7a: {  	_ =	shalt  }
0x7b: {  	_ =	shalt  }
0x7c: {  	_ =	shalt  }
0x7d: {  	_ =	shalt  }
0x7e: {  	_ =	shalt  }
0x7f: {  	_ =	shalt  }
0x80: {  	_ =	shalt  }
0x81: {  	_ =	shalt  }
0x82: {  	_ =	shalt  }
0x83: {  	_ =	shalt  }
0x84: {  	_ =	shalt  }
0x85: {  	_ =	shalt  }
0x86: {  	_ =	shalt  }
0x87: {  	_ =	shalt  }
.Lfunc_end0:
.L_simem_size_0:
called_computation.1_lowered:
.L_overlay_start_0:
0x88: {  	s2 =	sld [smem:$0x3FD9]  }
0x89: {  	s3 =	sld [smem:$0x3FFE];
	_ =	sdelay $0x1  }
0x8a: {  	s1 =	srdreg.scid  }
0x8b: {  	s0 =	sand.u32 $0x1, s1  }
0x8c: {  	s17 =	sshll.u32 s0, $0xA;
	s2 =	sadd.s32 s3, s2  }
0x8d: {  	s2 =	sadd.s32 s2, s17  }
0x8e: {  	[smem:$0x3FB9] =	sst s2  }
0x8f: {  	_ = 	snop  }
0x90: {  	(tm) =	ssettm $0x1  }
0x91: {  	s18 =	sld [smem:$0x3FFB];
	_ =	sdelay $0x3  }
0x92: {  	_ =	strace s18  }
0x93: {  	s2 =	sld [smem:$0x3FFC];
	_ =	sdelay $0x3  }
0x94: {  	_ =	strace s2  }
0x95: {  	s2 =	sld [smem:$0x3FFD];
	_ =	sdelay $0x3  }
0x96: {  	_ =	strace s2  }
0x97: {  	_ =	strace $0x8FFFFFFF  }
0x98: {  	s19 =	sld [smem:$0x3FDB];
	_ =	sdelay $0x1  }
0x99: {  	s20 =	simm.s32 $_scs_section_size  }
0x9a: {  	s4 =	simm.s32 $_size__tile_overlayer_lowered;
	s5 =	simm.s32 $_tile_overlayer_lowered  }
0x9b: {  	s6 =	simm.s32 $0x1BFF;
	s21 =	sshll.u32 s5, $0x1;
	s3 =	sadd.s32 s20, s19  }
0x9c: {  	s22 =	simm.s32 $0x0;
	s4 =	sshll.u32 s4, $0x1;
	s5 =	sadd.s32 s21, s3  }
0x9d: {  	[timem:s22], [sflag:s6] =	dma.local [hbm:s5], s4  }
0x9e: {  	_ =	swait.ge [sflag:s6], s4  }
0x9f: {  	s4 =	ssub.s32 $0x0, s4;
	[sflag:s6] =	ssyncset.done $0x0  }
0xa0: {  	[sflag:s6] =	ssyncadd.s32 s4;
	_ =	sdelay $0x1  }
0xa1: {  	s23 =	simm.s32 $0x1B8B  }
0xa2: {  	_ =	swait.ge [sflag:s23], $0x1  }
0xa3: {  	[sflag:s23] =	ssyncset.done $0x0  }
0xa4: {  	[sflag:s23] =	ssyncadd.s32 $0xFFFFFFFF  }
0xa5: {  	s4 =	sld [smem:$0x0]  }
0xa6: {  	s5 =	sand.u32 $0xFFFFFFFE, s1  }
0xa7: {  	p0 =	sne.s32 s1, s5  }
0xa8: {  	s5 =	sshll.u32 @p0 s5, $0xE  }
0xa9: {  	s5 =	sadd.s32 @p0 $0x11B8D, s5;
	s6 =	sshll.u32 @p0 s4, $0x11  }
0xaa: {  	s5 =	sor.u32 @p0 s6, s5  }
0xab: {  	[sflag:s5] =	ssyncadd.remote.s32 @p0 $0x1;
	_ =	sdelay $0x1  }
0xac: {  	s5 =	simm.s32 @p0 $0x1B8D  }
0xad: {  	_ =	swait.eq @p0 [sflag:s5], $0x1  }
0xae: {  	[sflag:s5] =	ssyncadd.s32 @p0 $0xFFFFFFFF  }
0xaf: {  	s6 =	sshll.u32 @!p0 s1, $0xE  }
0xb0: {  	s6 =	sor.u32 @!p0 $0x4000, s6;
	s5 =	simm.s32 @!p0 $0x1B8D  }
0xb1: {  	s7 =	sshll.u32 @!p0 s4, $0x11;
	s6 =	sadd.s32 @!p0 $0x11B8D, s6;
	_ =	swait.eq @!p0 [sflag:s5], $0x1  }
0xb2: {  	[sflag:s5] =	ssyncadd.s32 @!p0 $0xFFFFFFFF;
	s5 =	sor.u32 @!p0 s7, s6  }
0xb3: {  	s25 =	simm.s32 $0x1B8E;
	s24 =	sld [smem:$0x3FFE];
	[sflag:s5] =	ssyncadd.remote.s32 @!p0 $0x1  }
0xb4: {  	s26 =	simm.s32 $execute0_lowered;
	[smem:$0x3FD2] =	sst s25  }
0xb5: {  	s6 =	sshll.u32 s26, $0x1;
	_ =	strace $0x8000005B;
	[dreg:$0x1] =	wrdreg $0xFFFFFFFF  }
0xb6: {  	s28 =	simm.s32 $_size_execute0_lowered;
	s3 =	sadd.s32 s3, s6;
	[dreg:$0x0] =	wrdreg $0x0  }
0xb7: {  	s6 =	sshll.u32 s28, $0x1;
	[dreg:$0x2] =	wrdreg s3  }
0xb8: {  	[dreg:$0x3] =	wrdreg s6  }
0xb9: {  	[dreg:$0x4] =	wrdreg $0xC0  }
0xba: {  	_ =	task [dreg:s22], $0x5FFFF  }
0xbb: {  	[dreg:$0x1] =	wrdreg $0xFFFFFFFF  }
0xbc: {  	[dreg:$0x0] =	wrdreg $0x60  }
0xbd: {  	[dreg:$0x2] =	wrdreg s24  }
0xbe: {  	[dreg:$0x3] =	wrdreg s1  }
0xbf: {  	[dreg:$0x4] =	wrdreg s4  }
0xc0: {  	[dreg:$0x5] =	wrdreg $0x9  }
0xc1: {  	_ =	task.clear_ibuf [dreg:s22], $0x6FFFF;
	_ =	strace $0x9000005B  }
0xc2: {  	s29 =	simm.s32 $0x9;
	_ =	strace $0x8000005D  }
0xc3: {  	_ =	swait.ge [sflag:s29], $0x1  }
0xc4: {  	[sflag:s29] =	ssyncadd.s32 $0xFFFFFFFF  }
0xc5: {  	_ =	strace $0x9000005D  }
0xc6: {  	_ =	sfence  }
0xc7: {  	s30 =	sld [smem:$0x0];
	_ =	sdelay $0x2  }
0xc8: {  	s31 =	sshll.u32 s1, $0xD;
	s1 =	sshrl.u32 s1, $0x2  }
0xc9: {  	s4 =	sand.u32 $0x4000, s31;
	s1 =	sadd.s32 s1, s30  }
0xca: {  	s0 =	sor.u32 s4, s0;
	s1 =	sshll.u32 s1, $0x11  }
0xcb: {  	s0 =	sor.u32 s1, s0  }
0xcc: {  	s0 =	sadd.s32 $0x8F2B, s0  }
0xcd: {  	[sflag:s0] =	ssyncadd.remote.s32 $0x1  }
0xce: {  	_ =	sfence.sel $0xFFFF  }
0xcf: {  	[dreg:$0x0] =	wrdreg $0xFFFFFFFF;
	(pc) =	sbr.abs _section_cstart, $3  }
0xd0: {  	[dreg:$0x1] =	wrdreg $0xFFFFFFFF  }
0xd1: {  	_ =	task.clear_ibuf [dreg:s22], $0x2FFFF;
	_ =	strace $0x9FFFFFFF  }
0xd2: {  	(tm) =	ssettm $0x7FFFFFFF  }
0xd3: {  	_ =	shalt  }
tec
execute0_lowered:
.L_overlay_start_1:
0x0: {  	(tag) =	ssettag $0x1  }
0x1: {  	s11 =	rddreg [dreg:$0x0]  }
0x2: {  	s2 =	rddreg [dreg:$0x1];
	_ =	strace $0x8000005C;
	s12 =	simm.s32 $0x1  }
0x3: {  	v0 =	vimm.s32 $0x0;
	[sflag:s12] =	ssyncpa.u1 $0x0  }
0x4: {  	[tilespmem:$0x28] =	vst v0  }
0x5: {  	[tilespmem:$0x38] =	vst v0  }
0x6: {  	[tilespmem:$0x48] =	vst v0  }
0x7: {  	[tilespmem:$0x58] =	vst v0  }
0x8: {  	[tilespmem:$0x68] =	vst v0  }
0x9: {  	[tilespmem:$0x78] =	vst v0  }
0xa: {  	[tilespmem:$0x88] =	vst v0  }
0xb: {  	[tilespmem:$0x98] =	vst v0  }
0xc: {  	[tilespmem:$0xA8] =	vst v0  }
0xd: {  	[tilespmem:$0xB8] =	vst v0  }
0xe: {  	[tilespmem:$0xC8] =	vst v0  }
0xf: {  	[tilespmem:$0xD8] =	vst v0  }
0x10: {  	[tilespmem:$0xE8] =	vst v0  }
0x11: {  	[tilespmem:$0xF8] =	vst v0  }
0x12: {  	[tilespmem:$0x108] =	vst v0  }
0x13: {  	[tilespmem:$0x118] =	vst v0  }
0x14: {  	[tilespmem:$0x128] =	vst v0  }
0x15: {  	[tilespmem:$0x138] =	vst v0  }
0x16: {  	[tilespmem:$0x148] =	vst v0  }
0x17: {  	[tilespmem:$0x158] =	vst v0  }
0x18: {  	[tilespmem:$0x168] =	vst v0  }
0x19: {  	[tilespmem:$0x178] =	vst v0  }
0x1a: {  	[tilespmem:$0x188] =	vst v0  }
0x1b: {  	[tilespmem:$0x198] =	vst v0  }
0x1c: {  	[tilespmem:$0x1A8] =	vst v0  }
0x1d: {  	[tilespmem:$0x1B8] =	vst v0  }
0x1e: {  	[tilespmem:$0x1C8] =	vst v0  }
0x1f: {  	[tilespmem:$0x1D8] =	vst v0  }
0x20: {  	[tilespmem:$0x1E8] =	vst v0  }
0x21: {  	[tilespmem:$0x1F8] =	vst v0  }
0x22: {  	[tilespmem:$0x208] =	vst v0  }
0x23: {  	[tilespmem:$0x218] =	vst v0  }
0x24: {  	[tilespmem:$0x228] =	vst v0  }
0x25: {  	[tilespmem:$0x238] =	vst v0  }
0x26: {  	[tilespmem:$0x248] =	vst v0  }
0x27: {  	[tilespmem:$0x258] =	vst v0  }
0x28: {  	[tilespmem:$0x268] =	vst v0  }
0x29: {  	[tilespmem:$0x278] =	vst v0  }
0x2a: {  	[tilespmem:$0x288] =	vst v0  }
0x2b: {  	[tilespmem:$0x298] =	vst v0  }
0x2c: {  	[tilespmem:$0x2A8] =	vst v0  }
0x2d: {  	[tilespmem:$0x2B8] =	vst v0  }
0x2e: {  	[tilespmem:$0x2C8] =	vst v0  }
0x2f: {  	[tilespmem:$0x2D8] =	vst v0  }
0x30: {  	[tilespmem:$0x2E8] =	vst v0  }
0x31: {  	[tilespmem:$0x2F8] =	vst v0  }
0x32: {  	[tilespmem:$0x308] =	vst v0  }
0x33: {  	[tilespmem:$0x318] =	vst v0  }
0x34: {  	[tilespmem:$0x328] =	vst v0  }
0x35: {  	[tilespmem:$0x338] =	vst v0  }
0x36: {  	[tilespmem:$0x348] =	vst v0  }
0x37: {  	[tilespmem:$0x358] =	vst v0  }
0x38: {  	[tilespmem:$0x368] =	vst v0  }
0x39: {  	[tilespmem:$0x378] =	vst v0  }
0x3a: {  	[tilespmem:$0x388] =	vst v0  }
0x3b: {  	[tilespmem:$0x398] =	vst v0  }
0x3c: {  	[tilespmem:$0x3A8] =	vst v0  }
0x3d: {  	[tilespmem:$0x3B8] =	vst v0  }
0x3e: {  	[tilespmem:$0x3C8] =	vst v0  }
0x3f: {  	[tilespmem:$0x3D8] =	vst v0  }
0x40: {  	[tilespmem:$0x3E8] =	vst v0  }
0x41: {  	[tilespmem:$0x3F8] =	vst v0  }
0x42: {  	[tilespmem:$0x408] =	vst v0  }
0x43: {  	[tilespmem:$0x418] =	vst v0  }
0x44: {  	[tilespmem:$0x428] =	vst v0  }
0x45: {  	[tilespmem:$0x438] =	vst v0  }
0x46: {  	[tilespmem:$0x448] =	vst v0  }
0x47: {  	[tilespmem:$0x458] =	vst v0  }
0x48: {  	[tilespmem:$0x468] =	vst v0  }
0x49: {  	[tilespmem:$0x478] =	vst v0  }
0x4a: {  	[tilespmem:$0x488] =	vst v0  }
0x4b: {  	[tilespmem:$0x498] =	vst v0  }
0x4c: {  	[tilespmem:$0x4A8] =	vst v0  }
0x4d: {  	[tilespmem:$0x4B8] =	vst v0  }
0x4e: {  	[tilespmem:$0x4C8] =	vst v0  }
0x4f: {  	[tilespmem:$0x4D8] =	vst v0  }
0x50: {  	[tilespmem:$0x4E8] =	vst v0  }
0x51: {  	[tilespmem:$0x4F8] =	vst v0  }
0x52: {  	[tilespmem:$0x508] =	vst v0  }
0x53: {  	[tilespmem:$0x518] =	vst v0  }
0x54: {  	[tilespmem:$0x528] =	vst v0  }
0x55: {  	[tilespmem:$0x538] =	vst v0  }
0x56: {  	[tilespmem:$0x548] =	vst v0  }
0x57: {  	[tilespmem:$0x558] =	vst v0  }
0x58: {  	[tilespmem:$0x568] =	vst v0  }
0x59: {  	[tilespmem:$0x578] =	vst v0  }
0x5a: {  	[tilespmem:$0x588] =	vst v0  }
0x5b: {  	[tilespmem:$0x598] =	vst v0  }
0x5c: {  	[tilespmem:$0x5A8] =	vst v0  }
0x5d: {  	[tilespmem:$0x5B8] =	vst v0  }
0x5e: {  	[tilespmem:$0x5C8] =	vst v0  }
0x5f: {  	[tilespmem:$0x5D8] =	vst v0  }
0x60: {  	[tilespmem:$0x5E8] =	vst v0  }
0x61: {  	[tilespmem:$0x5F8] =	vst v0  }
0x62: {  	[tilespmem:$0x608] =	vst v0  }
0x63: {  	[tilespmem:$0x618] =	vst v0  }
0x64: {  	[tilespmem:$0x628] =	vst v0  }
0x65: {  	[tilespmem:$0x638] =	vst v0  }
0x66: {  	[tilespmem:$0x648] =	vst v0  }
0x67: {  	[tilespmem:$0x658] =	vst v0  }
0x68: {  	[tilespmem:$0x668] =	vst v0  }
0x69: {  	[tilespmem:$0x678] =	vst v0  }
0x6a: {  	[tilespmem:$0x688] =	vst v0  }
0x6b: {  	[tilespmem:$0x698] =	vst v0  }
0x6c: {  	[tilespmem:$0x6A8] =	vst v0  }
0x6d: {  	[tilespmem:$0x6B8] =	vst v0  }
0x6e: {  	[tilespmem:$0x6C8] =	vst v0  }
0x6f: {  	[tilespmem:$0x6D8] =	vst v0  }
0x70: {  	[tilespmem:$0x6E8] =	vst v0  }
0x71: {  	[tilespmem:$0x6F8] =	vst v0  }
0x72: {  	[tilespmem:$0x708] =	vst v0  }
0x73: {  	[tilespmem:$0x718] =	vst v0  }
0x74: {  	[tilespmem:$0x728] =	vst v0  }
0x75: {  	[tilespmem:$0x738] =	vst v0  }
0x76: {  	[tilespmem:$0x748] =	vst v0  }
0x77: {  	[tilespmem:$0x758] =	vst v0  }
0x78: {  	[tilespmem:$0x768] =	vst v0  }
0x79: {  	[tilespmem:$0x778] =	vst v0  }
0x7a: {  	[tilespmem:$0x788] =	vst v0  }
0x7b: {  	[tilespmem:$0x798] =	vst v0  }
0x7c: {  	[tilespmem:$0x7A8] =	vst v0  }
0x7d: {  	[tilespmem:$0x7B8] =	vst v0  }
0x7e: {  	[tilespmem:$0x7C8] =	vst v0  }
0x7f: {  	[tilespmem:$0x7D8] =	vst v0  }
0x80: {  	[tilespmem:$0x7E8] =	vst v0  }
0x81: {  	[tilespmem:$0x7F8] =	vst v0  }
0x82: {  	[tilespmem:$0x808] =	vst v0  }
0x83: {  	[tilespmem:$0x818] =	vst v0  }
0x84: {  	[tilespmem:$0x828] =	vst v0  }
0x85: {  	[tilespmem:$0x838] =	vst v0  }
0x86: {  	[tilespmem:$0x848] =	vst v0  }
0x87: {  	[tilespmem:$0x858] =	vst v0  }
0x88: {  	[tilespmem:$0x868] =	vst v0  }
0x89: {  	[tilespmem:$0x878] =	vst v0  }
0x8a: {  	[tilespmem:$0x888] =	vst v0  }
0x8b: {  	[tilespmem:$0x898] =	vst v0  }
0x8c: {  	[tilespmem:$0x8A8] =	vst v0  }
0x8d: {  	[tilespmem:$0x8B8] =	vst v0  }
0x8e: {  	[tilespmem:$0x8C8] =	vst v0  }
0x8f: {  	[tilespmem:$0x8D8] =	vst v0  }
0x90: {  	[tilespmem:$0x8E8] =	vst v0  }
0x91: {  	[tilespmem:$0x8F8] =	vst v0  }
0x92: {  	[tilespmem:$0x908] =	vst v0  }
0x93: {  	[tilespmem:$0x918] =	vst v0  }
0x94: {  	[tilespmem:$0x928] =	vst v0  }
0x95: {  	[tilespmem:$0x938] =	vst v0  }
0x96: {  	[tilespmem:$0x948] =	vst v0  }
0x97: {  	[tilespmem:$0x958] =	vst v0  }
0x98: {  	[tilespmem:$0x968] =	vst v0  }
0x99: {  	[tilespmem:$0x978] =	vst v0  }
0x9a: {  	[tilespmem:$0x988] =	vst v0  }
0x9b: {  	[tilespmem:$0x998] =	vst v0  }
0x9c: {  	[tilespmem:$0x9A8] =	vst v0  }
0x9d: {  	[tilespmem:$0x9B8] =	vst v0  }
0x9e: {  	[tilespmem:$0x9C8] =	vst v0  }
0x9f: {  	[tilespmem:$0x9D8] =	vst v0  }
0xa0: {  	[tilespmem:$0x9E8] =	vst v0  }
0xa1: {  	[tilespmem:$0x9F8] =	vst v0  }
0xa2: {  	[tilespmem:$0xA08] =	vst v0  }
0xa3: {  	[tilespmem:$0xA18] =	vst v0  }
0xa4: {  	[tilespmem:$0xA28] =	vst v0  }
0xa5: {  	[tilespmem:$0xA38] =	vst v0  }
0xa6: {  	[tilespmem:$0xA48] =	vst v0  }
0xa7: {  	[tilespmem:$0xA58] =	vst v0  }
0xa8: {  	[tilespmem:$0xA68] =	vst v0  }
0xa9: {  	[tilespmem:$0xA78] =	vst v0  }
0xaa: {  	[tilespmem:$0xA88] =	vst v0  }
0xab: {  	[tilespmem:$0xA98] =	vst v0  }
0xac: {  	[tilespmem:$0xAA8] =	vst v0  }
0xad: {  	[tilespmem:$0xAB8] =	vst v0  }
0xae: {  	[tilespmem:$0xAC8] =	vst v0  }
0xaf: {  	[tilespmem:$0xAD8] =	vst v0  }
0xb0: {  	[tilespmem:$0xAE8] =	vst v0  }
0xb1: {  	[tilespmem:$0xAF8] =	vst v0  }
0xb2: {  	[tilespmem:$0xB08] =	vst v0  }
0xb3: {  	[tilespmem:$0xB18] =	vst v0  }
0xb4: {  	[tilespmem:$0xB28] =	vst v0  }
0xb5: {  	[tilespmem:$0xB38] =	vst v0  }
0xb6: {  	[tilespmem:$0xB48] =	vst v0  }
0xb7: {  	[tilespmem:$0xB58] =	vst v0  }
0xb8: {  	[tilespmem:$0xB68] =	vst v0  }
0xb9: {  	[tilespmem:$0xB78] =	vst v0  }
0xba: {  	[tilespmem:$0xB88] =	vst v0  }
0xbb: {  	[tilespmem:$0xB98] =	vst v0  }
0xbc: {  	[tilespmem:$0xBA8] =	vst v0  }
0xbd: {  	[tilespmem:$0xBB8] =	vst v0  }
0xbe: {  	[tilespmem:$0xBC8] =	vst v0  }
0xbf: {  	[tilespmem:$0xBD8] =	vst v0  }
0xc0: {  	[tilespmem:$0xBE8] =	vst v0  }
0xc1: {  	[tilespmem:$0xBF8] =	vst v0  }
0xc2: {  	[tilespmem:$0xC08] =	vst v0  }
0xc3: {  	[tilespmem:$0xC18] =	vst v0  }
0xc4: {  	[tilespmem:$0xC28] =	vst v0  }
0xc5: {  	[tilespmem:$0xC38] =	vst v0  }
0xc6: {  	[tilespmem:$0xC48] =	vst v0  }
0xc7: {  	[tilespmem:$0xC58] =	vst v0  }
0xc8: {  	[tilespmem:$0xC68] =	vst v0  }
0xc9: {  	[tilespmem:$0xC78] =	vst v0  }
0xca: {  	[tilespmem:$0xC88] =	vst v0  }
0xcb: {  	[tilespmem:$0xC98] =	vst v0  }
0xcc: {  	[tilespmem:$0xCA8] =	vst v0  }
0xcd: {  	[tilespmem:$0xCB8] =	vst v0  }
0xce: {  	[tilespmem:$0xCC8] =	vst v0  }
0xcf: {  	[tilespmem:$0xCD8] =	vst v0  }
0xd0: {  	[tilespmem:$0xCE8] =	vst v0  }
0xd1: {  	[tilespmem:$0xCF8] =	vst v0  }
0xd2: {  	[tilespmem:$0xD08] =	vst v0  }
0xd3: {  	[tilespmem:$0xD18] =	vst v0  }
0xd4: {  	[tilespmem:$0xD28] =	vst v0  }
0xd5: {  	[tilespmem:$0xD38] =	vst v0  }
0xd6: {  	[tilespmem:$0xD48] =	vst v0  }
0xd7: {  	[tilespmem:$0xD58] =	vst v0  }
0xd8: {  	[tilespmem:$0xD68] =	vst v0  }
0xd9: {  	[tilespmem:$0xD78] =	vst v0  }
0xda: {  	[tilespmem:$0xD88] =	vst v0  }
0xdb: {  	[tilespmem:$0xD98] =	vst v0  }
0xdc: {  	[tilespmem:$0xDA8] =	vst v0  }
0xdd: {  	[tilespmem:$0xDB8] =	vst v0  }
0xde: {  	[tilespmem:$0xDC8] =	vst v0  }
0xdf: {  	[tilespmem:$0xDD8] =	vst v0  }
0xe0: {  	[tilespmem:$0xDE8] =	vst v0  }
0xe1: {  	[tilespmem:$0xDF8] =	vst v0  }
0xe2: {  	[tilespmem:$0xE08] =	vst v0  }
0xe3: {  	[tilespmem:$0xE18] =	vst v0  }
0xe4: {  	[tilespmem:$0xE28] =	vst v0  }
0xe5: {  	[tilespmem:$0xE38] =	vst v0  }
0xe6: {  	[tilespmem:$0xE48] =	vst v0  }
0xe7: {  	[tilespmem:$0xE58] =	vst v0  }
0xe8: {  	[tilespmem:$0xE68] =	vst v0  }
0xe9: {  	[tilespmem:$0xE78] =	vst v0  }
0xea: {  	[tilespmem:$0xE88] =	vst v0  }
0xeb: {  	[tilespmem:$0xE98] =	vst v0  }
0xec: {  	[tilespmem:$0xEA8] =	vst v0  }
0xed: {  	[tilespmem:$0xEB8] =	vst v0  }
0xee: {  	[tilespmem:$0xEC8] =	vst v0  }
0xef: {  	[tilespmem:$0xED8] =	vst v0  }
0xf0: {  	[tilespmem:$0xEE8] =	vst v0  }
0xf1: {  	[tilespmem:$0xEF8] =	vst v0  }
0xf2: {  	[tilespmem:$0xF08] =	vst v0  }
0xf3: {  	[tilespmem:$0xF18] =	vst v0  }
0xf4: {  	[tilespmem:$0xF28] =	vst v0  }
0xf5: {  	[tilespmem:$0xF38] =	vst v0  }
0xf6: {  	[tilespmem:$0xF48] =	vst v0  }
0xf7: {  	[tilespmem:$0xF58] =	vst v0  }
0xf8: {  	[tilespmem:$0xF68] =	vst v0  }
0xf9: {  	[tilespmem:$0xF78] =	vst v0  }
0xfa: {  	[tilespmem:$0xF88] =	vst v0  }
0xfb: {  	[tilespmem:$0xF98] =	vst v0  }
0xfc: {  	[tilespmem:$0xFA8] =	vst v0  }
0xfd: {  	[tilespmem:$0xFB8] =	vst v0  }
0xfe: {  	[tilespmem:$0xFC8] =	vst v0  }
0xff: {  	[tilespmem:$0xFD8] =	vst v0  }
0x100: {  	[tilespmem:$0xFE8] =	vst v0  }
0x101: {  	[tilespmem:$0xFF8] =	vst v0  }
0x102: {  	[tilespmem:$0x1028] =	vst v0  }
0x103: {  	[tilespmem:$0x10E8] =	vst v0  }
0x104: {  	[tilespmem:$0x1068] =	vst v0  }
0x105: {  	[tilespmem:$0x1B28] =	vst v0  }
0x106: {  	[tilespmem:$0x1B18] =	vst v0  }
0x107: {  	[tilespmem:$0x1B08] =	vst v0  }
0x108: {  	[tilespmem:$0x1AF8] =	vst v0  }
0x109: {  	[tilespmem:$0x1AE8] =	vst v0  }
0x10a: {  	[tilespmem:$0x1AD8] =	vst v0  }
0x10b: {  	[tilespmem:$0x1AC8] =	vst v0  }
0x10c: {  	[tilespmem:$0x1AB8] =	vst v0  }
0x10d: {  	[tilespmem:$0x1AA8] =	vst v0  }
0x10e: {  	[tilespmem:$0x1A98] =	vst v0  }
0x10f: {  	[tilespmem:$0x1A88] =	vst v0  }
0x110: {  	[tilespmem:$0x1A78] =	vst v0  }
0x111: {  	[tilespmem:$0x1A68] =	vst v0  }
0x112: {  	[tilespmem:$0x1A58] =	vst v0  }
0x113: {  	[tilespmem:$0x1A48] =	vst v0  }
0x114: {  	[tilespmem:$0x1A38] =	vst v0  }
0x115: {  	[tilespmem:$0x1A28] =	vst v0  }
0x116: {  	[tilespmem:$0x1A18] =	vst v0  }
0x117: {  	[tilespmem:$0x1A08] =	vst v0  }
0x118: {  	[tilespmem:$0x19F8] =	vst v0  }
0x119: {  	[tilespmem:$0x19E8] =	vst v0  }
0x11a: {  	[tilespmem:$0x19D8] =	vst v0  }
0x11b: {  	[tilespmem:$0x19C8] =	vst v0  }
0x11c: {  	[tilespmem:$0x19B8] =	vst v0  }
0x11d: {  	[tilespmem:$0x19A8] =	vst v0  }
0x11e: {  	[tilespmem:$0x1998] =	vst v0  }
0x11f: {  	[tilespmem:$0x1988] =	vst v0  }
0x120: {  	[tilespmem:$0x1978] =	vst v0  }
0x121: {  	[tilespmem:$0x1968] =	vst v0  }
0x122: {  	[tilespmem:$0x1958] =	vst v0  }
0x123: {  	[tilespmem:$0x1948] =	vst v0  }
0x124: {  	[tilespmem:$0x1938] =	vst v0  }
0x125: {  	[tilespmem:$0x1928] =	vst v0  }
0x126: {  	[tilespmem:$0x1918] =	vst v0  }
0x127: {  	[tilespmem:$0x1908] =	vst v0  }
0x128: {  	[tilespmem:$0x18F8] =	vst v0  }
0x129: {  	[tilespmem:$0x18E8] =	vst v0  }
0x12a: {  	[tilespmem:$0x18D8] =	vst v0  }
0x12b: {  	[tilespmem:$0x18C8] =	vst v0  }
0x12c: {  	[tilespmem:$0x18B8] =	vst v0  }
0x12d: {  	[tilespmem:$0x18A8] =	vst v0  }
0x12e: {  	[tilespmem:$0x1898] =	vst v0  }
0x12f: {  	[tilespmem:$0x1888] =	vst v0  }
0x130: {  	[tilespmem:$0x1878] =	vst v0  }
0x131: {  	[tilespmem:$0x1868] =	vst v0  }
0x132: {  	[tilespmem:$0x1858] =	vst v0  }
0x133: {  	[tilespmem:$0x1848] =	vst v0  }
0x134: {  	[tilespmem:$0x1838] =	vst v0  }
0x135: {  	[tilespmem:$0x1828] =	vst v0  }
0x136: {  	[tilespmem:$0x1818] =	vst v0  }
0x137: {  	[tilespmem:$0x1808] =	vst v0  }
0x138: {  	[tilespmem:$0x17F8] =	vst v0  }
0x139: {  	[tilespmem:$0x17E8] =	vst v0  }
0x13a: {  	[tilespmem:$0x17D8] =	vst v0  }
0x13b: {  	[tilespmem:$0x17C8] =	vst v0  }
0x13c: {  	[tilespmem:$0x17B8] =	vst v0  }
0x13d: {  	[tilespmem:$0x17A8] =	vst v0  }
0x13e: {  	[tilespmem:$0x1798] =	vst v0  }
0x13f: {  	[tilespmem:$0x1788] =	vst v0  }
0x140: {  	[tilespmem:$0x1778] =	vst v0  }
0x141: {  	[tilespmem:$0x1768] =	vst v0  }
0x142: {  	[tilespmem:$0x1758] =	vst v0  }
0x143: {  	[tilespmem:$0x1748] =	vst v0  }
0x144: {  	[tilespmem:$0x1738] =	vst v0  }
0x145: {  	[tilespmem:$0x1728] =	vst v0  }
0x146: {  	[tilespmem:$0x1718] =	vst v0  }
0x147: {  	[tilespmem:$0x1708] =	vst v0  }
0x148: {  	[tilespmem:$0x16F8] =	vst v0  }
0x149: {  	[tilespmem:$0x16E8] =	vst v0  }
0x14a: {  	[tilespmem:$0x16D8] =	vst v0  }
0x14b: {  	[tilespmem:$0x16C8] =	vst v0  }
0x14c: {  	[tilespmem:$0x16B8] =	vst v0  }
0x14d: {  	[tilespmem:$0x16A8] =	vst v0  }
0x14e: {  	[tilespmem:$0x1698] =	vst v0  }
0x14f: {  	[tilespmem:$0x1688] =	vst v0  }
0x150: {  	[tilespmem:$0x1678] =	vst v0  }
0x151: {  	[tilespmem:$0x1668] =	vst v0  }
0x152: {  	[tilespmem:$0x1658] =	vst v0  }
0x153: {  	[tilespmem:$0x1648] =	vst v0  }
0x154: {  	[tilespmem:$0x1638] =	vst v0  }
0x155: {  	[tilespmem:$0x1628] =	vst v0  }
0x156: {  	[tilespmem:$0x1618] =	vst v0  }
0x157: {  	[tilespmem:$0x1608] =	vst v0  }
0x158: {  	[tilespmem:$0x15F8] =	vst v0  }
0x159: {  	[tilespmem:$0x15E8] =	vst v0  }
0x15a: {  	[tilespmem:$0x15D8] =	vst v0  }
0x15b: {  	[tilespmem:$0x15C8] =	vst v0  }
0x15c: {  	[tilespmem:$0x15B8] =	vst v0  }
0x15d: {  	[tilespmem:$0x15A8] =	vst v0  }
0x15e: {  	[tilespmem:$0x1598] =	vst v0  }
0x15f: {  	[tilespmem:$0x1588] =	vst v0  }
0x160: {  	[tilespmem:$0x1578] =	vst v0  }
0x161: {  	[tilespmem:$0x1568] =	vst v0  }
0x162: {  	[tilespmem:$0x1558] =	vst v0  }
0x163: {  	[tilespmem:$0x1548] =	vst v0  }
0x164: {  	[tilespmem:$0x1538] =	vst v0  }
0x165: {  	[tilespmem:$0x1528] =	vst v0  }
0x166: {  	[tilespmem:$0x1518] =	vst v0  }
0x167: {  	[tilespmem:$0x1508] =	vst v0  }
0x168: {  	[tilespmem:$0x14F8] =	vst v0  }
0x169: {  	[tilespmem:$0x14E8] =	vst v0  }
0x16a: {  	[tilespmem:$0x14D8] =	vst v0  }
0x16b: {  	[tilespmem:$0x14C8] =	vst v0  }
0x16c: {  	[tilespmem:$0x14B8] =	vst v0  }
0x16d: {  	[tilespmem:$0x14A8] =	vst v0  }
0x16e: {  	[tilespmem:$0x1498] =	vst v0  }
0x16f: {  	[tilespmem:$0x1488] =	vst v0  }
0x170: {  	[tilespmem:$0x1478] =	vst v0  }
0x171: {  	[tilespmem:$0x1468] =	vst v0  }
0x172: {  	[tilespmem:$0x1458] =	vst v0  }
0x173: {  	[tilespmem:$0x1448] =	vst v0  }
0x174: {  	[tilespmem:$0x1438] =	vst v0  }
0x175: {  	[tilespmem:$0x1428] =	vst v0  }
0x176: {  	[tilespmem:$0x1418] =	vst v0  }
0x177: {  	[tilespmem:$0x1408] =	vst v0  }
0x178: {  	[tilespmem:$0x13F8] =	vst v0  }
0x179: {  	[tilespmem:$0x13E8] =	vst v0  }
0x17a: {  	[tilespmem:$0x13D8] =	vst v0  }
0x17b: {  	[tilespmem:$0x13C8] =	vst v0  }
0x17c: {  	[tilespmem:$0x13B8] =	vst v0  }
0x17d: {  	[tilespmem:$0x13A8] =	vst v0  }
0x17e: {  	[tilespmem:$0x1398] =	vst v0  }
0x17f: {  	[tilespmem:$0x1388] =	vst v0  }
0x180: {  	[tilespmem:$0x1378] =	vst v0  }
0x181: {  	[tilespmem:$0x1368] =	vst v0  }
0x182: {  	[tilespmem:$0x1358] =	vst v0  }
0x183: {  	[tilespmem:$0x1348] =	vst v0  }
0x184: {  	[tilespmem:$0x1338] =	vst v0  }
0x185: {  	[tilespmem:$0x1328] =	vst v0  }
0x186: {  	[tilespmem:$0x1318] =	vst v0  }
0x187: {  	[tilespmem:$0x1308] =	vst v0  }
0x188: {  	[tilespmem:$0x12F8] =	vst v0  }
0x189: {  	[tilespmem:$0x12E8] =	vst v0  }
0x18a: {  	[tilespmem:$0x12D8] =	vst v0  }
0x18b: {  	[tilespmem:$0x12C8] =	vst v0  }
0x18c: {  	[tilespmem:$0x12B8] =	vst v0  }
0x18d: {  	[tilespmem:$0x12A8] =	vst v0  }
0x18e: {  	[tilespmem:$0x1298] =	vst v0  }
0x18f: {  	[tilespmem:$0x1288] =	vst v0  }
0x190: {  	[tilespmem:$0x1278] =	vst v0  }
0x191: {  	[tilespmem:$0x1268] =	vst v0  }
0x192: {  	[tilespmem:$0x1258] =	vst v0  }
0x193: {  	[tilespmem:$0x1248] =	vst v0  }
0x194: {  	[tilespmem:$0x1238] =	vst v0  }
0x195: {  	[tilespmem:$0x1228] =	vst v0  }
0x196: {  	[tilespmem:$0x1218] =	vst v0  }
0x197: {  	[tilespmem:$0x1208] =	vst v0  }
0x198: {  	[tilespmem:$0x11F8] =	vst v0  }
0x199: {  	[tilespmem:$0x11E8] =	vst v0  }
0x19a: {  	[tilespmem:$0x11D8] =	vst v0  }
0x19b: {  	[tilespmem:$0x11C8] =	vst v0  }
0x19c: {  	[tilespmem:$0x11B8] =	vst v0  }
0x19d: {  	[tilespmem:$0x11A8] =	vst v0  }
0x19e: {  	[tilespmem:$0x1198] =	vst v0  }
0x19f: {  	[tilespmem:$0x1188] =	vst v0  }
0x1a0: {  	[tilespmem:$0x1178] =	vst v0  }
0x1a1: {  	[tilespmem:$0x1168] =	vst v0  }
0x1a2: {  	[tilespmem:$0x1158] =	vst v0  }
0x1a3: {  	[tilespmem:$0x1148] =	vst v0  }
0x1a4: {  	[tilespmem:$0x1138] =	vst v0  }
0x1a5: {  	[tilespmem:$0x1128] =	vst v0  }
0x1a6: {  	[tilespmem:$0x1118] =	vst v0  }
0x1a7: {  	s4 =	stileid.u32;
	[tilespmem:$0x1108] =	vst v0  }
0x1a8: {  	s0 =	smul.u32 $0x17, s4;
	[tilespmem:$0x10F8] =	vst v0  }
0x1a9: {  	s1 =	smin.u32 s4, $0x3;
	[tilespmem:$0x10C8] =	vst v0  }
0x1aa: {  	[tilespmem:$0x10D8] =	vst v0;
	s0 =	sadd.s32 s1, s0  }
0x1ab: {  	p0 =	slt.u32 s4, $0x3;
	[tilespmem:$0x10B8] =	vst v0;
	s1 =	simm.s32 $0x2880;
	s6 =	smul.u32 $0x1B0, s0  }
0x1ac: {  	s1 =	simm.s32 @!p0 $0x26D0;
	[tilespmem:$0x1038] =	vst v0  }
0x1ad: {  	[tilespmem:$0x10A8] =	vst v0;
	s0 =	sadd.s32 s1, s6  }
0x1ae: {  	s3 =	simm.s32 $0x2;
	s8 =	simm.s32 $0x9;
	[tilespmem:$0x1098] =	vst v0;
	s7 =	smin.u32 s0, $0x27100  }
0x1af: {  	s10 =	simm.s32 $0xA;
	s30 =	simm.s32 $0xB;
	[tilespmem:$0x1088] =	vst v0;
	s0 =	ssub.s32 s7, s6  }
0x1b0: {  	s16 =	simm.s32 $0x0;
	p4 =	por $0x0, $0x0;
	[tilespmem:$0x1078] =	vst v0;
	p0 =	sgt.s32 s0, $0x0  }
0x1b1: {  	s17 =	simm.s32 $0xC;
	s21 =	simm.s32 $0x0;
	[tilespmem:$0x1058] =	vst v0;
	s0 =	simm.s32 @!p0 $0x0  }
0x1b2: {  	s18 =	simm.s32 $0x0;
	s2 =	sand.u32 $0x1, s2;
	[tilespmem:$0x1048] =	vst v0;
	s29 =	smulhi.u32 $0x4BDA12F7, s0  }
0x1b3: {  	s20 =	simm.s32 $0x0;
	s31 =	sshll.u32 s4, $0x5;
	[tilespmem:$0x1018] =	vst v0;
	[dreg:$0x5] =	wrdreg s2  }
0x1b4: {  	s2 =	smul.u32 $0x4E20, s2;
	[tilespmem:$0x1008] =	vst v0;
	[sflag:s3] =	ssyncpa.u1 $0x0;
	s1 =	sshrl.u32 s29, $0x7  }
0x1b5: {  	v0 =	vimm.s32 $0xFFFFFFFF;
	s3 =	sadd.s32 $0x27A00, s11;
	[dreg:$0x4] =	wrdreg s31;
	s5 =	smul.u32 $0x1B0, s1  }
.Ltmp0:
0x1b6: {  	[tilespmem:$0x3648] =	vst v0;
	[sflag:s8] =	ssyncpa.u1 $0x0;
	s2 =	sadd.s32 s2, s11;
	(pc) =	sbr.rel .LBB2_1-.Ltmp0, $4  }
0x1b7: {  	[sflag:s10] =	ssyncpa.u1 $0x0;
	s11 =	sadd.s32 $0x234EC00, s11;
	p0 =	sne.s32 s0, s5  }
0x1b8: {  	[sflag:s30] =	ssyncpa.u1 $0x0;
	s14 =	sadd.s32 $0x58A00, s2;
	s12 =	simm.s32 @!p0 $0x0  }
0x1b9: {  	s15 =	sadd.s32 $0x4EC00, s2;
	s19 =	smov.u32 s6;
	s12 =	sadd.s32 s12, s1  }
0x1ba: {  	v0 =	vlaneseq.u32;
	[dreg:$0x6] =	wrdreg s6;
	p0 =	por $0x1, $0x1;
	s4 =	sadd.s32 $0x1, s12  }
.LBB2_18:
0x1bb: {  	s0 =	simm.s32 $0x2  }
0x1bc: {  	_ =	swait.ge [sflag:s0], $0x0  }
0x1bd: {  	[sflag:s0] =	ssyncset.done $0x0;
	s0 =	simm.s32 $0x0  }
.LBB2_19:
0x1be: {  	_ =	swait.ge [sflag:s17], s0  }
0x1bf: {  	s31 =	ssub.s32 $0x0, s0;
	v1 =	vmov s23;
	vm0 =	veq.s32 v0, $0x0;
	[sflag:s17] =	ssyncset.done $0x0  }
0x1c0: {  	vm15 =	veq.s32 v0, $0x2;
	v1 =	vsel vm0, s28, v1;
	[sflag:s17] =	ssyncadd.s32 s31  }
0x1c1: {  	v1 =	vsel vm15, s21, v1;
	[sflag:s17] =	ssyncpa.u1 $0x1  }
0x1c2: {  	[tilespmem:$0x3648] =	vst v1  }
.LBB2_20:
0x1c3: {  	s0 =	sadd.s32 $0x1B0, s19  }
0x1c4: {  	s1 =	smov.u32 s6;
	p1 =	slt.s32 s0, s7  }
0x1c5: {  	s1 =	smov.u32 @p1 s0;
	p1 =	sne.s32 s20, s4  }
.Ltmp1:
0x1c6: {  	_ = 	snop;
	(pc) =	sbr.rel @!p1 .LBB2_21-.Ltmp1, $4  }
0x1c7: {  	_ = 	snop  }
0x1c8: {  	s21 =	smov.u32 s18  }
0x1c9: {  	s31 =	sadd.s32 $0x1, s20;
	s18 =	smov.u32 s19;
	p0 =	por !p0, !p0  }
0x1ca: {  	p4 =	por !p4, !p4;
	s20 =	smov.u32 s31;
	s19 =	smov.u32 s1  }
.LBB2_1:
0x1cb: {  	p2 =	sge.u32 s20, s12  }
0x1cc: {  	s0 =	smulhi.u32 @!p2 $0xAAAAAAAB, s20  }
0x1cd: {  	s1 =	smov.u32 s19;
	p3 =	sgt.s32 @!p2 s19, $0x26F50  }
0x1ce: {  	s2 =	sshra.s32 @!p2 s19, $0x1F;
	p3 =	por !p3, p2;
	s0 =	sshrl.u32 @!p2 s0, $0x1  }
0x1cf: {  	s2 =	sand.u32 @!p2 s2, s19;
	s1 =	simm.s32 @p3 $0x26F50;
	s0 =	smul.u32 @!p2 $0x3, s0  }
0x1d0: {  	s1 =	ssub.s32 @!p2 s1, s2  }
0x1d1: {  	s23 =	sadd.s32 $0xFFFFFFFF, s20;
	s1 =	sadd.s32 @!p2 $0xFFFD90B0, s1;
	s0 =	ssub.s32 @!p2 s20, s0  }
0x1d2: {  	s2 =	sshll.u32 @!p2 s1, $0x2;
	p3 =	sgt.s32 @!p2 s1, $0x1AF;
	s0 =	smul.u32 @!p2 $0x6C0, s0  }
0x1d3: {  	s5 =	sand.u32 @!p2 $0x7, s19;
	s1 =	ssub.s32 @!p2 $0x6C0, s2;
	p3 =	por !p3, p2  }
0x1d4: {  	s2 =	sshrl.u32 @!p2 s19, $0x3;
	s1 =	sshrl.u32 @!p2 s1, $0x2;
	s0 =	sshrl.u32 @!p2 s0, $0x2  }
0x1d5: {  	s2 =	sadd.s32 @!p2 s2, s14;
	s1 =	simm.s32 @!p3 $0x0;
	s0 =	sadd.s32 @!p2 $0x3888, s0  }
0x1d6: {  	[tilespmem:s0], [sflag:$0xA] =	stream.linear.gather @!p2 [hbm4b:s2+s5], s1, $0x38;
	[tilespmem:$0x1F0F8] =	vst v63  }
0x1d7: {  	p2 =	sge.u32 s23, s12  }
0x1d8: {  	p3 =	sgt.s32 @!p2 s18, $0x26F50  }
0x1d9: {  	s0 =	smov.u32 s18;
	s1 =	sshra.s32 @!p2 s18, $0x1F;
	p3 =	por !p3, p2  }
0x1da: {  	s1 =	sand.u32 @!p2 s1, s18;
	s0 =	simm.s32 @p3 $0x26F50  }
0x1db: {  	s0 =	ssub.s32 @!p2 s0, s1  }
0x1dc: {  	s0 =	sadd.s32 @!p2 $0xFFFD90B0, s0  }
0x1dd: {  	s1 =	sshll.u32 @!p2 s0, $0x2  }
0x1de: {  	p3 =	sgt.s32 @!p2 s0, $0x1AF;
	s0 =	ssub.s32 @!p2 $0x6C0, s1  }
0x1df: {  	s22 =	ssub.s32 @!p2 $0x27100, s18;
	p3 =	por !p3, p2;
	s0 =	sshrl.u32 @!p2 s0, $0x2  }
0x1e0: {  	s1 =	sand.u32 @!p2 $0x1, s23;
	s0 =	simm.s32 @!p3 $0x0;
	p3 =	slt.s32 @!p2 s22, $0x1  }
0x1e1: {  	s2 =	simm.s32 @!p2 $0xA;
	s1 =	smul.u32 @!p2 $0x6C0, s1;
	p3 =	por p2, p3  }
.Ltmp2:
0x1e2: {  	_ =	swait.ge @!p2 [sflag:s2], s0;
	(pc) =	sbr.rel @p3 .LBB2_7-.Ltmp2, $4  }
0x1e3: {  	s5 =	ssub.s32 @!p2 $0x0, s0;
	[sflag:s2] =	ssyncset.done @!p2 $0x0  }
0x1e4: {  	s1 =	sshrl.u32 @!p2 s1, $0x2;
	[sflag:s2] =	ssyncadd.s32 @!p2 s5;
	s2 =	sshrl.u32 @!p2 s18, $0x3  }
0x1e5: {  	s1 =	sadd.s32 @!p2 $0x3D98, s1;
	s5 =	sand.u32 @!p2 $0x7, s18;
	s2 =	sadd.s32 @!p2 s2, s15  }
0x1e6: {  	[tilespmem:s1], [sflag:$0xB] =	stream.linear.gather @!p2 [hbm4b:s2+s5], s0, $0x38;
	[tilespmem:$0x1F0F8] =	vst v63  }
0x1e7: {  	s0 =	smulhi.u32 $0xAAAAAAAB, s23;
	_ =	sdelay $0x1  }
0x1e8: {  	s0 =	sshrl.u32 s0, $0x1  }
0x1e9: {  	s0 =	smul.u32 $0x3, s0;
	_ =	sdelay $0x1  }
0x1ea: {  	s0 =	ssub.s32 s23, s0  }
0x1eb: {  	s1 =	simm.s32 $0x1;
	s0 =	smul.u32 $0x6C0, s0  }
.Ltmp3:
0x1ec: {  	s1 =	simm.s32 @!p0 $0x0;
	(pc) =	sbr.rel .LBB2_4-.Ltmp3, $4  }
0x1ed: {  	s1 =	smul.u32 $0x36000, s1  }
0x1ee: {  	p3 =	slt.s32 @!p2 s22, $0x1B0;
	s0 =	sshrl.u32 s0, $0x2  }
0x1ef: {  	p2 =	por !p3, p2;
	s1 =	sshrl.u32 s1, $0x2;
	s0 =	sadd.s32 $0x3888, s0  }
0x1f0: {  	s24 =	simm.s32 $0x0;
	s22 =	simm.s32 @p2 $0x1B0;
	s23 =	sadd.s32 $0x40F8, s1;
	v1 =	vmov s0  }
.LBB2_3:
0x1f1: {  	p2 =	sge.s32 s24, s22  }
.Ltmp4:
0x1f2: {  	_ = 	snop;
	(pc) =	sbr.rel @p2 .LBB2_7-.Ltmp4, $2  }
0x1f3: {  	_ =	sdelay $0x2  }
0x1f4: {  	s23 =	sadd.s32 $0x800, s23  }
.LBB2_4:
0x1f5: {  	p2 =	sle.s32 s22, s24  }
.Ltmp5:
0x1f6: {  	_ = 	snop;
	(pc) =	sbr.rel @p2 .LBB2_3-.Ltmp5, $2  }
0x1f7: {  	_ =	sdelay $0x2  }
0x1f8: {  	s0 =	smov.u32 s24;
	s24 =	sadd.s32 $0x10, s24  }
0x1f9: {  	s1 =	ssub.s32 s22, s0  }
0x1fa: {  	p2 =	slt.s32 s1, $0x10  }
0x1fb: {  	s1 =	simm.s32 @!p2 $0x10  }
0x1fc: {  	v2 =	vmov s1  }
0x1fd: {  	vm0 =	vgt.s32 v2, v0;
	_ =	sdelay $0x5  }
0x1fe: {  	v2 =	vld.idx.msk [tilespmem:v1+s0+$0x0 ss:$0x1], vm0;
	_ =	sdelay $0x2  }
0x1ff: {  	p2 =	slt.s32 s24, s22;
	s1 =	smov.u32 s22  }
0x200: {  	s2 =	smov.u32 s23;
	s25 =	simm.s32 $0x0;
	s1 =	smov.u32 @p2 s24  }
.LBB2_6:
0x201: {  	(v2sf) =	vpush v2, s25;
	_ =	sdelay $0xc  }
0x202: {  	s25 =	sadd.s32 $0x1, s25  }
0x203: {  	s31 =	sadd.s32 s25, s0  }
0x204: {  	p2 =	slt.s32 s31, s1;
	s5 =	spop (v2sf)  }
.Ltmp6:
0x205: {  	s5 =	sshll.u32 s5, $0x4;
	(pc) =	sbr.rel @p2 .LBB2_6-.Ltmp6, $4  }
0x206: {  	s5 =	sand.u32 $0x1FFFFFF0, s5  }
0x207: {  	s5 =	sadd.s32 s11, s5  }
0x208: {  	[tilespmem:s2], [sflag:$0x9] =	stream.linear.gather [hbm4b:s5+s16], $0x4, $0x38;
	[tilespmem:$0x1F0F8] =	vst v63  }
0x209: {  	s2 =	sadd.s32 $0x80, s2  }
.Ltmp7:
0x20a: {  	_ = 	snop;
	(pc) =	sbr.rel .LBB2_3-.Ltmp7, $1  }
0x20b: {  	_ =	sdelay $0x3  }
.LBB2_7:
0x20c: {  	p2 =	slt.u32 s20, $0x2  }
.Ltmp8:
0x20d: {  	_ = 	snop;
	(pc) =	sbr.rel @p2 .LBB2_20-.Ltmp8, $1  }
0x20e: {  	_ =	sdelay $0x3  }
0x20f: {  	p2 =	sgt.s32 s21, $0x26F50  }
0x210: {  	s0 =	smov.u32 s21;
	s1 =	sshra.s32 s21, $0x1F;
	s2 =	ssub.s32 $0x27100, s21  }
0x211: {  	s0 =	simm.s32 @!p2 $0x26F50;
	s1 =	sand.u32 s1, s21;
	p2 =	slt.s32 s2, $0x1B0  }
0x212: {  	s0 =	ssub.s32 s0, s1;
	s2 =	simm.s32 @!p2 $0x1B0  }
0x213: {  	s0 =	sadd.s32 $0xFFFD90B0, s0;
	s24 =	sshll.u32 s2, $0x2  }
0x214: {  	s28 =	simm.s32 $0x9;
	s25 =	sshll.u32 s0, $0x2;
	s1 =	sand.u32 $0x3FFFFFFC, s24  }
0x215: {  	p2 =	sgt.s32 s0, $0x1AF;
	s26 =	ssub.s32 $0x6C0, s25;
	_ =	swait.ge [sflag:s28], s1  }
0x216: {  	s1 =	ssub.s32 $0x0, s1;
	[sflag:s28] =	ssyncset.done $0x0;
	s0 =	sshrl.u32 s26, $0x2  }
0x217: {  	s30 =	simm.s32 $0xB;
	[sflag:s28] =	ssyncadd.s32 s1;
	s0 =	simm.s32 @p2 $0x0  }
0x218: {  	_ =	swait.ge [sflag:s30], s0  }
0x219: {  	s0 =	ssub.s32 $0x0, s0;
	[sflag:s30] =	ssyncset.done $0x0  }
0x21a: {  	[sflag:s30] =	ssyncadd.s32 s0  }
0x21b: {  	v1 =	vld [tilespmem:$0x3648];
	_ =	sdelay $0x4  }
0x21c: {  	(v2sf) =	vpush v1, $0x0  }
0x21d: {  	(v2sf) =	vpush v1, $0x1  }
0x21e: {  	(v2sf) =	vpush v1, $0x2;
	_ =	sdelay $0x3  }
0x21f: {  	s0 =	sadd.s32 $0x1B0, s21  }
0x220: {  	s1 =	ssub.s32 $0x4E200, s21;
	p2 =	slt.s32 s7, s0  }
0x221: {  	s0 =	smov.u32 @p2 s7;
	p2 =	sgt.s32 s1, $0x0  }
0x222: {  	s25 =	ssub.s32 s0, s21;
	s1 =	simm.s32 @!p2 $0x0  }
0x223: {  	p2 =	slt.s32 s1, s25  }
0x224: {  	s25 =	smov.u32 @p2 s1  }
0x225: {  	s24 =	simm.s32 $0x1;
	p2 =	slt.s32 s25, $0x1  }
.Ltmp9:
0x226: {  	s24 =	simm.s32 @!p4 $0x0;
	(pc) =	sbr.rel @p2 .LBB2_12-.Ltmp9, $4  }
0x227: {  	s31 =	smul.u32 $0x6C0, s24  }
0x228: {  	s26 =	spop (v2sf)  }
0x229: {  	s0 =	sshrl.u32 s31, $0x2;
	s29 =	spop (v2sf)  }
0x22a: {  	s22 =	sadd.s32 $0x3D98, s0;
	s21 =	spop (v2sf)  }
0x22b: {  	s0 =	smin.u32 s25, $0x10  }
0x22c: {  	v1 =	vmov s0  }
0x22d: {  	p3 =	sgt.s32 s25, $0x10;
	vm1 =	vgt.u32 v1, v0  }
.Ltmp10:
0x22e: {  	_ = 	snop;
	(pc) =	sbr.rel @!p3 .LBB2_11-.Ltmp10, $2  }
0x22f: {  	_ =	sdelay $0x2  }
0x230: {  	s23 =	simm.s32 $0x10;
	s28 =	sadd.s32 $0xFFFFFFF0, s25;
	s0 =	smov.u32 s22;
	vm0 =	vmmov vm1  }
.LBB2_10:
0x231: {  	s1 =	smin.u32 s28, $0x10;
	s23 =	sadd.s32 $0x10, s23;
	v1 =	vld.msk [tilespmem:s0+$0x0 ss:$0x1], vm1  }
0x232: {  	v2 =	vmov s1;
	p3 =	slt.s32 s23, s25  }
0x233: {  	vm1 =	vgt.u32 v2, v0  }
.Ltmp11:
0x234: {  	(pc) =	sbr.rel @p3 .LBB2_10-.Ltmp11, $3  }
0x235: {  	_ =	sdelay $0x1  }
0x236: {  	v1 =	vshll.u32 v1, $0x4  }
0x237: {  	s28 =	sadd.s32 $0xFFFFFFF0, s28;
	[tilespmem:s0+$0x0] =	vst.msk vm0, v1;
	s0 =	sadd.s32 $0x10, s0;
	vm0 =	vmmov vm1  }
.LBB2_11:
0x238: {  	_ =	sdelay $0x4  }
0x239: {  	v1 =	vld.msk [tilespmem:s0+$0x0 ss:$0x1], vm1;
	_ =	sdelay $0x4  }
0x23a: {  	v1 =	vshll.u32 v1, $0x4  }
0x23b: {  	[tilespmem:s0+$0x0] =	vst.msk vm0, v1  }
.LBB2_12:
0x23c: {  	s0 =	sand.u32 $0x1, s20  }
0x23d: {  	s0 =	smul.u32 $0x1B0, s0  }
0x23e: {  	p3 =	sne.s32 s29, $0xFFFFFFFF  }
0x23f: {  	v1 =	vld.msk @!p3 [tilespmem:s0+$0x3D98], $0x1;
	_ =	sdelay $0x4  }
0x240: {  	(v2sf) =	vpush @!p3 v1, $0x0;
	_ =	sdelay $0xc  }
.Ltmp12:
0x241: {  	_ = 	snop;
	(pc) =	sbr.rel @p2 .LBB2_18-.Ltmp12, $4  }
0x242: {  	_ = 	snop  }
0x243: {  	s28 =	spop @!p3 (v2sf)  }
0x244: {  	s21 =	simm.s32 @!p3 $0x0;
	s23 =	smov.u32 s28  }
0x245: {  	[sflag:s17] =	ssyncpa.u1 $0x0;
	s28 =	smov.u32 @p3 s26;
	s23 =	smov.u32 @p3 s29  }
0x246: {  	v1 =	vld.msk [tilespmem:s22+$0x0], $0x1;
	_ =	sdelay $0x4  }
0x247: {  	(v2sf) =	vpush v1, $0x0;
	_ =	sdelay $0xe  }
0x248: {  	s0 =	simm.s32 @!p4 $0x0;
	s26 =	smul.u32 $0x36000, s24;
	s31 =	spop (v2sf)  }
0x249: {  	s29 =	ssub.s32 $0x0, s25;
	s0 =	simm.s32 @p4 $0x1;
	p2 =	seq.s32 s28, s31  }
0x24a: {  	s1 =	smov.u32 s28;
	[smem:$0x7FD] =	sst s0;
	p3 =	sgt.s32 @!p2 s28, $0x0  }
0x24b: {  	s0 =	sshrl.u32 s26, $0x2;
	s26 =	sadd.s32 $0x1, s29;
	p3 =	por !p3, p2  }
0x24c: {  	s1 =	simm.s32 @p3 $0x0;
	p3 =	seq.s32 s26, $0x0  }
.Ltmp13:
0x24d: {  	_ = 	snop;
	(pc) =	sbr.rel @p3 .LBB2_15-.Ltmp13, $4  }
0x24e: {  	s6 =	smov.u32 s4;
	s25 =	simm.s32 $0x0  }
0x24f: {  	s24 =	sadd.s32 $0x40F8, s0;
	s0 =	simm.s32 @!p2 $0x1;
	s2 =	smin.u32 @!p2 s1, $0x270FF  }
0x250: {  	s30 =	sadd.s32 $0x1, s22;
	s0 =	smov.u32 @p2 s25;
	s5 =	sand.u32 @!p2 $0x3FFF8, s2  }
0x251: {  	s1 =	simm.s32 @!p2 $0x1B38;
	s2 =	sand.u32 @!p2 $0x7, s2;
	s5 =	sadd.s32 @!p2 s3, s5  }
.LBB2_14:
0x252: {  	s4 =	smov.u32 s0  }
0x253: {  	[tilespmem:s1], [sflag:$0x2] =	stream.linear.gather @!p2 [hbm4b:s5+s2], $0x4, $0x38;
	[tilespmem:$0x1F0F8] =	vst v63  }
0x254: {  	s26 =	sadd.s32 $0x1, s26;
	s2 =	smov.u32 s31;
	v1 =	vld.msk [tilespmem:s30+$0x0], $0x1  }
0x255: {  	p3 =	seq.s32 s26, $0x0;
	_ =	sdelay $0x3  }
0x256: {  	(v2sf) =	vpush v1, $0x0;
	_ =	sdelay $0xe  }
0x257: {  	s31 =	spop (v2sf)  }
0x258: {  	p2 =	seq.s32 s2, s31  }
0x259: {  	p4 =	sgt.s32 @!p2 s2, $0x0;
	s1 =	sshll.u32 @!p2 s0, $0x6;
	s0 =	sadd.s32 @!p2 $0x1, s0  }
.Ltmp14:
0x25a: {  	p4 =	por !p4, p2;
	s1 =	sshra.s32 @!p2 s1, $0x2;
	(pc) =	sbr.rel @!p3 .LBB2_14-.Ltmp14, $4  }
0x25b: {  	s0 =	smov.u32 @p2 s4;
	s2 =	simm.s32 @p4 $0x0;
	s1 =	sadd.s32 @!p2 $0x1B38, s1  }
0x25c: {  	s2 =	smin.u32 @!p2 s2, $0x270FF  }
0x25d: {  	s4 =	sand.u32 @!p2 $0x3FFF8, s2;
	s2 =	sand.u32 @!p2 $0x7, s2  }
0x25e: {  	s30 =	sadd.s32 $0x1, s30;
	s5 =	sadd.s32 @!p2 s3, s4  }
.LBB2_15:
0x25f: {  	[tilespmem:s1], [sflag:$0x2] =	stream.linear.gather @!p2 [hbm4b:s5+s2], $0x4, $0x38;
	[tilespmem:$0x1F0F8] =	vst v63  }
0x260: {  	s0 =	sshll.u32 s0, $0x2  }
0x261: {  	s31 =	simm.s32 $0x2;
	s0 =	sand.u32 $0x3FFFFFFC, s0  }
0x262: {  	_ =	swait.ge [sflag:s31], s0  }
0x263: {  	s0 =	ssub.s32 $0x0, s0;
	[sflag:s31] =	ssyncset.done $0x0  }
0x264: {  	[sflag:s31] =	ssyncadd.s32 s0  }
0x265: {  	v1 =	vld.msk [tilespmem:s22+$0x0], $0x1;
	_ =	sdelay $0x4  }
0x266: {  	(v2sf) =	vpush v1, $0x0;
	_ =	sdelay $0xe  }
0x267: {  	s26 =	spop (v2sf)  }
0x268: {  	p2 =	sne.s32 s28, s26  }
0x269: {  	p4 =	sne.s32 @p2 s28, s23  }
0x26a: {  	p3 =	por !p4, !p2  }
0x26b: {  	s0 =	simm.s32 @!p3 $0x0  }
0x26c: {  	v1 =	vld.msk @!p3 [tilespmem:s0+$0x1B38], $0xf  }
0x26d: {  	p5 =	sgt.u32 @!p3 s28, $0x270FF  }
0x26e: {  	s1 =	sshll.u32 @!p3 s21, $0x6;
	p6 =	por @p2 p5, !p4  }
0x26f: {  	s1 =	sshra.s32 @!p3 s1, $0x2;
	p1 =	por p6, !p2;
	p6 =	por p4, !p2  }
0x270: {  	s2 =	sadd.s32 @!p3 $0x28, s1;
	s4 =	sand.u32 @!p1 $0x3FFF8, s28;
	s5 =	sshll.u32 @!p6 s21, $0x6  }
0x271: {  	s28 =	sand.u32 @!p1 $0x7, s28;
	[tilespmem:s1+$0x28] =	vst.add.f32.msk @!p3 $0xf, v1;
	s1 =	sadd.s32 @!p1 s3, s4;
	s4 =	sshra.s32 @!p6 s5, $0x2  }
0x272: {  	[hbm4b:s1+s28] =	stream.linear.scatter @!p1 [tilespmem:s2], [sflag:$0xC], $0x4, $0x38;
	[tilespmem:$0x1F0F8] =	vst v63  }
0x273: {  	s0 =	rddreg [dreg:$0x4];
	s1 =	sadd.s32 @!p6 $0x28, s4;
	s2 =	simm.s32 @!p6 $0x1  }
0x274: {  	[spmem:s0] =	stream.linear.scatter @!p6 [tilespmem:s1], [sflag:$0x1], $0x4, $0x38;
	[tilespmem:$0x1F0F8] =	vst v63  }
0x275: {  	s0 =	sadd.s32 @p2 $0x1, s21;
	_ =	swait.ge @!p6 [sflag:s2], $0x4  }
0x276: {  	s1 =	sshrl.u32 @p2 s0, $0x4;
	[sflag:s2] =	ssyncset.done @!p6 $0x0  }
0x277: {  	s1 =	smulhi.u32 @p2 $0x97B425F, s1;
	[sflag:s2] =	ssyncadd.s32 @!p6 $0xFFFFFFFC  }
0x278: {  	s28 =	sadd.s32 $0x1, s29;
	v1 =	vld.msk @p2 [tilespmem:s24+$0x0], $0xf  }
0x279: {  	p1 =	por @p2 !p5, !p4;
	p4 =	seq.s32 s28, $0x0;
	s1 =	smul.u32 @p2 $0x1B0, s1  }
.Ltmp15:
0x27a: {  	p1 =	por !p1, !p2;
	s2 =	simm.s32 @!p3 $0x0;
	(pc) =	sbr.rel @p4 .LBB2_17-.Ltmp15, $4  }
0x27b: {  	s4 =	sshll.u32 @!p2 s21, $0x6;
	s2 =	simm.s32 @!p1 $0x10;
	s0 =	ssub.s32 @p2 s0, s1  }
0x27c: {  	s29 =	simm.s32 $0x0;
	s2 =	sadd.s32 @!p3 $0x0, s2;
	s5 =	sshll.u32 @p2 s0, $0x4  }
0x27d: {  	s30 =	sshra.s32 @!p2 s4, $0x2;
	s1 =	simm.s32 @p2 $0x1;
	s2 =	smov.u32 @p3 s25;
	[tilespmem:s5+$0x28] =	vst.msk @p2 $0xf, v1  }
0x27e: {  	s21 =	smov.u32 @p2 s0;
	s29 =	smov.u32 @p2 s2;
	s25 =	smov.u32 @p2 s1;
	v1 =	vld.msk @!p2 [tilespmem:s24+$0x0], $0xf  }
.LBB2_16:
0x27f: {  	_ =	sdelay $0x3  }
0x280: {  	s22 =	sadd.s32 $0x1, s22;
	[tilespmem:s30+$0x28] =	vst.add.f32.msk @!p2 $0xf, v1  }
0x281: {  	v1 =	vld.msk [tilespmem:s22+$0x0], $0x1;
	_ =	sdelay $0x4  }
0x282: {  	(v2sf) =	vpush v1, $0x0;
	_ =	sdelay $0xe  }
0x283: {  	s0 =	smov.u32 s26;
	s26 =	spop (v2sf)  }
0x284: {  	p2 =	sne.s32 s0, s26  }
0x285: {  	p5 =	sne.s32 @p2 s0, s23  }
0x286: {  	s4 =	sshll.u32 @!p2 s21, $0x6;
	p4 =	por !p5, !p2  }
0x287: {  	s30 =	sshra.s32 @!p2 s4, $0x2;
	s4 =	sshll.u32 @!p4 s25, $0x6  }
0x288: {  	s4 =	sshra.s32 @!p4 s4, $0x2  }
0x289: {  	p1 =	sgt.u32 @!p4 s0, $0x270FF;
	v1 =	vld.msk @!p4 [tilespmem:s4+$0x1B38], $0xf  }
0x28a: {  	s31 =	sshll.u32 @!p4 s21, $0x6;
	p6 =	por @p2 p1, !p5;
	p1 =	por @p2 !p1, !p5  }
0x28b: {  	s8 =	simm.s32 @!p4 $0x0;
	s31 =	sshra.s32 @!p4 s31, $0x2;
	p1 =	por !p1, !p2  }
0x28c: {  	p5 =	por p5, !p2;
	s8 =	simm.s32 @!p1 $0x10;
	p1 =	por p6, !p2  }
0x28d: {  	s4 =	sadd.s32 @!p4 $0x28, s31;
	s13 =	sshll.u32 @!p5 s21, $0x6;
	s10 =	sand.u32 @!p1 $0x3FFF8, s0  }
0x28e: {  	s13 =	sshra.s32 @!p5 s13, $0x2;
	s0 =	sand.u32 @!p1 $0x7, s0;
	s10 =	sadd.s32 @!p1 s3, s10;
	[tilespmem:s31+$0x28] =	vst.add.f32.msk @!p4 $0xf, v1  }
0x28f: {  	[hbm4b:s10+s0] =	stream.linear.scatter @!p1 [tilespmem:s4], [sflag:$0xC], $0x4, $0x38;
	[tilespmem:$0x1F0F8] =	vst v63  }
0x290: {  	s1 =	rddreg [dreg:$0x4];
	s0 =	sadd.s32 @!p5 $0x28, s13;
	s4 =	simm.s32 @!p5 $0x1  }
0x291: {  	[spmem:s1] =	stream.linear.scatter @!p5 [tilespmem:s0], [sflag:$0x1], $0x4, $0x38;
	[tilespmem:$0x1F0F8] =	vst v63  }
0x292: {  	s2 =	sadd.s32 @p2 $0x1, s21;
	_ =	swait.ge @!p5 [sflag:s4], $0x4  }
0x293: {  	s5 =	sshrl.u32 @p2 s2, $0x4;
	[sflag:s4] =	ssyncset.done @!p5 $0x0  }
0x294: {  	s24 =	sadd.s32 $0x80, s24;
	s5 =	smulhi.u32 @p2 $0x97B425F, s5;
	[sflag:s4] =	ssyncadd.s32 @!p5 $0xFFFFFFFC  }
0x295: {  	s28 =	sadd.s32 $0x1, s28;
	v1 =	vld.msk @p2 [tilespmem:s24+$0x0], $0xf  }
0x296: {  	p3 =	seq.s32 s28, $0x0;
	s5 =	smul.u32 @p2 $0x1B0, s5  }
.Ltmp16:
0x297: {  	_ = 	snop;
	(pc) =	sbr.rel @!p3 .LBB2_16-.Ltmp16, $4  }
0x298: {  	s2 =	ssub.s32 @p2 s2, s5  }
0x299: {  	s8 =	sadd.s32 @!p4 s8, s29;
	s5 =	sshll.u32 @p2 s2, $0x4  }
0x29a: {  	s9 =	sadd.s32 @p2 $0x1, s25;
	s8 =	smov.u32 @p4 s29;
	[tilespmem:s5+$0x28] =	vst.msk @p2 $0xf, v1  }
0x29b: {  	s25 =	smov.u32 @p2 s9;
	s21 =	smov.u32 @p2 s2;
	s29 =	smov.u32 @p2 s8;
	v1 =	vld.msk @!p2 [tilespmem:s24+$0x0], $0xf  }
.LBB2_17:
.Ltmp17:
0x29c: {  	_ = 	snop;
	(pc) =	sbr.rel .LBB2_19-.Ltmp17, $3  }
0x29d: {  	s1 =	sld [smem:$0x7FD];
	_ =	sdelay $0x1  }
0x29e: {  	s0 =	sshrl.u32 s29, $0x2;
	s28 =	smov.u32 s26  }
0x29f: {  	s4 =	smov.u32 s6;
	s6 =	rddreg [dreg:$0x6];
	p4 =	seq.s32 s1, $0x1;
	[tilespmem:s30+$0x28] =	vst.add.f32.msk @!p2 $0xf, v1  }
.LBB2_21:
0x2a0: {  	_ =	sfence.sel $0x180000  }
0x2a1: {  	s0 =	simm.s32 $0x9;
	[bflag:$0x0] =	sbarrier.arrive $0xFFFF  }
0x2a2: {  	s24 =	simm.s32 $0xA;
	[sflag:s0] =	ssyncpa.u1 $0x1  }
0x2a3: {  	s25 =	simm.s32 $0xB;
	[sflag:s24] =	ssyncpa.u1 $0x1  }
0x2a4: {  	s26 =	simm.s32 $0x2;
	[sflag:s25] =	ssyncpa.u1 $0x1  }
0x2a5: {  	[sflag:s26] =	ssyncpa.u1 $0x1  }
0x2a6: {  	v0 =	vld [tilespmem:$0x3648];
	_ =	sdelay $0x4  }
0x2a7: {  	(v2sf) =	vpush v0, $0x0  }
0x2a8: {  	(v2sf) =	vpush v0, $0x1;
	_ =	sdelay $0x1  }
0x2a9: {  	(v2sf) =	vpush v0, $0x2;
	_ =	sdelay $0xb  }
0x2aa: {  	s0 =	spop (v2sf)  }
0x2ab: {  	s1 =	spop (v2sf)  }
0x2ac: {  	s2 =	smov.u32 s0;
	p0 =	sne.s32 s0, s1  }
0x2ad: {  	s4 =	spop (v2sf);
	s2 =	simm.s32 @!p0 $0xFFFFFFFF  }
0x2ae: {  	v2 =	vimm.s32 $0x1;
	v3 =	vlaneseq.u32;
	p0 =	seq.s32 s4, $0xFFFFFFFF;
	v1 =	vmov s2  }
0x2af: {  	s16 =	stileid.u32;
	v0 =	vperm.xlane v0, v2;
	p1 =	sne.s32 @!p0 s0, s1;
	v1 =	vperm.xlane v1, v3  }
0x2b0: {  	vm0 =	vcmask $0x3F04;
	s6 =	simm.s32 $0x3648;
	s0 =	simm.s32 @!p0 $0x1;
	p1 =	por !p1, p0  }
0x2b1: {  	s2 =	sshll.u32 s16, $0x1;
	s1 =	sshll.u32 @!p0 s4, $0x6;
	s0 =	simm.s32 @p1 $0x0;
	v0 =	vsel vm0, v1, v0  }
0x2b2: {  	s5 =	sor.u32 $0x200, s2;
	s1 =	sshra.s32 @!p0 s1, $0x2;
	s0 =	sor.u32 @!p0 s0, s2;
	[tilespmem:$0x3648] =	vst v0  }
0x2b3: {  	[spmem:s5] =	stream.linear.scatter [tilespmem:s6], [sflag:$0x1], $0x2, $0x38;
	[tilespmem:$0x1F0F8] =	vst v63  }
0x2b4: {  	s1 =	sadd.s32 @!p0 $0x28, s1;
	s0 =	sshll.u32 @!p0 s0, $0x4  }
0x2b5: {  	[spmem:s0] =	stream.linear.scatter @!p0 [tilespmem:s1], [sflag:$0x1], $0x10, $0x38;
	[tilespmem:$0x1F0F8] =	vst v63  }
0x2b6: {  	s0 =	simm.s32 @!p0 $0x12  }
0x2b7: {  	s28 =	simm.s32 $0x1;
	s0 =	simm.s32 @p0 $0x2  }
0x2b8: {  	_ =	swait.ge [sflag:s28], s0  }
0x2b9: {  	s0 =	ssub.s32 $0x0, s0;
	[sflag:s28] =	ssyncset.done $0x0  }
0x2ba: {  	p0 =	sne.s32 s16, $0x0;
	[sflag:s28] =	ssyncadd.s32 s0  }
.Ltmp18:
0x2bb: {  	_ =	sfence.stream.spmem;
	(pc) =	sbr.rel @p0 .LBB2_38-.Ltmp18, $4  }
0x2bc: {  	s29 =	simm.s32 $0x3;
	[bflag:$0x0] =	sbarrier.arrive $0xFFFF  }
0x2bd: {  	s30 =	simm.s32 $0x4;
	[sflag:s29] =	ssyncpa.u1 $0x1  }
0x2be: {  	s31 =	simm.s32 $0x3C;
	[sflag:s30] =	ssyncpa.u1 $0x1  }
0x2bf: {  	s17 =	rddreg [dreg:$0x5];
	[sflag:s31] =	ssyncpa.u1 $0x1  }
0x2c0: {  	_ =	sfence.stream.spmem;
	s0 =	simm.s32 $0x5  }
0x2c1: {  	s1 =	simm.s32 $0x200;
	s2 =	simm.s32 $0x3658;
	[sflag:s0] =	ssyncpa.u1 $0x0  }
0x2c2: {  	[tilespmem:s2], [sflag:$0x5] =	stream.linear.gather [spmem:s1], $0x20, $0x38;
	[tilespmem:$0x1F0F8] =	vst v63  }
0x2c3: {  	s26 =	simm.s32 $0x0;
	s28 =	simm.s32 $0x3678  }
0x2c4: {  	[tilespmem:s28], [sflag:$0x5] =	stream.linear.gather [spmem:s26], $0x200, $0x38;
	[tilespmem:$0x1F0F8] =	vst v63  }
0x2c5: {  	_ =	swait.ge [sflag:s0], $0x220  }
0x2c6: {  	[sflag:s0] =	ssyncset.done $0x0  }
0x2c7: {  	s29 =	simm.s32 $0x0;
	[sflag:s0] =	ssyncadd.s32 $0xFFFFFDE0  }
0x2c8: {  	v0 =	vld.msk [tilespmem:s29+$0x3658], $0x1;
	_ =	sdelay $0x1  }
0x2c9: {  	s30 =	simm.s32 $0x1  }
0x2ca: {  	v1 =	vld.msk [tilespmem:s30+$0x3658], $0x1;
	_ =	sdelay $0x1  }
0x2cb: {  	(v2sf) =	vpush v0, $0x0;
	_ =	sdelay $0x2  }
0x2cc: {  	(v2sf) =	vpush v1, $0x0;
	_ =	sdelay $0x2  }
0x2cd: {  	s31 =	simm.s32 $0x2  }
0x2ce: {  	v0 =	vld.msk [tilespmem:s31+$0x3658], $0x1;
	_ =	sdelay $0x2  }
0x2cf: {  	s6 =	simm.s32 $0xFFFFFFFF;
	s1 =	simm.s32 $0xFFFFFFFF;
	s0 =	simm.s32 $0xC  }
.LBB2_23:
0x2d0: {  	s2 =	smov.u32 s6;
	s4 =	smov.u32 s1  }
0x2d1: {  	s1 =	sshra.s32 s0, $0x2;
	p1 =	sne.s32 s0, $0x7C;
	s0 =	sadd.s32 $0x4, s0;
	(v2sf) =	vpush v0, $0x0  }
0x2d2: {  	v0 =	vld.msk [tilespmem:s1+$0x3658], $0x1  }
.Ltmp19:
0x2d3: {  	(pc) =	sbr.rel @p1 .LBB2_23-.Ltmp19, $4  }
0x2d4: {  	s6 =	spop (v2sf)  }
0x2d5: {  	p2 =	sne.s32 s4, $0xFFFFFFFF;
	s1 =	smov.u32 s6  }
0x2d6: {  	p3 =	seq.s32 s6, $0xFFFFFFFF;
	s1 =	smov.u32 @p2 s4  }
0x2d7: {  	s6 =	smov.u32 @p3 s2;
	s1 =	smov.u32 @p3 s4  }
0x2d8: {  	(v2sf) =	vpush v0, $0x0;
	_ =	sdelay $0x8  }
0x2d9: {  	s0 =	spop (v2sf)  }
0x2da: {  	p1 =	sne.s32 s1, $0xFFFFFFFF;
	s2 =	smov.u32 s0  }
0x2db: {  	s9 =	simm.s32 $0x6;
	p2 =	seq.s32 s0, $0xFFFFFFFF;
	s2 =	smov.u32 @p1 s1  }
0x2dc: {  	s10 =	simm.s32 $0x3638;
	s2 =	smov.u32 @p2 s1;
	s1 =	spop (v2sf)  }
0x2dd: {  	s0 =	smov.u32 @p2 s6;
	p1 =	sne.s32 s2, $0xFFFFFFFF;
	s4 =	smov.u32 s1  }
.Ltmp20:
0x2de: {  	p2 =	seq.s32 s1, $0xFFFFFFFF;
	s4 =	smov.u32 @p1 s2;
	(pc) =	sbr.rel .LBB2_25-.Ltmp20, $4  }
0x2df: {  	s11 =	simm.s32 $0x0;
	s4 =	smov.u32 @p2 s2;
	s7 =	spop (v2sf)  }
0x2e0: {  	[sflag:s9] =	ssyncpa.u1 $0x0;
	p1 =	sne.s32 s4, $0xFFFFFFFF;
	s8 =	smov.u32 s7  }
0x2e1: {  	s1 =	smov.u32 @p2 s0;
	p2 =	seq.s32 s7, $0xFFFFFFFF;
	s8 =	smov.u32 @p1 s4  }
0x2e2: {  	s6 =	simm.s32 $0x0;
	s7 =	smov.u32 @p2 s1;
	s8 =	smov.u32 @p2 s4  }
.LBB2_30:
0x2e3: {  	p1 =	sgt.u32 s12, $0x270FF  }
0x2e4: {  	p2 =	seq.s32 @!p1 s12, s8  }
0x2e5: {  	p1 =	por p1, p2  }
0x2e6: {  	p2 =	sne.s32 @!p1 s12, s7  }
0x2e7: {  	p1 =	por p1, !p2  }
0x2e8: {  	s0 =	sshll.u32 @p1 s11, $0x6  }
0x2e9: {  	s0 =	sand.u32 @!p1 $0x3FFF8, s12  }
0x2ea: {  	s1 =	sand.u32 @!p1 $0x7, s12;
	s0 =	sadd.s32 @!p1 s3, s0  }
0x2eb: {  	[tilespmem:s10], [sflag:$0x6] =	stream.linear.gather @!p1 [hbm4b:s0+s1], $0x4, $0x38;
	[tilespmem:$0x1F0F8] =	vst v63  }
0x2ec: {  	_ =	swait.ge @!p1 [sflag:s9], $0x4  }
0x2ed: {  	[sflag:s9] =	ssyncset.done @!p1 $0x0  }
0x2ee: {  	[sflag:s9] =	ssyncadd.s32 @!p1 $0xFFFFFFFC  }
0x2ef: {  	v1 =	vld @!p1 [tilespmem:$0x3638];
	_ =	sdelay $0x2  }
0x2f0: {  	s0 =	sshll.u32 @!p1 s11, $0x6  }
0x2f1: {  	s1 =	sshrl.u32 @!p1 s0, $0x2  }
0x2f2: {  	[tilespmem:s1+$0x3678] =	vst.add.f32.msk @!p1 $0xffff, v1  }
0x2f3: {  	s0 =	sshrl.u32 s0, $0x2;
	[tilespmem:s6+$0x3658] =	vst.msk $0x1, v0  }
0x2f4: {  	v0 =	vld [tilespmem:s0+$0x3678];
	_ =	sdelay $0x2  }
0x2f5: {  	s31 =	sshll.u32 s6, $0x6  }
0x2f6: {  	s0 =	sshra.s32 s31, $0x2  }
0x2f7: {  	s6 =	sadd.s32 $0x1, s6;
	[tilespmem:s0+$0x3678] =	vst v0  }
.LBB2_32:
0x2f8: {  	s11 =	sadd.s32 $0x1, s11  }
0x2f9: {  	p1 =	sne.s32 s11, $0x20  }
.Ltmp21:
0x2fa: {  	_ = 	snop;
	(pc) =	sbr.rel @!p1 .LBB2_33-.Ltmp21, $1  }
0x2fb: {  	_ =	sdelay $0x3  }
.LBB2_25:
0x2fc: {  	v0 =	vld.msk [tilespmem:s11+$0x3658], $0x1;
	_ =	sdelay $0x4  }
0x2fd: {  	(v2sf) =	vpush v0, $0x0;
	_ =	sdelay $0xe  }
0x2fe: {  	s12 =	spop (v2sf)  }
0x2ff: {  	p1 =	seq.s32 s12, $0xFFFFFFFF  }
.Ltmp22:
0x300: {  	_ = 	snop;
	(pc) =	sbr.rel @p1 .LBB2_32-.Ltmp22, $1  }
0x301: {  	_ =	sdelay $0x3  }
0x302: {  	p1 =	slt.s32 s6, $0x1  }
.Ltmp23:
0x303: {  	_ = 	snop;
	(pc) =	sbr.rel @p1 .LBB2_30-.Ltmp23, $1  }
0x304: {  	_ =	sdelay $0x3  }
0x305: {  	s13 =	simm.s32 $0x3658;
	p1 =	por $0x0, $0x0  }
0x306: {  	v1 =	vld.msk @!p1 [tilespmem:s13+$0x0], $0x1;
	_ =	sdelay $0x4  }
0x307: {  	(v2sf) =	vpush @!p1 v1, $0x0;
	_ =	sdelay $0xd  }
0x308: {  	p3 =	sne.s32 s6, $0x1  }
.Ltmp24:
0x309: {  	s0 =	spop @!p1 (v2sf);
	(pc) =	sbr.rel @!p3 .LBB2_29-.Ltmp24, $4  }
0x30a: {  	p2 =	seq.s32 @!p1 s12, s0  }
0x30b: {  	s14 =	simm.s32 $0x0;
	p2 =	por !p2, p1  }
0x30c: {  	s0 =	simm.s32 $0xFFFFFFFF;
	s14 =	simm.s32 @p2 $0xFFFFFFFF  }
0x30d: {  	s15 =	simm.s32 $0x1;
	s14 =	smov.u32 @p1 s0  }
.LBB2_28:
0x30e: {  	s0 =	smov.u32 s14;
	p1 =	sne.s32 s14, $0xFFFFFFFF  }
0x30f: {  	s13 =	sadd.s32 $0x1, s13;
	s14 =	smov.u32 s15;
	s15 =	sadd.s32 $0x1, s15  }
0x310: {  	p2 =	sne.s32 s6, s15;
	v1 =	vld.msk @!p1 [tilespmem:s13+$0x0], $0x1;
	_ =	sdelay $0x4  }
0x311: {  	(v2sf) =	vpush @!p1 v1, $0x0;
	_ =	sdelay $0xe  }
.Ltmp25:
0x312: {  	s1 =	spop @!p1 (v2sf);
	(pc) =	sbr.rel @p2 .LBB2_28-.Ltmp25, $4  }
0x313: {  	p3 =	seq.s32 @!p1 s12, s1  }
0x314: {  	p3 =	por !p3, p1  }
0x315: {  	s14 =	simm.s32 @p3 $0xFFFFFFFF  }
0x316: {  	s14 =	smov.u32 @p1 s0  }
.LBB2_29:
0x317: {  	p1 =	sne.s32 s14, $0xFFFFFFFF  }
.Ltmp26:
0x318: {  	_ = 	snop;
	(pc) =	sbr.rel @!p1 .LBB2_30-.Ltmp26, $1  }
0x319: {  	_ =	sdelay $0x3  }
0x31a: {  	s0 =	sshll.u32 s11, $0x4  }
0x31b: {  	s0 =	sand.u32 $0x3FFFFFF0, s0  }
0x31c: {  	v0 =	vld [tilespmem:s0+$0x3678]  }
.Ltmp27:
0x31d: {  	_ = 	snop;
	(pc) =	sbr.rel .LBB2_32-.Ltmp27, $4  }
0x31e: {  	_ = 	snop  }
0x31f: {  	s31 =	sshll.u32 s14, $0x6  }
0x320: {  	s0 =	sshra.s32 s31, $0x2  }
0x321: {  	[tilespmem:s0+$0x3678] =	vst.add.f32.msk $0xffff, v0  }
.LBB2_33:
0x322: {  	s0 =	simm.s32 $0x6;
	p1 =	seq.s32 s6, $0x0  }
0x323: {  	[sflag:s0] =	ssyncpa.u1 $0x1;
	v0 =	vimm.s32 @p1 $0xFFFFFFFF  }
0x324: {  	s9 =	sadd.s32 $0xFFFFFFFF, s6;
	[tilespmem:$0x3878] =	vst @p1 v0  }
0x325: {  	v0 =	vld.msk @!p1 [tilespmem:s9+$0x3658], $0x1;
	_ =	sdelay $0x1  }
0x326: {  	v1 =	vld.msk @!p1 [tilespmem:$0x3658], $0x1;
	_ =	sdelay $0x2  }
0x327: {  	p2 =	seq.s32 @!p1 s9, $0x0;
	v0 =	vbroadcast @!p1 v0, $0x0  }
0x328: {  	vm0 =	vmmov @!p1 $0x1;
	p2 =	por !p2, p1  }
0x329: {  	v1 =	vnsel @!p1 vm0, $0xFFFFFFFF, v1;
	vm0 =	vcmask @!p1 $0x308;
	v0 =	vpsel !p2, $0xFFFFFFFF, v0  }
0x32a: {  	p2 =	sne.s32 @!p1 s8, s7;
	v0 =	vsel @!p1 vm0, v1, v0  }
0x32b: {  	s0 =	simm.s32 @!p1 $0x3678;
	s1 =	simm.s32 @!p1 $0x0;
	p3 =	por !p2, p1;
	[tilespmem:$0x3878] =	vst @!p1 v0  }
0x32c: {  	[spmem:s1] =	stream.linear.scatter @!p1 [tilespmem:s0], [sflag:$0x1], $0x10, $0x38;
	[tilespmem:$0x1F0F8] =	vst v63  }
0x32d: {  	s0 =	sshll.u32 @!p3 s9, $0x6  }
0x32e: {  	s0 =	sshra.s32 @!p3 s0, $0x2  }
0x32f: {  	s1 =	simm.s32 @!p3 $0x10;
	s0 =	sadd.s32 @!p3 $0x3678, s0  }
0x330: {  	[spmem:s1] =	stream.linear.scatter @!p3 [tilespmem:s0], [sflag:$0x1], $0x10, $0x38;
	[tilespmem:$0x1F0F8] =	vst v63  }
0x331: {  	s0 =	simm.s32 @!p3 $0x1  }
0x332: {  	_ =	swait.ge @!p3 [sflag:s0], $0x20  }
0x333: {  	p1 =	por p2, p1;
	[sflag:s0] =	ssyncset.done @!p3 $0x0  }
0x334: {  	[sflag:s0] =	ssyncadd.s32 @!p3 $0xFFFFFFE0;
	s0 =	simm.s32 @!p1 $0x1  }
0x335: {  	_ =	swait.ge @!p1 [sflag:s0], $0x10  }
0x336: {  	s29 =	simm.s32 $0x3878;
	[sflag:s0] =	ssyncset.done @!p1 $0x0  }
0x337: {  	s30 =	simm.s32 $0x200;
	s31 =	simm.s32 $0x1;
	[sflag:s0] =	ssyncadd.s32 @!p1 $0xFFFFFFF0  }
0x338: {  	[spmem:s30] =	stream.linear.scatter [tilespmem:s29], [sflag:$0x1], $0x10, $0x38;
	[tilespmem:$0x1F0F8] =	vst v63  }
0x339: {  	_ =	swait.ge [sflag:s31], $0x10  }
0x33a: {  	[sflag:s31] =	ssyncset.done $0x0  }
0x33b: {  	p1 =	seq.s32 s17, $0x0;
	s8 =	rddreg [dreg:$0x1];
	[sflag:s31] =	ssyncadd.s32 $0xFFFFFFF0  }
0x33c: {  	s1 =	sshll.u32 @p1 s8, $0xE;
	s7 =	rddreg [dreg:$0x2]  }
0x33d: {  	s0 =	sadd.s32 @p1 $0x15C3C, s1;
	s1 =	sshll.u32 @p1 s7, $0x11  }
0x33e: {  	_ =	sfence.stream.spmem;
	s0 =	sor.u32 @p1 s1, s0  }
0x33f: {  	[sflag:s0] =	ssyncadd.remote.s32 @p1 $0x1;
	s0 =	simm.s32 @p1 $0x4  }
0x340: {  	s2 =	simm.s32 @!p1 $0x3C;
	s1 =	sand.u32 $0xFFFFFFFE, s8;
	_ =	swait.ge @p1 [sflag:s0], $0x6  }
0x341: {  	s4 =	simm.s32 @!p1 $0x0;
	s1 =	sadd.s32 @!p1 $0x4, s1;
	[sflag:s0] =	ssyncset.done @p1 $0x0  }
0x342: {  	s5 =	simm.s32 @!p1 $0x20;
	[sflag:s0] =	ssyncadd.s32 @p1 $0xFFFFFFFA;
	s0 =	sshll.u32 @!p1 s1, $0x1A  }
0x343: {  	s1 =	sshll.u32 @!p1 s1, $0xD;
	s0 =	sor.u32 @!p1 s0, s7;
	_ =	swait.eq @!p1 [sflag:s2], $0x1  }
0x344: {  	s1 =	sor.u32 @!p1 $0x1C04, s1;
	s2 =	simm.s32 @!p1 $0x1C03;
	s0 =	sor.u32 @!p1 $0x80004000, s0  }
0x345: {  	[spmem:s5], [sflag:s1] =	dma.general @!p1 [spmem:s4], [sflag:s2], length:$0x4, [dreg:$0x0], stride_count:$0x0, ici_dest:s0, dma_misc:DstOpCode:WRITE  }
0x346: {  	p2 =	slt.s32 s9, $0x2;
	s4 =	simm.s32 @!p1 $0x40;
	s5 =	simm.s32 @!p1 $0x42  }
0x347: {  	[spmem:s5], [sflag:s1] =	dma.general @!p1 [spmem:s4], [sflag:s2], length:$0x2, [dreg:$0x0], stride_count:$0x0, ici_dest:s0, dma_misc:DstOpCode:WRITE  }
.Ltmp28:
0x348: {  	s0 =	simm.s32 @!p1 $0x3;
	(pc) =	sbr.rel @p2 .LBB2_37-.Ltmp28, $4  }
0x349: {  	s1 =	sshll.u32 @!p1 s8, $0xE;
	_ =	swait.ge @!p1 [sflag:s0], $0x6  }
0x34a: {  	s2 =	sshll.u32 @!p1 s7, $0x11;
	s1 =	sadd.s32 @!p1 $0x11C3C, s1;
	[sflag:s0] =	ssyncset.done @!p1 $0x0  }
0x34b: {  	[sflag:s0] =	ssyncadd.s32 @!p1 $0xFFFFFFFA;
	s0 =	sor.u32 @!p1 s2, s1  }
0x34c: {  	[sflag:s0] =	ssyncadd.remote.s32 @!p1 $0xFFFFFFFF;
	s0 =	simm.s32 $0x0  }
0x34d: {  	s0 =	simm.s32 $0x3659  }
0x34e: {  	v0 =	vld.msk [tilespmem:s0+$0x0], $0x1;
	_ =	sdelay $0x4  }
0x34f: {  	(v2sf) =	vpush v0, $0x0;
	_ =	sdelay $0xd  }
0x350: {  	s2 =	sadd.s32 $0xFFFFFFFE, s6  }
0x351: {  	s2 =	sadd.s32 $0xFFFFFFFF, s2;
	s0 =	spop (v2sf)  }
0x352: {  	p2 =	sne.s32 s2, $0x0;
	p1 =	sgt.u32 s0, $0x270FF  }
.Ltmp29:
0x353: {  	s4 =	sand.u32 @!p1 $0x3FFF8, s0;
	(pc) =	sbr.rel @!p2 .LBB2_36-.Ltmp29, $4  }
0x354: {  	s1 =	simm.s32 $0x3688;
	s0 =	sand.u32 @!p1 $0x7, s0;
	s4 =	sadd.s32 @!p1 s3, s4  }
0x355: {  	[hbm4b:s4+s0] =	stream.linear.scatter @!p1 [tilespmem:s1], [sflag:$0x5], $0x4, $0x38;
	[tilespmem:$0x1F0F8] =	vst v63  }
0x356: {  	s0 =	simm.s32 $0x0  }
0x357: {  	s6 =	simm.s32 $0x0;
	s7 =	simm.s32 $0x365A;
	s0 =	simm.s32 @!p1 $0x10  }
.LBB2_35:
0x358: {  	v0 =	vld.msk [tilespmem:s7+$0x0], $0x1;
	s2 =	sadd.s32 $0xFFFFFFFF, s2;
	s6 =	sadd.s32 s6, s0  }
0x359: {  	p1 =	sne.s32 s2, $0x0;
	_ =	sdelay $0x3  }
0x35a: {  	(v2sf) =	vpush v0, $0x0;
	_ =	sdelay $0xe  }
.Ltmp30:
0x35b: {  	s4 =	spop (v2sf);
	(pc) =	sbr.rel @p1 .LBB2_35-.Ltmp30, $4  }
0x35c: {  	s0 =	simm.s32 $0x0;
	p2 =	sgt.u32 s4, $0x270FF  }
0x35d: {  	s1 =	sadd.s32 $0x10, s1;
	s0 =	simm.s32 @!p2 $0x10;
	s5 =	sand.u32 @!p2 $0x3FFF8, s4  }
0x35e: {  	s7 =	sadd.s32 $0x1, s7;
	s4 =	sand.u32 @!p2 $0x7, s4;
	s5 =	sadd.s32 @!p2 s3, s5  }
0x35f: {  	[hbm4b:s5+s4] =	stream.linear.scatter @!p2 [tilespmem:s1], [sflag:$0x5], $0x4, $0x38;
	[tilespmem:$0x1F0F8] =	vst v63  }
.LBB2_36:
0x360: {  	s0 =	sadd.s32 s6, s0  }
0x361: {  	s0 =	sshrl.u32 s0, $0x2  }
.LBB2_37:
0x362: {  	s1 =	simm.s32 $0x5  }
0x363: {  	_ =	swait.ge [sflag:s1], s0  }
0x364: {  	s31 =	ssub.s32 $0x0, s0;
	[sflag:s1] =	ssyncset.done $0x0  }
0x365: {  	[sflag:s1] =	ssyncadd.s32 s31  }
0x366: {  	[sflag:s1] =	ssyncpa.u1 $0x1  }
.LBB2_38:
0x367: {  	s0 =	sor.u32 s17, s16  }
0x368: {  	p1 =	sne.s32 s0, $0x0  }
.Ltmp31:
0x369: {  	_ = 	snop;
	(pc) =	sbr.rel @p1 .LBB2_53-.Ltmp31, $3  }
0x36a: {  	_ =	sdelay $0x1  }
0x36b: {  	[bflag:$0x0] =	sbarrier.arrive $0xFFFF  }
0x36c: {  	_ =	sfence  }
0x36d: {  	s0 =	simm.s32 $0x7  }
0x36e: {  	s1 =	simm.s32 $0x200;
	s2 =	simm.s32 $0x3658;
	[sflag:s0] =	ssyncpa.u1 $0x0  }
0x36f: {  	[tilespmem:s2], [sflag:$0x7] =	stream.linear.gather [spmem:s1], $0x20, $0x38;
	[tilespmem:$0x1F0F8] =	vst v63  }
0x370: {  	s30 =	simm.s32 $0x3678;
	s1 =	simm.s32 $0x0  }
0x371: {  	[tilespmem:s30], [sflag:$0x7] =	stream.linear.gather [spmem:s1], $0x200, $0x38;
	[tilespmem:$0x1F0F8] =	vst v63  }
.Ltmp32:
0x372: {  	_ = 	snop;
	(pc) =	sbr.rel .LBB2_40-.Ltmp32, $4  }
0x373: {  	_ =	swait.ge [sflag:s0], $0x220  }
0x374: {  	[sflag:s0] =	ssyncset.done $0x0  }
0x375: {  	s31 =	simm.s32 $0x8;
	[sflag:s0] =	ssyncadd.s32 $0xFFFFFDE0  }
0x376: {  	s2 =	simm.s32 $0x0;
	[sflag:s31] =	ssyncpa.u1 $0x0  }
.LBB2_45:
0x377: {  	p1 =	slt.u32 s4, $0x27100  }
0x378: {  	s0 =	sand.u32 @p1 $0x3FFF8, s4  }
0x379: {  	s4 =	sand.u32 @p1 $0x7, s4;
	s5 =	simm.s32 @p1 $0x3638;
	s0 =	sadd.s32 @p1 s3, s0  }
0x37a: {  	[tilespmem:s5], [sflag:$0x8] =	stream.linear.gather @p1 [hbm4b:s0+s4], $0x4, $0x38;
	[tilespmem:$0x1F0F8] =	vst v63  }
0x37b: {  	s0 =	simm.s32 @p1 $0x8  }
0x37c: {  	_ =	swait.ge @p1 [sflag:s0], $0x4  }
0x37d: {  	[sflag:s0] =	ssyncset.done @p1 $0x0  }
0x37e: {  	[sflag:s0] =	ssyncadd.s32 @p1 $0xFFFFFFFC  }
0x37f: {  	v1 =	vld @p1 [tilespmem:$0x3638];
	_ =	sdelay $0x2  }
0x380: {  	s0 =	sshll.u32 @p1 s2, $0x6  }
0x381: {  	s5 =	sshll.u32 @!p1 s2, $0x6;
	s4 =	sshrl.u32 @p1 s0, $0x2  }
0x382: {  	s5 =	smov.u32 @p1 s0;
	[tilespmem:s4+$0x3678] =	vst.add.f32.msk @p1 $0xffff, v1  }
0x383: {  	s0 =	sshrl.u32 s5, $0x2;
	[tilespmem:s1+$0x3658] =	vst.msk $0x1, v0  }
0x384: {  	v0 =	vld [tilespmem:s0+$0x3678];
	_ =	sdelay $0x2  }
0x385: {  	s31 =	sshll.u32 s1, $0x6  }
0x386: {  	s0 =	sshra.s32 s31, $0x2  }
0x387: {  	s1 =	sadd.s32 $0x1, s1;
	[tilespmem:s0+$0x3678] =	vst v0  }
.LBB2_47:
0x388: {  	s2 =	sadd.s32 $0x1, s2  }
0x389: {  	p1 =	sne.s32 s2, $0x20  }
.Ltmp33:
0x38a: {  	_ = 	snop;
	(pc) =	sbr.rel @!p1 .LBB2_48-.Ltmp33, $1  }
0x38b: {  	_ =	sdelay $0x3  }
.LBB2_40:
0x38c: {  	v0 =	vld.msk [tilespmem:s2+$0x3658], $0x1;
	_ =	sdelay $0x4  }
0x38d: {  	(v2sf) =	vpush v0, $0x0;
	_ =	sdelay $0xe  }
0x38e: {  	s4 =	spop (v2sf)  }
0x38f: {  	p1 =	seq.s32 s4, $0xFFFFFFFF  }
.Ltmp34:
0x390: {  	_ = 	snop;
	(pc) =	sbr.rel @p1 .LBB2_47-.Ltmp34, $1  }
0x391: {  	_ =	sdelay $0x3  }
0x392: {  	p1 =	slt.s32 s1, $0x1  }
.Ltmp35:
0x393: {  	_ = 	snop;
	(pc) =	sbr.rel @p1 .LBB2_45-.Ltmp35, $1  }
0x394: {  	_ =	sdelay $0x3  }
0x395: {  	s5 =	simm.s32 $0x3658;
	p1 =	por $0x0, $0x0  }
0x396: {  	v1 =	vld.msk @!p1 [tilespmem:s5+$0x0], $0x1;
	_ =	sdelay $0x4  }
0x397: {  	(v2sf) =	vpush @!p1 v1, $0x0;
	_ =	sdelay $0xd  }
0x398: {  	p3 =	sne.s32 s1, $0x1  }
.Ltmp36:
0x399: {  	s0 =	spop @!p1 (v2sf);
	(pc) =	sbr.rel @!p3 .LBB2_44-.Ltmp36, $4  }
0x39a: {  	p2 =	seq.s32 @!p1 s4, s0  }
0x39b: {  	s6 =	simm.s32 $0x0;
	p2 =	por !p2, p1  }
0x39c: {  	s0 =	simm.s32 $0xFFFFFFFF;
	s6 =	simm.s32 @p2 $0xFFFFFFFF  }
0x39d: {  	s7 =	simm.s32 $0x1;
	s6 =	smov.u32 @p1 s0  }
.LBB2_43:
0x39e: {  	s0 =	smov.u32 s6;
	p1 =	sne.s32 s6, $0xFFFFFFFF  }
0x39f: {  	s5 =	sadd.s32 $0x1, s5;
	s6 =	smov.u32 s7;
	s7 =	sadd.s32 $0x1, s7  }
0x3a0: {  	p2 =	sne.s32 s1, s7;
	v1 =	vld.msk @!p1 [tilespmem:s5+$0x0], $0x1;
	_ =	sdelay $0x4  }
0x3a1: {  	(v2sf) =	vpush @!p1 v1, $0x0;
	_ =	sdelay $0xe  }
.Ltmp37:
0x3a2: {  	s8 =	spop @!p1 (v2sf);
	(pc) =	sbr.rel @p2 .LBB2_43-.Ltmp37, $4  }
0x3a3: {  	p3 =	seq.s32 @!p1 s4, s8  }
0x3a4: {  	p3 =	por !p3, p1  }
0x3a5: {  	s6 =	simm.s32 @p3 $0xFFFFFFFF  }
0x3a6: {  	s6 =	smov.u32 @p1 s0  }
.LBB2_44:
0x3a7: {  	p1 =	sne.s32 s6, $0xFFFFFFFF  }
.Ltmp38:
0x3a8: {  	_ = 	snop;
	(pc) =	sbr.rel @!p1 .LBB2_45-.Ltmp38, $1  }
0x3a9: {  	_ =	sdelay $0x3  }
0x3aa: {  	s0 =	sshll.u32 s2, $0x4  }
0x3ab: {  	s0 =	sand.u32 $0x3FFFFFF0, s0  }
0x3ac: {  	v0 =	vld [tilespmem:s0+$0x3678]  }
.Ltmp39:
0x3ad: {  	_ = 	snop;
	(pc) =	sbr.rel .LBB2_47-.Ltmp39, $4  }
0x3ae: {  	_ = 	snop  }
0x3af: {  	s31 =	sshll.u32 s6, $0x6  }
0x3b0: {  	s0 =	sshra.s32 s31, $0x2  }
0x3b1: {  	[tilespmem:s0+$0x3678] =	vst.add.f32.msk $0xffff, v0  }
.LBB2_48:
0x3b2: {  	p1 =	slt.s32 s1, $0x1  }
.Ltmp40:
0x3b3: {  	_ = 	snop;
	(pc) =	sbr.rel @p1 .LBB2_52-.Ltmp40, $3  }
0x3b4: {  	_ =	sdelay $0x1  }
0x3b5: {  	s0 =	simm.s32 $0x8  }
0x3b6: {  	s2 =	simm.s32 $0x0;
	[sflag:s0] =	ssyncpa.u1 $0x1  }
0x3b7: {  	s0 =	simm.s32 $0x3658  }
0x3b8: {  	v0 =	vld.msk [tilespmem:s0+$0x0], $0x1;
	_ =	sdelay $0x4  }
0x3b9: {  	(v2sf) =	vpush v0, $0x0;
	_ =	sdelay $0xe  }
0x3ba: {  	s1 =	sadd.s32 $0xFFFFFFFF, s1;
	s0 =	spop (v2sf)  }
0x3bb: {  	p2 =	sne.s32 s1, $0x0;
	p1 =	sgt.u32 s0, $0x270FF  }
.Ltmp41:
0x3bc: {  	s5 =	sand.u32 @!p1 $0x3FFF8, s0;
	(pc) =	sbr.rel @!p2 .LBB2_51-.Ltmp41, $4  }
0x3bd: {  	s4 =	simm.s32 $0x3678;
	s0 =	sand.u32 @!p1 $0x7, s0;
	s5 =	sadd.s32 @!p1 s3, s5  }
0x3be: {  	[hbm4b:s5+s0] =	stream.linear.scatter @!p1 [tilespmem:s4], [sflag:$0x7], $0x4, $0x38;
	[tilespmem:$0x1F0F8] =	vst v63  }
0x3bf: {  	s0 =	simm.s32 $0x0  }
0x3c0: {  	s5 =	simm.s32 $0x3659;
	s0 =	simm.s32 @!p1 $0x10  }
.LBB2_50:
0x3c1: {  	v0 =	vld.msk [tilespmem:s5+$0x0], $0x1;
	s1 =	sadd.s32 $0xFFFFFFFF, s1;
	s2 =	sadd.s32 s2, s0  }
0x3c2: {  	p1 =	sne.s32 s1, $0x0;
	_ =	sdelay $0x3  }
0x3c3: {  	(v2sf) =	vpush v0, $0x0;
	_ =	sdelay $0xe  }
.Ltmp42:
0x3c4: {  	s6 =	spop (v2sf);
	(pc) =	sbr.rel @p1 .LBB2_50-.Ltmp42, $4  }
0x3c5: {  	s0 =	simm.s32 $0x0;
	p2 =	sgt.u32 s6, $0x270FF  }
0x3c6: {  	s4 =	sadd.s32 $0x10, s4;
	s0 =	simm.s32 @!p2 $0x10;
	s7 =	sand.u32 @!p2 $0x3FFF8, s6  }
0x3c7: {  	s5 =	sadd.s32 $0x1, s5;
	s6 =	sand.u32 @!p2 $0x7, s6;
	s7 =	sadd.s32 @!p2 s3, s7  }
0x3c8: {  	[hbm4b:s7+s6] =	stream.linear.scatter @!p2 [tilespmem:s4], [sflag:$0x7], $0x4, $0x38;
	[tilespmem:$0x1F0F8] =	vst v63  }
.LBB2_51:
0x3c9: {  	s0 =	sadd.s32 s2, s0  }
0x3ca: {  	s2 =	sshrl.u32 s0, $0x2  }
.LBB2_52:
0x3cb: {  	s0 =	simm.s32 $0x7  }
0x3cc: {  	_ =	swait.ge [sflag:s0], s2  }
0x3cd: {  	s1 =	ssub.s32 $0x0, s2;
	[sflag:s0] =	ssyncset.done $0x0  }
0x3ce: {  	[sflag:s0] =	ssyncadd.s32 s1  }
0x3cf: {  	[sflag:s0] =	ssyncpa.u1 $0x1  }
.LBB2_53:
0x3d0: {  	_ =	sfence;
	s0 =	simm.s32 $0x1  }
0x3d1: {  	[sflag:s0] =	ssyncpa.u1 $0x1  }
0x3d2: {  	_ =	strace $0x9000005C  }
0x3d3: {  	[bflag:$0x2] =	sbarrier.arrive $0xFFFF  }
0x3d4: {  	s0 =	rddreg [dreg:$0x3]  }
0x3d5: {  	s0 =	sadd.s32 @!p0 $0x100000, s0  }
0x3d6: {  	[sflag:s0] =	ssyncadd.tile.s32 @!p0 $0x1;
	_ =	shalt  }
.Lfunc_end2:
_tile_overlayer_lowered:
.L_overlay_start_2:
0x3d7: {  	(tag) =	ssettag $0x2  }
0x3d8: {  	s0 =	rddreg [dreg:$0x0];
	s2 =	stileid.u32  }
0x3d9: {  	s1 =	rddreg [dreg:$0x1];
	p0 =	sne.s32 s2, $0x0  }
0x3da: {  	s3 =	rddreg [dreg:$0x2];
	[bflag:$0x3] =	sbarrier.arrive $0xFFFF;
	s2 =	simm.s32 @!p0 $0x1C01  }
0x3db: {  	[timem:s3], [sflag:s2] =	dma.local @!p0 [hbm:s0], s1  }
0x3dc: {  	s0 =	simm.s32 @!p0 $0x1  }
0x3dd: {  	_ =	swait.ge @!p0 [sflag:s0], s1  }
0x3de: {  	s1 =	ssub.s32 @!p0 $0x0, s1;
	[sflag:s0] =	ssyncset.done @!p0 $0x0  }
0x3df: {  	[sflag:s0] =	ssyncadd.s32 @!p0 s1  }
0x3e0: {  	[bflag:$0x3] =	sbarrier.arrive $0xFFFF  }
0x3e1: {  	_ =	shalt  }

// kernel: scatter_offload_async_start.2
scs
__scs_entry_jumppad:
0x0: {  	(pc) =	sbr.rel $0x88, $3  }
0x1: {  	(tag) =	ssettag $0x0;
	lr =	simm.s32 $0x1  }
0x2: {  	[smem:$0x3F92] =	sst lr;
	_ =	strace $0xD0000000  }
0x3: {  	_ = 	snop  }
0x4: {  	_ = 	snop  }
0x5: {  	_ = 	snop  }
0x6: {  	_ = 	snop  }
0x7: {  	_ = 	snop  }
__scs_overlays_trampoline_lowered:
0x8: {  	[smem:$0x3FA1] =	sst s0  }
0x9: {  	[smem:$0x3FA2] =	sst s1  }
0xa: {  	[smem:$0x3FA3] =	sst s2  }
0xb: {  	[smem:$0x3FA4] =	sst s3  }
0xc: {  	[smem:$0x3FA5] =	sst s4  }
0xd: {  	[smem:$0x3FA6] =	sst s5  }
0xe: {  	[smem:$0x3FA7] =	sst s6  }
0xf: {  	[smem:$0x3FA8] =	sst s7  }
0x10: {  	[smem:$0x3FA9] =	sst s8  }
0x11: {  	[smem:$0x3FAA] =	sst s9;
	s0 =	simm.s32 @!p0 $0x0  }
0x12: {  	s1 =	sld [smem:$0x3F90];
	s0 =	simm.s32 @p0 $0x1  }
0x13: {  	[smem:$0x3FAB] =	sst s0;
	s0 =	simm.s32 @!p1 $0x0  }
0x14: {  	s2 =	sld [smem:$0x3F8F];
	s0 =	simm.s32 @p1 $0x1  }
0x15: {  	[smem:$0x3FAC] =	sst s0;
	s0 =	simm.s32 @!p2 $0x0  }
0x16: {  	s3 =	sld [smem:$0x3FDB];
	s0 =	simm.s32 @p2 $0x1  }
0x17: {  	s4 =	simm.s32 $0x1BF5;
	[smem:$0x3FAE] =	sst s0  }
0x18: {  	s0 =	sld [smem:$0x3F91];
	_ =	swait.ge [sflag:s4], $0x0  }
0x19: {  	s7 =	sld [smem:$0x3F92]  }
0x1a: {  	s8 =	sadd.s32 $0xFFFFE003, lr  }
0x1b: {  	s9 =	sadd.s32 $0xFFFFFEF7, lr;
	s5 =	simm.s32 $0xFFFFFFFF;
	p2 =	slt.u32 s8, $0xFFFFF086  }
0x1c: {  	p1 =	slt.u32 s9, $0xF7A;
	s5 =	simm.s32 @!p2 $0x0  }
0x1d: {  	s5 =	simm.s32 @p1 $0x1;
	p0 =	seq.s32 s7, s2  }
0x1e: {  	s7 =	smul.u32 @!p0 $0xF7A, s2;
	p2 =	seq.s32 @!p0 s5, $0x0  }
0x1f: {  	s9 =	smul.u32 $0xF7A, s1;
	s8 =	simm.s32 @!p0 $0x1BF5;
	p2 =	por !p2, p0  }
0x20: {  	[sflag:s8] =	ssyncset.s32 @!p0 $0xFFFFF086;
	s6 =	sadd.s32 @!p0 s3, s7;
	s7 =	simm.s32 @!p0 $0x108  }
0x21: {  	s3 =	sadd.s32 s3, s9;
	s6 =	sadd.s32 @!p0 $0x88, s6;
	s7 =	simm.s32 @p2 $0x1082  }
0x22: {  	[simem:s7], [sflag:s8] =	dma.local @!p0 [hbm:s6], $0xF7A  }
0x23: {  	s9 =	sor.u32 $0xD0000000, s2;
	s6 =	simm.s32 $0x108;
	_ =	swait.ge @!p0 [sflag:s8], $0x0  }
0x24: {  	s3 =	sadd.s32 $0x88, s3;
	s6 =	simm.s32 @!p1 $0x1082;
	[sflag:s4] =	ssyncset.s32 $0xFFFFF086  }
0x25: {  	[simem:s6], [sflag:s4] =	dma.local [hbm:s3], $0xF7A  }
0x26: {  	[smem:$0x3F92] =	sst s1;
	(tag) =	ssettag s2;
	_ =	strace s9  }
0x27: {  	s1 =	sld [smem:$0x3FA2]  }
0x28: {  	s2 =	sld [smem:$0x3FA3]  }
0x29: {  	s4 =	sld [smem:$0x3FA5]  }
0x2a: {  	p0 =	seq.s32 s5, $0x0;
	s5 =	sld [smem:$0x3FA6]  }
0x2b: {  	s6 =	sld [smem:$0x3FA7]  }
0x2c: {  	s7 =	sld [smem:$0x3FA8]  }
0x2d: {  	s3 =	simm.s32 $0x108;
	s8 =	sld [smem:$0x3FA9]  }
0x2e: {  	s3 =	simm.s32 @!p0 $0x1082;
	s9 =	sld [smem:$0x3FAA]  }
0x2f: {  	lr =	sadd.s32 s0, s3;
	s0 =	sld [smem:$0x3FA1]  }
0x30: {  	s3 =	sld [smem:$0x3FA4]  }
0x31: {  	[smem:$0x3FAD] =	sst s10  }
0x32: {  	s10 =	sld [smem:$0x3FAB];
	_ =	sdelay $0x3  }
0x33: {  	p0 =	seq.s32 s10, $0x1;
	s10 =	sld [smem:$0x3FAD];
	_ =	sdelay $0x3  }
0x34: {  	[smem:$0x3FAD] =	sst s10  }
0x35: {  	s10 =	sld [smem:$0x3FAC];
	_ =	sdelay $0x3  }
0x36: {  	p1 =	seq.s32 s10, $0x1;
	s10 =	sld [smem:$0x3FAD];
	_ =	sdelay $0x3  }
0x37: {  	[smem:$0x3FAD] =	sst s10  }
0x38: {  	s10 =	sld [smem:$0x3FAE]  }
0x39: {  	_ = 	snop;
	(pc) =	sbr.ind lr, $3  }
0x3a: {  	_ = 	snop  }
0x3b: {  	_ = 	snop  }
0x3c: {  	p2 =	seq.s32 s10, $0x1;
	s10 =	sld [smem:$0x3FAD]  }
0x3d: {  	_ =	shalt  }
0x3e: {  	_ =	shalt  }
0x3f: {  	_ =	shalt  }
0x40: {  	_ =	shalt  }
0x41: {  	_ =	shalt  }
0x42: {  	_ =	shalt  }
0x43: {  	_ =	shalt  }
0x44: {  	_ =	shalt  }
0x45: {  	_ =	shalt  }
0x46: {  	_ =	shalt  }
0x47: {  	_ =	shalt  }
0x48: {  	_ =	shalt  }
0x49: {  	_ =	shalt  }
0x4a: {  	_ =	shalt  }
0x4b: {  	_ =	shalt  }
0x4c: {  	_ =	shalt  }
0x4d: {  	_ =	shalt  }
0x4e: {  	_ =	shalt  }
0x4f: {  	_ =	shalt  }
0x50: {  	_ =	shalt  }
0x51: {  	_ =	shalt  }
0x52: {  	_ =	shalt  }
0x53: {  	_ =	shalt  }
0x54: {  	_ =	shalt  }
0x55: {  	_ =	shalt  }
0x56: {  	_ =	shalt  }
0x57: {  	_ =	shalt  }
0x58: {  	_ =	shalt  }
0x59: {  	_ =	shalt  }
0x5a: {  	_ =	shalt  }
0x5b: {  	_ =	shalt  }
0x5c: {  	_ =	shalt  }
0x5d: {  	_ =	shalt  }
0x5e: {  	_ =	shalt  }
0x5f: {  	_ =	shalt  }
0x60: {  	_ =	shalt  }
0x61: {  	_ =	shalt  }
0x62: {  	_ =	shalt  }
0x63: {  	_ =	shalt  }
0x64: {  	_ =	shalt  }
0x65: {  	_ =	shalt  }
0x66: {  	_ =	shalt  }
0x67: {  	_ =	shalt  }
0x68: {  	_ =	shalt  }
0x69: {  	_ =	shalt  }
0x6a: {  	_ =	shalt  }
0x6b: {  	_ =	shalt  }
0x6c: {  	_ =	shalt  }
0x6d: {  	_ =	shalt  }
0x6e: {  	_ =	shalt  }
0x6f: {  	_ =	shalt  }
0x70: {  	_ =	shalt  }
0x71: {  	_ =	shalt  }
0x72: {  	_ =	shalt  }
0x73: {  	_ =	shalt  }
0x74: {  	_ =	shalt  }
0x75: {  	_ =	shalt  }
0x76: {  	_ =	shalt  }
0x77: {  	_ =	shalt  }
0x78: {  	_ =	shalt  }
0x79: {  	_ =	shalt  }
0x7a: {  	_ =	shalt  }
0x7b: {  	_ =	shalt  }
0x7c: {  	_ =	shalt  }
0x7d: {  	_ =	shalt  }
0x7e: {  	_ =	shalt  }
0x7f: {  	_ =	shalt  }
0x80: {  	_ =	shalt  }
0x81: {  	_ =	shalt  }
0x82: {  	_ =	shalt  }
0x83: {  	_ =	shalt  }
0x84: {  	_ =	shalt  }
0x85: {  	_ =	shalt  }
0x86: {  	_ =	shalt  }
0x87: {  	_ =	shalt  }
.Lfunc_end0:
.L_simem_size_0:
called_computation.2_lowered:
.L_overlay_start_0:
0x88: {  	s0 =	sld [smem:$0x3FD9]  }
0x89: {  	s1 =	sld [smem:$0x3FFE];
	_ =	sdelay $0x3  }
0x8a: {  	s0 =	sadd.s32 s1, s0  }
0x8b: {  	[smem:$0x3FB9] =	sst s0  }
0x8c: {  	_ = 	snop  }
0x8d: {  	s14 =	sld [smem:$0x3FD0];
	(tm) =	ssettm $0x1  }
0x8e: {  	s15 =	sld [smem:$0x3FFB];
	_ =	sdelay $0x3  }
0x8f: {  	_ =	strace s15  }
0x90: {  	s0 =	sld [smem:$0x3FFC];
	_ =	sdelay $0x3  }
0x91: {  	_ =	strace s0  }
0x92: {  	s0 =	sld [smem:$0x3FFD];
	_ =	sdelay $0x3  }
0x93: {  	_ =	strace s0  }
0x94: {  	_ =	strace $0x8FFFFFFF  }
0x95: {  	s16 =	sld [smem:$0x3FDB];
	_ =	sdelay $0x1  }
0x96: {  	s2 =	simm.s32 $_scs_section_size  }
0x97: {  	s3 =	simm.s32 $_size__tile_overlayer_lowered;
	s4 =	simm.s32 $_tile_overlayer_lowered  }
0x98: {  	s5 =	simm.s32 $0x1BFF;
	s17 =	sshll.u32 s4, $0x1;
	s2 =	sadd.s32 s2, s16  }
0x99: {  	s18 =	simm.s32 $0x0;
	s3 =	sshll.u32 s3, $0x1;
	s4 =	sadd.s32 s17, s2  }
0x9a: {  	[timem:s18], [sflag:s5] =	dma.local [hbm:s4], s3  }
0x9b: {  	_ =	swait.ge [sflag:s5], s3  }
0x9c: {  	s3 =	ssub.s32 $0x0, s3;
	[sflag:s5] =	ssyncset.done $0x0  }
0x9d: {  	[sflag:s5] =	ssyncadd.s32 s3;
	_ =	sdelay $0x1  }
0x9e: {  	s19 =	simm.s32 $0x1B8B  }
0x9f: {  	_ =	swait.ge [sflag:s19], $0x1  }
0xa0: {  	[sflag:s19] =	ssyncset.done $0x0  }
0xa1: {  	s21 =	simm.s32 $0x1B8E;
	s20 =	sld [smem:$0x3FFE];
	[sflag:s19] =	ssyncadd.s32 $0xFFFFFFFF  }
0xa2: {  	s22 =	simm.s32 $execute0_lowered;
	[smem:$0x3FD2] =	sst s21  }
0xa3: {  	s4 =	sshll.u32 s22, $0x1;
	_ =	strace $0x80000055;
	[dreg:$0x1] =	wrdreg $0xFFFFFFFF  }
0xa4: {  	s23 =	simm.s32 $_size_execute0_lowered;
	s4 =	sadd.s32 s2, s4;
	[dreg:$0x0] =	wrdreg $0x0  }
0xa5: {  	s5 =	sshll.u32 s23, $0x1;
	[dreg:$0x2] =	wrdreg s4  }
0xa6: {  	[dreg:$0x3] =	wrdreg s5  }
0xa7: {  	[dreg:$0x4] =	wrdreg $0xC0  }
0xa8: {  	s24 =	simm.s32 $execute1_lowered;
	_ =	task [dreg:s18], $0x5FFFF  }
0xa9: {  	s4 =	sshll.u32 s24, $0x1;
	[dreg:$0x1] =	wrdreg $0xFFFFFFFF  }
0xaa: {  	s2 =	sadd.s32 s2, s4;
	[dreg:$0x0] =	wrdreg $0x60  }
0xab: {  	[dreg:$0x2] =	wrdreg s2  }
0xac: {  	[dreg:$0x3] =	wrdreg s14  }
0xad: {  	[dreg:$0x4] =	wrdreg s20  }
0xae: {  	[dreg:$0x5] =	wrdreg $0xA  }
0xaf: {  	_ =	task.clear_ibuf [dreg:s18], $0x6FFFF;
	_ =	strace $0x90000055  }
0xb0: {  	s25 =	simm.s32 $0xA;
	_ =	strace $0x80000057  }
0xb1: {  	_ =	swait.ge [sflag:s25], $0x1  }
0xb2: {  	[sflag:s25] =	ssyncadd.s32 $0xFFFFFFFF  }
0xb3: {  	_ =	strace $0x90000057  }
0xb4: {  	_ =	strace $0x80000058;
	[dreg:$0x1] =	wrdreg $0xFFFFFFFF  }
0xb5: {  	[dreg:$0x0] =	wrdreg $0x2030  }
0xb6: {  	[dreg:$0x2] =	wrdreg s20  }
0xb7: {  	[dreg:$0x3] =	wrdreg $0xB  }
0xb8: {  	_ =	task.clear_ibuf [dreg:s18], $0x4FFFF;
	_ =	strace $0x90000058  }
0xb9: {  	s26 =	simm.s32 $0xB;
	_ =	strace $0x8000005A  }
0xba: {  	_ =	swait.ge [sflag:s26], $0x1  }
0xbb: {  	[sflag:s26] =	ssyncadd.s32 $0xFFFFFFFF  }
0xbc: {  	_ =	strace $0x9000005A  }
0xbd: {  	_ =	sfence  }
0xbe: {  	s28 =	sld [smem:$0x0];
	_ =	sdelay $0x1  }
0xbf: {  	s29 =	srdreg.scid  }
0xc0: {  	s30 =	sshll.u32 s29, $0xD;
	s31 =	sshrl.u32 s29, $0x2  }
0xc1: {  	s3 =	sand.u32 $0x4000, s30;
	s2 =	sand.u32 $0x1, s29;
	s1 =	sadd.s32 s31, s28  }
0xc2: {  	s2 =	sor.u32 s3, s2;
	s1 =	sshll.u32 s1, $0x11  }
0xc3: {  	s1 =	sor.u32 s1, s2  }
0xc4: {  	s1 =	sadd.s32 $0x8F2B, s1  }
0xc5: {  	[sflag:s1] =	ssyncadd.remote.s32 $0x1  }
0xc6: {  	_ =	sfence.sel $0xFFFF  }
0xc7: {  	[dreg:$0x0] =	wrdreg $0xFFFFFFFF;
	(pc) =	sbr.abs _section_cstart, $3  }
0xc8: {  	[dreg:$0x1] =	wrdreg $0xFFFFFFFF  }
0xc9: {  	_ =	task.clear_ibuf [dreg:s18], $0x2FFFF;
	_ =	strace $0x9FFFFFFF  }
0xca: {  	(tm) =	ssettm $0x7FFFFFFF  }
0xcb: {  	_ =	shalt  }
tec
execute0_lowered:
.L_overlay_start_1:
0x0: {  	(tag) =	ssettag $0x1  }
0x1: {  	s2 =	rddreg [dreg:$0x0]  }
0x2: {  	s5 =	rddreg [dreg:$0x1]  }
0x3: {  	s4 =	rddreg [dreg:$0x2]  }
0x4: {  	s0 =	rddreg [dreg:$0x3];
	s3 =	stileid.u32  }
0x5: {  	[bflag:$0x3] =	sbarrier.arrive $0xFFFF;
	s1 =	simm.s32 $_size_execute1_lowered;
	p0 =	sne.s32 s3, $0x0  }
0x6: {  	s1 =	sshll.u32 s1, $0x1;
	s6 =	simm.s32 @!p0 $0x1C3F;
	s7 =	simm.s32 @!p0 $0x4060  }
0x7: {  	[timem:s7], [sflag:s6] =	dma.local @!p0 [hbm:s2], s1  }
.Ltmp0:
0x8: {  	s30 =	simm.s32 $0x2;
	s8 =	simm.s32 $0x780;
	(pc) =	sbr.rel .LBB2_1-.Ltmp0, $4  }
0x9: {  	s10 =	simm.s32 $0x0;
	s9 =	simm.s32 $0x0;
	s2 =	smul.u32 $0x280, s3  }
0xa: {  	s4 =	sadd.s32 $0x5FE400, s4;
	s3 =	simm.s32 $0x1;
	_ =	strace $0x80000056  }
0xb: {  	s6 =	simm.s32 $0x0;
	[sflag:s3] =	ssyncpa.u1 $0x0;
	s31 =	sshrl.u32 s2, $0x3  }
0xc: {  	s7 =	simm.s32 $0x280;
	[sflag:s30] =	ssyncpa.u1 $0x0;
	s5 =	sadd.s32 s31, s5  }
.LBB2_8:
0xd: {  	p1 =	seq.s32 s9, $0x2  }
.Ltmp1:
0xe: {  	_ = 	snop;
	(pc) =	sbr.rel @p1 .LBB2_10-.Ltmp1, $1  }
0xf: {  	_ =	sdelay $0x3  }
.LBB2_9:
0x10: {  	s9 =	sadd.s32 $0x1, s9;
	s10 =	smov.u32 s2  }
.LBB2_1:
0x11: {  	p1 =	sne.s32 s9, $0x0  }
.Ltmp2:
0x12: {  	_ = 	snop;
	(pc) =	sbr.rel @!p1 .LBB2_2-.Ltmp2, $1  }
0x13: {  	_ =	sdelay $0x3  }
0x14: {  	s11 =	sand.u32 $0x1, s9  }
0x15: {  	p1 =	seq.s32 s11, $0x0  }
.Ltmp3:
0x16: {  	_ = 	snop;
	(pc) =	sbr.rel @p1 .LBB2_8-.Ltmp3, $1  }
0x17: {  	_ =	sdelay $0x3  }
0x18: {  	_ =	swait.ge [sflag:s3], $0x280  }
0x19: {  	[sflag:s3] =	ssyncset.done $0x0  }
0x1a: {  	s11 =	simm.s32 $0x0;
	p1 =	por $0x1, $0x1;
	[sflag:s3] =	ssyncadd.s32 $0xFFFFFD80  }
.LBB2_5:
0x1b: {  	v0 =	vld [tilespmem:s11+$0x280]  }
0x1c: {  	v1 =	vld [tilespmem:s11+$0x290]  }
0x1d: {  	v2 =	vld [tilespmem:s11+$0x2A0]  }
0x1e: {  	v3 =	vld [tilespmem:s11+$0x2B0]  }
0x1f: {  	v4 =	vld [tilespmem:s11+$0x2C0]  }
0x20: {  	v53 =	vld [tilespmem:s11+$0x2D0];
	[tilespmem:s11+$0x780] =	vst v0  }
0x21: {  	v54 =	vld [tilespmem:s11+$0x2E0];
	[tilespmem:s11+$0x790] =	vst v1  }
0x22: {  	v55 =	vld [tilespmem:s11+$0x2F0];
	[tilespmem:s11+$0x7A0] =	vst v2  }
0x23: {  	v56 =	vld [tilespmem:s11+$0x300];
	[tilespmem:s11+$0x7B0] =	vst v3  }
0x24: {  	v57 =	vld [tilespmem:s11+$0x310];
	[tilespmem:s11+$0x7C0] =	vst v4  }
0x25: {  	v58 =	vld [tilespmem:s11+$0x320];
	[tilespmem:s11+$0x7D0] =	vst v53  }
0x26: {  	v59 =	vld [tilespmem:s11+$0x330];
	[tilespmem:s11+$0x7E0] =	vst v54  }
0x27: {  	v60 =	vld [tilespmem:s11+$0x340];
	[tilespmem:s11+$0x7F0] =	vst v55  }
0x28: {  	v61 =	vld [tilespmem:s11+$0x350];
	[tilespmem:s11+$0x800] =	vst v56  }
0x29: {  	v62 =	vld [tilespmem:s11+$0x360];
	[tilespmem:s11+$0x810] =	vst v57  }
0x2a: {  	v63 =	vld [tilespmem:s11+$0x370];
	p2 =	por p1, p1;
	[tilespmem:s11+$0x820] =	vst v58  }
.Ltmp4:
0x2b: {  	[tilespmem:s11+$0x830] =	vst v59;
	(pc) =	sbr.rel @p2 .LBB2_5-.Ltmp4, $4  }
0x2c: {  	[tilespmem:s11+$0x840] =	vst v60  }
0x2d: {  	[tilespmem:s11+$0x850] =	vst v61  }
0x2e: {  	s12 =	simm.s32 $0x1F0;
	s13 =	simm.s32 $0x980;
	[tilespmem:s11+$0x860] =	vst v62  }
0x2f: {  	s14 =	simm.s32 $0x480;
	p1 =	por $0x0, $0x0;
	[tilespmem:s11+$0x870] =	vst v63;
	s11 =	simm.s32 $0x100  }
.LBB2_6:
0x30: {  	s12 =	sadd.s32 $0x10, s12  }
0x31: {  	v0 =	vld [tilespmem:s14+$0x0];
	p1 =	slt.u32 s12, $0x270  }
.Ltmp5:
0x32: {  	_ = 	snop;
	(pc) =	sbr.rel @p1 .LBB2_6-.Ltmp5, $2  }
0x33: {  	_ =	sdelay $0x2  }
0x34: {  	s14 =	sadd.s32 $0x10, s14;
	[tilespmem:s13+$0x0] =	vst v0;
	s13 =	sadd.s32 $0x10, s13  }
.Ltmp6:
0x35: {  	(pc) =	sbr.rel .LBB2_8-.Ltmp6, $4  }
0x36: {  	_ = 	snop  }
0x37: {  	s10 =	sshrl.u32 s10, $0x3  }
0x38: {  	s10 =	sadd.s32 s4, s10  }
0x39: {  	[hbm4b:s10+s6] =	stream.linear.scatter [tilespmem:s8], [sflag:$0x2], $0x280, $0x38;
	[tilespmem:$0xA00] =	vst v63  }
.LBB2_2:
.Ltmp7:
0x3a: {  	(pc) =	sbr.rel .LBB2_9-.Ltmp7, $2  }
0x3b: {  	_ =	sdelay $0x2  }
0x3c: {  	[tilespmem:s7], [sflag:$0x1] =	stream.linear.gather [hbm4b:s5+s6], $0x280, $0x38;
	[tilespmem:$0xA00] =	vst v63  }
.LBB2_10:
0x3d: {  	s2 =	simm.s32 $0x2  }
0x3e: {  	_ =	swait.ge [sflag:s2], $0x280  }
0x3f: {  	[sflag:s2] =	ssyncset.done $0x0  }
0x40: {  	[sflag:s2] =	ssyncadd.s32 $0xFFFFFD80  }
0x41: {  	_ =	sfence.sel $0x180000  }
0x42: {  	s3 =	simm.s32 $0x1;
	[bflag:$0x0] =	sbarrier.arrive $0xFFFF  }
0x43: {  	[sflag:s3] =	ssyncpa.u1 $0x1  }
0x44: {  	[sflag:s2] =	ssyncpa.u1 $0x1  }
0x45: {  	_ =	strace $0x90000056  }
0x46: {  	s0 =	sadd.s32 @!p0 $0x100000, s0;
	[bflag:$0x2] =	sbarrier.arrive $0xFFFF  }
0x47: {  	[sflag:s0] =	ssyncadd.tile.s32 @!p0 $0x1;
	s0 =	simm.s32 @!p0 $0x3F  }
0x48: {  	_ =	swait.ge @!p0 [sflag:s0], s1  }
0x49: {  	s1 =	ssub.s32 @!p0 $0x0, s1;
	[sflag:s0] =	ssyncset.done @!p0 $0x0  }
0x4a: {  	[sflag:s0] =	ssyncadd.s32 @!p0 s1  }
0x4b: {  	[bflag:$0x3] =	sbarrier.arrive $0xFFFF  }
0x4c: {  	_ =	shalt  }
.Lfunc_end2:
execute1_lowered:
.L_overlay_start_2:
0x4d: {  	(tag) =	ssettag $0x2  }
0x4e: {  	s0 =	rddreg [dreg:$0x0];
	_ =	strace $0x80000059;
	s15 =	stileid.u32  }
0x4f: {  	s2 =	simm.s32 $0x1;
	s1 =	smin.u32 s15, $0x8;
	s3 =	sshll.u32 s15, $0x1  }
0x50: {  	v1 =	vimm.s32 $0xFFFFFFFF;
	[sflag:s2] =	ssyncpa.u1 $0x0;
	s1 =	sadd.s32 s1, s3  }
0x51: {  	p0 =	slt.u32 s15, $0x8;
	[tilespmem:$0x10] =	vst v1;
	s4 =	smul.u32 $0x1F40, s1;
	s1 =	simm.s32 $0x5DC0  }
0x52: {  	v0 =	vimm.f32 $0.0e+00;
	[tilespmem:$0x20] =	vst v1;
	s1 =	simm.s32 @!p0 $0x3E80  }
0x53: {  	[tilespmem:$0x30] =	vst v0;
	s1 =	sadd.s32 s1, s4  }
0x54: {  	[tilespmem:$0x40] =	vst v0;
	s5 =	smin.u32 s1, $0x4E200  }
0x55: {  	s7 =	simm.s32 $0x2;
	s8 =	simm.s32 $0x8;
	[tilespmem:$0x50] =	vst v0;
	s9 =	ssub.s32 s5, s4  }
0x56: {  	s31 =	simm.s32 $0x9;
	s16 =	simm.s32 $0x0;
	[tilespmem:$0x60] =	vst v1;
	p0 =	sgt.s32 s9, $0x0  }
0x57: {  	s17 =	simm.s32 $0xF0;
	s18 =	simm.s32 $0xFFFFFFFF;
	[tilespmem:$0x70] =	vst v1;
	s9 =	simm.s32 @!p0 $0x0  }
0x58: {  	s19 =	simm.s32 $0xFFFFC280;
	s20 =	simm.s32 $0xFFFFFFFE;
	[tilespmem:$0x80] =	vst v1;
	s30 =	smulhi.u32 $0x10624DD3, s9  }
0x59: {  	s21 =	simm.s32 $0xF;
	s25 =	simm.s32 $0x0;
	s24 =	simm.s32 $0x0;
	v1 =	vimm.s32 $0x0;
	[tilespmem:$0xB0] =	vst v0  }
0x5a: {  	s6 =	sadd.s32 $0x13C00, s0;
	s15 =	sshllo.u32 s15, $0x1;
	[tilespmem:$0x90] =	vst v1;
	s10 =	sshrl.u32 s30, $0x9  }
0x5b: {  	[tilespmem:$0xA0] =	vst v1;
	[sflag:s7] =	ssyncpa.u1 $0x0;
	s7 =	simm.s32 $0x7;
	s11 =	smul.u32 $0x1F40, s10  }
.Ltmp8:
0x5c: {  	s13 =	sor.u32 $0x80, s3;
	[sflag:s7] =	ssyncpa.u1 $0x0;
	(pc) =	sbr.rel .LBB3_1-.Ltmp8, $4  }
0x5d: {  	s14 =	sor.u32 $0x81, s3;
	[sflag:s8] =	ssyncpa.u1 $0x0;
	p0 =	sne.s32 s9, s11  }
0x5e: {  	s23 =	smov.u32 s4;
	s1 =	sadd.s32 $0x5FE400, s0;
	s2 =	simm.s32 @!p0 $0x0  }
0x5f: {  	vm0 =	vmmov $0xffff;
	v2 =	vlaneseq.u32;
	[sflag:s31] =	ssyncpa.u1 $0x0;
	s9 =	sadd.s32 $0x5F4000, s0;
	s10 =	sadd.s32 s2, s10  }
0x60: {  	vm1 =	vmxor vm1, vm1;
	vm2 =	vmmov $0x1;
	vm3 =	vcmask $0x3F3C;
	p0 =	por $0x0, $0x0;
	s11 =	sadd.s32 $0x1, s10;
	s12 =	sadd.s32 $0x2, s10  }
.LBB3_9:
0x61: {  	p1 =	slt.u32 s24, $0x3  }
0x62: {  	s0 =	simm.s32 @!p1 $0x2  }
0x63: {  	_ =	swait.ge @!p1 [sflag:s0], $0x1F40  }
0x64: {  	[sflag:s0] =	ssyncset.done @!p1 $0x0  }
0x65: {  	[sflag:s0] =	ssyncadd.s32 @!p1 $0xFFFFE0C0;
	s0 =	simm.s32 @!p1 $0x9  }
0x66: {  	_ =	swait.ge @!p1 [sflag:s0], $0x10  }
0x67: {  	[sflag:s0] =	ssyncset.done @!p1 $0x0  }
0x68: {  	[sflag:s0] =	ssyncadd.s32 @!p1 $0xFFFFFFF0;
	p1 =	sne.s32 s24, s12  }
.Ltmp9:
0x69: {  	s2 =	sadd.s32 $0x1F40, s23;
	(pc) =	sbr.rel @!p1 .LBB3_10-.Ltmp9, $4  }
0x6a: {  	s22 =	smov.u32 s4;
	s31 =	sadd.s32 $0x1, s24;
	s17 =	sadd.s32 $0x1F40, s17  }
0x6b: {  	s18 =	sadd.s32 $0x1, s18;
	s25 =	smov.u32 s23;
	p2 =	slt.s32 s2, s5  }
0x6c: {  	p0 =	por !p0, !p0;
	s19 =	sadd.s32 $0x1F40, s19;
	s22 =	smov.u32 @p2 s2  }
0x6d: {  	s20 =	sadd.s32 $0x1, s20;
	s23 =	smov.u32 s22;
	s24 =	smov.u32 s31  }
.LBB3_1:
0x6e: {  	p1 =	sge.u32 s24, s10  }
0x6f: {  	s0 =	smulhi.u32 @!p1 $0xAAAAAAAB, s24;
	_ =	sdelay $0x1  }
0x70: {  	s0 =	sshrl.u32 @!p1 s0, $0x1  }
0x71: {  	s0 =	smul.u32 @!p1 $0x3, s0;
	_ =	sdelay $0x1  }
0x72: {  	s0 =	ssub.s32 @!p1 s24, s0  }
0x73: {  	s0 =	smul.u32 @!p1 $0x7D00, s0;
	_ =	sdelay $0x1  }
0x74: {  	s2 =	sshrl.u32 @!p1 s23, $0x3;
	s0 =	sshrl.u32 @!p1 s0, $0x2  }
0x75: {  	s22 =	sand.u32 @!p1 $0x7, s23;
	s2 =	sadd.s32 @!p1 s6, s2;
	s0 =	sadd.s32 @!p1 $0x100, s0  }
0x76: {  	[tilespmem:s0], [sflag:$0x7] =	stream.linear.gather @!p1 [hbm4b:s2+s22], $0x1F40, $0x38;
	[tilespmem:$0x11A60] =	vst v63  }
0x77: {  	s0 =	sadd.s32 $0xFFFFFFFF, s24  }
0x78: {  	p1 =	sge.u32 s0, s10  }
.Ltmp10:
0x79: {  	_ = 	snop;
	(pc) =	sbr.rel @p1 .LBB3_5-.Ltmp10, $1  }
0x7a: {  	_ =	sdelay $0x3  }
0x7b: {  	s2 =	smulhi.u32 $0xAAAAAAAB, s0;
	_ =	sdelay $0x1  }
0x7c: {  	s2 =	sshrl.u32 s2, $0x1  }
0x7d: {  	s2 =	smul.u32 $0x3, s2;
	_ =	sdelay $0x1  }
0x7e: {  	s2 =	ssub.s32 s0, s2  }
0x7f: {  	s2 =	smul.u32 $0x7D00, s2  }
0x80: {  	_ =	swait.ge [sflag:s7], $0x1F40  }
0x81: {  	[sflag:s7] =	ssyncset.done $0x0;
	s2 =	sshrl.u32 s2, $0x2  }
0x82: {  	[sflag:s7] =	ssyncadd.s32 $0xFFFFE0C0;
	(ifvalue) =	ssetifvalue $0xFFFFFFFF;
	v3 =	vld.msk [tilespmem:s2+$0x100 ss:$0x1], $0xffff;
	_ =	sdelay $0x2  }
0x83: {  	s30 =	smulhi.u32 $0xAAAAAAAB, s18;
	p1 =	sne.s32 s24, $0x1  }
0x84: {  	v4 =	vimm.s32 @!p1 $0x0  }
0x85: {  	s2 =	sshrl.u32 s30, $0x1;
	v4 =	vperm.xlane @!p1 v3, v4  }
0x86: {  	s22 =	sshll.u32 s24, $0x4;
	s2 =	smul.u32 $0xFFFE8900, s2;
	vm4 =	vlt.u32 v3, $0x2800  }
0x87: {  	s22 =	sand.u32 $0x10, s22;
	v3 =	vnsel vm4, $0xFFFFFFFE, v3;
	vm4 =	vlt.u32 @!p1 v4, $0x2800  }
0x88: {  	s2 =	sshra.s32 s2, $0x2;
	[tilespmem:s22+$0x60] =	vst v3;
	v3 =	vnsel @!p1 vm4, $0xFFFFFFFE, v4  }
0x89: {  	s28 =	sadd.s32 s2, s17;
	[tilespmem:$0x80] =	vst @!p1 v3  }
0x8a: {  	v3 =	vld.msk [tilespmem:s28+$0x0 ss:$0x1], $0xffff;
	_ =	sdelay $0x4  }
0x8b: {  	(xrf1) =	vunique.msk.u32 $0xffff, v3;
	_ =	sdelay $0xd  }
0x8c: {  	v4 =	vimm.s32 $0xFFFFFFFF;
	v5, _, _ =	vpop (xrf1)  }
0x8d: {  	vm5 =	vne.s32 v3, v4;
	vm4 =	veq.s32 v5, v2  }
0x8e: {  	vm6 =	vlt.u32 v3, $0x2800;
	vm4 =	vmand vm5, vm4  }
0x8f: {  	vm4 =	vmand vm6, vm4  }
0x90: {  	v4 =	vnsel vm4, $0xFFFFFFFF, v3  }
0x91: {  	s31 =	sand.u32 $0x1, s0  }
0x92: {  	s0 =	simm.s32 $0x1F40;
	p1 =	seq.s32 s31, $0x1  }
0x93: {  	s0 =	simm.s32 @!p1 $0x0  }
0x94: {  	s26 =	sadd.s32 $0x7DF0, s0;
	(ifvalue) =	ssetifvalue $0xFFFFFFFF  }
0x95: {  	v3 =	vperm.xlane v3, v1;
	[tilespmem:s26], [sflag:$0x8] =	stream.indirect_vreg.gather [hbm4b:s1+s16], $0x1, v4, vm0, $0x4038;
	v4 =	vnsel vm6, $0xFFFFFFFE, v4;
	[tilespmem:$0x11A60] =	vst v63  }
0x96: {  	s2 =	simm.s32 $0x0;
	s22 =	sadd.s32 $0xFFFFFFF0, s28;
	[tilespmem:s28+$0x0] =	vst v4  }
.LBB3_3:
0x97: {  	v4 =	vld.msk [tilespmem:s22+$0x0 ss:$0x1], $0xffff;
	s2 =	sadd.s32 $0x10, s2;
	v5 =	vmov v3;
	s28 =	smov.u32 s22  }
0x98: {  	p1 =	slt.u32 s2, $0x1F30;
	_ =	sdelay $0x4  }
0x99: {  	v3 =	vperm.xlane v4, v1;
	(xrf1) =	vunique.msk.u32 $0xffff, v4;
	_ =	sdelay $0xd  }
0x9a: {  	v6, _, _ =	vpop (xrf1)  }
0x9b: {  	vm5 =	vne.s32 v4, v5;
	vm4 =	veq.s32 v6, v2  }
0x9c: {  	vm6 =	vlt.u32 v4, $0x2800;
	vm4 =	vmand vm5, vm4  }
0x9d: {  	vm4 =	vmand vm6, vm4  }
0x9e: {  	v4 =	vnsel vm4, $0xFFFFFFFF, v4  }
.Ltmp11:
0x9f: {  	v5 =	vnsel vm6, $0xFFFFFFFE, v4;
	(pc) =	sbr.rel @p1 .LBB3_3-.Ltmp11, $3  }
0xa0: {  	_ =	sdelay $0x1  }
0xa1: {  	s22 =	sadd.s32 $0xFFFFFFF0, s22;
	s26 =	sadd.s32 $0xFFFFFFF0, s26;
	(ifvalue) =	ssetifvalue $0xFFFFFFFF  }
0xa2: {  	[tilespmem:s26], [sflag:$0x8] =	stream.indirect_vreg.gather [hbm4b:s1+s16], $0x1, v4, vm0, $0x4038;
	[tilespmem:s28+$0x0] =	vst v5  }
0xa3: {  	s2 =	sshrl.u32 s25, $0x3  }
0xa4: {  	s0 =	sadd.s32 $0x9D40, s0;
	s2 =	sadd.s32 s9, s2  }
0xa5: {  	[tilespmem:s0], [sflag:$0x8] =	stream.linear.gather [hbm:s2], $0x1F40, $0x38;
	[tilespmem:$0x11A60] =	vst v63  }
.LBB3_5:
0xa6: {  	p1 =	slt.u32 s24, $0x2  }
0xa7: {  	p2 =	sge.u32 @!p1 s24, s12  }
0xa8: {  	p1 =	por p1, p2  }
.Ltmp12:
0xa9: {  	_ = 	snop;
	(pc) =	sbr.rel @p1 .LBB3_9-.Ltmp12, $1  }
0xaa: {  	_ =	sdelay $0x3  }
0xab: {  	s0 =	sadd.s32 $0xFFFFFFFE, s24  }
0xac: {  	s2 =	smulhi.u32 $0xAAAAAAAB, s0;
	_ =	sdelay $0x1  }
0xad: {  	s2 =	sshrl.u32 s2, $0x1  }
0xae: {  	s2 =	smul.u32 $0x3, s2;
	_ =	sdelay $0x1  }
0xaf: {  	s0 =	ssub.s32 s0, s2  }
0xb0: {  	_ =	swait.ge [sflag:s8], $0x3E80;
	s0 =	smul.u32 $0x1F40, s0  }
0xb1: {  	p1 =	sne.s32 s24, s11;
	[sflag:s8] =	ssyncset.done $0x0  }
0xb2: {  	[sflag:s8] =	ssyncadd.s32 $0xFFFFC180;
	s2 =	sadd.s32 @!p1 $0x203F, s0  }
0xb3: {  	[spmem:s14] =	stream.linear.scatter @!p1 [tilespmem:s2], [sflag:$0x1], $0x1, $0x38;
	[tilespmem:$0x11A60] =	vst v63  }
0xb4: {  	s2 =	simm.s32 @!p1 $0x1  }
0xb5: {  	_ =	swait.ge @!p1 [sflag:s2], $0x1  }
0xb6: {  	s22 =	sshll.u32 s24, $0x4;
	[sflag:s2] =	ssyncset.done @!p1 $0x0  }
0xb7: {  	s25 =	sand.u32 $0x10, s22;
	[sflag:s2] =	ssyncadd.s32 @!p1 $0xFFFFFFFF  }
0xb8: {  	s2 =	sxor.u32 $0x10, s25;
	v4 =	vld [tilespmem:s25+$0x10]  }
0xb9: {  	v5 =	vld [tilespmem:s2+$0x60]  }
0xba: {  	v3 =	vld [tilespmem:$0x80];
	_ =	sdelay $0x2  }
0xbb: {  	(v2sf) =	vpush v4, $0x0  }
0xbc: {  	(v2sf) =	vpush v5, $0x0  }
0xbd: {  	(v2sf) =	vpush v3, $0x0;
	_ =	sdelay $0xc  }
0xbe: {  	s22 =	spop (v2sf)  }
0xbf: {  	s26 =	spop (v2sf)  }
0xc0: {  	s28 =	spop (v2sf)  }
0xc1: {  	p2 =	seq.s32 s22, s26;
	p3 =	seq.s32 s28, s22  }
0xc2: {  	p3 =	por p2, p3  }
0xc3: {  	s26 =	sand.u32 $0x1, s24;
	v4 =	vpsel p3, $0xFFFFFFFF, v4  }
0xc4: {  	s29 =	smul.u32 $0x1F40, s26;
	[tilespmem:s25+$0x10] =	vst.msk $0x1, v4  }
0xc5: {  	v4 =	vld [tilespmem:$0x30]  }
0xc6: {  	v5 =	vld [tilespmem:s29+$0x9D40]  }
0xc7: {  	v6 =	vld [tilespmem:s25+$0x40];
	_ =	sdelay $0x3  }
0xc8: {  	vm4 =	vmmov vm1;
	v5 =	vadd.f32 v5, v4  }
0xc9: {  	vm5 =	vmmov vm2;
	vm4 =	vmmov @p2 vm2;
	s22 =	sshll.u32 s26, $0x4;
	v4 =	vadd.f32 v6, v4  }
0xca: {  	s26 =	sor.u32 $0x11A40, s22;
	vm5 =	vmmov @p3 vm1;
	[tilespmem:s29+$0x9D40] =	vst.msk vm4, v5  }
0xcb: {  	[tilespmem:s26+$0x0] =	vst.msk vm5, v4  }
0xcc: {  	v4 =	vld [tilespmem:s29+$0x7DF0];
	_ =	sdelay $0x3  }
0xcd: {  	v5 =	vimm.f32 $0.0e+00  }
0xce: {  	v4 =	vshift.insert v4, v5, s21  }
0xcf: {  	s22 =	sor.u32 $0x40, s2  }
0xd0: {  	[tilespmem:s22+$0x0] =	vst.msk $0x1, v4  }
0xd1: {  	[tilespmem:s29+$0x7DFF] =	vst.msk $0x1, v5  }
0xd2: {  	v4 =	vld [tilespmem:s0+$0x2030];
	_ =	sdelay $0x1  }
0xd3: {  	s22 =	smulhi.u32 $0xAAAAAAAB, s20;
	s0 =	simm.s32 $0x1  }
0xd4: {  	s0 =	simm.s32 @!p0 $0x0  }
0xd5: {  	s22 =	sshrl.u32 s22, $0x1;
	s0 =	smul.u32 $0x7D00, s0  }
0xd6: {  	s22 =	smul.u32 $0xFFFE8900, s22;
	v4 =	vshift.insert v4, v1, s21  }
0xd7: {  	s0 =	sshrl.u32 s0, $0x2  }
0xd8: {  	s22 =	sshra.s32 s22, $0x2;
	s30 =	sadd.s32 $0x9D40, s0;
	[tilespmem:s2+$0x10] =	vst.msk $0x1, v4  }
0xd9: {  	s22 =	sadd.s32 s22, s19;
	v6 =	vld [tilespmem:s30+$0x0]  }
0xda: {  	v7 =	vld [tilespmem:s22+$0x0];
	_ =	sdelay $0x3  }
0xdb: {  	v5 =	vadd.f32 v6, v5  }
0xdc: {  	vm4 =	vne.s32 v7, $0xFFFFFFFF  }
0xdd: {  	(xrf2) =	vadd.seg.scan.f32 vm4, v5;
	_ =	sdelay $0x3  }
0xde: {  	s31 =	sadd.s32 $0x5EC0, s0;
	v5 =	vperm.xlane v4, v1  }
0xdf: {  	v6 =	vld [tilespmem:s31+$0x0]  }
0xe0: {  	vm5 =	veq.s32 v7, v3;
	vm6 =	veq.s32 v7, v5  }
0xe1: {  	vm7 =	vgt.u32 v7, $0xFFFFFFFD;
	vm6 =	vmor vm6, vm5  }
0xe2: {  	vm6 =	vmor vm6, vm7  }
0xe3: {  	v9 =	vld [tilespmem:$0xA0];
	v7 =	vsel vm6, $0xFFFFFFFF, v7  }
0xe4: {  	v10 =	vld [tilespmem:$0x90];
	v6 =	vsel vm5, $0x0, v6;
	v8, _, _ =	vpop (xrf2)  }
0xe5: {  	v6 =	vadd.f32 v8, v6  }
0xe6: {  	s0 =	sadd.s32 $0xDBC0, s0  }
0xe7: {  	vm4 =	vmand vm4, vm3;
	[tilespmem:s0+$0x0] =	vst v6;
	(ifvalue) =	ssetifvalue $0xFFFFFFFF  }
0xe8: {  	vm6 =	veq.s32 v9, $0x1;
	[hbm4b:s1+s16] =	stream.indirect_vreg.scatter [tilespmem:s0], [sflag:$0x2], $0x1, v7, vm0, $0x4038;
	v7 =	vsel vm4, $0x0, v8;
	[tilespmem:$0x11A60] =	vst v63  }
0xe9: {  	s2 =	simm.s32 $0x0;
	s22 =	sadd.s32 $0x10, s22;
	vm4 =	vmor vm6, vm5;
	v6 =	vsel vm5, v8, v10;
	v7 =	vshift.insert v7, v0, s21  }
.LBB3_7:
0xea: {  	v8 =	vld [tilespmem:s22+$0x0];
	s30 =	sadd.s32 $0x10, s30  }
0xeb: {  	s31 =	sadd.s32 $0x10, s31;
	v9 =	vld [tilespmem:s30+$0x0]  }
0xec: {  	s2 =	sadd.s32 $0x10, s2;
	v10 =	vld [tilespmem:s31+$0x0]  }
0xed: {  	p2 =	slt.u32 s2, $0x1F30;
	_ =	sdelay $0x2  }
0xee: {  	v7 =	vadd.f32 v9, v7  }
0xef: {  	vm5 =	vne.s32 v8, $0xFFFFFFFF  }
0xf0: {  	vm6 =	vmand vm5, vm3;
	(xrf2) =	vadd.seg.scan.f32 vm5, v7;
	_ =	sdelay $0x5  }
0xf1: {  	vm7 =	veq.s32 v8, v5;
	vm5 =	veq.s32 v8, v3  }
0xf2: {  	vm8 =	vgt.u32 v8, $0xFFFFFFFD;
	vm4 =	vmor vm4, vm5;
	vm7 =	vmor vm7, vm5  }
0xf3: {  	vm7 =	vmor vm7, vm8  }
0xf4: {  	v8 =	vsel vm7, $0xFFFFFFFF, v8  }
.Ltmp13:
0xf5: {  	v7 =	vsel vm5, $0x0, v10;
	v9, _, _ =	vpop (xrf2);
	(pc) =	sbr.rel @p2 .LBB3_7-.Ltmp13, $4  }
0xf6: {  	v6 =	vsel vm5, v9, v6;
	v10 =	vadd.f32 v9, v7;
	v7 =	vsel vm6, $0x0, v9  }
0xf7: {  	s0 =	sadd.s32 $0x10, s0;
	v7 =	vshift.insert v7, v0, s21  }
0xf8: {  	s22 =	sadd.s32 $0x10, s22;
	[tilespmem:s0+$0x0] =	vst v10;
	(ifvalue) =	ssetifvalue $0xFFFFFFFF  }
0xf9: {  	[hbm4b:s1+s16] =	stream.indirect_vreg.scatter [tilespmem:s0], [sflag:$0x2], $0x1, v8, vm0, $0x4038;
	[tilespmem:$0x11A60] =	vst v63  }
0xfa: {  	v3 =	vld [tilespmem:s29+$0xFAF0];
	_ =	sdelay $0x4  }
0xfb: {  	v3 =	vshift.insert v3, v0, s21  }
0xfc: {  	s0 =	simm.s32 $0x30  }
0xfd: {  	[tilespmem:s0+$0x0] =	vst.msk $0x1, v3  }
0xfe: {  	v3 =	vsel vm4, $0x1, v1;
	[tilespmem:$0x90] =	vst v6  }
0xff: {  	s0 =	sadd.s32 @!p1 $0xFAFF, s29;
	[tilespmem:$0xA0] =	vst v3  }
0x100: {  	[spmem:s15] =	stream.linear.scatter @!p1 [tilespmem:s0], [sflag:$0x1], $0x1, $0x38;
	[tilespmem:$0x11A60] =	vst v63  }
0x101: {  	s0 =	simm.s32 @!p1 $0x1  }
0x102: {  	v3 =	vmctz.xlane @!p1 vm4;
	_ =	swait.ge @!p1 [sflag:s0], $0x1  }
0x103: {  	(v2sf) =	vpush @!p1 v4, $0x0  }
0x104: {  	(v2sf) =	vpush @!p1 v3, $0x0;
	_ =	sdelay $0xd  }
0x105: {  	s2 =	spop @!p1 (v2sf)  }
0x106: {  	s22 =	spop @!p1 (v2sf)  }
0x107: {  	p2 =	sne.s32 @!p1 s28, s2;
	p3 =	slt.s32 @!p1 s22, $0xF  }
0x108: {  	[sflag:s0] =	ssyncset.done @!p1 $0x0;
	p2 =	por p2, p1;
	p3 =	por !p3, p1  }
0x109: {  	[sflag:s0] =	ssyncadd.s32 @!p1 $0xFFFFFFFF;
	v3 =	vimm.s32 @!p2 $0xFFFFFFFF;
	s22 =	simm.s32 @p3 $0xF  }
0x10a: {  	[tilespmem:$0x80] =	vst @!p2 v3;
	s2 =	sadd.s32 @!p1 $0x90, s22  }
0x10b: {  	[spmem:s3] =	stream.linear.scatter @!p1 [tilespmem:s2], [sflag:$0x1], $0x1, $0x38;
	[tilespmem:$0x11A60] =	vst v63  }
0x10c: {  	_ =	swait.ge @!p1 [sflag:s0], $0x1  }
0x10d: {  	[sflag:s0] =	ssyncset.done @!p1 $0x0  }
0x10e: {  	s2 =	simm.s32 @!p1 $0x80;
	[sflag:s0] =	ssyncadd.s32 @!p1 $0xFFFFFFFF  }
0x10f: {  	[spmem:s13] =	stream.linear.scatter @!p1 [tilespmem:s2], [sflag:$0x1], $0x1, $0x38;
	[tilespmem:$0x11A60] =	vst v63  }
0x110: {  	_ =	swait.ge @!p1 [sflag:s0], $0x1  }
0x111: {  	[sflag:s0] =	ssyncset.done @!p1 $0x0  }
0x112: {  	[sflag:s0] =	ssyncadd.s32 @!p1 $0xFFFFFFFF;
	(ifvalue) =	ssetifvalue $0xFFFFFFFF;
	v3 =	vld [tilespmem:s25+$0x10];
	_ =	sdelay $0x3  }
.Ltmp14:
0x113: {  	_ = 	snop;
	(pc) =	sbr.rel .LBB3_9-.Ltmp14, $3  }
0x114: {  	_ =	sdelay $0x1  }
0x115: {  	(ifvalue) =	ssetifvalue $0xFFFFFFFF  }
0x116: {  	[hbm4b:s1+s16] =	stream.indirect_vreg.scatter [tilespmem:s26], [sflag:$0x9], $0x1, v3, vm0, $0x4038;
	[tilespmem:$0x11A60] =	vst v63  }
.LBB3_10:
0x117: {  	_ =	sfence.sel $0x180000  }
0x118: {  	s0 =	simm.s32 $0x7;
	[bflag:$0x0] =	sbarrier.arrive $0xFFFF  }
0x119: {  	s26 =	simm.s32 $0x8;
	[sflag:s0] =	ssyncpa.u1 $0x1  }
0x11a: {  	s28 =	simm.s32 $0x9;
	[sflag:s26] =	ssyncpa.u1 $0x1  }
0x11b: {  	[sflag:s28] =	ssyncpa.u1 $0x1  }
0x11c: {  	_ =	sfence.stream.spmem  }
0x11d: {  	s29 =	simm.s32 $0x3;
	[bflag:$0x0] =	sbarrier.arrive $0xFFFF  }
0x11e: {  	s30 =	simm.s32 $0x4;
	[sflag:s29] =	ssyncpa.u1 $0x1  }
0x11f: {  	s31 =	simm.s32 $0x3C;
	s2 =	stileid.u32;
	[sflag:s30] =	ssyncpa.u1 $0x1  }
0x120: {  	p0 =	sne.s32 s2, $0x0;
	[sflag:s31] =	ssyncpa.u1 $0x1  }
0x121: {  	s0 =	simm.s32 @p0 $0x1;
	_ =	sfence @p0  }
0x122: {  	[sflag:s0] =	ssyncpa.u1 @p0 $0x1;
	s0 =	simm.s32 @p0 $0x2  }
0x123: {  	[sflag:s0] =	ssyncpa.u1 @p0 $0x1  }
0x124: {  	_ =	strace @p0 $0x90000059  }
0x125: {  	[bflag:$0x2] =	sbarrier.arrive @p0 $0xFFFF  }
0x126: {  	_ =	shalt @p0  }
.LBB3_11:
0x127: {  	_ =	sfence.stream.spmem;
	s0 =	simm.s32 $0x5  }
0x128: {  	s2 =	simm.s32 $0x80;
	s3 =	simm.s32 $0xC0;
	[sflag:s0] =	ssyncpa.u1 $0x0  }
0x129: {  	[tilespmem:s3], [sflag:$0x5] =	stream.linear.gather [spmem:s2], $0x20, $0x38;
	[tilespmem:$0x11A60] =	vst v63  }
0x12a: {  	s2 =	simm.s32 $0x0;
	s3 =	simm.s32 $0xE0  }
0x12b: {  	[tilespmem:s3], [sflag:$0x5] =	stream.linear.gather [spmem:s2], $0x20, $0x38;
	[tilespmem:$0x11A60] =	vst v63  }
.Ltmp15:
0x12c: {  	_ = 	snop;
	(pc) =	sbr.rel .LBB3_12-.Ltmp15, $4  }
0x12d: {  	_ =	swait.ge [sflag:s0], $0x40  }
0x12e: {  	[sflag:s0] =	ssyncset.done $0x0  }
0x12f: {  	s31 =	simm.s32 $0x6;
	[sflag:s0] =	ssyncadd.s32 $0xFFFFFFC0  }
0x130: {  	s4 =	simm.s32 $0x0;
	[sflag:s31] =	ssyncpa.u1 $0x0  }
.LBB3_17:
0x131: {  	p0 =	sgt.u32 s5, $0x27FF  }
0x132: {  	s0 =	sshrl.u32 @!p0 s5, $0x3  }
0x133: {  	s5 =	sand.u32 @!p0 $0x7, s5;
	s6 =	simm.s32 @!p0 $0xB0;
	s0 =	sadd.s32 @!p0 s1, s0  }
0x134: {  	[tilespmem:s6], [sflag:$0x6] =	stream.linear.gather @!p0 [hbm4b:s0+s5], $0x1, $0x38;
	[tilespmem:$0x11A60] =	vst v63  }
0x135: {  	s0 =	simm.s32 @!p0 $0x6  }
0x136: {  	_ =	swait.ge @!p0 [sflag:s0], $0x1  }
0x137: {  	[sflag:s0] =	ssyncset.done @!p0 $0x0  }
0x138: {  	[sflag:s0] =	ssyncadd.s32 @!p0 $0xFFFFFFFF  }
0x139: {  	v2 =	vmov @!p0 s4;
	v1 =	vld.msk @!p0 [tilespmem:$0xB0], $0x1;
	_ =	sdelay $0x3  }
0x13a: {  	s0 =	simm.s32 @!p0 $0xE0  }
0x13b: {  	[tilespmem:v2+s0+$0x0], v1 =	vst.idx.ret.add.f32.msk @!p0 $0x1, v1  }
0x13c: {  	[tilespmem:s2+$0xC0] =	vst.msk $0x1, v0  }
0x13d: {  	v0 =	vld.msk [tilespmem:s4+$0xE0], $0x1;
	_ =	sdelay $0x4  }
0x13e: {  	[tilespmem:s2+$0xE0] =	vst.msk $0x1, v0;
	s2 =	sadd.s32 $0x1, s2  }
.LBB3_19:
0x13f: {  	s4 =	sadd.s32 $0x1, s4  }
0x140: {  	p0 =	sne.s32 s4, $0x20  }
.Ltmp16:
0x141: {  	_ = 	snop;
	(pc) =	sbr.rel @!p0 .LBB3_20-.Ltmp16, $1  }
0x142: {  	_ =	sdelay $0x3  }
.LBB3_12:
0x143: {  	v0 =	vld.msk [tilespmem:s4+$0xC0], $0x1;
	_ =	sdelay $0x4  }
0x144: {  	(v2sf) =	vpush v0, $0x0;
	_ =	sdelay $0xe  }
0x145: {  	s5 =	spop (v2sf)  }
0x146: {  	p0 =	seq.s32 s5, $0xFFFFFFFF  }
.Ltmp17:
0x147: {  	_ = 	snop;
	(pc) =	sbr.rel @p0 .LBB3_19-.Ltmp17, $1  }
0x148: {  	_ =	sdelay $0x3  }
0x149: {  	p0 =	slt.s32 s2, $0x1  }
.Ltmp18:
0x14a: {  	_ = 	snop;
	(pc) =	sbr.rel @p0 .LBB3_17-.Ltmp18, $1  }
0x14b: {  	_ =	sdelay $0x3  }
0x14c: {  	s0 =	simm.s32 $0xC0;
	p0 =	por $0x0, $0x0  }
0x14d: {  	v1 =	vld.msk @!p0 [tilespmem:s0+$0x0], $0x1;
	_ =	sdelay $0x4  }
0x14e: {  	(v2sf) =	vpush @!p0 v1, $0x0;
	_ =	sdelay $0xd  }
0x14f: {  	p2 =	sne.s32 s2, $0x1  }
.Ltmp19:
0x150: {  	s6 =	spop @!p0 (v2sf);
	(pc) =	sbr.rel @!p2 .LBB3_16-.Ltmp19, $4  }
0x151: {  	p1 =	seq.s32 @!p0 s5, s6  }
0x152: {  	s6 =	simm.s32 $0x0;
	p1 =	por !p1, p0  }
0x153: {  	s8 =	simm.s32 $0xFFFFFFFF;
	s6 =	simm.s32 @p1 $0xFFFFFFFF  }
0x154: {  	s7 =	simm.s32 $0x1;
	s6 =	smov.u32 @p0 s8  }
.LBB3_15:
0x155: {  	s8 =	smov.u32 s6;
	p0 =	sne.s32 s6, $0xFFFFFFFF  }
0x156: {  	s0 =	sadd.s32 $0x1, s0;
	s6 =	smov.u32 s7;
	s7 =	sadd.s32 $0x1, s7  }
0x157: {  	p1 =	sne.s32 s2, s7;
	v1 =	vld.msk @!p0 [tilespmem:s0+$0x0], $0x1;
	_ =	sdelay $0x4  }
0x158: {  	(v2sf) =	vpush @!p0 v1, $0x0;
	_ =	sdelay $0xe  }
.Ltmp20:
0x159: {  	s9 =	spop @!p0 (v2sf);
	(pc) =	sbr.rel @p1 .LBB3_15-.Ltmp20, $4  }
0x15a: {  	p2 =	seq.s32 @!p0 s5, s9  }
0x15b: {  	p2 =	por !p2, p0  }
0x15c: {  	s6 =	simm.s32 @p2 $0xFFFFFFFF  }
0x15d: {  	s6 =	smov.u32 @p0 s8  }
.LBB3_16:
0x15e: {  	p0 =	sne.s32 s6, $0xFFFFFFFF  }
.Ltmp21:
0x15f: {  	_ = 	snop;
	(pc) =	sbr.rel @!p0 .LBB3_17-.Ltmp21, $1  }
0x160: {  	_ =	sdelay $0x3  }
0x161: {  	v0 =	vld.msk [tilespmem:s4+$0xE0], $0x1;
	v1 =	vmov s6  }
.Ltmp22:
0x162: {  	_ = 	snop;
	(pc) =	sbr.rel .LBB3_19-.Ltmp22, $2  }
0x163: {  	_ =	sdelay $0x2  }
0x164: {  	[tilespmem:v1+s3+$0x0], v0 =	vst.idx.ret.add.f32.msk $0x1, v0  }
.LBB3_20:
0x165: {  	p0 =	slt.s32 s2, $0x1  }
.Ltmp23:
0x166: {  	_ = 	snop;
	(pc) =	sbr.rel @p0 .LBB3_24-.Ltmp23, $3  }
0x167: {  	_ =	sdelay $0x1  }
0x168: {  	s0 =	simm.s32 $0x6  }
0x169: {  	s3 =	simm.s32 $0x0;
	[sflag:s0] =	ssyncpa.u1 $0x1  }
0x16a: {  	s0 =	simm.s32 $0xC0  }
0x16b: {  	v0 =	vld.msk [tilespmem:s0+$0x0], $0x1;
	_ =	sdelay $0x4  }
0x16c: {  	(v2sf) =	vpush v0, $0x0;
	_ =	sdelay $0xe  }
0x16d: {  	s2 =	sadd.s32 $0xFFFFFFFF, s2;
	s4 =	spop (v2sf)  }
0x16e: {  	p1 =	sne.s32 s2, $0x0;
	p0 =	sgt.u32 s4, $0x27FF  }
.Ltmp24:
0x16f: {  	s5 =	sshrl.u32 @!p0 s4, $0x3;
	(pc) =	sbr.rel @!p1 .LBB3_23-.Ltmp24, $4  }
0x170: {  	s0 =	simm.s32 $0xE0;
	s4 =	sand.u32 @!p0 $0x7, s4;
	s5 =	sadd.s32 @!p0 s1, s5  }
0x171: {  	[hbm4b:s5+s4] =	stream.linear.scatter @!p0 [tilespmem:s0], [sflag:$0x5], $0x1, $0x38;
	[tilespmem:$0x11A60] =	vst v63  }
0x172: {  	s5 =	simm.s32 $0x0  }
0x173: {  	s4 =	simm.s32 $0xC1;
	s5 =	simm.s32 @!p0 $0x4  }
.LBB3_22:
0x174: {  	v0 =	vld.msk [tilespmem:s4+$0x0], $0x1;
	s2 =	sadd.s32 $0xFFFFFFFF, s2;
	s3 =	sadd.s32 s3, s5  }
0x175: {  	p0 =	sne.s32 s2, $0x0;
	_ =	sdelay $0x3  }
0x176: {  	(v2sf) =	vpush v0, $0x0;
	_ =	sdelay $0xe  }
.Ltmp25:
0x177: {  	s6 =	spop (v2sf);
	(pc) =	sbr.rel @p0 .LBB3_22-.Ltmp25, $4  }
0x178: {  	s5 =	simm.s32 $0x0;
	p1 =	sgt.u32 s6, $0x27FF  }
0x179: {  	s0 =	sadd.s32 $0x1, s0;
	s5 =	simm.s32 @!p1 $0x4;
	s7 =	sshrl.u32 @!p1 s6, $0x3  }
0x17a: {  	s4 =	sadd.s32 $0x1, s4;
	s6 =	sand.u32 @!p1 $0x7, s6;
	s7 =	sadd.s32 @!p1 s1, s7  }
0x17b: {  	[hbm4b:s7+s6] =	stream.linear.scatter @!p1 [tilespmem:s0], [sflag:$0x5], $0x1, $0x38;
	[tilespmem:$0x11A60] =	vst v63  }
.LBB3_23:
0x17c: {  	s0 =	sadd.s32 s3, s5  }
0x17d: {  	s3 =	sshrl.u32 s0, $0x2  }
.LBB3_24:
0x17e: {  	s0 =	simm.s32 $0x5  }
0x17f: {  	_ =	swait.ge [sflag:s0], s3  }
0x180: {  	s1 =	ssub.s32 $0x0, s3;
	[sflag:s0] =	ssyncset.done $0x0  }
0x181: {  	[sflag:s0] =	ssyncadd.s32 s1  }
0x182: {  	[sflag:s0] =	ssyncpa.u1 $0x1  }
0x183: {  	s29 =	simm.s32 $0x1;
	_ =	sfence  }
0x184: {  	s30 =	simm.s32 $0x2;
	[sflag:s29] =	ssyncpa.u1 $0x1  }
0x185: {  	[sflag:s30] =	ssyncpa.u1 $0x1  }
0x186: {  	_ =	strace $0x90000059  }
0x187: {  	[bflag:$0x2] =	sbarrier.arrive $0xFFFF  }
0x188: {  	s31 =	rddreg [dreg:$0x1]  }
0x189: {  	s0 =	sadd.s32 $0x100000, s31  }
0x18a: {  	[sflag:s0] =	ssyncadd.tile.s32 $0x1;
	_ =	shalt  }
.Lfunc_end3:
_tile_overlayer_lowered:
.L_overlay_start_3:
0x18b: {  	(tag) =	ssettag $0x3  }
0x18c: {  	s0 =	rddreg [dreg:$0x0];
	s2 =	stileid.u32  }
0x18d: {  	s1 =	rddreg [dreg:$0x1];
	p0 =	sne.s32 s2, $0x0  }
0x18e: {  	s3 =	rddreg [dreg:$0x2];
	[bflag:$0x3] =	sbarrier.arrive $0xFFFF;
	s2 =	simm.s32 @!p0 $0x1C01  }
0x18f: {  	[timem:s3], [sflag:s2] =	dma.local @!p0 [hbm:s0], s1  }
0x190: {  	s0 =	simm.s32 @!p0 $0x1  }
0x191: {  	_ =	swait.ge @!p0 [sflag:s0], s1  }
0x192: {  	s1 =	ssub.s32 @!p0 $0x0, s1;
	[sflag:s0] =	ssyncset.done @!p0 $0x0  }
0x193: {  	[sflag:s0] =	ssyncadd.s32 @!p0 s1  }
0x194: {  	[bflag:$0x3] =	sbarrier.arrive $0xFFFF  }
0x195: {  	_ =	shalt  }

// kernel: scatter_offload_async_start.3
scs
__scs_entry_jumppad:
0x0: {  	(pc) =	sbr.rel $0x88, $3  }
0x1: {  	(tag) =	ssettag $0x0;
	lr =	simm.s32 $0x1  }
0x2: {  	[smem:$0x3F92] =	sst lr;
	_ =	strace $0xD0000000  }
0x3: {  	_ = 	snop  }
0x4: {  	_ = 	snop  }
0x5: {  	_ = 	snop  }
0x6: {  	_ = 	snop  }
0x7: {  	_ = 	snop  }
__scs_overlays_trampoline_lowered:
0x8: {  	[smem:$0x3FA1] =	sst s0  }
0x9: {  	[smem:$0x3FA2] =	sst s1  }
0xa: {  	[smem:$0x3FA3] =	sst s2  }
0xb: {  	[smem:$0x3FA4] =	sst s3  }
0xc: {  	[smem:$0x3FA5] =	sst s4  }
0xd: {  	[smem:$0x3FA6] =	sst s5  }
0xe: {  	[smem:$0x3FA7] =	sst s6  }
0xf: {  	[smem:$0x3FA8] =	sst s7  }
0x10: {  	[smem:$0x3FA9] =	sst s8  }
0x11: {  	[smem:$0x3FAA] =	sst s9;
	s0 =	simm.s32 @!p0 $0x0  }
0x12: {  	s1 =	sld [smem:$0x3F90];
	s0 =	simm.s32 @p0 $0x1  }
0x13: {  	[smem:$0x3FAB] =	sst s0;
	s0 =	simm.s32 @!p1 $0x0  }
0x14: {  	s2 =	sld [smem:$0x3F8F];
	s0 =	simm.s32 @p1 $0x1  }
0x15: {  	[smem:$0x3FAC] =	sst s0;
	s0 =	simm.s32 @!p2 $0x0  }
0x16: {  	s3 =	sld [smem:$0x3FDB];
	s0 =	simm.s32 @p2 $0x1  }
0x17: {  	s4 =	simm.s32 $0x1BF5;
	[smem:$0x3FAE] =	sst s0  }
0x18: {  	s0 =	sld [smem:$0x3F91];
	_ =	swait.ge [sflag:s4], $0x0  }
0x19: {  	s7 =	sld [smem:$0x3F92]  }
0x1a: {  	s8 =	sadd.s32 $0xFFFFE003, lr  }
0x1b: {  	s9 =	sadd.s32 $0xFFFFFEF7, lr;
	s5 =	simm.s32 $0xFFFFFFFF;
	p2 =	slt.u32 s8, $0xFFFFF086  }
0x1c: {  	p1 =	slt.u32 s9, $0xF7A;
	s5 =	simm.s32 @!p2 $0x0  }
0x1d: {  	s5 =	simm.s32 @p1 $0x1;
	p0 =	seq.s32 s7, s2  }
0x1e: {  	s7 =	smul.u32 @!p0 $0xF7A, s2;
	p2 =	seq.s32 @!p0 s5, $0x0  }
0x1f: {  	s9 =	smul.u32 $0xF7A, s1;
	s8 =	simm.s32 @!p0 $0x1BF5;
	p2 =	por !p2, p0  }
0x20: {  	[sflag:s8] =	ssyncset.s32 @!p0 $0xFFFFF086;
	s6 =	sadd.s32 @!p0 s3, s7;
	s7 =	simm.s32 @!p0 $0x108  }
0x21: {  	s3 =	sadd.s32 s3, s9;
	s6 =	sadd.s32 @!p0 $0x88, s6;
	s7 =	simm.s32 @p2 $0x1082  }
0x22: {  	[simem:s7], [sflag:s8] =	dma.local @!p0 [hbm:s6], $0xF7A  }
0x23: {  	s9 =	sor.u32 $0xD0000000, s2;
	s6 =	simm.s32 $0x108;
	_ =	swait.ge @!p0 [sflag:s8], $0x0  }
0x24: {  	s3 =	sadd.s32 $0x88, s3;
	s6 =	simm.s32 @!p1 $0x1082;
	[sflag:s4] =	ssyncset.s32 $0xFFFFF086  }
0x25: {  	[simem:s6], [sflag:s4] =	dma.local [hbm:s3], $0xF7A  }
0x26: {  	[smem:$0x3F92] =	sst s1;
	(tag) =	ssettag s2;
	_ =	strace s9  }
0x27: {  	s1 =	sld [smem:$0x3FA2]  }
0x28: {  	s2 =	sld [smem:$0x3FA3]  }
0x29: {  	s4 =	sld [smem:$0x3FA5]  }
0x2a: {  	p0 =	seq.s32 s5, $0x0;
	s5 =	sld [smem:$0x3FA6]  }
0x2b: {  	s6 =	sld [smem:$0x3FA7]  }
0x2c: {  	s7 =	sld [smem:$0x3FA8]  }
0x2d: {  	s3 =	simm.s32 $0x108;
	s8 =	sld [smem:$0x3FA9]  }
0x2e: {  	s3 =	simm.s32 @!p0 $0x1082;
	s9 =	sld [smem:$0x3FAA]  }
0x2f: {  	lr =	sadd.s32 s0, s3;
	s0 =	sld [smem:$0x3FA1]  }
0x30: {  	s3 =	sld [smem:$0x3FA4]  }
0x31: {  	[smem:$0x3FAD] =	sst s10  }
0x32: {  	s10 =	sld [smem:$0x3FAB];
	_ =	sdelay $0x3  }
0x33: {  	p0 =	seq.s32 s10, $0x1;
	s10 =	sld [smem:$0x3FAD];
	_ =	sdelay $0x3  }
0x34: {  	[smem:$0x3FAD] =	sst s10  }
0x35: {  	s10 =	sld [smem:$0x3FAC];
	_ =	sdelay $0x3  }
0x36: {  	p1 =	seq.s32 s10, $0x1;
	s10 =	sld [smem:$0x3FAD];
	_ =	sdelay $0x3  }
0x37: {  	[smem:$0x3FAD] =	sst s10  }
0x38: {  	s10 =	sld [smem:$0x3FAE]  }
0x39: {  	_ = 	snop;
	(pc) =	sbr.ind lr, $3  }
0x3a: {  	_ = 	snop  }
0x3b: {  	_ = 	snop  }
0x3c: {  	p2 =	seq.s32 s10, $0x1;
	s10 =	sld [smem:$0x3FAD]  }
0x3d: {  	_ =	shalt  }
0x3e: {  	_ =	shalt  }
0x3f: {  	_ =	shalt  }
0x40: {  	_ =	shalt  }
0x41: {  	_ =	shalt  }
0x42: {  	_ =	shalt  }
0x43: {  	_ =	shalt  }
0x44: {  	_ =	shalt  }
0x45: {  	_ =	shalt  }
0x46: {  	_ =	shalt  }
0x47: {  	_ =	shalt  }
0x48: {  	_ =	shalt  }
0x49: {  	_ =	shalt  }
0x4a: {  	_ =	shalt  }
0x4b: {  	_ =	shalt  }
0x4c: {  	_ =	shalt  }
0x4d: {  	_ =	shalt  }
0x4e: {  	_ =	shalt  }
0x4f: {  	_ =	shalt  }
0x50: {  	_ =	shalt  }
0x51: {  	_ =	shalt  }
0x52: {  	_ =	shalt  }
0x53: {  	_ =	shalt  }
0x54: {  	_ =	shalt  }
0x55: {  	_ =	shalt  }
0x56: {  	_ =	shalt  }
0x57: {  	_ =	shalt  }
0x58: {  	_ =	shalt  }
0x59: {  	_ =	shalt  }
0x5a: {  	_ =	shalt  }
0x5b: {  	_ =	shalt  }
0x5c: {  	_ =	shalt  }
0x5d: {  	_ =	shalt  }
0x5e: {  	_ =	shalt  }
0x5f: {  	_ =	shalt  }
0x60: {  	_ =	shalt  }
0x61: {  	_ =	shalt  }
0x62: {  	_ =	shalt  }
0x63: {  	_ =	shalt  }
0x64: {  	_ =	shalt  }
0x65: {  	_ =	shalt  }
0x66: {  	_ =	shalt  }
0x67: {  	_ =	shalt  }
0x68: {  	_ =	shalt  }
0x69: {  	_ =	shalt  }
0x6a: {  	_ =	shalt  }
0x6b: {  	_ =	shalt  }
0x6c: {  	_ =	shalt  }
0x6d: {  	_ =	shalt  }
0x6e: {  	_ =	shalt  }
0x6f: {  	_ =	shalt  }
0x70: {  	_ =	shalt  }
0x71: {  	_ =	shalt  }
0x72: {  	_ =	shalt  }
0x73: {  	_ =	shalt  }
0x74: {  	_ =	shalt  }
0x75: {  	_ =	shalt  }
0x76: {  	_ =	shalt  }
0x77: {  	_ =	shalt  }
0x78: {  	_ =	shalt  }
0x79: {  	_ =	shalt  }
0x7a: {  	_ =	shalt  }
0x7b: {  	_ =	shalt  }
0x7c: {  	_ =	shalt  }
0x7d: {  	_ =	shalt  }
0x7e: {  	_ =	shalt  }
0x7f: {  	_ =	shalt  }
0x80: {  	_ =	shalt  }
0x81: {  	_ =	shalt  }
0x82: {  	_ =	shalt  }
0x83: {  	_ =	shalt  }
0x84: {  	_ =	shalt  }
0x85: {  	_ =	shalt  }
0x86: {  	_ =	shalt  }
0x87: {  	_ =	shalt  }
.Lfunc_end0:
.L_simem_size_0:
called_computation.3_lowered:
.L_overlay_start_0:
0x88: {  	s0 =	sld [smem:$0x3FD9]  }
0x89: {  	s1 =	sld [smem:$0x3FFE];
	_ =	sdelay $0x3  }
0x8a: {  	s0 =	sadd.s32 s1, s0  }
0x8b: {  	[smem:$0x3FB9] =	sst s0  }
0x8c: {  	_ = 	snop  }
0x8d: {  	s14 =	sld [smem:$0x3FD0];
	(tm) =	ssettm $0x1  }
0x8e: {  	s15 =	sld [smem:$0x3FFB];
	_ =	sdelay $0x3  }
0x8f: {  	_ =	strace s15  }
0x90: {  	s0 =	sld [smem:$0x3FFC];
	_ =	sdelay $0x3  }
0x91: {  	_ =	strace s0  }
0x92: {  	s0 =	sld [smem:$0x3FFD];
	_ =	sdelay $0x3  }
0x93: {  	_ =	strace s0  }
0x94: {  	_ =	strace $0x8FFFFFFF  }
0x95: {  	s16 =	sld [smem:$0x3FDB];
	_ =	sdelay $0x1  }
0x96: {  	s2 =	simm.s32 $_scs_section_size  }
0x97: {  	s3 =	simm.s32 $_size__tile_overlayer_lowered;
	s4 =	simm.s32 $_tile_overlayer_lowered  }
0x98: {  	s5 =	simm.s32 $0x1BFF;
	s17 =	sshll.u32 s4, $0x1;
	s2 =	sadd.s32 s2, s16  }
0x99: {  	s18 =	simm.s32 $0x0;
	s3 =	sshll.u32 s3, $0x1;
	s4 =	sadd.s32 s17, s2  }
0x9a: {  	[timem:s18], [sflag:s5] =	dma.local [hbm:s4], s3  }
0x9b: {  	_ =	swait.ge [sflag:s5], s3  }
0x9c: {  	s3 =	ssub.s32 $0x0, s3;
	[sflag:s5] =	ssyncset.done $0x0  }
0x9d: {  	[sflag:s5] =	ssyncadd.s32 s3;
	_ =	sdelay $0x1  }
0x9e: {  	s19 =	simm.s32 $0x1B8B  }
0x9f: {  	_ =	swait.ge [sflag:s19], $0x1  }
0xa0: {  	[sflag:s19] =	ssyncset.done $0x0  }
0xa1: {  	s21 =	simm.s32 $0x1B8E;
	s20 =	sld [smem:$0x3FFE];
	[sflag:s19] =	ssyncadd.s32 $0xFFFFFFFF  }
0xa2: {  	s22 =	simm.s32 $execute0_lowered;
	[smem:$0x3FD2] =	sst s21  }
0xa3: {  	s4 =	sshll.u32 s22, $0x1;
	_ =	strace $0x8000004F;
	[dreg:$0x1] =	wrdreg $0xFFFFFFFF  }
0xa4: {  	s23 =	simm.s32 $_size_execute0_lowered;
	s4 =	sadd.s32 s2, s4;
	[dreg:$0x0] =	wrdreg $0x0  }
0xa5: {  	s5 =	sshll.u32 s23, $0x1;
	[dreg:$0x2] =	wrdreg s4  }
0xa6: {  	[dreg:$0x3] =	wrdreg s5  }
0xa7: {  	[dreg:$0x4] =	wrdreg $0xC0  }
0xa8: {  	s24 =	simm.s32 $execute1_lowered;
	_ =	task [dreg:s18], $0x5FFFF  }
0xa9: {  	s4 =	sshll.u32 s24, $0x1;
	[dreg:$0x1] =	wrdreg $0xFFFFFFFF  }
0xaa: {  	s2 =	sadd.s32 s2, s4;
	[dreg:$0x0] =	wrdreg $0x60  }
0xab: {  	[dreg:$0x2] =	wrdreg s2  }
0xac: {  	[dreg:$0x3] =	wrdreg s14  }
0xad: {  	[dreg:$0x4] =	wrdreg s20  }
0xae: {  	[dreg:$0x5] =	wrdreg $0xC  }
0xaf: {  	_ =	task.clear_ibuf [dreg:s18], $0x6FFFF;
	_ =	strace $0x9000004F  }
0xb0: {  	s25 =	simm.s32 $0xC;
	_ =	strace $0x80000051  }
0xb1: {  	_ =	swait.ge [sflag:s25], $0x1  }
0xb2: {  	[sflag:s25] =	ssyncadd.s32 $0xFFFFFFFF  }
0xb3: {  	_ =	strace $0x90000051  }
0xb4: {  	_ =	strace $0x80000052;
	[dreg:$0x1] =	wrdreg $0xFFFFFFFF  }
0xb5: {  	[dreg:$0x0] =	wrdreg $0x2030  }
0xb6: {  	[dreg:$0x2] =	wrdreg s20  }
0xb7: {  	[dreg:$0x3] =	wrdreg $0xD  }
0xb8: {  	_ =	task.clear_ibuf [dreg:s18], $0x4FFFF;
	_ =	strace $0x90000052  }
0xb9: {  	s26 =	simm.s32 $0xD;
	_ =	strace $0x80000054  }
0xba: {  	_ =	swait.ge [sflag:s26], $0x1  }
0xbb: {  	[sflag:s26] =	ssyncadd.s32 $0xFFFFFFFF  }
0xbc: {  	_ =	strace $0x90000054  }
0xbd: {  	_ =	sfence  }
0xbe: {  	s28 =	sld [smem:$0x0];
	_ =	sdelay $0x1  }
0xbf: {  	s29 =	srdreg.scid  }
0xc0: {  	s30 =	sshll.u32 s29, $0xD;
	s31 =	sshrl.u32 s29, $0x2  }
0xc1: {  	s3 =	sand.u32 $0x4000, s30;
	s2 =	sand.u32 $0x1, s29;
	s1 =	sadd.s32 s31, s28  }
0xc2: {  	s2 =	sor.u32 s3, s2;
	s1 =	sshll.u32 s1, $0x11  }
0xc3: {  	s1 =	sor.u32 s1, s2  }
0xc4: {  	s1 =	sadd.s32 $0x8F2B, s1  }
0xc5: {  	[sflag:s1] =	ssyncadd.remote.s32 $0x1  }
0xc6: {  	_ =	sfence.sel $0xFFFF  }
0xc7: {  	[dreg:$0x0] =	wrdreg $0xFFFFFFFF;
	(pc) =	sbr.abs _section_cstart, $3  }
0xc8: {  	[dreg:$0x1] =	wrdreg $0xFFFFFFFF  }
0xc9: {  	_ =	task.clear_ibuf [dreg:s18], $0x2FFFF;
	_ =	strace $0x9FFFFFFF  }
0xca: {  	(tm) =	ssettm $0x7FFFFFFF  }
0xcb: {  	_ =	shalt  }
tec
execute0_lowered:
.L_overlay_start_1:
0x0: {  	(tag) =	ssettag $0x1  }
0x1: {  	s2 =	rddreg [dreg:$0x0]  }
0x2: {  	s5 =	rddreg [dreg:$0x1]  }
0x3: {  	s4 =	rddreg [dreg:$0x2]  }
0x4: {  	s0 =	rddreg [dreg:$0x3];
	s3 =	stileid.u32  }
0x5: {  	[bflag:$0x3] =	sbarrier.arrive $0xFFFF;
	s1 =	simm.s32 $_size_execute1_lowered;
	p0 =	sne.s32 s3, $0x0  }
0x6: {  	s1 =	sshll.u32 s1, $0x1;
	s6 =	simm.s32 @!p0 $0x1C3F;
	s7 =	simm.s32 @!p0 $0x4060  }
0x7: {  	[timem:s7], [sflag:s6] =	dma.local @!p0 [hbm:s2], s1  }
.Ltmp0:
0x8: {  	s30 =	simm.s32 $0x2;
	s8 =	simm.s32 $0x780;
	(pc) =	sbr.rel .LBB2_1-.Ltmp0, $4  }
0x9: {  	s10 =	simm.s32 $0x0;
	s9 =	simm.s32 $0x0;
	s2 =	smul.u32 $0x280, s3  }
0xa: {  	s4 =	sadd.s32 $0x5FDE00, s4;
	s3 =	simm.s32 $0x1;
	_ =	strace $0x80000050  }
0xb: {  	s6 =	simm.s32 $0x0;
	[sflag:s3] =	ssyncpa.u1 $0x0;
	s31 =	sshrl.u32 s2, $0x3  }
0xc: {  	s7 =	simm.s32 $0x280;
	[sflag:s30] =	ssyncpa.u1 $0x0;
	s5 =	sadd.s32 s31, s5  }
.LBB2_8:
0xd: {  	p1 =	seq.s32 s9, $0x2  }
.Ltmp1:
0xe: {  	_ = 	snop;
	(pc) =	sbr.rel @p1 .LBB2_10-.Ltmp1, $1  }
0xf: {  	_ =	sdelay $0x3  }
.LBB2_9:
0x10: {  	s9 =	sadd.s32 $0x1, s9;
	s10 =	smov.u32 s2  }
.LBB2_1:
0x11: {  	p1 =	sne.s32 s9, $0x0  }
.Ltmp2:
0x12: {  	_ = 	snop;
	(pc) =	sbr.rel @!p1 .LBB2_2-.Ltmp2, $1  }
0x13: {  	_ =	sdelay $0x3  }
0x14: {  	s11 =	sand.u32 $0x1, s9  }
0x15: {  	p1 =	seq.s32 s11, $0x0  }
.Ltmp3:
0x16: {  	_ = 	snop;
	(pc) =	sbr.rel @p1 .LBB2_8-.Ltmp3, $1  }
0x17: {  	_ =	sdelay $0x3  }
0x18: {  	_ =	swait.ge [sflag:s3], $0x280  }
0x19: {  	[sflag:s3] =	ssyncset.done $0x0  }
0x1a: {  	s11 =	simm.s32 $0x0;
	p1 =	por $0x1, $0x1;
	[sflag:s3] =	ssyncadd.s32 $0xFFFFFD80  }
.LBB2_5:
0x1b: {  	v0 =	vld [tilespmem:s11+$0x280]  }
0x1c: {  	v1 =	vld [tilespmem:s11+$0x290]  }
0x1d: {  	v2 =	vld [tilespmem:s11+$0x2A0]  }
0x1e: {  	v3 =	vld [tilespmem:s11+$0x2B0]  }
0x1f: {  	v4 =	vld [tilespmem:s11+$0x2C0]  }
0x20: {  	v53 =	vld [tilespmem:s11+$0x2D0];
	[tilespmem:s11+$0x780] =	vst v0  }
0x21: {  	v54 =	vld [tilespmem:s11+$0x2E0];
	[tilespmem:s11+$0x790] =	vst v1  }
0x22: {  	v55 =	vld [tilespmem:s11+$0x2F0];
	[tilespmem:s11+$0x7A0] =	vst v2  }
0x23: {  	v56 =	vld [tilespmem:s11+$0x300];
	[tilespmem:s11+$0x7B0] =	vst v3  }
0x24: {  	v57 =	vld [tilespmem:s11+$0x310];
	[tilespmem:s11+$0x7C0] =	vst v4  }
0x25: {  	v58 =	vld [tilespmem:s11+$0x320];
	[tilespmem:s11+$0x7D0] =	vst v53  }
0x26: {  	v59 =	vld [tilespmem:s11+$0x330];
	[tilespmem:s11+$0x7E0] =	vst v54  }
0x27: {  	v60 =	vld [tilespmem:s11+$0x340];
	[tilespmem:s11+$0x7F0] =	vst v55  }
0x28: {  	v61 =	vld [tilespmem:s11+$0x350];
	[tilespmem:s11+$0x800] =	vst v56  }
0x29: {  	v62 =	vld [tilespmem:s11+$0x360];
	[tilespmem:s11+$0x810] =	vst v57  }
0x2a: {  	v63 =	vld [tilespmem:s11+$0x370];
	p2 =	por p1, p1;
	[tilespmem:s11+$0x820] =	vst v58  }
.Ltmp4:
0x2b: {  	[tilespmem:s11+$0x830] =	vst v59;
	(pc) =	sbr.rel @p2 .LBB2_5-.Ltmp4, $4  }
0x2c: {  	[tilespmem:s11+$0x840] =	vst v60  }
0x2d: {  	[tilespmem:s11+$0x850] =	vst v61  }
0x2e: {  	s12 =	simm.s32 $0x1F0;
	s13 =	simm.s32 $0x980;
	[tilespmem:s11+$0x860] =	vst v62  }
0x2f: {  	s14 =	simm.s32 $0x480;
	p1 =	por $0x0, $0x0;
	[tilespmem:s11+$0x870] =	vst v63;
	s11 =	simm.s32 $0x100  }
.LBB2_6:
0x30: {  	s12 =	sadd.s32 $0x10, s12  }
0x31: {  	v0 =	vld [tilespmem:s14+$0x0];
	p1 =	slt.u32 s12, $0x270  }
.Ltmp5:
0x32: {  	_ = 	snop;
	(pc) =	sbr.rel @p1 .LBB2_6-.Ltmp5, $2  }
0x33: {  	_ =	sdelay $0x2  }
0x34: {  	s14 =	sadd.s32 $0x10, s14;
	[tilespmem:s13+$0x0] =	vst v0;
	s13 =	sadd.s32 $0x10, s13  }
.Ltmp6:
0x35: {  	(pc) =	sbr.rel .LBB2_8-.Ltmp6, $4  }
0x36: {  	_ = 	snop  }
0x37: {  	s10 =	sshrl.u32 s10, $0x3  }
0x38: {  	s10 =	sadd.s32 s4, s10  }
0x39: {  	[hbm4b:s10+s6] =	stream.linear.scatter [tilespmem:s8], [sflag:$0x2], $0x280, $0x38;
	[tilespmem:$0xA00] =	vst v63  }
.LBB2_2:
.Ltmp7:
0x3a: {  	(pc) =	sbr.rel .LBB2_9-.Ltmp7, $2  }
0x3b: {  	_ =	sdelay $0x2  }
0x3c: {  	[tilespmem:s7], [sflag:$0x1] =	stream.linear.gather [hbm4b:s5+s6], $0x280, $0x38;
	[tilespmem:$0xA00] =	vst v63  }
.LBB2_10:
0x3d: {  	s2 =	simm.s32 $0x2  }
0x3e: {  	_ =	swait.ge [sflag:s2], $0x280  }
0x3f: {  	[sflag:s2] =	ssyncset.done $0x0  }
0x40: {  	[sflag:s2] =	ssyncadd.s32 $0xFFFFFD80  }
0x41: {  	_ =	sfence.sel $0x180000  }
0x42: {  	s3 =	simm.s32 $0x1;
	[bflag:$0x0] =	sbarrier.arrive $0xFFFF  }
0x43: {  	[sflag:s3] =	ssyncpa.u1 $0x1  }
0x44: {  	[sflag:s2] =	ssyncpa.u1 $0x1  }
0x45: {  	_ =	strace $0x90000050  }
0x46: {  	s0 =	sadd.s32 @!p0 $0x100000, s0;
	[bflag:$0x2] =	sbarrier.arrive $0xFFFF  }
0x47: {  	[sflag:s0] =	ssyncadd.tile.s32 @!p0 $0x1;
	s0 =	simm.s32 @!p0 $0x3F  }
0x48: {  	_ =	swait.ge @!p0 [sflag:s0], s1  }
0x49: {  	s1 =	ssub.s32 @!p0 $0x0, s1;
	[sflag:s0] =	ssyncset.done @!p0 $0x0  }
0x4a: {  	[sflag:s0] =	ssyncadd.s32 @!p0 s1  }
0x4b: {  	[bflag:$0x3] =	sbarrier.arrive $0xFFFF  }
0x4c: {  	_ =	shalt  }
.Lfunc_end2:
execute1_lowered:
.L_overlay_start_2:
0x4d: {  	(tag) =	ssettag $0x2  }
0x4e: {  	s3 =	rddreg [dreg:$0x0];
	_ =	strace $0x80000053;
	s15 =	stileid.u32  }
0x4f: {  	s0 =	simm.s32 $0x1;
	s1 =	smin.u32 s15, $0x8;
	s4 =	sshll.u32 s15, $0x1  }
0x50: {  	v1 =	vimm.s32 $0xFFFFFFFF;
	[sflag:s0] =	ssyncpa.u1 $0x0;
	s1 =	sadd.s32 s1, s4  }
0x51: {  	p0 =	slt.u32 s15, $0x8;
	[tilespmem:$0x10] =	vst v1;
	s5 =	smul.u32 $0x1F40, s1;
	s1 =	simm.s32 $0x5DC0  }
0x52: {  	v0 =	vimm.f32 $0.0e+00;
	[tilespmem:$0x20] =	vst v1;
	s1 =	simm.s32 @!p0 $0x3E80  }
0x53: {  	[tilespmem:$0x30] =	vst v0;
	s1 =	sadd.s32 s1, s5  }
0x54: {  	[tilespmem:$0x40] =	vst v0;
	s6 =	smin.u32 s1, $0x4E200  }
0x55: {  	s7 =	simm.s32 $0x2;
	[tilespmem:$0x50] =	vst v0;
	s2 =	ssub.s32 s6, s5  }
0x56: {  	s8 =	simm.s32 $0x8;
	s31 =	simm.s32 $0x9;
	[tilespmem:$0x60] =	vst v1;
	p0 =	sgt.s32 s2, $0x0  }
0x57: {  	s16 =	simm.s32 $0x0;
	s17 =	simm.s32 $0xF0;
	[tilespmem:$0x70] =	vst v1;
	s2 =	simm.s32 @!p0 $0x0  }
0x58: {  	s18 =	simm.s32 $0xFFFFFFFF;
	s19 =	simm.s32 $0xFFFFC280;
	[tilespmem:$0x80] =	vst v1;
	s30 =	smulhi.u32 $0x10624DD3, s2  }
0x59: {  	s20 =	simm.s32 $0xFFFFFFFE;
	s21 =	simm.s32 $0xF;
	s25 =	simm.s32 $0x0;
	v1 =	vimm.s32 $0x0;
	[tilespmem:$0xB0] =	vst v0  }
0x5a: {  	s24 =	simm.s32 $0x0;
	s15 =	sshllo.u32 s15, $0x1;
	[tilespmem:$0x90] =	vst v1;
	s10 =	sshrl.u32 s30, $0x9  }
0x5b: {  	[tilespmem:$0xA0] =	vst v1;
	[sflag:s7] =	ssyncpa.u1 $0x0;
	s7 =	simm.s32 $0x7;
	s9 =	smul.u32 $0x1F40, s10  }
.Ltmp8:
0x5c: {  	s13 =	sor.u32 $0x80, s4;
	[sflag:s7] =	ssyncpa.u1 $0x0;
	(pc) =	sbr.rel .LBB3_1-.Ltmp8, $4  }
0x5d: {  	s14 =	sor.u32 $0x81, s4;
	[sflag:s8] =	ssyncpa.u1 $0x0;
	p0 =	sne.s32 s2, s9  }
0x5e: {  	s23 =	smov.u32 s5;
	s1 =	sadd.s32 $0x5FDE00, s3;
	s0 =	simm.s32 @!p0 $0x0  }
0x5f: {  	vm0 =	vmmov $0xffff;
	v2 =	vlaneseq.u32;
	[sflag:s31] =	ssyncpa.u1 $0x0;
	s9 =	sadd.s32 $0x9E00, s3;
	s10 =	sadd.s32 s0, s10  }
0x60: {  	vm1 =	vmxor vm1, vm1;
	vm2 =	vmmov $0x1;
	vm3 =	vcmask $0x3F3C;
	p0 =	por $0x0, $0x0;
	s11 =	sadd.s32 $0x1, s10;
	s12 =	sadd.s32 $0x2, s10  }
.LBB3_9:
0x61: {  	p1 =	slt.u32 s24, $0x3  }
0x62: {  	s0 =	simm.s32 @!p1 $0x2  }
0x63: {  	_ =	swait.ge @!p1 [sflag:s0], $0x1F40  }
0x64: {  	[sflag:s0] =	ssyncset.done @!p1 $0x0  }
0x65: {  	[sflag:s0] =	ssyncadd.s32 @!p1 $0xFFFFE0C0;
	s0 =	simm.s32 @!p1 $0x9  }
0x66: {  	_ =	swait.ge @!p1 [sflag:s0], $0x10  }
0x67: {  	[sflag:s0] =	ssyncset.done @!p1 $0x0  }
0x68: {  	[sflag:s0] =	ssyncadd.s32 @!p1 $0xFFFFFFF0;
	p1 =	sne.s32 s24, s12  }
.Ltmp9:
0x69: {  	s2 =	sadd.s32 $0x1F40, s23;
	(pc) =	sbr.rel @!p1 .LBB3_10-.Ltmp9, $4  }
0x6a: {  	s22 =	smov.u32 s5;
	s31 =	sadd.s32 $0x1, s24;
	s17 =	sadd.s32 $0x1F40, s17  }
0x6b: {  	s18 =	sadd.s32 $0x1, s18;
	s25 =	smov.u32 s23;
	p2 =	slt.s32 s2, s6  }
0x6c: {  	p0 =	por !p0, !p0;
	s19 =	sadd.s32 $0x1F40, s19;
	s22 =	smov.u32 @p2 s2  }
0x6d: {  	s20 =	sadd.s32 $0x1, s20;
	s23 =	smov.u32 s22;
	s24 =	smov.u32 s31  }
.LBB3_1:
0x6e: {  	p1 =	sge.u32 s24, s10  }
0x6f: {  	s0 =	smulhi.u32 @!p1 $0xAAAAAAAB, s24;
	_ =	sdelay $0x1  }
0x70: {  	s0 =	sshrl.u32 @!p1 s0, $0x1  }
0x71: {  	s0 =	smul.u32 @!p1 $0x3, s0;
	_ =	sdelay $0x1  }
0x72: {  	s0 =	ssub.s32 @!p1 s24, s0  }
0x73: {  	s0 =	smul.u32 @!p1 $0x7D00, s0;
	_ =	sdelay $0x1  }
0x74: {  	s2 =	sshrl.u32 @!p1 s23, $0x3;
	s0 =	sshrl.u32 @!p1 s0, $0x2  }
0x75: {  	s22 =	sand.u32 @!p1 $0x7, s23;
	s2 =	sadd.s32 @!p1 s3, s2;
	s0 =	sadd.s32 @!p1 $0x100, s0  }
0x76: {  	[tilespmem:s0], [sflag:$0x7] =	stream.linear.gather @!p1 [hbm4b:s2+s22], $0x1F40, $0x38;
	[tilespmem:$0x11A60] =	vst v63  }
0x77: {  	s0 =	sadd.s32 $0xFFFFFFFF, s24  }
0x78: {  	p1 =	sge.u32 s0, s10  }
.Ltmp10:
0x79: {  	_ = 	snop;
	(pc) =	sbr.rel @p1 .LBB3_5-.Ltmp10, $1  }
0x7a: {  	_ =	sdelay $0x3  }
0x7b: {  	s2 =	smulhi.u32 $0xAAAAAAAB, s0;
	_ =	sdelay $0x1  }
0x7c: {  	s2 =	sshrl.u32 s2, $0x1  }
0x7d: {  	s2 =	smul.u32 $0x3, s2;
	_ =	sdelay $0x1  }
0x7e: {  	s2 =	ssub.s32 s0, s2  }
0x7f: {  	s2 =	smul.u32 $0x7D00, s2  }
0x80: {  	_ =	swait.ge [sflag:s7], $0x1F40  }
0x81: {  	[sflag:s7] =	ssyncset.done $0x0;
	s2 =	sshrl.u32 s2, $0x2  }
0x82: {  	[sflag:s7] =	ssyncadd.s32 $0xFFFFE0C0;
	(ifvalue) =	ssetifvalue $0xFFFFFFFF;
	v3 =	vld.msk [tilespmem:s2+$0x100 ss:$0x1], $0xffff;
	_ =	sdelay $0x2  }
0x83: {  	s30 =	smulhi.u32 $0xAAAAAAAB, s18;
	p1 =	sne.s32 s24, $0x1  }
0x84: {  	v4 =	vimm.s32 @!p1 $0x0  }
0x85: {  	s2 =	sshrl.u32 s30, $0x1;
	v4 =	vperm.xlane @!p1 v3, v4  }
0x86: {  	s22 =	sshll.u32 s24, $0x4;
	s2 =	smul.u32 $0xFFFE8900, s2;
	vm4 =	vlt.u32 v3, $0x2800  }
0x87: {  	s22 =	sand.u32 $0x10, s22;
	v3 =	vnsel vm4, $0xFFFFFFFE, v3;
	vm4 =	vlt.u32 @!p1 v4, $0x2800  }
0x88: {  	s2 =	sshra.s32 s2, $0x2;
	[tilespmem:s22+$0x60] =	vst v3;
	v3 =	vnsel @!p1 vm4, $0xFFFFFFFE, v4  }
0x89: {  	s28 =	sadd.s32 s2, s17;
	[tilespmem:$0x80] =	vst @!p1 v3  }
0x8a: {  	v3 =	vld.msk [tilespmem:s28+$0x0 ss:$0x1], $0xffff;
	_ =	sdelay $0x4  }
0x8b: {  	(xrf1) =	vunique.msk.u32 $0xffff, v3;
	_ =	sdelay $0xd  }
0x8c: {  	v4 =	vimm.s32 $0xFFFFFFFF;
	v5, _, _ =	vpop (xrf1)  }
0x8d: {  	vm5 =	vne.s32 v3, v4;
	vm4 =	veq.s32 v5, v2  }
0x8e: {  	vm6 =	vlt.u32 v3, $0x2800;
	vm4 =	vmand vm5, vm4  }
0x8f: {  	vm4 =	vmand vm6, vm4  }
0x90: {  	v4 =	vnsel vm4, $0xFFFFFFFF, v3  }
0x91: {  	s31 =	sand.u32 $0x1, s0  }
0x92: {  	s0 =	simm.s32 $0x1F40;
	p1 =	seq.s32 s31, $0x1  }
0x93: {  	s0 =	simm.s32 @!p1 $0x0  }
0x94: {  	s26 =	sadd.s32 $0x7DF0, s0;
	(ifvalue) =	ssetifvalue $0xFFFFFFFF  }
0x95: {  	v3 =	vperm.xlane v3, v1;
	[tilespmem:s26], [sflag:$0x8] =	stream.indirect_vreg.gather [hbm4b:s1+s16], $0x1, v4, vm0, $0x4038;
	v4 =	vnsel vm6, $0xFFFFFFFE, v4;
	[tilespmem:$0x11A60] =	vst v63  }
0x96: {  	s2 =	simm.s32 $0x0;
	s22 =	sadd.s32 $0xFFFFFFF0, s28;
	[tilespmem:s28+$0x0] =	vst v4  }
.LBB3_3:
0x97: {  	v4 =	vld.msk [tilespmem:s22+$0x0 ss:$0x1], $0xffff;
	s2 =	sadd.s32 $0x10, s2;
	v5 =	vmov v3;
	s28 =	smov.u32 s22  }
0x98: {  	p1 =	slt.u32 s2, $0x1F30;
	_ =	sdelay $0x4  }
0x99: {  	v3 =	vperm.xlane v4, v1;
	(xrf1) =	vunique.msk.u32 $0xffff, v4;
	_ =	sdelay $0xd  }
0x9a: {  	v6, _, _ =	vpop (xrf1)  }
0x9b: {  	vm5 =	vne.s32 v4, v5;
	vm4 =	veq.s32 v6, v2  }
0x9c: {  	vm6 =	vlt.u32 v4, $0x2800;
	vm4 =	vmand vm5, vm4  }
0x9d: {  	vm4 =	vmand vm6, vm4  }
0x9e: {  	v4 =	vnsel vm4, $0xFFFFFFFF, v4  }
.Ltmp11:
0x9f: {  	v5 =	vnsel vm6, $0xFFFFFFFE, v4;
	(pc) =	sbr.rel @p1 .LBB3_3-.Ltmp11, $3  }
0xa0: {  	_ =	sdelay $0x1  }
0xa1: {  	s22 =	sadd.s32 $0xFFFFFFF0, s22;
	s26 =	sadd.s32 $0xFFFFFFF0, s26;
	(ifvalue) =	ssetifvalue $0xFFFFFFFF  }
0xa2: {  	[tilespmem:s26], [sflag:$0x8] =	stream.indirect_vreg.gather [hbm4b:s1+s16], $0x1, v4, vm0, $0x4038;
	[tilespmem:s28+$0x0] =	vst v5  }
0xa3: {  	s2 =	sshrl.u32 s25, $0x3  }
0xa4: {  	s0 =	sadd.s32 $0x9D40, s0;
	s2 =	sadd.s32 s9, s2  }
0xa5: {  	[tilespmem:s0], [sflag:$0x8] =	stream.linear.gather [hbm:s2], $0x1F40, $0x38;
	[tilespmem:$0x11A60] =	vst v63  }
.LBB3_5:
0xa6: {  	p1 =	slt.u32 s24, $0x2  }
0xa7: {  	p2 =	sge.u32 @!p1 s24, s12  }
0xa8: {  	p1 =	por p1, p2  }
.Ltmp12:
0xa9: {  	_ = 	snop;
	(pc) =	sbr.rel @p1 .LBB3_9-.Ltmp12, $1  }
0xaa: {  	_ =	sdelay $0x3  }
0xab: {  	s0 =	sadd.s32 $0xFFFFFFFE, s24  }
0xac: {  	s2 =	smulhi.u32 $0xAAAAAAAB, s0;
	_ =	sdelay $0x1  }
0xad: {  	s2 =	sshrl.u32 s2, $0x1  }
0xae: {  	s2 =	smul.u32 $0x3, s2;
	_ =	sdelay $0x1  }
0xaf: {  	s0 =	ssub.s32 s0, s2  }
0xb0: {  	_ =	swait.ge [sflag:s8], $0x3E80;
	s0 =	smul.u32 $0x1F40, s0  }
0xb1: {  	p1 =	sne.s32 s24, s11;
	[sflag:s8] =	ssyncset.done $0x0  }
0xb2: {  	[sflag:s8] =	ssyncadd.s32 $0xFFFFC180;
	s2 =	sadd.s32 @!p1 $0x203F, s0  }
0xb3: {  	[spmem:s14] =	stream.linear.scatter @!p1 [tilespmem:s2], [sflag:$0x1], $0x1, $0x38;
	[tilespmem:$0x11A60] =	vst v63  }
0xb4: {  	s2 =	simm.s32 @!p1 $0x1  }
0xb5: {  	_ =	swait.ge @!p1 [sflag:s2], $0x1  }
0xb6: {  	s22 =	sshll.u32 s24, $0x4;
	[sflag:s2] =	ssyncset.done @!p1 $0x0  }
0xb7: {  	s25 =	sand.u32 $0x10, s22;
	[sflag:s2] =	ssyncadd.s32 @!p1 $0xFFFFFFFF  }
0xb8: {  	s2 =	sxor.u32 $0x10, s25;
	v4 =	vld [tilespmem:s25+$0x10]  }
0xb9: {  	v5 =	vld [tilespmem:s2+$0x60]  }
0xba: {  	v3 =	vld [tilespmem:$0x80];
	_ =	sdelay $0x2  }
0xbb: {  	(v2sf) =	vpush v4, $0x0  }
0xbc: {  	(v2sf) =	vpush v5, $0x0  }
0xbd: {  	(v2sf) =	vpush v3, $0x0;
	_ =	sdelay $0xc  }
0xbe: {  	s22 =	spop (v2sf)  }
0xbf: {  	s26 =	spop (v2sf)  }
0xc0: {  	s28 =	spop (v2sf)  }
0xc1: {  	p2 =	seq.s32 s22, s26;
	p3 =	seq.s32 s28, s22  }
0xc2: {  	p3 =	por p2, p3  }
0xc3: {  	s26 =	sand.u32 $0x1, s24;
	v4 =	vpsel p3, $0xFFFFFFFF, v4  }
0xc4: {  	s29 =	smul.u32 $0x1F40, s26;
	[tilespmem:s25+$0x10] =	vst.msk $0x1, v4  }
0xc5: {  	v4 =	vld [tilespmem:$0x30]  }
0xc6: {  	v5 =	vld [tilespmem:s29+$0x9D40]  }
0xc7: {  	v6 =	vld [tilespmem:s25+$0x40];
	_ =	sdelay $0x3  }
0xc8: {  	vm4 =	vmmov vm1;
	v5 =	vadd.f32 v5, v4  }
0xc9: {  	vm5 =	vmmov vm2;
	vm4 =	vmmov @p2 vm2;
	s22 =	sshll.u32 s26, $0x4;
	v4 =	vadd.f32 v6, v4  }
0xca: {  	s26 =	sor.u32 $0x11A40, s22;
	vm5 =	vmmov @p3 vm1;
	[tilespmem:s29+$0x9D40] =	vst.msk vm4, v5  }
0xcb: {  	[tilespmem:s26+$0x0] =	vst.msk vm5, v4  }
0xcc: {  	v4 =	vld [tilespmem:s29+$0x7DF0];
	_ =	sdelay $0x3  }
0xcd: {  	v5 =	vimm.f32 $0.0e+00  }
0xce: {  	v4 =	vshift.insert v4, v5, s21  }
0xcf: {  	s22 =	sor.u32 $0x40, s2  }
0xd0: {  	[tilespmem:s22+$0x0] =	vst.msk $0x1, v4  }
0xd1: {  	[tilespmem:s29+$0x7DFF] =	vst.msk $0x1, v5  }
0xd2: {  	v4 =	vld [tilespmem:s0+$0x2030];
	_ =	sdelay $0x1  }
0xd3: {  	s22 =	smulhi.u32 $0xAAAAAAAB, s20;
	s0 =	simm.s32 $0x1  }
0xd4: {  	s0 =	simm.s32 @!p0 $0x0  }
0xd5: {  	s22 =	sshrl.u32 s22, $0x1;
	s0 =	smul.u32 $0x7D00, s0  }
0xd6: {  	s22 =	smul.u32 $0xFFFE8900, s22;
	v4 =	vshift.insert v4, v1, s21  }
0xd7: {  	s0 =	sshrl.u32 s0, $0x2  }
0xd8: {  	s22 =	sshra.s32 s22, $0x2;
	s30 =	sadd.s32 $0x9D40, s0;
	[tilespmem:s2+$0x10] =	vst.msk $0x1, v4  }
0xd9: {  	s22 =	sadd.s32 s22, s19;
	v6 =	vld [tilespmem:s30+$0x0]  }
0xda: {  	v7 =	vld [tilespmem:s22+$0x0];
	_ =	sdelay $0x3  }
0xdb: {  	v5 =	vadd.f32 v6, v5  }
0xdc: {  	vm4 =	vne.s32 v7, $0xFFFFFFFF  }
0xdd: {  	(xrf2) =	vadd.seg.scan.f32 vm4, v5;
	_ =	sdelay $0x3  }
0xde: {  	s31 =	sadd.s32 $0x5EC0, s0;
	v5 =	vperm.xlane v4, v1  }
0xdf: {  	v6 =	vld [tilespmem:s31+$0x0]  }
0xe0: {  	vm5 =	veq.s32 v7, v3;
	vm6 =	veq.s32 v7, v5  }
0xe1: {  	vm7 =	vgt.u32 v7, $0xFFFFFFFD;
	vm6 =	vmor vm6, vm5  }
0xe2: {  	vm6 =	vmor vm6, vm7  }
0xe3: {  	v9 =	vld [tilespmem:$0xA0];
	v7 =	vsel vm6, $0xFFFFFFFF, v7  }
0xe4: {  	v10 =	vld [tilespmem:$0x90];
	v6 =	vsel vm5, $0x0, v6;
	v8, _, _ =	vpop (xrf2)  }
0xe5: {  	v6 =	vadd.f32 v8, v6  }
0xe6: {  	s0 =	sadd.s32 $0xDBC0, s0  }
0xe7: {  	vm4 =	vmand vm4, vm3;
	[tilespmem:s0+$0x0] =	vst v6;
	(ifvalue) =	ssetifvalue $0xFFFFFFFF  }
0xe8: {  	vm6 =	veq.s32 v9, $0x1;
	[hbm4b:s1+s16] =	stream.indirect_vreg.scatter [tilespmem:s0], [sflag:$0x2], $0x1, v7, vm0, $0x4038;
	v7 =	vsel vm4, $0x0, v8;
	[tilespmem:$0x11A60] =	vst v63  }
0xe9: {  	s2 =	simm.s32 $0x0;
	s22 =	sadd.s32 $0x10, s22;
	vm4 =	vmor vm6, vm5;
	v6 =	vsel vm5, v8, v10;
	v7 =	vshift.insert v7, v0, s21  }
.LBB3_7:
0xea: {  	v8 =	vld [tilespmem:s22+$0x0];
	s30 =	sadd.s32 $0x10, s30  }
0xeb: {  	s31 =	sadd.s32 $0x10, s31;
	v9 =	vld [tilespmem:s30+$0x0]  }
0xec: {  	s2 =	sadd.s32 $0x10, s2;
	v10 =	vld [tilespmem:s31+$0x0]  }
0xed: {  	p2 =	slt.u32 s2, $0x1F30;
	_ =	sdelay $0x2  }
0xee: {  	v7 =	vadd.f32 v9, v7  }
0xef: {  	vm5 =	vne.s32 v8, $0xFFFFFFFF  }
0xf0: {  	vm6 =	vmand vm5, vm3;
	(xrf2) =	vadd.seg.scan.f32 vm5, v7;
	_ =	sdelay $0x5  }
0xf1: {  	vm7 =	veq.s32 v8, v5;
	vm5 =	veq.s32 v8, v3  }
0xf2: {  	vm8 =	vgt.u32 v8, $0xFFFFFFFD;
	vm4 =	vmor vm4, vm5;
	vm7 =	vmor vm7, vm5  }
0xf3: {  	vm7 =	vmor vm7, vm8  }
0xf4: {  	v8 =	vsel vm7, $0xFFFFFFFF, v8  }
.Ltmp13:
0xf5: {  	v7 =	vsel vm5, $0x0, v10;
	v9, _, _ =	vpop (xrf2);
	(pc) =	sbr.rel @p2 .LBB3_7-.Ltmp13, $4  }
0xf6: {  	v6 =	vsel vm5, v9, v6;
	v10 =	vadd.f32 v9, v7;
	v7 =	vsel vm6, $0x0, v9  }
0xf7: {  	s0 =	sadd.s32 $0x10, s0;
	v7 =	vshift.insert v7, v0, s21  }
0xf8: {  	s22 =	sadd.s32 $0x10, s22;
	[tilespmem:s0+$0x0] =	vst v10;
	(ifvalue) =	ssetifvalue $0xFFFFFFFF  }
0xf9: {  	[hbm4b:s1+s16] =	stream.indirect_vreg.scatter [tilespmem:s0], [sflag:$0x2], $0x1, v8, vm0, $0x4038;
	[tilespmem:$0x11A60] =	vst v63  }
0xfa: {  	v3 =	vld [tilespmem:s29+$0xFAF0];
	_ =	sdelay $0x4  }
0xfb: {  	v3 =	vshift.insert v3, v0, s21  }
0xfc: {  	s0 =	simm.s32 $0x30  }
0xfd: {  	[tilespmem:s0+$0x0] =	vst.msk $0x1, v3  }
0xfe: {  	v3 =	vsel vm4, $0x1, v1;
	[tilespmem:$0x90] =	vst v6  }
0xff: {  	s0 =	sadd.s32 @!p1 $0xFAFF, s29;
	[tilespmem:$0xA0] =	vst v3  }
0x100: {  	[spmem:s15] =	stream.linear.scatter @!p1 [tilespmem:s0], [sflag:$0x1], $0x1, $0x38;
	[tilespmem:$0x11A60] =	vst v63  }
0x101: {  	s0 =	simm.s32 @!p1 $0x1  }
0x102: {  	v3 =	vmctz.xlane @!p1 vm4;
	_ =	swait.ge @!p1 [sflag:s0], $0x1  }
0x103: {  	(v2sf) =	vpush @!p1 v4, $0x0  }
0x104: {  	(v2sf) =	vpush @!p1 v3, $0x0;
	_ =	sdelay $0xd  }
0x105: {  	s2 =	spop @!p1 (v2sf)  }
0x106: {  	s22 =	spop @!p1 (v2sf)  }
0x107: {  	p2 =	sne.s32 @!p1 s28, s2;
	p3 =	slt.s32 @!p1 s22, $0xF  }
0x108: {  	[sflag:s0] =	ssyncset.done @!p1 $0x0;
	p2 =	por p2, p1;
	p3 =	por !p3, p1  }
0x109: {  	[sflag:s0] =	ssyncadd.s32 @!p1 $0xFFFFFFFF;
	v3 =	vimm.s32 @!p2 $0xFFFFFFFF;
	s22 =	simm.s32 @p3 $0xF  }
0x10a: {  	[tilespmem:$0x80] =	vst @!p2 v3;
	s2 =	sadd.s32 @!p1 $0x90, s22  }
0x10b: {  	[spmem:s4] =	stream.linear.scatter @!p1 [tilespmem:s2], [sflag:$0x1], $0x1, $0x38;
	[tilespmem:$0x11A60] =	vst v63  }
0x10c: {  	_ =	swait.ge @!p1 [sflag:s0], $0x1  }
0x10d: {  	[sflag:s0] =	ssyncset.done @!p1 $0x0  }
0x10e: {  	s2 =	simm.s32 @!p1 $0x80;
	[sflag:s0] =	ssyncadd.s32 @!p1 $0xFFFFFFFF  }
0x10f: {  	[spmem:s13] =	stream.linear.scatter @!p1 [tilespmem:s2], [sflag:$0x1], $0x1, $0x38;
	[tilespmem:$0x11A60] =	vst v63  }
0x110: {  	_ =	swait.ge @!p1 [sflag:s0], $0x1  }
0x111: {  	[sflag:s0] =	ssyncset.done @!p1 $0x0  }
0x112: {  	[sflag:s0] =	ssyncadd.s32 @!p1 $0xFFFFFFFF;
	(ifvalue) =	ssetifvalue $0xFFFFFFFF;
	v3 =	vld [tilespmem:s25+$0x10];
	_ =	sdelay $0x3  }
.Ltmp14:
0x113: {  	_ = 	snop;
	(pc) =	sbr.rel .LBB3_9-.Ltmp14, $3  }
0x114: {  	_ =	sdelay $0x1  }
0x115: {  	(ifvalue) =	ssetifvalue $0xFFFFFFFF  }
0x116: {  	[hbm4b:s1+s16] =	stream.indirect_vreg.scatter [tilespmem:s26], [sflag:$0x9], $0x1, v3, vm0, $0x4038;
	[tilespmem:$0x11A60] =	vst v63  }
.LBB3_10:
0x117: {  	_ =	sfence.sel $0x180000  }
0x118: {  	s0 =	simm.s32 $0x7;
	[bflag:$0x0] =	sbarrier.arrive $0xFFFF  }
0x119: {  	s26 =	simm.s32 $0x8;
	[sflag:s0] =	ssyncpa.u1 $0x1  }
0x11a: {  	s28 =	simm.s32 $0x9;
	[sflag:s26] =	ssyncpa.u1 $0x1  }
0x11b: {  	[sflag:s28] =	ssyncpa.u1 $0x1  }
0x11c: {  	_ =	sfence.stream.spmem  }
0x11d: {  	s29 =	simm.s32 $0x3;
	[bflag:$0x0] =	sbarrier.arrive $0xFFFF  }
0x11e: {  	s30 =	simm.s32 $0x4;
	[sflag:s29] =	ssyncpa.u1 $0x1  }
0x11f: {  	s31 =	simm.s32 $0x3C;
	s2 =	stileid.u32;
	[sflag:s30] =	ssyncpa.u1 $0x1  }
0x120: {  	p0 =	sne.s32 s2, $0x0;
	[sflag:s31] =	ssyncpa.u1 $0x1  }
0x121: {  	s0 =	simm.s32 @p0 $0x1;
	_ =	sfence @p0  }
0x122: {  	[sflag:s0] =	ssyncpa.u1 @p0 $0x1;
	s0 =	simm.s32 @p0 $0x2  }
0x123: {  	[sflag:s0] =	ssyncpa.u1 @p0 $0x1  }
0x124: {  	_ =	strace @p0 $0x90000053  }
0x125: {  	[bflag:$0x2] =	sbarrier.arrive @p0 $0xFFFF  }
0x126: {  	_ =	shalt @p0  }
.LBB3_11:
0x127: {  	_ =	sfence.stream.spmem;
	s0 =	simm.s32 $0x5  }
0x128: {  	s2 =	simm.s32 $0x80;
	s3 =	simm.s32 $0xC0;
	[sflag:s0] =	ssyncpa.u1 $0x0  }
0x129: {  	[tilespmem:s3], [sflag:$0x5] =	stream.linear.gather [spmem:s2], $0x20, $0x38;
	[tilespmem:$0x11A60] =	vst v63  }
0x12a: {  	s2 =	simm.s32 $0x0;
	s3 =	simm.s32 $0xE0  }
0x12b: {  	[tilespmem:s3], [sflag:$0x5] =	stream.linear.gather [spmem:s2], $0x20, $0x38;
	[tilespmem:$0x11A60] =	vst v63  }
.Ltmp15:
0x12c: {  	_ = 	snop;
	(pc) =	sbr.rel .LBB3_12-.Ltmp15, $4  }
0x12d: {  	_ =	swait.ge [sflag:s0], $0x40  }
0x12e: {  	[sflag:s0] =	ssyncset.done $0x0  }
0x12f: {  	s31 =	simm.s32 $0x6;
	[sflag:s0] =	ssyncadd.s32 $0xFFFFFFC0  }
0x130: {  	s4 =	simm.s32 $0x0;
	[sflag:s31] =	ssyncpa.u1 $0x0  }
.LBB3_17:
0x131: {  	p0 =	sgt.u32 s5, $0x27FF  }
0x132: {  	s0 =	sshrl.u32 @!p0 s5, $0x3  }
0x133: {  	s5 =	sand.u32 @!p0 $0x7, s5;
	s6 =	simm.s32 @!p0 $0xB0;
	s0 =	sadd.s32 @!p0 s1, s0  }
0x134: {  	[tilespmem:s6], [sflag:$0x6] =	stream.linear.gather @!p0 [hbm4b:s0+s5], $0x1, $0x38;
	[tilespmem:$0x11A60] =	vst v63  }
0x135: {  	s0 =	simm.s32 @!p0 $0x6  }
0x136: {  	_ =	swait.ge @!p0 [sflag:s0], $0x1  }
0x137: {  	[sflag:s0] =	ssyncset.done @!p0 $0x0  }
0x138: {  	[sflag:s0] =	ssyncadd.s32 @!p0 $0xFFFFFFFF  }
0x139: {  	v2 =	vmov @!p0 s4;
	v1 =	vld.msk @!p0 [tilespmem:$0xB0], $0x1;
	_ =	sdelay $0x3  }
0x13a: {  	s0 =	simm.s32 @!p0 $0xE0  }
0x13b: {  	[tilespmem:v2+s0+$0x0], v1 =	vst.idx.ret.add.f32.msk @!p0 $0x1, v1  }
0x13c: {  	[tilespmem:s2+$0xC0] =	vst.msk $0x1, v0  }
0x13d: {  	v0 =	vld.msk [tilespmem:s4+$0xE0], $0x1;
	_ =	sdelay $0x4  }
0x13e: {  	[tilespmem:s2+$0xE0] =	vst.msk $0x1, v0;
	s2 =	sadd.s32 $0x1, s2  }
.LBB3_19:
0x13f: {  	s4 =	sadd.s32 $0x1, s4  }
0x140: {  	p0 =	sne.s32 s4, $0x20  }
.Ltmp16:
0x141: {  	_ = 	snop;
	(pc) =	sbr.rel @!p0 .LBB3_20-.Ltmp16, $1  }
0x142: {  	_ =	sdelay $0x3  }
.LBB3_12:
0x143: {  	v0 =	vld.msk [tilespmem:s4+$0xC0], $0x1;
	_ =	sdelay $0x4  }
0x144: {  	(v2sf) =	vpush v0, $0x0;
	_ =	sdelay $0xe  }
0x145: {  	s5 =	spop (v2sf)  }
0x146: {  	p0 =	seq.s32 s5, $0xFFFFFFFF  }
.Ltmp17:
0x147: {  	_ = 	snop;
	(pc) =	sbr.rel @p0 .LBB3_19-.Ltmp17, $1  }
0x148: {  	_ =	sdelay $0x3  }
0x149: {  	p0 =	slt.s32 s2, $0x1  }
.Ltmp18:
0x14a: {  	_ = 	snop;
	(pc) =	sbr.rel @p0 .LBB3_17-.Ltmp18, $1  }
0x14b: {  	_ =	sdelay $0x3  }
0x14c: {  	s0 =	simm.s32 $0xC0;
	p0 =	por $0x0, $0x0  }
0x14d: {  	v1 =	vld.msk @!p0 [tilespmem:s0+$0x0], $0x1;
	_ =	sdelay $0x4  }
0x14e: {  	(v2sf) =	vpush @!p0 v1, $0x0;
	_ =	sdelay $0xd  }
0x14f: {  	p2 =	sne.s32 s2, $0x1  }
.Ltmp19:
0x150: {  	s6 =	spop @!p0 (v2sf);
	(pc) =	sbr.rel @!p2 .LBB3_16-.Ltmp19, $4  }
0x151: {  	p1 =	seq.s32 @!p0 s5, s6  }
0x152: {  	s6 =	simm.s32 $0x0;
	p1 =	por !p1, p0  }
0x153: {  	s8 =	simm.s32 $0xFFFFFFFF;
	s6 =	simm.s32 @p1 $0xFFFFFFFF  }
0x154: {  	s7 =	simm.s32 $0x1;
	s6 =	smov.u32 @p0 s8  }
.LBB3_15:
0x155: {  	s8 =	smov.u32 s6;
	p0 =	sne.s32 s6, $0xFFFFFFFF  }
0x156: {  	s0 =	sadd.s32 $0x1, s0;
	s6 =	smov.u32 s7;
	s7 =	sadd.s32 $0x1, s7  }
0x157: {  	p1 =	sne.s32 s2, s7;
	v1 =	vld.msk @!p0 [tilespmem:s0+$0x0], $0x1;
	_ =	sdelay $0x4  }
0x158: {  	(v2sf) =	vpush @!p0 v1, $0x0;
	_ =	sdelay $0xe  }
.Ltmp20:
0x159: {  	s9 =	spop @!p0 (v2sf);
	(pc) =	sbr.rel @p1 .LBB3_15-.Ltmp20, $4  }
0x15a: {  	p2 =	seq.s32 @!p0 s5, s9  }
0x15b: {  	p2 =	por !p2, p0  }
0x15c: {  	s6 =	simm.s32 @p2 $0xFFFFFFFF  }
0x15d: {  	s6 =	smov.u32 @p0 s8  }
.LBB3_16:
0x15e: {  	p0 =	sne.s32 s6, $0xFFFFFFFF  }
.Ltmp21:
0x15f: {  	_ = 	snop;
	(pc) =	sbr.rel @!p0 .LBB3_17-.Ltmp21, $1  }
0x160: {  	_ =	sdelay $0x3  }
0x161: {  	v0 =	vld.msk [tilespmem:s4+$0xE0], $0x1;
	v1 =	vmov s6  }
.Ltmp22:
0x162: {  	_ = 	snop;
	(pc) =	sbr.rel .LBB3_19-.Ltmp22, $2  }
0x163: {  	_ =	sdelay $0x2  }
0x164: {  	[tilespmem:v1+s3+$0x0], v0 =	vst.idx.ret.add.f32.msk $0x1, v0  }
.LBB3_20:
0x165: {  	p0 =	slt.s32 s2, $0x1  }
.Ltmp23:
0x166: {  	_ = 	snop;
	(pc) =	sbr.rel @p0 .LBB3_24-.Ltmp23, $3  }
0x167: {  	_ =	sdelay $0x1  }
0x168: {  	s0 =	simm.s32 $0x6  }
0x169: {  	s3 =	simm.s32 $0x0;
	[sflag:s0] =	ssyncpa.u1 $0x1  }
0x16a: {  	s0 =	simm.s32 $0xC0  }
0x16b: {  	v0 =	vld.msk [tilespmem:s0+$0x0], $0x1;
	_ =	sdelay $0x4  }
0x16c: {  	(v2sf) =	vpush v0, $0x0;
	_ =	sdelay $0xe  }
0x16d: {  	s2 =	sadd.s32 $0xFFFFFFFF, s2;
	s4 =	spop (v2sf)  }
0x16e: {  	p1 =	sne.s32 s2, $0x0;
	p0 =	sgt.u32 s4, $0x27FF  }
.Ltmp24:
0x16f: {  	s5 =	sshrl.u32 @!p0 s4, $0x3;
	(pc) =	sbr.rel @!p1 .LBB3_23-.Ltmp24, $4  }
0x170: {  	s0 =	simm.s32 $0xE0;
	s4 =	sand.u32 @!p0 $0x7, s4;
	s5 =	sadd.s32 @!p0 s1, s5  }
0x171: {  	[hbm4b:s5+s4] =	stream.linear.scatter @!p0 [tilespmem:s0], [sflag:$0x5], $0x1, $0x38;
	[tilespmem:$0x11A60] =	vst v63  }
0x172: {  	s5 =	simm.s32 $0x0  }
0x173: {  	s4 =	simm.s32 $0xC1;
	s5 =	simm.s32 @!p0 $0x4  }
.LBB3_22:
0x174: {  	v0 =	vld.msk [tilespmem:s4+$0x0], $0x1;
	s2 =	sadd.s32 $0xFFFFFFFF, s2;
	s3 =	sadd.s32 s3, s5  }
0x175: {  	p0 =	sne.s32 s2, $0x0;
	_ =	sdelay $0x3  }
0x176: {  	(v2sf) =	vpush v0, $0x0;
	_ =	sdelay $0xe  }
.Ltmp25:
0x177: {  	s6 =	spop (v2sf);
	(pc) =	sbr.rel @p0 .LBB3_22-.Ltmp25, $4  }
0x178: {  	s5 =	simm.s32 $0x0;
	p1 =	sgt.u32 s6, $0x27FF  }
0x179: {  	s0 =	sadd.s32 $0x1, s0;
	s5 =	simm.s32 @!p1 $0x4;
	s7 =	sshrl.u32 @!p1 s6, $0x3  }
0x17a: {  	s4 =	sadd.s32 $0x1, s4;
	s6 =	sand.u32 @!p1 $0x7, s6;
	s7 =	sadd.s32 @!p1 s1, s7  }
0x17b: {  	[hbm4b:s7+s6] =	stream.linear.scatter @!p1 [tilespmem:s0], [sflag:$0x5], $0x1, $0x38;
	[tilespmem:$0x11A60] =	vst v63  }
.LBB3_23:
0x17c: {  	s0 =	sadd.s32 s3, s5  }
0x17d: {  	s3 =	sshrl.u32 s0, $0x2  }
.LBB3_24:
0x17e: {  	s0 =	simm.s32 $0x5  }
0x17f: {  	_ =	swait.ge [sflag:s0], s3  }
0x180: {  	s1 =	ssub.s32 $0x0, s3;
	[sflag:s0] =	ssyncset.done $0x0  }
0x181: {  	[sflag:s0] =	ssyncadd.s32 s1  }
0x182: {  	[sflag:s0] =	ssyncpa.u1 $0x1  }
0x183: {  	s29 =	simm.s32 $0x1;
	_ =	sfence  }
0x184: {  	s30 =	simm.s32 $0x2;
	[sflag:s29] =	ssyncpa.u1 $0x1  }
0x185: {  	[sflag:s30] =	ssyncpa.u1 $0x1  }
0x186: {  	_ =	strace $0x90000053  }
0x187: {  	[bflag:$0x2] =	sbarrier.arrive $0xFFFF  }
0x188: {  	s31 =	rddreg [dreg:$0x1]  }
0x189: {  	s0 =	sadd.s32 $0x100000, s31  }
0x18a: {  	[sflag:s0] =	ssyncadd.tile.s32 $0x1;
	_ =	shalt  }
.Lfunc_end3:
_tile_overlayer_lowered:
.L_overlay_start_3:
0x18b: {  	(tag) =	ssettag $0x3  }
0x18c: {  	s0 =	rddreg [dreg:$0x0];
	s2 =	stileid.u32  }
0x18d: {  	s1 =	rddreg [dreg:$0x1];
	p0 =	sne.s32 s2, $0x0  }
0x18e: {  	s3 =	rddreg [dreg:$0x2];
	[bflag:$0x3] =	sbarrier.arrive $0xFFFF;
	s2 =	simm.s32 @!p0 $0x1C01  }
0x18f: {  	[timem:s3], [sflag:s2] =	dma.local @!p0 [hbm:s0], s1  }
0x190: {  	s0 =	simm.s32 @!p0 $0x1  }
0x191: {  	_ =	swait.ge @!p0 [sflag:s0], s1  }
0x192: {  	s1 =	ssub.s32 @!p0 $0x0, s1;
	[sflag:s0] =	ssyncset.done @!p0 $0x0  }
0x193: {  	[sflag:s0] =	ssyncadd.s32 @!p0 s1  }
0x194: {  	[bflag:$0x3] =	sbarrier.arrive $0xFFFF  }
0x195: {  	_ =	shalt  }

// kernel: scatter_offload_async_start
scs
__scs_entry_jumppad:
0x0: {  	(pc) =	sbr.rel $0x88, $3  }
0x1: {  	(tag) =	ssettag $0x0;
	lr =	simm.s32 $0x1  }
0x2: {  	[smem:$0x3F92] =	sst lr;
	_ =	strace $0xD0000000  }
0x3: {  	_ = 	snop  }
0x4: {  	_ = 	snop  }
0x5: {  	_ = 	snop  }
0x6: {  	_ = 	snop  }
0x7: {  	_ = 	snop  }
__scs_overlays_trampoline_lowered:
0x8: {  	[smem:$0x3FA1] =	sst s0  }
0x9: {  	[smem:$0x3FA2] =	sst s1  }
0xa: {  	[smem:$0x3FA3] =	sst s2  }
0xb: {  	[smem:$0x3FA4] =	sst s3  }
0xc: {  	[smem:$0x3FA5] =	sst s4  }
0xd: {  	[smem:$0x3FA6] =	sst s5  }
0xe: {  	[smem:$0x3FA7] =	sst s6  }
0xf: {  	[smem:$0x3FA8] =	sst s7  }
0x10: {  	[smem:$0x3FA9] =	sst s8  }
0x11: {  	[smem:$0x3FAA] =	sst s9;
	s0 =	simm.s32 @!p0 $0x0  }
0x12: {  	s1 =	sld [smem:$0x3F90];
	s0 =	simm.s32 @p0 $0x1  }
0x13: {  	[smem:$0x3FAB] =	sst s0;
	s0 =	simm.s32 @!p1 $0x0  }
0x14: {  	s2 =	sld [smem:$0x3F8F];
	s0 =	simm.s32 @p1 $0x1  }
0x15: {  	[smem:$0x3FAC] =	sst s0;
	s0 =	simm.s32 @!p2 $0x0  }
0x16: {  	s3 =	sld [smem:$0x3FDB];
	s0 =	simm.s32 @p2 $0x1  }
0x17: {  	s4 =	simm.s32 $0x1BF5;
	[smem:$0x3FAE] =	sst s0  }
0x18: {  	s0 =	sld [smem:$0x3F91];
	_ =	swait.ge [sflag:s4], $0x0  }
0x19: {  	s7 =	sld [smem:$0x3F92]  }
0x1a: {  	s8 =	sadd.s32 $0xFFFFE003, lr  }
0x1b: {  	s9 =	sadd.s32 $0xFFFFFEF7, lr;
	s5 =	simm.s32 $0xFFFFFFFF;
	p2 =	slt.u32 s8, $0xFFFFF086  }
0x1c: {  	p1 =	slt.u32 s9, $0xF7A;
	s5 =	simm.s32 @!p2 $0x0  }
0x1d: {  	s5 =	simm.s32 @p1 $0x1;
	p0 =	seq.s32 s7, s2  }
0x1e: {  	s7 =	smul.u32 @!p0 $0xF7A, s2;
	p2 =	seq.s32 @!p0 s5, $0x0  }
0x1f: {  	s9 =	smul.u32 $0xF7A, s1;
	s8 =	simm.s32 @!p0 $0x1BF5;
	p2 =	por !p2, p0  }
0x20: {  	[sflag:s8] =	ssyncset.s32 @!p0 $0xFFFFF086;
	s6 =	sadd.s32 @!p0 s3, s7;
	s7 =	simm.s32 @!p0 $0x108  }
0x21: {  	s3 =	sadd.s32 s3, s9;
	s6 =	sadd.s32 @!p0 $0x88, s6;
	s7 =	simm.s32 @p2 $0x1082  }
0x22: {  	[simem:s7], [sflag:s8] =	dma.local @!p0 [hbm:s6], $0xF7A  }
0x23: {  	s9 =	sor.u32 $0xD0000000, s2;
	s6 =	simm.s32 $0x108;
	_ =	swait.ge @!p0 [sflag:s8], $0x0  }
0x24: {  	s3 =	sadd.s32 $0x88, s3;
	s6 =	simm.s32 @!p1 $0x1082;
	[sflag:s4] =	ssyncset.s32 $0xFFFFF086  }
0x25: {  	[simem:s6], [sflag:s4] =	dma.local [hbm:s3], $0xF7A  }
0x26: {  	[smem:$0x3F92] =	sst s1;
	(tag) =	ssettag s2;
	_ =	strace s9  }
0x27: {  	s1 =	sld [smem:$0x3FA2]  }
0x28: {  	s2 =	sld [smem:$0x3FA3]  }
0x29: {  	s4 =	sld [smem:$0x3FA5]  }
0x2a: {  	p0 =	seq.s32 s5, $0x0;
	s5 =	sld [smem:$0x3FA6]  }
0x2b: {  	s6 =	sld [smem:$0x3FA7]  }
0x2c: {  	s7 =	sld [smem:$0x3FA8]  }
0x2d: {  	s3 =	simm.s32 $0x108;
	s8 =	sld [smem:$0x3FA9]  }
0x2e: {  	s3 =	simm.s32 @!p0 $0x1082;
	s9 =	sld [smem:$0x3FAA]  }
0x2f: {  	lr =	sadd.s32 s0, s3;
	s0 =	sld [smem:$0x3FA1]  }
0x30: {  	s3 =	sld [smem:$0x3FA4]  }
0x31: {  	[smem:$0x3FAD] =	sst s10  }
0x32: {  	s10 =	sld [smem:$0x3FAB];
	_ =	sdelay $0x3  }
0x33: {  	p0 =	seq.s32 s10, $0x1;
	s10 =	sld [smem:$0x3FAD];
	_ =	sdelay $0x3  }
0x34: {  	[smem:$0x3FAD] =	sst s10  }
0x35: {  	s10 =	sld [smem:$0x3FAC];
	_ =	sdelay $0x3  }
0x36: {  	p1 =	seq.s32 s10, $0x1;
	s10 =	sld [smem:$0x3FAD];
	_ =	sdelay $0x3  }
0x37: {  	[smem:$0x3FAD] =	sst s10  }
0x38: {  	s10 =	sld [smem:$0x3FAE]  }
0x39: {  	_ = 	snop;
	(pc) =	sbr.ind lr, $3  }
0x3a: {  	_ = 	snop  }
0x3b: {  	_ = 	snop  }
0x3c: {  	p2 =	seq.s32 s10, $0x1;
	s10 =	sld [smem:$0x3FAD]  }
0x3d: {  	_ =	shalt  }
0x3e: {  	_ =	shalt  }
0x3f: {  	_ =	shalt  }
0x40: {  	_ =	shalt  }
0x41: {  	_ =	shalt  }
0x42: {  	_ =	shalt  }
0x43: {  	_ =	shalt  }
0x44: {  	_ =	shalt  }
0x45: {  	_ =	shalt  }
0x46: {  	_ =	shalt  }
0x47: {  	_ =	shalt  }
0x48: {  	_ =	shalt  }
0x49: {  	_ =	shalt  }
0x4a: {  	_ =	shalt  }
0x4b: {  	_ =	shalt  }
0x4c: {  	_ =	shalt  }
0x4d: {  	_ =	shalt  }
0x4e: {  	_ =	shalt  }
0x4f: {  	_ =	shalt  }
0x50: {  	_ =	shalt  }
0x51: {  	_ =	shalt  }
0x52: {  	_ =	shalt  }
0x53: {  	_ =	shalt  }
0x54: {  	_ =	shalt  }
0x55: {  	_ =	shalt  }
0x56: {  	_ =	shalt  }
0x57: {  	_ =	shalt  }
0x58: {  	_ =	shalt  }
0x59: {  	_ =	shalt  }
0x5a: {  	_ =	shalt  }
0x5b: {  	_ =	shalt  }
0x5c: {  	_ =	shalt  }
0x5d: {  	_ =	shalt  }
0x5e: {  	_ =	shalt  }
0x5f: {  	_ =	shalt  }
0x60: {  	_ =	shalt  }
0x61: {  	_ =	shalt  }
0x62: {  	_ =	shalt  }
0x63: {  	_ =	shalt  }
0x64: {  	_ =	shalt  }
0x65: {  	_ =	shalt  }
0x66: {  	_ =	shalt  }
0x67: {  	_ =	shalt  }
0x68: {  	_ =	shalt  }
0x69: {  	_ =	shalt  }
0x6a: {  	_ =	shalt  }
0x6b: {  	_ =	shalt  }
0x6c: {  	_ =	shalt  }
0x6d: {  	_ =	shalt  }
0x6e: {  	_ =	shalt  }
0x6f: {  	_ =	shalt  }
0x70: {  	_ =	shalt  }
0x71: {  	_ =	shalt  }
0x72: {  	_ =	shalt  }
0x73: {  	_ =	shalt  }
0x74: {  	_ =	shalt  }
0x75: {  	_ =	shalt  }
0x76: {  	_ =	shalt  }
0x77: {  	_ =	shalt  }
0x78: {  	_ =	shalt  }
0x79: {  	_ =	shalt  }
0x7a: {  	_ =	shalt  }
0x7b: {  	_ =	shalt  }
0x7c: {  	_ =	shalt  }
0x7d: {  	_ =	shalt  }
0x7e: {  	_ =	shalt  }
0x7f: {  	_ =	shalt  }
0x80: {  	_ =	shalt  }
0x81: {  	_ =	shalt  }
0x82: {  	_ =	shalt  }
0x83: {  	_ =	shalt  }
0x84: {  	_ =	shalt  }
0x85: {  	_ =	shalt  }
0x86: {  	_ =	shalt  }
0x87: {  	_ =	shalt  }
.Lfunc_end0:
.L_simem_size_0:
called_computation_lowered:
.L_overlay_start_0:
0x88: {  	s2 =	sld [smem:$0x3FD9]  }
0x89: {  	s3 =	sld [smem:$0x3FFE];
	_ =	sdelay $0x1  }
0x8a: {  	s1 =	srdreg.scid  }
0x8b: {  	s0 =	sand.u32 $0x1, s1  }
0x8c: {  	s17 =	sshll.u32 s0, $0xA;
	s2 =	sadd.s32 s3, s2  }
0x8d: {  	s2 =	sadd.s32 s2, s17  }
0x8e: {  	[smem:$0x3FB9] =	sst s2  }
0x8f: {  	_ = 	snop  }
0x90: {  	(tm) =	ssettm $0x1  }
0x91: {  	s18 =	sld [smem:$0x3FFB];
	_ =	sdelay $0x3  }
0x92: {  	_ =	strace s18  }
0x93: {  	s2 =	sld [smem:$0x3FFC];
	_ =	sdelay $0x3  }
0x94: {  	_ =	strace s2  }
0x95: {  	s2 =	sld [smem:$0x3FFD];
	_ =	sdelay $0x3  }
0x96: {  	_ =	strace s2  }
0x97: {  	_ =	strace $0x8FFFFFFF  }
0x98: {  	s19 =	sld [smem:$0x3FDB];
	_ =	sdelay $0x1  }
0x99: {  	s20 =	simm.s32 $_scs_section_size  }
0x9a: {  	s4 =	simm.s32 $_size__tile_overlayer_lowered;
	s5 =	simm.s32 $_tile_overlayer_lowered  }
0x9b: {  	s6 =	simm.s32 $0x1BFF;
	s21 =	sshll.u32 s5, $0x1;
	s3 =	sadd.s32 s20, s19  }
0x9c: {  	s22 =	simm.s32 $0x0;
	s4 =	sshll.u32 s4, $0x1;
	s5 =	sadd.s32 s21, s3  }
0x9d: {  	[timem:s22], [sflag:s6] =	dma.local [hbm:s5], s4  }
0x9e: {  	_ =	swait.ge [sflag:s6], s4  }
0x9f: {  	s4 =	ssub.s32 $0x0, s4;
	[sflag:s6] =	ssyncset.done $0x0  }
0xa0: {  	[sflag:s6] =	ssyncadd.s32 s4;
	_ =	sdelay $0x1  }
0xa1: {  	s23 =	simm.s32 $0x1B8B  }
0xa2: {  	_ =	swait.ge [sflag:s23], $0x1  }
0xa3: {  	[sflag:s23] =	ssyncset.done $0x0  }
0xa4: {  	[sflag:s23] =	ssyncadd.s32 $0xFFFFFFFF  }
0xa5: {  	s4 =	sld [smem:$0x0]  }
0xa6: {  	s5 =	sand.u32 $0xFFFFFFFE, s1  }
0xa7: {  	p0 =	sne.s32 s1, s5  }
0xa8: {  	s5 =	sshll.u32 @p0 s5, $0xE  }
0xa9: {  	s5 =	sadd.s32 @p0 $0x11B8D, s5;
	s6 =	sshll.u32 @p0 s4, $0x11  }
0xaa: {  	s5 =	sor.u32 @p0 s6, s5  }
0xab: {  	[sflag:s5] =	ssyncadd.remote.s32 @p0 $0x1;
	_ =	sdelay $0x1  }
0xac: {  	s5 =	simm.s32 @p0 $0x1B8D  }
0xad: {  	_ =	swait.eq @p0 [sflag:s5], $0x1  }
0xae: {  	[sflag:s5] =	ssyncadd.s32 @p0 $0xFFFFFFFF  }
0xaf: {  	s6 =	sshll.u32 @!p0 s1, $0xE  }
0xb0: {  	s6 =	sor.u32 @!p0 $0x4000, s6;
	s5 =	simm.s32 @!p0 $0x1B8D  }
0xb1: {  	s7 =	sshll.u32 @!p0 s4, $0x11;
	s6 =	sadd.s32 @!p0 $0x11B8D, s6;
	_ =	swait.eq @!p0 [sflag:s5], $0x1  }
0xb2: {  	[sflag:s5] =	ssyncadd.s32 @!p0 $0xFFFFFFFF;
	s5 =	sor.u32 @!p0 s7, s6  }
0xb3: {  	s25 =	simm.s32 $0x1B8E;
	s24 =	sld [smem:$0x3FFE];
	[sflag:s5] =	ssyncadd.remote.s32 @!p0 $0x1  }
0xb4: {  	s26 =	simm.s32 $execute0_lowered;
	[smem:$0x3FD2] =	sst s25  }
0xb5: {  	s6 =	sshll.u32 s26, $0x1;
	_ =	strace $0x8000005E;
	[dreg:$0x1] =	wrdreg $0xFFFFFFFF  }
0xb6: {  	s28 =	simm.s32 $_size_execute0_lowered;
	s3 =	sadd.s32 s3, s6;
	[dreg:$0x0] =	wrdreg $0x0  }
0xb7: {  	s6 =	sshll.u32 s28, $0x1;
	[dreg:$0x2] =	wrdreg s3  }
0xb8: {  	[dreg:$0x3] =	wrdreg s6  }
0xb9: {  	[dreg:$0x4] =	wrdreg $0xC0  }
0xba: {  	_ =	task [dreg:s22], $0x5FFFF  }
0xbb: {  	[dreg:$0x1] =	wrdreg $0xFFFFFFFF  }
0xbc: {  	[dreg:$0x0] =	wrdreg $0x60  }
0xbd: {  	[dreg:$0x2] =	wrdreg s24  }
0xbe: {  	[dreg:$0x3] =	wrdreg s1  }
0xbf: {  	[dreg:$0x4] =	wrdreg s4  }
0xc0: {  	[dreg:$0x5] =	wrdreg $0xE  }
0xc1: {  	_ =	task.clear_ibuf [dreg:s22], $0x6FFFF;
	_ =	strace $0x9000005E  }
0xc2: {  	s29 =	simm.s32 $0xE;
	_ =	strace $0x80000060  }
0xc3: {  	_ =	swait.ge [sflag:s29], $0x1  }
0xc4: {  	[sflag:s29] =	ssyncadd.s32 $0xFFFFFFFF  }
0xc5: {  	_ =	strace $0x90000060  }
0xc6: {  	_ =	sfence  }
0xc7: {  	s30 =	sld [smem:$0x0];
	_ =	sdelay $0x2  }
0xc8: {  	s31 =	sshll.u32 s1, $0xD;
	s1 =	sshrl.u32 s1, $0x2  }
0xc9: {  	s4 =	sand.u32 $0x4000, s31;
	s1 =	sadd.s32 s1, s30  }
0xca: {  	s0 =	sor.u32 s4, s0;
	s1 =	sshll.u32 s1, $0x11  }
0xcb: {  	s0 =	sor.u32 s1, s0  }
0xcc: {  	s0 =	sadd.s32 $0x8F2B, s0  }
0xcd: {  	[sflag:s0] =	ssyncadd.remote.s32 $0x1  }
0xce: {  	_ =	sfence.sel $0xFFFF  }
0xcf: {  	[dreg:$0x0] =	wrdreg $0xFFFFFFFF;
	(pc) =	sbr.abs _section_cstart, $3  }
0xd0: {  	[dreg:$0x1] =	wrdreg $0xFFFFFFFF  }
0xd1: {  	_ =	task.clear_ibuf [dreg:s22], $0x2FFFF;
	_ =	strace $0x9FFFFFFF  }
0xd2: {  	(tm) =	ssettm $0x7FFFFFFF  }
0xd3: {  	_ =	shalt  }
tec
execute0_lowered:
.L_overlay_start_1:
0x0: {  	(tag) =	ssettag $0x1  }
0x1: {  	s2 =	rddreg [dreg:$0x0]  }
0x2: {  	s3 =	rddreg [dreg:$0x1];
	_ =	strace $0x8000005F;
	s0 =	simm.s32 $0x1  }
0x3: {  	s5 =	simm.s32 $0x208;
	v0 =	vimm.s32 $0x0;
	[sflag:s0] =	ssyncpa.u1 $0x0  }
0x4: {  	[tilespmem:s5+$0x70] =	vst v0  }
0x5: {  	[tilespmem:s5+$0x60] =	vst v0  }
0x6: {  	[tilespmem:s5+$0x50] =	vst v0  }
0x7: {  	[tilespmem:s5+$0x40] =	vst v0  }
0x8: {  	[tilespmem:s5+$0x30] =	vst v0  }
0x9: {  	s1 =	sadd.s32 $0x62800, s2;
	s0 =	sadd.s32 $0x4EC00, s2;
	s6 =	sadd.s32 $0xFC6C00, s2;
	[tilespmem:s5+$0x20] =	vst v0  }
0xa: {  	s4 =	sadd.s32 $0x58A00, s2;
	s10 =	sand.u32 $0x1, s3;
	s2 =	simm.s32 $0x40;
	[tilespmem:s5+$0x10] =	vst v0  }
.LBB2_1:
0xb: {  	s2 =	sadd.s32 $0x40, s2;
	[tilespmem:s5+$0x0] =	vst v0;
	s5 =	sadd.s32 $0x80, s5  }
0xc: {  	p0 =	slt.u32 s2, $0x3880;
	[tilespmem:s5+$0x70] =	vst v0  }
0xd: {  	[tilespmem:s5+$0x60] =	vst v0  }
.Ltmp0:
0xe: {  	[tilespmem:s5+$0x50] =	vst v0;
	(pc) =	sbr.rel @p0 .LBB2_1-.Ltmp0, $4  }
0xf: {  	[tilespmem:s5+$0x40] =	vst v0  }
0x10: {  	[tilespmem:s5+$0x30] =	vst v0  }
0x11: {  	[tilespmem:s5+$0x20] =	vst v0  }
0x12: {  	[tilespmem:s5+$0x10] =	vst v0  }
0x13: {  	s11 =	stileid.u32  }
0x14: {  	s2 =	smul.u32 $0x59, s11  }
0x15: {  	s3 =	smin.u32 s11, $0x5  }
0x16: {  	s2 =	sadd.s32 s3, s2  }
0x17: {  	p0 =	slt.u32 s11, $0x5;
	s20 =	smul.u32 $0x70, s2;
	s2 =	simm.s32 $0x2760  }
0x18: {  	s2 =	simm.s32 @!p0 $0x26F0  }
0x19: {  	s2 =	sadd.s32 s2, s20  }
0x1a: {  	s8 =	smin.u32 s2, $0x27100  }
0x1b: {  	s26 =	simm.s32 $0x2;
	s2 =	ssub.s32 s8, s20  }
0x1c: {  	s9 =	simm.s32 $0x9;
	s29 =	simm.s32 $0xA;
	p0 =	sgt.s32 s2, $0x0  }
0x1d: {  	s30 =	simm.s32 $0xB;
	s31 =	smul.u32 $0x4E20, s10;
	s2 =	simm.s32 @!p0 $0x0  }
0x1e: {  	[dreg:$0x4] =	wrdreg s10;
	s12 =	simm.s32 $0x1;
	s25 =	smulhi.u32 $0x92492493, s2  }
0x1f: {  	s24 =	simm.s32 $0x0;
	p1 =	por $0x0, $0x0;
	s18 =	simm.s32 $0x80  }
0x20: {  	s19 =	simm.s32 $0x400;
	s17 =	simm.s32 $0xC;
	s3 =	sshrl.u32 s25, $0x6  }
0x21: {  	s21 =	simm.s32 $0x0;
	s23 =	simm.s32 $0x0;
	s28 =	smul.u32 $0x70, s3  }
.Ltmp1:
0x22: {  	[tilespmem:s5+$0x0] =	vst v0;
	v0 =	vimm.s32 $0xFFFFFFFF;
	[sflag:s26] =	ssyncpa.u1 $0x0;
	s16 =	sshll.u32 s11, $0x9;
	(pc) =	sbr.rel .LBB2_3-.Ltmp1, $4  }
0x23: {  	[tilespmem:$0xE408] =	vst v0;
	[sflag:s9] =	ssyncpa.u1 $0x0;
	p0 =	sne.s32 s2, s28;
	s2 =	simm.s32 $0x1  }
0x24: {  	s14 =	sadd.s32 s31, s4;
	[sflag:s29] =	ssyncpa.u1 $0x0;
	s2 =	simm.s32 @!p0 $0x0  }
0x25: {  	s15 =	sadd.s32 s31, s0;
	[sflag:s30] =	ssyncpa.u1 $0x0;
	s13 =	sadd.s32 s2, s3  }
0x26: {  	v0 =	vlaneseq.u32;
	s22 =	smov.u32 s20;
	p0 =	por $0x1, $0x1;
	s11 =	sadd.s32 $0x1, s13  }
.LBB2_24:
0x27: {  	s2 =	sshrl.u32 s4, $0x2  }
.LBB2_26:
0x28: {  	_ =	swait.ge [sflag:s17], s2  }
0x29: {  	s31 =	ssub.s32 $0x0, s2;
	v1 =	vmov s26;
	vm0 =	veq.s32 v0, $0x0;
	[sflag:s17] =	ssyncset.done $0x0  }
0x2a: {  	vm15 =	veq.s32 v0, $0x2;
	v1 =	vsel vm0, s0, v1;
	[sflag:s17] =	ssyncadd.s32 s31  }
0x2b: {  	v1 =	vsel vm15, s24, v1;
	[sflag:s17] =	ssyncpa.u1 $0x1  }
0x2c: {  	[tilespmem:$0xE408] =	vst v1  }
.LBB2_27:
0x2d: {  	s0 =	sadd.s32 $0x70, s22  }
0x2e: {  	s2 =	smov.u32 s20;
	p2 =	slt.s32 s0, s8  }
0x2f: {  	s2 =	smov.u32 @p2 s0;
	p2 =	sne.s32 s23, s11  }
.Ltmp2:
0x30: {  	_ = 	snop;
	(pc) =	sbr.rel @!p2 .LBB2_28-.Ltmp2, $4  }
0x31: {  	_ = 	snop  }
0x32: {  	s24 =	smov.u32 s21  }
0x33: {  	s31 =	sadd.s32 $0x1, s23;
	s21 =	smov.u32 s22;
	p0 =	por !p0, !p0  }
0x34: {  	p1 =	por !p1, !p1;
	s23 =	smov.u32 s31;
	s22 =	smov.u32 s2  }
.LBB2_3:
0x35: {  	p2 =	sge.u32 s23, s13  }
0x36: {  	s0 =	smulhi.u32 @!p2 $0xAAAAAAAB, s23  }
0x37: {  	s2 =	smov.u32 s22;
	p3 =	sgt.s32 @!p2 s22, $0x27090  }
0x38: {  	s3 =	sshra.s32 @!p2 s22, $0x1F;
	p3 =	por !p3, p2;
	s0 =	sshrl.u32 @!p2 s0, $0x1  }
0x39: {  	s3 =	sand.u32 @!p2 s3, s22;
	s2 =	simm.s32 @p3 $0x27090;
	s0 =	smul.u32 @!p2 $0x3, s0  }
0x3a: {  	s2 =	ssub.s32 @!p2 s2, s3  }
0x3b: {  	s2 =	sadd.s32 @!p2 $0xFFFD8F70, s2;
	s0 =	ssub.s32 @!p2 s23, s0  }
0x3c: {  	s3 =	sshll.u32 @!p2 s2, $0x2;
	p3 =	sgt.s32 @!p2 s2, $0x6F;
	s0 =	smul.u32 @!p2 $0x1C0, s0  }
0x3d: {  	s4 =	sand.u32 @!p2 $0x7, s22;
	s2 =	ssub.s32 @!p2 $0x1C0, s3;
	p3 =	por !p3, p2  }
0x3e: {  	s3 =	sshrl.u32 @!p2 s22, $0x3;
	s2 =	sshrl.u32 @!p2 s2, $0x2;
	s0 =	sshrl.u32 @!p2 s0, $0x2  }
0x3f: {  	s3 =	sadd.s32 @!p2 s3, s14;
	s2 =	simm.s32 @!p3 $0x0;
	s0 =	sadd.s32 @!p2 $0x10448, s0  }
0x40: {  	[tilespmem:s0], [sflag:$0xA] =	stream.linear.gather @!p2 [hbm4b:s3+s4], s2, $0x38;
	[tilespmem:$0x1E678] =	vst v63  }
0x41: {  	s2 =	sadd.s32 $0xFFFFFFFF, s23  }
0x42: {  	p2 =	sge.u32 s2, s13  }
0x43: {  	p3 =	sgt.s32 @!p2 s21, $0x27090  }
0x44: {  	s0 =	smov.u32 s21;
	s3 =	sshra.s32 @!p2 s21, $0x1F;
	p3 =	por !p3, p2  }
0x45: {  	s3 =	sand.u32 @!p2 s3, s21;
	s0 =	simm.s32 @p3 $0x27090  }
0x46: {  	s0 =	ssub.s32 @!p2 s0, s3  }
0x47: {  	s0 =	sadd.s32 @!p2 $0xFFFD8F70, s0  }
0x48: {  	s3 =	sshll.u32 @!p2 s0, $0x2  }
0x49: {  	p3 =	sgt.s32 @!p2 s0, $0x6F;
	s0 =	ssub.s32 @!p2 $0x1C0, s3  }
0x4a: {  	p3 =	por !p3, p2;
	s0 =	sshrl.u32 @!p2 s0, $0x2  }
0x4b: {  	s4 =	simm.s32 @!p2 $0xA;
	s3 =	sand.u32 @!p2 $0x1, s2;
	s0 =	simm.s32 @!p3 $0x0  }
0x4c: {  	s3 =	smul.u32 @!p2 $0x1C0, s3;
	_ =	swait.ge @!p2 [sflag:s4], s0  }
0x4d: {  	s5 =	ssub.s32 @!p2 $0x0, s0;
	[sflag:s4] =	ssyncset.done @!p2 $0x0  }
0x4e: {  	s3 =	sshrl.u32 @!p2 s3, $0x2;
	[sflag:s4] =	ssyncadd.s32 @!p2 s5;
	s4 =	sshrl.u32 @!p2 s21, $0x3  }
0x4f: {  	s3 =	sadd.s32 @!p2 $0x10598, s3;
	s5 =	sand.u32 @!p2 $0x7, s21;
	s4 =	sadd.s32 @!p2 s4, s15  }
0x50: {  	[tilespmem:s3], [sflag:$0xB] =	stream.linear.gather @!p2 [hbm4b:s4+s5], s0, $0x38;
	[tilespmem:$0x1E678] =	vst v63  }
0x51: {  	s0 =	ssub.s32 @!p2 $0x27100, s21  }
0x52: {  	p3 =	slt.s32 @!p2 s0, $0x1  }
0x53: {  	p3 =	por p2, p3  }
.Ltmp3:
0x54: {  	_ = 	snop;
	(pc) =	sbr.rel @p3 .LBB2_9-.Ltmp3, $1  }
0x55: {  	_ =	sdelay $0x3  }
0x56: {  	s3 =	smulhi.u32 $0xAAAAAAAB, s2;
	_ =	sdelay $0x1  }
0x57: {  	s3 =	sshrl.u32 s3, $0x1  }
0x58: {  	s3 =	smul.u32 $0x3, s3;
	_ =	sdelay $0x1  }
0x59: {  	s30 =	ssub.s32 s2, s3  }
0x5a: {  	s4 =	simm.s32 $0x1;
	s2 =	smul.u32 $0x1C0, s30  }
.Ltmp4:
0x5b: {  	s4 =	simm.s32 @!p0 $0x0;
	(pc) =	sbr.rel .LBB2_6-.Ltmp4, $4  }
0x5c: {  	s31 =	smul.u32 $0x1C000, s4  }
0x5d: {  	p3 =	slt.s32 @!p2 s0, $0x70;
	s2 =	sshrl.u32 s2, $0x2  }
0x5e: {  	p2 =	por !p3, p2;
	s3 =	sshrl.u32 s31, $0x2;
	s5 =	sadd.s32 $0x10448, s2  }
0x5f: {  	s0 =	simm.s32 @p2 $0x70;
	s4 =	sor.u32 $0x10678, s3;
	s2 =	simm.s32 $0x0;
	v1 =	vmov s5  }
.LBB2_5:
0x60: {  	p2 =	sge.s32 s2, s0  }
.Ltmp5:
0x61: {  	_ = 	snop;
	(pc) =	sbr.rel @p2 .LBB2_9-.Ltmp5, $2  }
0x62: {  	_ =	sdelay $0x2  }
0x63: {  	s4 =	sadd.s32 $0x1000, s4  }
.LBB2_6:
0x64: {  	p2 =	sle.s32 s0, s2  }
.Ltmp6:
0x65: {  	_ = 	snop;
	(pc) =	sbr.rel @p2 .LBB2_5-.Ltmp6, $2  }
0x66: {  	_ =	sdelay $0x2  }
0x67: {  	s5 =	smov.u32 s2;
	s2 =	sadd.s32 $0x10, s2  }
0x68: {  	s3 =	ssub.s32 s0, s5  }
0x69: {  	p2 =	slt.s32 s3, $0x10  }
0x6a: {  	s3 =	simm.s32 @!p2 $0x10  }
0x6b: {  	v2 =	vmov s3  }
0x6c: {  	vm0 =	vgt.s32 v2, v0;
	_ =	sdelay $0x5  }
0x6d: {  	v2 =	vld.idx.msk [tilespmem:v1+s5+$0x0 ss:$0x1], vm0;
	_ =	sdelay $0x2  }
0x6e: {  	p2 =	slt.s32 s2, s0;
	s3 =	smov.u32 s0  }
0x6f: {  	s9 =	smov.u32 s4;
	s25 =	simm.s32 $0x0;
	s3 =	smov.u32 @p2 s2  }
.LBB2_8:
0x70: {  	(v2sf) =	vpush v2, s25;
	_ =	sdelay $0xe  }
0x71: {  	s25 =	sadd.s32 $0x1, s25;
	s10 =	spop (v2sf)  }
0x72: {  	s31 =	sadd.s32 s25, s5;
	s26 =	sshll.u32 s10, $0x8;
	s10 =	sshll.u32 s10, $0x7  }
0x73: {  	p2 =	slt.s32 s31, s3;
	s26 =	sand.u32 $0xFFFFF800, s26;
	s10 =	sand.u32 $0x380, s10  }
.Ltmp7:
0x74: {  	s10 =	sor.u32 s10, s26;
	(pc) =	sbr.rel @p2 .LBB2_8-.Ltmp7, $4  }
0x75: {  	s10 =	sshrl.u32 s10, $0x3  }
0x76: {  	s10 =	sadd.s32 s6, s10  }
0x77: {  	[tilespmem:s9], [sflag:$0x9] =	stream.strided.gather [hbm4b:s10+s18], $0x100, s19, s18, $0x38;
	[tilespmem:$0x1E678] =	vst v63  }
0x78: {  	s9 =	sadd.s32 $0x100, s9  }
.Ltmp8:
0x79: {  	_ = 	snop;
	(pc) =	sbr.rel .LBB2_5-.Ltmp8, $1  }
0x7a: {  	_ =	sdelay $0x3  }
.LBB2_9:
0x7b: {  	p2 =	slt.u32 s23, $0x2  }
.Ltmp9:
0x7c: {  	_ = 	snop;
	(pc) =	sbr.rel @p2 .LBB2_27-.Ltmp9, $1  }
0x7d: {  	_ =	sdelay $0x3  }
0x7e: {  	p2 =	sgt.s32 s24, $0x27090  }
0x7f: {  	s0 =	smov.u32 s24;
	s2 =	sshra.s32 s24, $0x1F;
	s3 =	ssub.s32 $0x27100, s24  }
0x80: {  	s0 =	simm.s32 @!p2 $0x27090;
	s2 =	sand.u32 s2, s24;
	p2 =	slt.s32 s3, $0x70  }
0x81: {  	s0 =	ssub.s32 s0, s2;
	s3 =	simm.s32 @!p2 $0x70  }
0x82: {  	s0 =	sadd.s32 $0xFFFD8F70, s0;
	s9 =	sshll.u32 s3, $0x8  }
0x83: {  	s26 =	simm.s32 $0x9;
	s10 =	sshll.u32 s0, $0x2;
	s2 =	sand.u32 $0x3FFFFF00, s9  }
0x84: {  	p2 =	sgt.s32 s0, $0x6F;
	s25 =	ssub.s32 $0x1C0, s10;
	_ =	swait.ge [sflag:s26], s2  }
0x85: {  	s2 =	ssub.s32 $0x0, s2;
	[sflag:s26] =	ssyncset.done $0x0;
	s0 =	sshrl.u32 s25, $0x2  }
0x86: {  	s29 =	simm.s32 $0xB;
	[sflag:s26] =	ssyncadd.s32 s2;
	s0 =	simm.s32 @p2 $0x0  }
0x87: {  	_ =	swait.ge [sflag:s29], s0  }
0x88: {  	s0 =	ssub.s32 $0x0, s0;
	[sflag:s29] =	ssyncset.done $0x0  }
0x89: {  	[sflag:s29] =	ssyncadd.s32 s0  }
0x8a: {  	v1 =	vld [tilespmem:$0xE408];
	_ =	sdelay $0x4  }
0x8b: {  	(v2sf) =	vpush v1, $0x0  }
0x8c: {  	(v2sf) =	vpush v1, $0x1  }
0x8d: {  	(v2sf) =	vpush v1, $0x2;
	_ =	sdelay $0x3  }
0x8e: {  	s0 =	sadd.s32 $0x70, s24  }
0x8f: {  	s2 =	ssub.s32 $0x4E200, s24;
	p2 =	slt.s32 s8, s0  }
0x90: {  	s0 =	smov.u32 @p2 s8;
	p2 =	sgt.s32 s2, $0x0  }
0x91: {  	s0 =	ssub.s32 s0, s24;
	s2 =	simm.s32 @!p2 $0x0  }
0x92: {  	p2 =	slt.s32 s2, s0  }
0x93: {  	s0 =	smov.u32 @p2 s2  }
0x94: {  	s4 =	simm.s32 $0x1;
	p2 =	slt.s32 s0, $0x1  }
.Ltmp10:
0x95: {  	s4 =	simm.s32 @!p1 $0x0;
	(pc) =	sbr.rel @p2 .LBB2_14-.Ltmp10, $4  }
0x96: {  	s30 =	smul.u32 $0x1C0, s4  }
0x97: {  	s5 =	spop (v2sf)  }
0x98: {  	s31 =	sshrl.u32 s30, $0x2;
	s28 =	spop (v2sf)  }
0x99: {  	s25 =	sadd.s32 $0x10598, s31;
	s24 =	spop (v2sf)  }
0x9a: {  	s2 =	smin.u32 s0, $0x10  }
0x9b: {  	v1 =	vmov s2  }
0x9c: {  	vm1 =	vgt.u32 v1, v0  }
0x9d: {  	p3 =	sgt.s32 s0, $0x10  }
.Ltmp11:
0x9e: {  	_ = 	snop;
	(pc) =	sbr.rel @!p3 .LBB2_13-.Ltmp11, $2  }
0x9f: {  	_ =	sdelay $0x2  }
0xa0: {  	s26 =	simm.s32 $0x10;
	s29 =	sadd.s32 $0xFFFFFFF0, s0;
	s2 =	smov.u32 s25;
	vm0 =	vmmov vm1;
	v1 =	vld.msk [tilespmem:s25+$0x0 ss:$0x1], vm1  }
.LBB2_12:
0xa1: {  	s3 =	smin.u32 s29, $0x10;
	s26 =	sadd.s32 $0x10, s26  }
0xa2: {  	v2 =	vmov s3;
	p3 =	slt.s32 s26, s0  }
0xa3: {  	vm1 =	vgt.u32 v2, v0;
	_ =	sdelay $0x1  }
0xa4: {  	v2 =	vshll.u32 v1, $0x5;
	v1 =	vshll.u32 v1, $0x4  }
.Ltmp12:
0xa5: {  	v2 =	vand.u32 $0xFFFFFF00, v2;
	v1 =	vand.u32 $0x70, v1;
	(pc) =	sbr.rel @p3 .LBB2_12-.Ltmp12, $4  }
0xa6: {  	v1 =	vor.u32 v1, v2  }
0xa7: {  	[tilespmem:s2+$0x0] =	vst.msk vm0, v1;
	s2 =	sadd.s32 $0x10, s2;
	vm0 =	vmmov vm1  }
0xa8: {  	v1 =	vld.msk [tilespmem:s2+$0x0 ss:$0x1], vm1  }
0xa9: {  	s29 =	sadd.s32 $0xFFFFFFF0, s29  }
.LBB2_13:
0xaa: {  	_ =	sdelay $0x3  }
0xab: {  	v2 =	vshll.u32 v1, $0x5;
	v1 =	vshll.u32 v1, $0x4  }
0xac: {  	v2 =	vand.u32 $0xFFFFFF00, v2;
	v1 =	vand.u32 $0x70, v1  }
0xad: {  	v1 =	vor.u32 v1, v2  }
0xae: {  	[tilespmem:s2+$0x0] =	vst.msk vm0, v1  }
.LBB2_14:
0xaf: {  	s2 =	sand.u32 $0x1, s23  }
0xb0: {  	s2 =	smul.u32 $0x70, s2  }
0xb1: {  	p3 =	sne.s32 s28, $0xFFFFFFFF  }
0xb2: {  	v1 =	vld.msk @!p3 [tilespmem:s2+$0x10598], $0x1;
	_ =	sdelay $0x4  }
0xb3: {  	(v2sf) =	vpush @!p3 v1, $0x0;
	_ =	sdelay $0xc  }
.Ltmp13:
0xb4: {  	_ = 	snop;
	(pc) =	sbr.rel @p2 .LBB2_25-.Ltmp13, $4  }
0xb5: {  	_ = 	snop  }
0xb6: {  	s31 =	spop @!p3 (v2sf)  }
0xb7: {  	s24 =	simm.s32 @!p3 $0x0;
	s26 =	smov.u32 s31  }
0xb8: {  	[sflag:s17] =	ssyncpa.u1 $0x0;
	s31 =	smov.u32 @p3 s5;
	s26 =	smov.u32 @p3 s28  }
0xb9: {  	v1 =	vld.msk [tilespmem:s25+$0x0], $0x1;
	_ =	sdelay $0x4  }
0xba: {  	(v2sf) =	vpush v1, $0x0;
	_ =	sdelay $0xe  }
0xbb: {  	s7 =	smov.u32 s11;
	s5 =	spop (v2sf)  }
0xbc: {  	s17 =	smov.u32 s15;
	s2 =	smul.u32 $0x1C000, s4;
	p2 =	seq.s32 s31, s5  }
0xbd: {  	s3 =	smov.u32 s31;
	s29 =	ssub.s32 $0x0, s0;
	p3 =	sgt.s32 @!p2 s31, $0x0  }
0xbe: {  	s30 =	simm.s32 $0x0;
	s2 =	sshrl.u32 s2, $0x2;
	p3 =	por !p3, p2  }
0xbf: {  	s0 =	sadd.s32 $0x1, s29;
	s28 =	sor.u32 $0x106F8, s2;
	s3 =	simm.s32 @p3 $0x0  }
0xc0: {  	s2 =	simm.s32 @!p2 $0x1;
	p3 =	seq.s32 s0, $0x0;
	s3 =	smin.u32 @!p2 s3, $0x4E170  }
.Ltmp14:
0xc1: {  	s4 =	simm.s32 @!p2 $0x7308;
	s9 =	sand.u32 @!p2 $0x7FFF8, s3;
	(pc) =	sbr.rel @p3 .LBB2_17-.Ltmp14, $4  }
0xc2: {  	s10 =	sadd.s32 @!p2 $0x80, s3;
	s11 =	sadd.s32 @!p2 s1, s9;
	s9 =	sand.u32 @!p2 $0x7, s3  }
0xc3: {  	[tilespmem:s4], [sflag:$0x2] =	stream.linear.gather @!p2 [hbm4b:s11+s9], $0x80, $0x38;
	[tilespmem:$0x1E678] =	vst v63  }
0xc4: {  	s15 =	smov.u32 s14;
	s2 =	smov.u32 @p2 s30;
	s4 =	sand.u32 @!p2 $0xFFFF8, s10  }
0xc5: {  	s3 =	simm.s32 @!p2 $0x7388;
	s10 =	sadd.s32 @!p2 s1, s4;
	s4 =	sadd.s32 $0x1, s25  }
.LBB2_16:
0xc6: {  	s11 =	smov.u32 s2  }
0xc7: {  	[tilespmem:s3], [sflag:$0x2] =	stream.linear.gather @!p2 [hbm4b:s10+s9], $0x80, $0x38;
	[tilespmem:$0x1E678] =	vst v63  }
0xc8: {  	s0 =	sadd.s32 $0x1, s0;
	s9 =	smov.u32 s5;
	v1 =	vld.msk [tilespmem:s4+$0x0], $0x1  }
0xc9: {  	p3 =	seq.s32 s0, $0x0;
	_ =	sdelay $0x3  }
0xca: {  	(v2sf) =	vpush v1, $0x0;
	_ =	sdelay $0xe  }
0xcb: {  	s5 =	spop (v2sf)  }
0xcc: {  	p2 =	seq.s32 s9, s5  }
0xcd: {  	p4 =	sgt.s32 @!p2 s9, $0x0;
	s3 =	sshll.u32 @!p2 s2, $0xA;
	s2 =	sadd.s32 @!p2 $0x1, s2  }
0xce: {  	p4 =	por !p4, p2;
	s3 =	sshra.s32 @!p2 s3, $0x2;
	s2 =	smov.u32 @p2 s11  }
0xcf: {  	s9 =	simm.s32 @p4 $0x0;
	s10 =	sadd.s32 @!p2 $0x7308, s3;
	s3 =	sadd.s32 @!p2 $0x7388, s3  }
.Ltmp15:
0xd0: {  	s9 =	smin.u32 @!p2 s9, $0x4E170;
	(pc) =	sbr.rel @!p3 .LBB2_16-.Ltmp15, $4  }
0xd1: {  	s11 =	sand.u32 @!p2 $0x7FFF8, s9;
	s14 =	sadd.s32 @!p2 $0x80, s9  }
0xd2: {  	s9 =	sand.u32 @!p2 $0x7, s9;
	s11 =	sadd.s32 @!p2 s1, s11;
	s14 =	sand.u32 @!p2 $0xFFFF8, s14  }
0xd3: {  	[tilespmem:s10], [sflag:$0x2] =	stream.linear.gather @!p2 [hbm4b:s11+s9], $0x80, $0x38;
	[tilespmem:$0x1E678] =	vst v63  }
0xd4: {  	s4 =	sadd.s32 $0x1, s4;
	s10 =	sadd.s32 @!p2 s1, s14  }
.LBB2_17:
0xd5: {  	[tilespmem:s3], [sflag:$0x2] =	stream.linear.gather @!p2 [hbm4b:s10+s9], $0x80, $0x38;
	[tilespmem:$0x1E678] =	vst v63  }
0xd6: {  	s0 =	sshll.u32 s2, $0x8  }
.Ltmp16:
0xd7: {  	s14 =	simm.s32 $0x2;
	s0 =	sand.u32 $0x3FFFFF00, s0;
	(pc) =	sbr.rel .LBB2_18-.Ltmp16, $4  }
0xd8: {  	_ =	swait.ge [sflag:s14], s0  }
0xd9: {  	s0 =	ssub.s32 $0x0, s0;
	[sflag:s14] =	ssyncset.done $0x0  }
0xda: {  	s4 =	simm.s32 $0x0;
	s11 =	smov.u32 s7;
	[sflag:s14] =	ssyncadd.s32 s0  }
0xdb: {  	s14 =	smov.u32 s15;
	s15 =	smov.u32 s17;
	s17 =	simm.s32 $0xC  }
.LBB2_19:
0xdc: {  	v1 =	vld [tilespmem:s28+$0xFFFFFF80];
	_ =	sdelay $0x4  }
0xdd: {  	[tilespmem:s5+$0x208] =	vst.add.f32.msk $0xffff, v1  }
0xde: {  	v1 =	vld [tilespmem:s28+$0xFFFFFF90];
	_ =	sdelay $0x4  }
0xdf: {  	[tilespmem:s5+$0x218] =	vst.add.f32.msk $0xffff, v1  }
0xe0: {  	v1 =	vld [tilespmem:s28+$0xFFFFFFA0];
	_ =	sdelay $0x4  }
0xe1: {  	[tilespmem:s5+$0x228] =	vst.add.f32.msk $0xffff, v1  }
0xe2: {  	v1 =	vld [tilespmem:s28+$0xFFFFFFB0];
	_ =	sdelay $0x4  }
0xe3: {  	[tilespmem:s5+$0x238] =	vst.add.f32.msk $0xffff, v1  }
0xe4: {  	v1 =	vld [tilespmem:s28+$0xFFFFFFC0];
	_ =	sdelay $0x4  }
0xe5: {  	[tilespmem:s5+$0x248] =	vst.add.f32.msk $0xffff, v1  }
0xe6: {  	v1 =	vld [tilespmem:s28+$0xFFFFFFD0];
	_ =	sdelay $0x4  }
0xe7: {  	[tilespmem:s5+$0x258] =	vst.add.f32.msk $0xffff, v1  }
0xe8: {  	v1 =	vld [tilespmem:s28+$0xFFFFFFE0];
	_ =	sdelay $0x4  }
0xe9: {  	[tilespmem:s5+$0x268] =	vst.add.f32.msk $0xffff, v1  }
0xea: {  	v1 =	vld [tilespmem:s28+$0xFFFFFFF0];
	_ =	sdelay $0x4  }
0xeb: {  	[tilespmem:s5+$0x278] =	vst.add.f32.msk $0xffff, v1  }
0xec: {  	v1 =	vld [tilespmem:s28+$0x0];
	_ =	sdelay $0x4  }
0xed: {  	[tilespmem:s5+$0x288] =	vst.add.f32.msk $0xffff, v1  }
0xee: {  	v1 =	vld [tilespmem:s28+$0x10];
	_ =	sdelay $0x4  }
0xef: {  	[tilespmem:s5+$0x298] =	vst.add.f32.msk $0xffff, v1  }
0xf0: {  	v1 =	vld [tilespmem:s28+$0x20];
	_ =	sdelay $0x4  }
0xf1: {  	[tilespmem:s5+$0x2A8] =	vst.add.f32.msk $0xffff, v1  }
0xf2: {  	v1 =	vld [tilespmem:s28+$0x30];
	_ =	sdelay $0x4  }
0xf3: {  	[tilespmem:s5+$0x2B8] =	vst.add.f32.msk $0xffff, v1  }
0xf4: {  	v1 =	vld [tilespmem:s28+$0x40];
	_ =	sdelay $0x4  }
0xf5: {  	[tilespmem:s5+$0x2C8] =	vst.add.f32.msk $0xffff, v1  }
0xf6: {  	v1 =	vld [tilespmem:s28+$0x50];
	_ =	sdelay $0x4  }
0xf7: {  	[tilespmem:s5+$0x2D8] =	vst.add.f32.msk $0xffff, v1  }
0xf8: {  	v1 =	vld [tilespmem:s28+$0x60];
	_ =	sdelay $0x4  }
0xf9: {  	[tilespmem:s5+$0x2E8] =	vst.add.f32.msk $0xffff, v1  }
0xfa: {  	v1 =	vld [tilespmem:s28+$0x70];
	_ =	sdelay $0x4  }
0xfb: {  	[tilespmem:s5+$0x2F8] =	vst.add.f32.msk $0xffff, v1  }
.LBB2_23:
0xfc: {  	s29 =	sadd.s32 $0x1, s29  }
0xfd: {  	p2 =	seq.s32 s29, $0x0  }
.Ltmp17:
0xfe: {  	_ = 	snop;
	(pc) =	sbr.rel @p2 .LBB2_24-.Ltmp17, $2  }
0xff: {  	_ =	sdelay $0x2  }
0x100: {  	s25 =	sadd.s32 $0x1, s25;
	s28 =	sadd.s32 $0x100, s28;
	s31 =	smov.u32 s0  }
.LBB2_18:
0x101: {  	v1 =	vld.msk [tilespmem:s25+$0x0], $0x1;
	_ =	sdelay $0x4  }
0x102: {  	(v2sf) =	vpush v1, $0x0;
	_ =	sdelay $0xe  }
0x103: {  	s0 =	spop (v2sf)  }
0x104: {  	p2 =	sne.s32 s31, s0  }
.Ltmp18:
0x105: {  	_ = 	snop;
	(pc) =	sbr.rel @!p2 .LBB2_19-.Ltmp18, $3  }
0x106: {  	_ =	sdelay $0x1  }
0x107: {  	s2 =	sshll.u32 s24, $0xA  }
0x108: {  	s5 =	sshra.s32 s2, $0x2  }
0x109: {  	p2 =	seq.s32 s31, s26  }
.Ltmp19:
0x10a: {  	_ = 	snop;
	(pc) =	sbr.rel @!p2 .LBB2_21-.Ltmp19, $1  }
0x10b: {  	_ =	sdelay $0x3  }
.Ltmp20:
0x10c: {  	s2 =	sadd.s32 $0x208, s5;
	(pc) =	sbr.rel .LBB2_22-.Ltmp20, $4  }
0x10d: {  	[spmem:s16] =	stream.linear.scatter [tilespmem:s2], [sflag:$0x1], $0x100, $0x38;
	[tilespmem:$0x1E678] =	vst v63  }
0x10e: {  	_ =	swait.ge [sflag:s12], $0x100  }
0x10f: {  	[sflag:s12] =	ssyncset.done $0x0  }
0x110: {  	[sflag:s12] =	ssyncadd.s32 $0xFFFFFF00  }
.LBB2_21:
0x111: {  	s2 =	sshll.u32 s30, $0xA  }
0x112: {  	s2 =	sshra.s32 s2, $0x2  }
0x113: {  	v1 =	vld [tilespmem:s2+$0x7308];
	_ =	sdelay $0x4  }
0x114: {  	[tilespmem:s5+$0x208] =	vst.add.f32.msk $0xffff, v1  }
0x115: {  	v1 =	vld [tilespmem:s2+$0x7318];
	_ =	sdelay $0x4  }
0x116: {  	[tilespmem:s5+$0x218] =	vst.add.f32.msk $0xffff, v1  }
0x117: {  	v1 =	vld [tilespmem:s2+$0x7328];
	_ =	sdelay $0x4  }
0x118: {  	[tilespmem:s5+$0x228] =	vst.add.f32.msk $0xffff, v1  }
0x119: {  	v1 =	vld [tilespmem:s2+$0x7338];
	_ =	sdelay $0x4  }
0x11a: {  	[tilespmem:s5+$0x238] =	vst.add.f32.msk $0xffff, v1  }
0x11b: {  	v1 =	vld [tilespmem:s2+$0x7348];
	_ =	sdelay $0x4  }
0x11c: {  	[tilespmem:s5+$0x248] =	vst.add.f32.msk $0xffff, v1  }
0x11d: {  	v1 =	vld [tilespmem:s2+$0x7358];
	_ =	sdelay $0x4  }
0x11e: {  	[tilespmem:s5+$0x258] =	vst.add.f32.msk $0xffff, v1  }
0x11f: {  	v1 =	vld [tilespmem:s2+$0x7368];
	_ =	sdelay $0x4  }
0x120: {  	[tilespmem:s5+$0x268] =	vst.add.f32.msk $0xffff, v1  }
0x121: {  	v1 =	vld [tilespmem:s2+$0x7378];
	_ =	sdelay $0x4  }
0x122: {  	[tilespmem:s5+$0x278] =	vst.add.f32.msk $0xffff, v1  }
0x123: {  	v1 =	vld [tilespmem:s2+$0x7388];
	_ =	sdelay $0x4  }
0x124: {  	[tilespmem:s5+$0x288] =	vst.add.f32.msk $0xffff, v1  }
0x125: {  	v1 =	vld [tilespmem:s2+$0x7398];
	_ =	sdelay $0x4  }
0x126: {  	[tilespmem:s5+$0x298] =	vst.add.f32.msk $0xffff, v1  }
0x127: {  	v1 =	vld [tilespmem:s2+$0x73A8];
	_ =	sdelay $0x4  }
0x128: {  	[tilespmem:s5+$0x2A8] =	vst.add.f32.msk $0xffff, v1  }
0x129: {  	v1 =	vld [tilespmem:s2+$0x73B8];
	_ =	sdelay $0x4  }
0x12a: {  	[tilespmem:s5+$0x2B8] =	vst.add.f32.msk $0xffff, v1  }
0x12b: {  	v1 =	vld [tilespmem:s2+$0x73C8];
	_ =	sdelay $0x4  }
0x12c: {  	[tilespmem:s5+$0x2C8] =	vst.add.f32.msk $0xffff, v1  }
0x12d: {  	v1 =	vld [tilespmem:s2+$0x73D8];
	_ =	sdelay $0x4  }
0x12e: {  	[tilespmem:s5+$0x2D8] =	vst.add.f32.msk $0xffff, v1  }
0x12f: {  	v1 =	vld [tilespmem:s2+$0x73E8];
	_ =	sdelay $0x4  }
0x130: {  	[tilespmem:s5+$0x2E8] =	vst.add.f32.msk $0xffff, v1  }
0x131: {  	v1 =	vld [tilespmem:s2+$0x73F8];
	_ =	sdelay $0x2  }
0x132: {  	p2 =	sgt.u32 s31, $0x4E170  }
0x133: {  	s2 =	sand.u32 @!p2 $0x7FFF8, s31  }
0x134: {  	s3 =	sadd.s32 $0x208, s5;
	s9 =	sand.u32 @!p2 $0x7, s31;
	s2 =	sadd.s32 @!p2 s1, s2;
	[tilespmem:s5+$0x2F8] =	vst.add.f32.msk $0xffff, v1  }
0x135: {  	[hbm4b:s2+s9] =	stream.linear.scatter @!p2 [tilespmem:s3], [sflag:$0xC], $0x80, $0x38;
	[tilespmem:$0x1E678] =	vst v63  }
0x136: {  	s2 =	sadd.s32 @!p2 $0x80, s31  }
0x137: {  	s2 =	sand.u32 @!p2 $0xFFFF8, s2  }
0x138: {  	s3 =	sadd.s32 $0x288, s5;
	s2 =	sadd.s32 @!p2 s1, s2  }
0x139: {  	[hbm4b:s2+s9] =	stream.linear.scatter @!p2 [tilespmem:s3], [sflag:$0xC], $0x80, $0x38;
	[tilespmem:$0x1E678] =	vst v63  }
0x13a: {  	s2 =	simm.s32 $0x0  }
0x13b: {  	s2 =	simm.s32 @!p2 $0x400  }
0x13c: {  	s4 =	sadd.s32 s2, s4  }
.LBB2_22:
0x13d: {  	s2 =	sadd.s32 $0x1, s24  }
0x13e: {  	s3 =	sshrl.u32 s2, $0x4  }
0x13f: {  	s3 =	smulhi.u32 $0x24924925, s3  }
0x140: {  	v1 =	vld [tilespmem:s28+$0xFFFFFF80]  }
0x141: {  	s3 =	smul.u32 $0x70, s3;
	_ =	sdelay $0x1  }
0x142: {  	s24 =	ssub.s32 s2, s3  }
0x143: {  	s2 =	sshll.u32 s24, $0x8  }
0x144: {  	[tilespmem:s2+$0x208] =	vst v1  }
0x145: {  	v1 =	vld [tilespmem:s28+$0xFFFFFF90];
	_ =	sdelay $0x4  }
0x146: {  	[tilespmem:s2+$0x218] =	vst v1  }
0x147: {  	v1 =	vld [tilespmem:s28+$0xFFFFFFA0];
	_ =	sdelay $0x4  }
0x148: {  	[tilespmem:s2+$0x228] =	vst v1  }
0x149: {  	v1 =	vld [tilespmem:s28+$0xFFFFFFB0];
	_ =	sdelay $0x4  }
0x14a: {  	[tilespmem:s2+$0x238] =	vst v1  }
0x14b: {  	v1 =	vld [tilespmem:s28+$0xFFFFFFC0];
	_ =	sdelay $0x4  }
0x14c: {  	[tilespmem:s2+$0x248] =	vst v1  }
0x14d: {  	v1 =	vld [tilespmem:s28+$0xFFFFFFD0];
	_ =	sdelay $0x4  }
0x14e: {  	[tilespmem:s2+$0x258] =	vst v1  }
0x14f: {  	v1 =	vld [tilespmem:s28+$0xFFFFFFE0];
	_ =	sdelay $0x4  }
0x150: {  	[tilespmem:s2+$0x268] =	vst v1  }
0x151: {  	v1 =	vld [tilespmem:s28+$0xFFFFFFF0];
	_ =	sdelay $0x4  }
0x152: {  	[tilespmem:s2+$0x278] =	vst v1  }
0x153: {  	v1 =	vld [tilespmem:s28+$0x0];
	_ =	sdelay $0x4  }
0x154: {  	[tilespmem:s2+$0x288] =	vst v1  }
0x155: {  	v1 =	vld [tilespmem:s28+$0x10];
	_ =	sdelay $0x4  }
0x156: {  	[tilespmem:s2+$0x298] =	vst v1  }
0x157: {  	v1 =	vld [tilespmem:s28+$0x20];
	_ =	sdelay $0x4  }
0x158: {  	[tilespmem:s2+$0x2A8] =	vst v1  }
0x159: {  	v1 =	vld [tilespmem:s28+$0x30];
	_ =	sdelay $0x4  }
0x15a: {  	[tilespmem:s2+$0x2B8] =	vst v1  }
0x15b: {  	v1 =	vld [tilespmem:s28+$0x40];
	_ =	sdelay $0x4  }
0x15c: {  	[tilespmem:s2+$0x2C8] =	vst v1  }
0x15d: {  	v1 =	vld [tilespmem:s28+$0x50];
	_ =	sdelay $0x4  }
0x15e: {  	[tilespmem:s2+$0x2D8] =	vst v1  }
0x15f: {  	v1 =	vld [tilespmem:s28+$0x60];
	_ =	sdelay $0x4  }
0x160: {  	[tilespmem:s2+$0x2E8] =	vst v1  }
0x161: {  	v1 =	vld [tilespmem:s28+$0x70]  }
.Ltmp21:
0x162: {  	_ = 	snop;
	(pc) =	sbr.rel .LBB2_23-.Ltmp21, $2  }
0x163: {  	_ =	sdelay $0x2  }
0x164: {  	s30 =	sadd.s32 $0x1, s30;
	[tilespmem:s2+$0x2F8] =	vst v1  }
.LBB2_25:
.Ltmp22:
0x165: {  	(pc) =	sbr.rel .LBB2_26-.Ltmp22, $4  }
0x166: {  	_ = 	snop  }
0x167: {  	s0 =	simm.s32 $0x2  }
0x168: {  	_ =	swait.ge [sflag:s0], $0x0  }
0x169: {  	s2 =	simm.s32 $0x0;
	[sflag:s0] =	ssyncset.done $0x0;
	s0 =	smov.u32 s31  }
.LBB2_28:
0x16a: {  	_ =	sfence.sel $0x180000  }
0x16b: {  	s0 =	simm.s32 $0x9;
	[bflag:$0x0] =	sbarrier.arrive $0xFFFF  }
0x16c: {  	s24 =	simm.s32 $0xA;
	[sflag:s0] =	ssyncpa.u1 $0x1  }
0x16d: {  	s25 =	simm.s32 $0xB;
	[sflag:s24] =	ssyncpa.u1 $0x1  }
0x16e: {  	s26 =	simm.s32 $0x2;
	[sflag:s25] =	ssyncpa.u1 $0x1  }
0x16f: {  	[sflag:s26] =	ssyncpa.u1 $0x1  }
0x170: {  	v0 =	vld [tilespmem:$0xE408];
	_ =	sdelay $0x4  }
0x171: {  	(v2sf) =	vpush v0, $0x0  }
0x172: {  	(v2sf) =	vpush v0, $0x1;
	_ =	sdelay $0x1  }
0x173: {  	(v2sf) =	vpush v0, $0x2;
	_ =	sdelay $0xb  }
0x174: {  	s0 =	spop (v2sf)  }
0x175: {  	s2 =	spop (v2sf)  }
0x176: {  	s3 =	smov.u32 s0;
	p0 =	sne.s32 s0, s2  }
0x177: {  	s4 =	spop (v2sf);
	s3 =	simm.s32 @!p0 $0xFFFFFFFF  }
0x178: {  	v2 =	vimm.s32 $0x1;
	v3 =	vlaneseq.u32;
	p0 =	seq.s32 s4, $0xFFFFFFFF;
	v1 =	vmov s3  }
0x179: {  	s15 =	stileid.u32;
	v0 =	vperm.xlane v0, v2;
	p1 =	sne.s32 @!p0 s0, s2;
	v1 =	vperm.xlane v1, v3  }
0x17a: {  	vm0 =	vcmask $0x3F04;
	s6 =	simm.s32 $0xE408;
	s0 =	simm.s32 @!p0 $0x1;
	p1 =	por !p1, p0  }
0x17b: {  	s3 =	sshll.u32 s15, $0x1;
	s2 =	sshll.u32 @!p0 s4, $0xA;
	s0 =	simm.s32 @p1 $0x0;
	v0 =	vsel vm0, v1, v0  }
0x17c: {  	s5 =	sor.u32 $0x2000, s3;
	s2 =	sshra.s32 @!p0 s2, $0x2;
	s0 =	sor.u32 @!p0 s0, s3;
	[tilespmem:$0xE408] =	vst v0  }
0x17d: {  	[spmem:s5] =	stream.linear.scatter [tilespmem:s6], [sflag:$0x1], $0x2, $0x38;
	[tilespmem:$0x1E678] =	vst v63  }
0x17e: {  	s2 =	sadd.s32 @!p0 $0x208, s2;
	s0 =	sshll.u32 @!p0 s0, $0x8  }
0x17f: {  	[spmem:s0] =	stream.linear.scatter @!p0 [tilespmem:s2], [sflag:$0x1], $0x100, $0x38;
	[tilespmem:$0x1E678] =	vst v63  }
0x180: {  	s0 =	simm.s32 @!p0 $0x102  }
0x181: {  	s28 =	simm.s32 $0x1;
	s0 =	simm.s32 @p0 $0x2  }
0x182: {  	_ =	swait.ge [sflag:s28], s0  }
0x183: {  	s0 =	ssub.s32 $0x0, s0;
	[sflag:s28] =	ssyncset.done $0x0  }
0x184: {  	p0 =	sne.s32 s15, $0x0;
	[sflag:s28] =	ssyncadd.s32 s0  }
.Ltmp23:
0x185: {  	_ =	sfence.stream.spmem;
	(pc) =	sbr.rel @p0 .LBB2_45-.Ltmp23, $4  }
0x186: {  	s29 =	simm.s32 $0x3;
	[bflag:$0x0] =	sbarrier.arrive $0xFFFF  }
0x187: {  	s30 =	simm.s32 $0x4;
	[sflag:s29] =	ssyncpa.u1 $0x1  }
0x188: {  	s31 =	simm.s32 $0x3C;
	[sflag:s30] =	ssyncpa.u1 $0x1  }
0x189: {  	s14 =	rddreg [dreg:$0x4];
	[sflag:s31] =	ssyncpa.u1 $0x1  }
0x18a: {  	_ =	sfence.stream.spmem;
	s0 =	simm.s32 $0x5  }
0x18b: {  	s2 =	simm.s32 $0x2000;
	s3 =	simm.s32 $0xE418;
	[sflag:s0] =	ssyncpa.u1 $0x0  }
0x18c: {  	[tilespmem:s3], [sflag:$0x5] =	stream.linear.gather [spmem:s2], $0x20, $0x38;
	[tilespmem:$0x1E678] =	vst v63  }
0x18d: {  	s26 =	simm.s32 $0x0;
	s28 =	simm.s32 $0xE438  }
0x18e: {  	[tilespmem:s28], [sflag:$0x5] =	stream.linear.gather [spmem:s26], $0x2000, $0x38;
	[tilespmem:$0x1E678] =	vst v63  }
0x18f: {  	_ =	swait.ge [sflag:s0], $0x2020  }
0x190: {  	[sflag:s0] =	ssyncset.done $0x0  }
0x191: {  	s29 =	simm.s32 $0x0;
	[sflag:s0] =	ssyncadd.s32 $0xFFFFDFE0  }
0x192: {  	v0 =	vld.msk [tilespmem:s29+$0xE418], $0x1;
	_ =	sdelay $0x1  }
0x193: {  	s30 =	simm.s32 $0x1  }
0x194: {  	v1 =	vld.msk [tilespmem:s30+$0xE418], $0x1;
	_ =	sdelay $0x1  }
0x195: {  	(v2sf) =	vpush v0, $0x0;
	_ =	sdelay $0x2  }
0x196: {  	(v2sf) =	vpush v1, $0x0;
	_ =	sdelay $0x2  }
0x197: {  	s31 =	simm.s32 $0x2  }
0x198: {  	v0 =	vld.msk [tilespmem:s31+$0xE418], $0x1;
	_ =	sdelay $0x2  }
0x199: {  	s2 =	simm.s32 $0xFFFFFFFF;
	s3 =	simm.s32 $0xFFFFFFFF;
	s0 =	simm.s32 $0xC  }
.LBB2_30:
0x19a: {  	s4 =	smov.u32 s3;
	s5 =	smov.u32 s2  }
0x19b: {  	s2 =	sshra.s32 s0, $0x2;
	p1 =	sne.s32 s0, $0x7C;
	s0 =	sadd.s32 $0x4, s0;
	(v2sf) =	vpush v0, $0x0  }
0x19c: {  	v0 =	vld.msk [tilespmem:s2+$0xE418], $0x1  }
.Ltmp24:
0x19d: {  	(pc) =	sbr.rel @p1 .LBB2_30-.Ltmp24, $4  }
0x19e: {  	s3 =	spop (v2sf)  }
0x19f: {  	p2 =	sne.s32 s5, $0xFFFFFFFF;
	s2 =	smov.u32 s3  }
0x1a0: {  	p3 =	seq.s32 s3, $0xFFFFFFFF;
	s2 =	smov.u32 @p2 s5  }
0x1a1: {  	s3 =	smov.u32 @p3 s4;
	s2 =	smov.u32 @p3 s5  }
0x1a2: {  	(v2sf) =	vpush v0, $0x0;
	_ =	sdelay $0x8  }
0x1a3: {  	s0 =	spop (v2sf)  }
0x1a4: {  	p1 =	sne.s32 s2, $0xFFFFFFFF;
	s9 =	simm.s32 $0x6;
	s4 =	smov.u32 s0  }
0x1a5: {  	s6 =	simm.s32 $0x0;
	p2 =	seq.s32 s0, $0xFFFFFFFF;
	s4 =	smov.u32 @p1 s2  }
0x1a6: {  	s10 =	simm.s32 $0xE308;
	s4 =	smov.u32 @p2 s2;
	s2 =	spop (v2sf)  }
0x1a7: {  	s0 =	smov.u32 @p2 s3;
	p1 =	sne.s32 s4, $0xFFFFFFFF;
	s5 =	smov.u32 s2  }
.Ltmp25:
0x1a8: {  	p2 =	seq.s32 s2, $0xFFFFFFFF;
	s5 =	smov.u32 @p1 s4;
	(pc) =	sbr.rel .LBB2_32-.Ltmp25, $4  }
0x1a9: {  	s11 =	simm.s32 $0xE388;
	s5 =	smov.u32 @p2 s4;
	s7 =	spop (v2sf)  }
0x1aa: {  	s12 =	simm.s32 $0x0;
	p1 =	sne.s32 s5, $0xFFFFFFFF;
	s8 =	smov.u32 s7  }
0x1ab: {  	s2 =	smov.u32 @p2 s0;
	p2 =	seq.s32 s7, $0xFFFFFFFF;
	s8 =	smov.u32 @p1 s5  }
0x1ac: {  	[sflag:s9] =	ssyncpa.u1 $0x0;
	s7 =	smov.u32 @p2 s2;
	s8 =	smov.u32 @p2 s5  }
.LBB2_38:
0x1ad: {  	p1 =	sgt.u32 s0, $0x4E170  }
0x1ae: {  	p2 =	seq.s32 @!p1 s0, s8  }
0x1af: {  	p1 =	por p1, p2  }
0x1b0: {  	p2 =	sne.s32 @!p1 s0, s7  }
0x1b1: {  	p1 =	por p1, !p2  }
0x1b2: {  	s0 =	sshll.u32 @p1 s12, $0xA  }
0x1b3: {  	s2 =	sand.u32 @!p1 $0x7FFF8, s0;
	s3 =	sand.u32 @!p1 $0x7, s0;
	s0 =	sadd.s32 @!p1 $0x80, s0  }
0x1b4: {  	s2 =	sadd.s32 @!p1 s1, s2;
	s0 =	sand.u32 @!p1 $0xFFFF8, s0  }
0x1b5: {  	[tilespmem:s10], [sflag:$0x6] =	stream.linear.gather @!p1 [hbm4b:s2+s3], $0x80, $0x38;
	[tilespmem:$0x1E678] =	vst v63  }
0x1b6: {  	s0 =	sadd.s32 @!p1 s1, s0  }
0x1b7: {  	[tilespmem:s11], [sflag:$0x6] =	stream.linear.gather @!p1 [hbm4b:s0+s3], $0x80, $0x38;
	[tilespmem:$0x1E678] =	vst v63  }
0x1b8: {  	_ =	swait.ge @!p1 [sflag:s9], $0x100  }
0x1b9: {  	[sflag:s9] =	ssyncset.done @!p1 $0x0  }
0x1ba: {  	[sflag:s9] =	ssyncadd.s32 @!p1 $0xFFFFFF00  }
0x1bb: {  	v1 =	vld @!p1 [tilespmem:$0xE308];
	_ =	sdelay $0x2  }
0x1bc: {  	s0 =	sshll.u32 @!p1 s12, $0xA  }
0x1bd: {  	s2 =	sshrl.u32 @!p1 s0, $0x2  }
0x1be: {  	[tilespmem:s2+$0xE438] =	vst.add.f32.msk @!p1 $0xffff, v1  }
0x1bf: {  	v1 =	vld @!p1 [tilespmem:$0xE318];
	_ =	sdelay $0x4  }
0x1c0: {  	[tilespmem:s2+$0xE448] =	vst.add.f32.msk @!p1 $0xffff, v1  }
0x1c1: {  	v1 =	vld @!p1 [tilespmem:$0xE328];
	_ =	sdelay $0x4  }
0x1c2: {  	[tilespmem:s2+$0xE458] =	vst.add.f32.msk @!p1 $0xffff, v1  }
0x1c3: {  	v1 =	vld @!p1 [tilespmem:$0xE338];
	_ =	sdelay $0x4  }
0x1c4: {  	[tilespmem:s2+$0xE468] =	vst.add.f32.msk @!p1 $0xffff, v1  }
0x1c5: {  	v1 =	vld @!p1 [tilespmem:$0xE348];
	_ =	sdelay $0x4  }
0x1c6: {  	[tilespmem:s2+$0xE478] =	vst.add.f32.msk @!p1 $0xffff, v1  }
0x1c7: {  	v1 =	vld @!p1 [tilespmem:$0xE358];
	_ =	sdelay $0x4  }
0x1c8: {  	[tilespmem:s2+$0xE488] =	vst.add.f32.msk @!p1 $0xffff, v1  }
0x1c9: {  	v1 =	vld @!p1 [tilespmem:$0xE368];
	_ =	sdelay $0x4  }
0x1ca: {  	[tilespmem:s2+$0xE498] =	vst.add.f32.msk @!p1 $0xffff, v1  }
0x1cb: {  	v1 =	vld @!p1 [tilespmem:$0xE378];
	_ =	sdelay $0x4  }
0x1cc: {  	[tilespmem:s2+$0xE4A8] =	vst.add.f32.msk @!p1 $0xffff, v1  }
0x1cd: {  	v1 =	vld @!p1 [tilespmem:$0xE388];
	_ =	sdelay $0x4  }
0x1ce: {  	[tilespmem:s2+$0xE4B8] =	vst.add.f32.msk @!p1 $0xffff, v1  }
0x1cf: {  	v1 =	vld @!p1 [tilespmem:$0xE398];
	_ =	sdelay $0x4  }
0x1d0: {  	[tilespmem:s2+$0xE4C8] =	vst.add.f32.msk @!p1 $0xffff, v1  }
0x1d1: {  	v1 =	vld @!p1 [tilespmem:$0xE3A8];
	_ =	sdelay $0x4  }
0x1d2: {  	[tilespmem:s2+$0xE4D8] =	vst.add.f32.msk @!p1 $0xffff, v1  }
0x1d3: {  	v1 =	vld @!p1 [tilespmem:$0xE3B8];
	_ =	sdelay $0x4  }
0x1d4: {  	[tilespmem:s2+$0xE4E8] =	vst.add.f32.msk @!p1 $0xffff, v1  }
0x1d5: {  	v1 =	vld @!p1 [tilespmem:$0xE3C8];
	_ =	sdelay $0x4  }
0x1d6: {  	[tilespmem:s2+$0xE4F8] =	vst.add.f32.msk @!p1 $0xffff, v1  }
0x1d7: {  	v1 =	vld @!p1 [tilespmem:$0xE3D8];
	_ =	sdelay $0x4  }
0x1d8: {  	[tilespmem:s2+$0xE508] =	vst.add.f32.msk @!p1 $0xffff, v1  }
0x1d9: {  	v1 =	vld @!p1 [tilespmem:$0xE3E8];
	_ =	sdelay $0x4  }
0x1da: {  	[tilespmem:s2+$0xE518] =	vst.add.f32.msk @!p1 $0xffff, v1  }
0x1db: {  	v1 =	vld @!p1 [tilespmem:$0xE3F8];
	_ =	sdelay $0x4  }
0x1dc: {  	[tilespmem:s2+$0xE528] =	vst.add.f32.msk @!p1 $0xffff, v1  }
0x1dd: {  	s0 =	sshrl.u32 s0, $0x2;
	[tilespmem:s6+$0xE418] =	vst.msk $0x1, v0  }
0x1de: {  	v0 =	vld [tilespmem:s0+$0xE438];
	_ =	sdelay $0x2  }
0x1df: {  	s31 =	sshll.u32 s6, $0xA  }
0x1e0: {  	s2 =	sshra.s32 s31, $0x2  }
0x1e1: {  	[tilespmem:s2+$0xE438] =	vst v0  }
0x1e2: {  	v0 =	vld [tilespmem:s0+$0xE448];
	_ =	sdelay $0x4  }
0x1e3: {  	[tilespmem:s2+$0xE448] =	vst v0  }
0x1e4: {  	v0 =	vld [tilespmem:s0+$0xE458];
	_ =	sdelay $0x4  }
0x1e5: {  	[tilespmem:s2+$0xE458] =	vst v0  }
0x1e6: {  	v0 =	vld [tilespmem:s0+$0xE468];
	_ =	sdelay $0x4  }
0x1e7: {  	[tilespmem:s2+$0xE468] =	vst v0  }
0x1e8: {  	v0 =	vld [tilespmem:s0+$0xE478];
	_ =	sdelay $0x4  }
0x1e9: {  	[tilespmem:s2+$0xE478] =	vst v0  }
0x1ea: {  	v0 =	vld [tilespmem:s0+$0xE488];
	_ =	sdelay $0x4  }
0x1eb: {  	[tilespmem:s2+$0xE488] =	vst v0  }
0x1ec: {  	v0 =	vld [tilespmem:s0+$0xE498];
	_ =	sdelay $0x4  }
0x1ed: {  	[tilespmem:s2+$0xE498] =	vst v0  }
0x1ee: {  	v0 =	vld [tilespmem:s0+$0xE4A8];
	_ =	sdelay $0x4  }
0x1ef: {  	[tilespmem:s2+$0xE4A8] =	vst v0  }
0x1f0: {  	v0 =	vld [tilespmem:s0+$0xE4B8];
	_ =	sdelay $0x4  }
0x1f1: {  	[tilespmem:s2+$0xE4B8] =	vst v0  }
0x1f2: {  	v0 =	vld [tilespmem:s0+$0xE4C8];
	_ =	sdelay $0x4  }
0x1f3: {  	[tilespmem:s2+$0xE4C8] =	vst v0  }
0x1f4: {  	v0 =	vld [tilespmem:s0+$0xE4D8];
	_ =	sdelay $0x4  }
0x1f5: {  	[tilespmem:s2+$0xE4D8] =	vst v0  }
0x1f6: {  	v0 =	vld [tilespmem:s0+$0xE4E8];
	_ =	sdelay $0x4  }
0x1f7: {  	[tilespmem:s2+$0xE4E8] =	vst v0  }
0x1f8: {  	v0 =	vld [tilespmem:s0+$0xE4F8];
	_ =	sdelay $0x4  }
0x1f9: {  	[tilespmem:s2+$0xE4F8] =	vst v0  }
0x1fa: {  	v0 =	vld [tilespmem:s0+$0xE508];
	_ =	sdelay $0x4  }
0x1fb: {  	[tilespmem:s2+$0xE508] =	vst v0  }
0x1fc: {  	v0 =	vld [tilespmem:s0+$0xE518];
	_ =	sdelay $0x4  }
0x1fd: {  	[tilespmem:s2+$0xE518] =	vst v0  }
0x1fe: {  	v0 =	vld [tilespmem:s0+$0xE528];
	_ =	sdelay $0x4  }
0x1ff: {  	s6 =	sadd.s32 $0x1, s6;
	[tilespmem:s2+$0xE528] =	vst v0  }
.LBB2_39:
0x200: {  	s12 =	sadd.s32 $0x1, s12  }
0x201: {  	p1 =	sne.s32 s12, $0x20  }
.Ltmp26:
0x202: {  	_ = 	snop;
	(pc) =	sbr.rel @!p1 .LBB2_40-.Ltmp26, $1  }
0x203: {  	_ =	sdelay $0x3  }
.LBB2_32:
0x204: {  	v0 =	vld.msk [tilespmem:s12+$0xE418], $0x1;
	_ =	sdelay $0x4  }
0x205: {  	(v2sf) =	vpush v0, $0x0;
	_ =	sdelay $0xe  }
0x206: {  	s0 =	spop (v2sf)  }
0x207: {  	p1 =	seq.s32 s0, $0xFFFFFFFF  }
.Ltmp27:
0x208: {  	_ = 	snop;
	(pc) =	sbr.rel @p1 .LBB2_39-.Ltmp27, $1  }
0x209: {  	_ =	sdelay $0x3  }
0x20a: {  	p1 =	slt.s32 s6, $0x1  }
.Ltmp28:
0x20b: {  	_ = 	snop;
	(pc) =	sbr.rel @p1 .LBB2_38-.Ltmp28, $1  }
0x20c: {  	_ =	sdelay $0x3  }
0x20d: {  	s4 =	simm.s32 $0xE418;
	p1 =	por $0x0, $0x0  }
0x20e: {  	v1 =	vld.msk @!p1 [tilespmem:s4+$0x0], $0x1;
	_ =	sdelay $0x4  }
0x20f: {  	(v2sf) =	vpush @!p1 v1, $0x0;
	_ =	sdelay $0xd  }
0x210: {  	p3 =	sne.s32 s6, $0x1  }
.Ltmp29:
0x211: {  	s2 =	spop @!p1 (v2sf);
	(pc) =	sbr.rel @!p3 .LBB2_36-.Ltmp29, $4  }
0x212: {  	p2 =	seq.s32 @!p1 s0, s2  }
0x213: {  	s5 =	simm.s32 $0x0;
	p2 =	por !p2, p1  }
0x214: {  	s2 =	simm.s32 $0xFFFFFFFF;
	s5 =	simm.s32 @p2 $0xFFFFFFFF  }
0x215: {  	s13 =	simm.s32 $0x1;
	s5 =	smov.u32 @p1 s2  }
.LBB2_35:
0x216: {  	s2 =	smov.u32 s5;
	p1 =	sne.s32 s5, $0xFFFFFFFF  }
0x217: {  	s4 =	sadd.s32 $0x1, s4;
	s5 =	smov.u32 s13;
	s13 =	sadd.s32 $0x1, s13  }
0x218: {  	p2 =	sne.s32 s6, s13;
	v1 =	vld.msk @!p1 [tilespmem:s4+$0x0], $0x1;
	_ =	sdelay $0x4  }
0x219: {  	(v2sf) =	vpush @!p1 v1, $0x0;
	_ =	sdelay $0xe  }
.Ltmp30:
0x21a: {  	s3 =	spop @!p1 (v2sf);
	(pc) =	sbr.rel @p2 .LBB2_35-.Ltmp30, $4  }
0x21b: {  	p3 =	seq.s32 @!p1 s0, s3  }
0x21c: {  	p3 =	por !p3, p1  }
0x21d: {  	s5 =	simm.s32 @p3 $0xFFFFFFFF  }
0x21e: {  	s5 =	smov.u32 @p1 s2  }
.LBB2_36:
0x21f: {  	p1 =	seq.s32 s5, $0xFFFFFFFF  }
.Ltmp31:
0x220: {  	_ = 	snop;
	(pc) =	sbr.rel @p1 .LBB2_38-.Ltmp31, $1  }
0x221: {  	_ =	sdelay $0x3  }
0x222: {  	s0 =	sshll.u32 s12, $0x8  }
0x223: {  	s0 =	sand.u32 $0x3FFFFF00, s0  }
0x224: {  	v0 =	vld [tilespmem:s0+$0xE438];
	_ =	sdelay $0x2  }
0x225: {  	s2 =	sshll.u32 s5, $0xA  }
0x226: {  	s2 =	sshra.s32 s2, $0x2  }
0x227: {  	[tilespmem:s2+$0xE438] =	vst.add.f32.msk $0xffff, v0  }
0x228: {  	v0 =	vld [tilespmem:s0+$0xE448];
	_ =	sdelay $0x4  }
0x229: {  	[tilespmem:s2+$0xE448] =	vst.add.f32.msk $0xffff, v0  }
0x22a: {  	v0 =	vld [tilespmem:s0+$0xE458];
	_ =	sdelay $0x4  }
0x22b: {  	[tilespmem:s2+$0xE458] =	vst.add.f32.msk $0xffff, v0  }
0x22c: {  	v0 =	vld [tilespmem:s0+$0xE468];
	_ =	sdelay $0x4  }
0x22d: {  	[tilespmem:s2+$0xE468] =	vst.add.f32.msk $0xffff, v0  }
0x22e: {  	v0 =	vld [tilespmem:s0+$0xE478];
	_ =	sdelay $0x4  }
0x22f: {  	[tilespmem:s2+$0xE478] =	vst.add.f32.msk $0xffff, v0  }
0x230: {  	v0 =	vld [tilespmem:s0+$0xE488];
	_ =	sdelay $0x4  }
0x231: {  	[tilespmem:s2+$0xE488] =	vst.add.f32.msk $0xffff, v0  }
0x232: {  	v0 =	vld [tilespmem:s0+$0xE498];
	_ =	sdelay $0x4  }
0x233: {  	[tilespmem:s2+$0xE498] =	vst.add.f32.msk $0xffff, v0  }
0x234: {  	v0 =	vld [tilespmem:s0+$0xE4A8];
	_ =	sdelay $0x4  }
0x235: {  	[tilespmem:s2+$0xE4A8] =	vst.add.f32.msk $0xffff, v0  }
0x236: {  	v0 =	vld [tilespmem:s0+$0xE4B8];
	_ =	sdelay $0x4  }
0x237: {  	[tilespmem:s2+$0xE4B8] =	vst.add.f32.msk $0xffff, v0  }
0x238: {  	v0 =	vld [tilespmem:s0+$0xE4C8];
	_ =	sdelay $0x4  }
0x239: {  	[tilespmem:s2+$0xE4C8] =	vst.add.f32.msk $0xffff, v0  }
0x23a: {  	v0 =	vld [tilespmem:s0+$0xE4D8];
	_ =	sdelay $0x4  }
0x23b: {  	[tilespmem:s2+$0xE4D8] =	vst.add.f32.msk $0xffff, v0  }
0x23c: {  	v0 =	vld [tilespmem:s0+$0xE4E8];
	_ =	sdelay $0x4  }
0x23d: {  	[tilespmem:s2+$0xE4E8] =	vst.add.f32.msk $0xffff, v0  }
0x23e: {  	v0 =	vld [tilespmem:s0+$0xE4F8];
	_ =	sdelay $0x4  }
0x23f: {  	[tilespmem:s2+$0xE4F8] =	vst.add.f32.msk $0xffff, v0  }
0x240: {  	v0 =	vld [tilespmem:s0+$0xE508];
	_ =	sdelay $0x4  }
0x241: {  	[tilespmem:s2+$0xE508] =	vst.add.f32.msk $0xffff, v0  }
0x242: {  	v0 =	vld [tilespmem:s0+$0xE518];
	_ =	sdelay $0x4  }
0x243: {  	[tilespmem:s2+$0xE518] =	vst.add.f32.msk $0xffff, v0  }
0x244: {  	v0 =	vld [tilespmem:s0+$0xE528]  }
.Ltmp32:
0x245: {  	_ = 	snop;
	(pc) =	sbr.rel .LBB2_39-.Ltmp32, $2  }
0x246: {  	_ =	sdelay $0x2  }
0x247: {  	[tilespmem:s2+$0xE528] =	vst.add.f32.msk $0xffff, v0  }
.LBB2_40:
0x248: {  	s0 =	simm.s32 $0x6;
	p1 =	seq.s32 s6, $0x0  }
0x249: {  	[sflag:s0] =	ssyncpa.u1 $0x1;
	v0 =	vimm.s32 @p1 $0xFFFFFFFF  }
0x24a: {  	s0 =	sadd.s32 $0xFFFFFFFF, s6;
	[tilespmem:$0x10438] =	vst @p1 v0  }
0x24b: {  	v0 =	vld.msk @!p1 [tilespmem:s0+$0xE418], $0x1;
	_ =	sdelay $0x1  }
0x24c: {  	v1 =	vld.msk @!p1 [tilespmem:$0xE418], $0x1;
	_ =	sdelay $0x2  }
0x24d: {  	p2 =	seq.s32 @!p1 s0, $0x0;
	v0 =	vbroadcast @!p1 v0, $0x0  }
0x24e: {  	vm0 =	vmmov @!p1 $0x1;
	p2 =	por !p2, p1  }
0x24f: {  	v1 =	vnsel @!p1 vm0, $0xFFFFFFFF, v1;
	vm0 =	vcmask @!p1 $0x308;
	v0 =	vpsel !p2, $0xFFFFFFFF, v0  }
0x250: {  	p2 =	sne.s32 @!p1 s8, s7;
	v0 =	vsel @!p1 vm0, v1, v0  }
0x251: {  	s2 =	simm.s32 @!p1 $0xE438;
	s3 =	simm.s32 @!p1 $0x0;
	p3 =	por !p2, p1;
	[tilespmem:$0x10438] =	vst @!p1 v0  }
0x252: {  	[spmem:s3] =	stream.linear.scatter @!p1 [tilespmem:s2], [sflag:$0x1], $0x100, $0x38;
	[tilespmem:$0x1E678] =	vst v63  }
0x253: {  	s2 =	sshll.u32 @!p3 s0, $0xA  }
0x254: {  	s2 =	sshra.s32 @!p3 s2, $0x2  }
0x255: {  	s3 =	simm.s32 @!p3 $0x100;
	s2 =	sadd.s32 @!p3 $0xE438, s2  }
0x256: {  	[spmem:s3] =	stream.linear.scatter @!p3 [tilespmem:s2], [sflag:$0x1], $0x100, $0x38;
	[tilespmem:$0x1E678] =	vst v63  }
0x257: {  	s2 =	simm.s32 @!p3 $0x1  }
0x258: {  	_ =	swait.ge @!p3 [sflag:s2], $0x200  }
0x259: {  	p1 =	por p2, p1;
	[sflag:s2] =	ssyncset.done @!p3 $0x0  }
0x25a: {  	[sflag:s2] =	ssyncadd.s32 @!p3 $0xFFFFFE00;
	s2 =	simm.s32 @!p1 $0x1  }
0x25b: {  	_ =	swait.ge @!p1 [sflag:s2], $0x100  }
0x25c: {  	s29 =	simm.s32 $0x10438;
	[sflag:s2] =	ssyncset.done @!p1 $0x0  }
0x25d: {  	s30 =	simm.s32 $0x2000;
	s31 =	simm.s32 $0x1;
	[sflag:s2] =	ssyncadd.s32 @!p1 $0xFFFFFF00  }
0x25e: {  	[spmem:s30] =	stream.linear.scatter [tilespmem:s29], [sflag:$0x1], $0x10, $0x38;
	[tilespmem:$0x1E678] =	vst v63  }
0x25f: {  	_ =	swait.ge [sflag:s31], $0x10  }
0x260: {  	[sflag:s31] =	ssyncset.done $0x0  }
0x261: {  	p1 =	seq.s32 s14, $0x0;
	s9 =	rddreg [dreg:$0x1];
	[sflag:s31] =	ssyncadd.s32 $0xFFFFFFF0  }
0x262: {  	s3 =	sshll.u32 @p1 s9, $0xE;
	s8 =	rddreg [dreg:$0x2]  }
0x263: {  	s2 =	sadd.s32 @p1 $0x15C3C, s3;
	s3 =	sshll.u32 @p1 s8, $0x11  }
0x264: {  	_ =	sfence.stream.spmem;
	s2 =	sor.u32 @p1 s3, s2  }
0x265: {  	[sflag:s2] =	ssyncadd.remote.s32 @p1 $0x1;
	s2 =	simm.s32 @p1 $0x4  }
0x266: {  	s4 =	simm.s32 @!p1 $0x3C;
	s3 =	sand.u32 $0xFFFFFFFE, s9;
	_ =	swait.ge @p1 [sflag:s2], $0x42  }
0x267: {  	s5 =	simm.s32 @!p1 $0x0;
	s3 =	sadd.s32 @!p1 $0x4, s3;
	[sflag:s2] =	ssyncset.done @p1 $0x0  }
0x268: {  	s7 =	simm.s32 @!p1 $0x200;
	[sflag:s2] =	ssyncadd.s32 @p1 $0xFFFFFFBE;
	s2 =	sshll.u32 @!p1 s3, $0x1A  }
0x269: {  	s3 =	sshll.u32 @!p1 s3, $0xD;
	s2 =	sor.u32 @!p1 s2, s8;
	_ =	swait.eq @!p1 [sflag:s4], $0x1  }
0x26a: {  	s3 =	sor.u32 @!p1 $0x1C04, s3;
	s4 =	simm.s32 @!p1 $0x1C03;
	s2 =	sor.u32 @!p1 $0x80004000, s2  }
0x26b: {  	[spmem:s7], [sflag:s3] =	dma.general @!p1 [spmem:s5], [sflag:s4], length:$0x40, [dreg:$0x0], stride_count:$0x0, ici_dest:s2, dma_misc:DstOpCode:WRITE  }
0x26c: {  	p2 =	slt.s32 s0, $0x2;
	s5 =	simm.s32 @!p1 $0x400;
	s7 =	simm.s32 @!p1 $0x402  }
0x26d: {  	[spmem:s7], [sflag:s3] =	dma.general @!p1 [spmem:s5], [sflag:s4], length:$0x2, [dreg:$0x0], stride_count:$0x0, ici_dest:s2, dma_misc:DstOpCode:WRITE  }
.Ltmp33:
0x26e: {  	s2 =	simm.s32 @!p1 $0x3;
	(pc) =	sbr.rel @p2 .LBB2_44-.Ltmp33, $4  }
0x26f: {  	s3 =	sshll.u32 @!p1 s9, $0xE;
	_ =	swait.ge @!p1 [sflag:s2], $0x42  }
0x270: {  	s4 =	sshll.u32 @!p1 s8, $0x11;
	s3 =	sadd.s32 @!p1 $0x11C3C, s3;
	[sflag:s2] =	ssyncset.done @!p1 $0x0  }
0x271: {  	[sflag:s2] =	ssyncadd.s32 @!p1 $0xFFFFFFBE;
	s2 =	sor.u32 @!p1 s4, s3  }
0x272: {  	s0 =	simm.s32 $0x0;
	[sflag:s2] =	ssyncadd.remote.s32 @!p1 $0xFFFFFFFF  }
0x273: {  	s0 =	simm.s32 $0xE419  }
0x274: {  	v0 =	vld.msk [tilespmem:s0+$0x0], $0x1;
	_ =	sdelay $0x4  }
0x275: {  	(v2sf) =	vpush v0, $0x0;
	_ =	sdelay $0xd  }
0x276: {  	s31 =	sadd.s32 $0xFFFFFFFE, s6  }
0x277: {  	s6 =	simm.s32 $0x0;
	s0 =	sadd.s32 $0xFFFFFFFF, s31;
	s2 =	spop (v2sf)  }
0x278: {  	s3 =	simm.s32 $0xE538;
	p1 =	sne.s32 s0, $0x0;
	p2 =	sgt.u32 s2, $0x4E170  }
.Ltmp34:
0x279: {  	s4 =	simm.s32 $0xE638;
	s5 =	sand.u32 @!p2 $0x7FFF8, s2;
	(pc) =	sbr.rel @!p1 .LBB2_43-.Ltmp34, $4  }
0x27a: {  	s7 =	sadd.s32 @!p2 $0x80, s2;
	s2 =	sand.u32 @!p2 $0x7, s2;
	s6 =	simm.s32 @!p2 $0x400  }
0x27b: {  	s5 =	sadd.s32 @!p2 s1, s5;
	s7 =	sand.u32 @!p2 $0xFFFF8, s7;
	s6 =	sadd.s32 $0x0, s6  }
0x27c: {  	[hbm4b:s5+s2] =	stream.linear.scatter @!p2 [tilespmem:s3], [sflag:$0x5], $0x80, $0x38;
	[tilespmem:$0x1E678] =	vst v63  }
0x27d: {  	s5 =	simm.s32 $0xE41A;
	s3 =	simm.s32 @!p2 $0xE5B8;
	s7 =	sadd.s32 @!p2 s1, s7  }
.LBB2_42:
0x27e: {  	[hbm4b:s7+s2] =	stream.linear.scatter @!p2 [tilespmem:s3], [sflag:$0x5], $0x80, $0x38;
	[tilespmem:$0x1E678] =	vst v63  }
0x27f: {  	s0 =	sadd.s32 $0xFFFFFFFF, s0;
	s3 =	smov.u32 s4;
	v0 =	vld.msk [tilespmem:s5+$0x0], $0x1  }
0x280: {  	p1 =	sne.s32 s0, $0x0;
	_ =	sdelay $0x3  }
0x281: {  	(v2sf) =	vpush v0, $0x0;
	_ =	sdelay $0xe  }
0x282: {  	s4 =	sadd.s32 $0x100, s4;
	s8 =	simm.s32 $0x0;
	s2 =	spop (v2sf)  }
.Ltmp35:
0x283: {  	s5 =	sadd.s32 $0x1, s5;
	p2 =	sgt.u32 s2, $0x4E170;
	(pc) =	sbr.rel @p1 .LBB2_42-.Ltmp35, $4  }
0x284: {  	s8 =	simm.s32 @!p2 $0x400;
	s7 =	sand.u32 @!p2 $0x7FFF8, s2;
	s9 =	sadd.s32 @!p2 $0x80, s2  }
0x285: {  	s2 =	sand.u32 @!p2 $0x7, s2;
	s7 =	sadd.s32 @!p2 s1, s7;
	s9 =	sand.u32 @!p2 $0xFFFF8, s9  }
0x286: {  	[hbm4b:s7+s2] =	stream.linear.scatter @!p2 [tilespmem:s3], [sflag:$0x5], $0x80, $0x38;
	[tilespmem:$0x1E678] =	vst v63  }
0x287: {  	s6 =	sadd.s32 s6, s8;
	s3 =	sadd.s32 @!p2 $0x80, s3;
	s7 =	sadd.s32 @!p2 s1, s9  }
.LBB2_43:
0x288: {  	[hbm4b:s7+s2] =	stream.linear.scatter @!p2 [tilespmem:s3], [sflag:$0x5], $0x80, $0x38;
	[tilespmem:$0x1E678] =	vst v63  }
0x289: {  	s0 =	sshrl.u32 s6, $0x2  }
.LBB2_44:
0x28a: {  	s2 =	simm.s32 $0x5  }
0x28b: {  	_ =	swait.ge [sflag:s2], s0  }
0x28c: {  	s31 =	ssub.s32 $0x0, s0;
	[sflag:s2] =	ssyncset.done $0x0  }
0x28d: {  	[sflag:s2] =	ssyncadd.s32 s31  }
0x28e: {  	[sflag:s2] =	ssyncpa.u1 $0x1  }
.LBB2_45:
0x28f: {  	s0 =	sor.u32 s14, s15  }
0x290: {  	p1 =	sne.s32 s0, $0x0  }
.Ltmp36:
0x291: {  	_ = 	snop;
	(pc) =	sbr.rel @p1 .LBB2_60-.Ltmp36, $3  }
0x292: {  	_ =	sdelay $0x1  }
0x293: {  	[bflag:$0x0] =	sbarrier.arrive $0xFFFF  }
0x294: {  	_ =	sfence  }
0x295: {  	s0 =	simm.s32 $0x7  }
0x296: {  	s2 =	simm.s32 $0x2000;
	s3 =	simm.s32 $0xE418;
	[sflag:s0] =	ssyncpa.u1 $0x0  }
0x297: {  	[tilespmem:s3], [sflag:$0x7] =	stream.linear.gather [spmem:s2], $0x20, $0x38;
	[tilespmem:$0x1E678] =	vst v63  }
0x298: {  	s30 =	simm.s32 $0xE438;
	s2 =	simm.s32 $0x0  }
0x299: {  	[tilespmem:s30], [sflag:$0x7] =	stream.linear.gather [spmem:s2], $0x2000, $0x38;
	[tilespmem:$0x1E678] =	vst v63  }
.Ltmp37:
0x29a: {  	_ = 	snop;
	(pc) =	sbr.rel .LBB2_47-.Ltmp37, $4  }
0x29b: {  	_ =	swait.ge [sflag:s0], $0x2020  }
0x29c: {  	[sflag:s0] =	ssyncset.done $0x0  }
0x29d: {  	s31 =	simm.s32 $0x8;
	[sflag:s0] =	ssyncadd.s32 $0xFFFFDFE0  }
0x29e: {  	s3 =	simm.s32 $0x0;
	[sflag:s31] =	ssyncpa.u1 $0x0  }
.LBB2_53:
0x29f: {  	p1 =	slt.u32 s0, $0x4E171  }
0x2a0: {  	s4 =	sand.u32 @p1 $0x7FFF8, s0;
	s5 =	sand.u32 @p1 $0x7, s0;
	s0 =	sadd.s32 @p1 $0x80, s0  }
0x2a1: {  	s6 =	simm.s32 @p1 $0xE308;
	s4 =	sadd.s32 @p1 s1, s4;
	s0 =	sand.u32 @p1 $0xFFFF8, s0  }
0x2a2: {  	[tilespmem:s6], [sflag:$0x8] =	stream.linear.gather @p1 [hbm4b:s4+s5], $0x80, $0x38;
	[tilespmem:$0x1E678] =	vst v63  }
0x2a3: {  	s0 =	sadd.s32 @p1 s1, s0;
	s4 =	simm.s32 @p1 $0xE388  }
0x2a4: {  	[tilespmem:s4], [sflag:$0x8] =	stream.linear.gather @p1 [hbm4b:s0+s5], $0x80, $0x38;
	[tilespmem:$0x1E678] =	vst v63  }
0x2a5: {  	s0 =	simm.s32 @p1 $0x8  }
0x2a6: {  	_ =	swait.ge @p1 [sflag:s0], $0x100  }
0x2a7: {  	[sflag:s0] =	ssyncset.done @p1 $0x0  }
0x2a8: {  	[sflag:s0] =	ssyncadd.s32 @p1 $0xFFFFFF00  }
0x2a9: {  	v1 =	vld @p1 [tilespmem:$0xE308];
	_ =	sdelay $0x2  }
0x2aa: {  	s0 =	sshll.u32 @p1 s3, $0xA  }
0x2ab: {  	s4 =	sshrl.u32 @p1 s0, $0x2  }
0x2ac: {  	[tilespmem:s4+$0xE438] =	vst.add.f32.msk @p1 $0xffff, v1  }
0x2ad: {  	v1 =	vld @p1 [tilespmem:$0xE318];
	_ =	sdelay $0x4  }
0x2ae: {  	[tilespmem:s4+$0xE448] =	vst.add.f32.msk @p1 $0xffff, v1  }
0x2af: {  	v1 =	vld @p1 [tilespmem:$0xE328];
	_ =	sdelay $0x4  }
0x2b0: {  	[tilespmem:s4+$0xE458] =	vst.add.f32.msk @p1 $0xffff, v1  }
0x2b1: {  	v1 =	vld @p1 [tilespmem:$0xE338];
	_ =	sdelay $0x4  }
0x2b2: {  	[tilespmem:s4+$0xE468] =	vst.add.f32.msk @p1 $0xffff, v1  }
0x2b3: {  	v1 =	vld @p1 [tilespmem:$0xE348];
	_ =	sdelay $0x4  }
0x2b4: {  	[tilespmem:s4+$0xE478] =	vst.add.f32.msk @p1 $0xffff, v1  }
0x2b5: {  	v1 =	vld @p1 [tilespmem:$0xE358];
	_ =	sdelay $0x4  }
0x2b6: {  	[tilespmem:s4+$0xE488] =	vst.add.f32.msk @p1 $0xffff, v1  }
0x2b7: {  	v1 =	vld @p1 [tilespmem:$0xE368];
	_ =	sdelay $0x4  }
0x2b8: {  	[tilespmem:s4+$0xE498] =	vst.add.f32.msk @p1 $0xffff, v1  }
0x2b9: {  	v1 =	vld @p1 [tilespmem:$0xE378];
	_ =	sdelay $0x4  }
0x2ba: {  	[tilespmem:s4+$0xE4A8] =	vst.add.f32.msk @p1 $0xffff, v1  }
0x2bb: {  	v1 =	vld @p1 [tilespmem:$0xE388];
	_ =	sdelay $0x4  }
0x2bc: {  	[tilespmem:s4+$0xE4B8] =	vst.add.f32.msk @p1 $0xffff, v1  }
0x2bd: {  	v1 =	vld @p1 [tilespmem:$0xE398];
	_ =	sdelay $0x4  }
0x2be: {  	[tilespmem:s4+$0xE4C8] =	vst.add.f32.msk @p1 $0xffff, v1  }
0x2bf: {  	v1 =	vld @p1 [tilespmem:$0xE3A8];
	_ =	sdelay $0x4  }
0x2c0: {  	[tilespmem:s4+$0xE4D8] =	vst.add.f32.msk @p1 $0xffff, v1  }
0x2c1: {  	v1 =	vld @p1 [tilespmem:$0xE3B8];
	_ =	sdelay $0x4  }
0x2c2: {  	[tilespmem:s4+$0xE4E8] =	vst.add.f32.msk @p1 $0xffff, v1  }
0x2c3: {  	v1 =	vld @p1 [tilespmem:$0xE3C8];
	_ =	sdelay $0x4  }
0x2c4: {  	[tilespmem:s4+$0xE4F8] =	vst.add.f32.msk @p1 $0xffff, v1  }
0x2c5: {  	v1 =	vld @p1 [tilespmem:$0xE3D8];
	_ =	sdelay $0x4  }
0x2c6: {  	[tilespmem:s4+$0xE508] =	vst.add.f32.msk @p1 $0xffff, v1  }
0x2c7: {  	v1 =	vld @p1 [tilespmem:$0xE3E8];
	_ =	sdelay $0x4  }
0x2c8: {  	[tilespmem:s4+$0xE518] =	vst.add.f32.msk @p1 $0xffff, v1  }
0x2c9: {  	v1 =	vld @p1 [tilespmem:$0xE3F8];
	_ =	sdelay $0x3  }
0x2ca: {  	s5 =	sshll.u32 @!p1 s3, $0xA  }
0x2cb: {  	s5 =	smov.u32 @p1 s0;
	[tilespmem:s4+$0xE528] =	vst.add.f32.msk @p1 $0xffff, v1  }
0x2cc: {  	s0 =	sshrl.u32 s5, $0x2;
	[tilespmem:s2+$0xE418] =	vst.msk $0x1, v0  }
0x2cd: {  	v0 =	vld [tilespmem:s0+$0xE438];
	_ =	sdelay $0x2  }
0x2ce: {  	s31 =	sshll.u32 s2, $0xA  }
0x2cf: {  	s4 =	sshra.s32 s31, $0x2  }
0x2d0: {  	[tilespmem:s4+$0xE438] =	vst v0  }
0x2d1: {  	v0 =	vld [tilespmem:s0+$0xE448];
	_ =	sdelay $0x4  }
0x2d2: {  	[tilespmem:s4+$0xE448] =	vst v0  }
0x2d3: {  	v0 =	vld [tilespmem:s0+$0xE458];
	_ =	sdelay $0x4  }
0x2d4: {  	[tilespmem:s4+$0xE458] =	vst v0  }
0x2d5: {  	v0 =	vld [tilespmem:s0+$0xE468];
	_ =	sdelay $0x4  }
0x2d6: {  	[tilespmem:s4+$0xE468] =	vst v0  }
0x2d7: {  	v0 =	vld [tilespmem:s0+$0xE478];
	_ =	sdelay $0x4  }
0x2d8: {  	[tilespmem:s4+$0xE478] =	vst v0  }
0x2d9: {  	v0 =	vld [tilespmem:s0+$0xE488];
	_ =	sdelay $0x4  }
0x2da: {  	[tilespmem:s4+$0xE488] =	vst v0  }
0x2db: {  	v0 =	vld [tilespmem:s0+$0xE498];
	_ =	sdelay $0x4  }
0x2dc: {  	[tilespmem:s4+$0xE498] =	vst v0  }
0x2dd: {  	v0 =	vld [tilespmem:s0+$0xE4A8];
	_ =	sdelay $0x4  }
0x2de: {  	[tilespmem:s4+$0xE4A8] =	vst v0  }
0x2df: {  	v0 =	vld [tilespmem:s0+$0xE4B8];
	_ =	sdelay $0x4  }
0x2e0: {  	[tilespmem:s4+$0xE4B8] =	vst v0  }
0x2e1: {  	v0 =	vld [tilespmem:s0+$0xE4C8];
	_ =	sdelay $0x4  }
0x2e2: {  	[tilespmem:s4+$0xE4C8] =	vst v0  }
0x2e3: {  	v0 =	vld [tilespmem:s0+$0xE4D8];
	_ =	sdelay $0x4  }
0x2e4: {  	[tilespmem:s4+$0xE4D8] =	vst v0  }
0x2e5: {  	v0 =	vld [tilespmem:s0+$0xE4E8];
	_ =	sdelay $0x4  }
0x2e6: {  	[tilespmem:s4+$0xE4E8] =	vst v0  }
0x2e7: {  	v0 =	vld [tilespmem:s0+$0xE4F8];
	_ =	sdelay $0x4  }
0x2e8: {  	[tilespmem:s4+$0xE4F8] =	vst v0  }
0x2e9: {  	v0 =	vld [tilespmem:s0+$0xE508];
	_ =	sdelay $0x4  }
0x2ea: {  	[tilespmem:s4+$0xE508] =	vst v0  }
0x2eb: {  	v0 =	vld [tilespmem:s0+$0xE518];
	_ =	sdelay $0x4  }
0x2ec: {  	[tilespmem:s4+$0xE518] =	vst v0  }
0x2ed: {  	v0 =	vld [tilespmem:s0+$0xE528];
	_ =	sdelay $0x4  }
0x2ee: {  	s2 =	sadd.s32 $0x1, s2;
	[tilespmem:s4+$0xE528] =	vst v0  }
.LBB2_54:
0x2ef: {  	s3 =	sadd.s32 $0x1, s3  }
0x2f0: {  	p1 =	sne.s32 s3, $0x20  }
.Ltmp38:
0x2f1: {  	_ = 	snop;
	(pc) =	sbr.rel @!p1 .LBB2_55-.Ltmp38, $1  }
0x2f2: {  	_ =	sdelay $0x3  }
.LBB2_47:
0x2f3: {  	v0 =	vld.msk [tilespmem:s3+$0xE418], $0x1;
	_ =	sdelay $0x4  }
0x2f4: {  	(v2sf) =	vpush v0, $0x0;
	_ =	sdelay $0xe  }
0x2f5: {  	s0 =	spop (v2sf)  }
0x2f6: {  	p1 =	seq.s32 s0, $0xFFFFFFFF  }
.Ltmp39:
0x2f7: {  	_ = 	snop;
	(pc) =	sbr.rel @p1 .LBB2_54-.Ltmp39, $1  }
0x2f8: {  	_ =	sdelay $0x3  }
0x2f9: {  	p1 =	slt.s32 s2, $0x1  }
.Ltmp40:
0x2fa: {  	_ = 	snop;
	(pc) =	sbr.rel @p1 .LBB2_53-.Ltmp40, $1  }
0x2fb: {  	_ =	sdelay $0x3  }
0x2fc: {  	s4 =	simm.s32 $0xE418;
	p1 =	por $0x0, $0x0  }
0x2fd: {  	v1 =	vld.msk @!p1 [tilespmem:s4+$0x0], $0x1;
	_ =	sdelay $0x4  }
0x2fe: {  	(v2sf) =	vpush @!p1 v1, $0x0;
	_ =	sdelay $0xd  }
0x2ff: {  	p3 =	sne.s32 s2, $0x1  }
.Ltmp41:
0x300: {  	s5 =	spop @!p1 (v2sf);
	(pc) =	sbr.rel @!p3 .LBB2_51-.Ltmp41, $4  }
0x301: {  	p2 =	seq.s32 @!p1 s0, s5  }
0x302: {  	s5 =	simm.s32 $0x0;
	p2 =	por !p2, p1  }
0x303: {  	s7 =	simm.s32 $0xFFFFFFFF;
	s5 =	simm.s32 @p2 $0xFFFFFFFF  }
0x304: {  	s6 =	simm.s32 $0x1;
	s5 =	smov.u32 @p1 s7  }
.LBB2_50:
0x305: {  	s7 =	smov.u32 s5;
	p1 =	sne.s32 s5, $0xFFFFFFFF  }
0x306: {  	s4 =	sadd.s32 $0x1, s4;
	s5 =	smov.u32 s6;
	s6 =	sadd.s32 $0x1, s6  }
0x307: {  	p2 =	sne.s32 s2, s6;
	v1 =	vld.msk @!p1 [tilespmem:s4+$0x0], $0x1;
	_ =	sdelay $0x4  }
0x308: {  	(v2sf) =	vpush @!p1 v1, $0x0;
	_ =	sdelay $0xe  }
.Ltmp42:
0x309: {  	s8 =	spop @!p1 (v2sf);
	(pc) =	sbr.rel @p2 .LBB2_50-.Ltmp42, $4  }
0x30a: {  	p3 =	seq.s32 @!p1 s0, s8  }
0x30b: {  	p3 =	por !p3, p1  }
0x30c: {  	s5 =	simm.s32 @p3 $0xFFFFFFFF  }
0x30d: {  	s5 =	smov.u32 @p1 s7  }
.LBB2_51:
0x30e: {  	p1 =	seq.s32 s5, $0xFFFFFFFF  }
.Ltmp43:
0x30f: {  	_ = 	snop;
	(pc) =	sbr.rel @p1 .LBB2_53-.Ltmp43, $1  }
0x310: {  	_ =	sdelay $0x3  }
0x311: {  	s0 =	sshll.u32 s3, $0x8  }
0x312: {  	s0 =	sand.u32 $0x3FFFFF00, s0  }
0x313: {  	v0 =	vld [tilespmem:s0+$0xE438];
	_ =	sdelay $0x2  }
0x314: {  	s4 =	sshll.u32 s5, $0xA  }
0x315: {  	s4 =	sshra.s32 s4, $0x2  }
0x316: {  	[tilespmem:s4+$0xE438] =	vst.add.f32.msk $0xffff, v0  }
0x317: {  	v0 =	vld [tilespmem:s0+$0xE448];
	_ =	sdelay $0x4  }
0x318: {  	[tilespmem:s4+$0xE448] =	vst.add.f32.msk $0xffff, v0  }
0x319: {  	v0 =	vld [tilespmem:s0+$0xE458];
	_ =	sdelay $0x4  }
0x31a: {  	[tilespmem:s4+$0xE458] =	vst.add.f32.msk $0xffff, v0  }
0x31b: {  	v0 =	vld [tilespmem:s0+$0xE468];
	_ =	sdelay $0x4  }
0x31c: {  	[tilespmem:s4+$0xE468] =	vst.add.f32.msk $0xffff, v0  }
0x31d: {  	v0 =	vld [tilespmem:s0+$0xE478];
	_ =	sdelay $0x4  }
0x31e: {  	[tilespmem:s4+$0xE478] =	vst.add.f32.msk $0xffff, v0  }
0x31f: {  	v0 =	vld [tilespmem:s0+$0xE488];
	_ =	sdelay $0x4  }
0x320: {  	[tilespmem:s4+$0xE488] =	vst.add.f32.msk $0xffff, v0  }
0x321: {  	v0 =	vld [tilespmem:s0+$0xE498];
	_ =	sdelay $0x4  }
0x322: {  	[tilespmem:s4+$0xE498] =	vst.add.f32.msk $0xffff, v0  }
0x323: {  	v0 =	vld [tilespmem:s0+$0xE4A8];
	_ =	sdelay $0x4  }
0x324: {  	[tilespmem:s4+$0xE4A8] =	vst.add.f32.msk $0xffff, v0  }
0x325: {  	v0 =	vld [tilespmem:s0+$0xE4B8];
	_ =	sdelay $0x4  }
0x326: {  	[tilespmem:s4+$0xE4B8] =	vst.add.f32.msk $0xffff, v0  }
0x327: {  	v0 =	vld [tilespmem:s0+$0xE4C8];
	_ =	sdelay $0x4  }
0x328: {  	[tilespmem:s4+$0xE4C8] =	vst.add.f32.msk $0xffff, v0  }
0x329: {  	v0 =	vld [tilespmem:s0+$0xE4D8];
	_ =	sdelay $0x4  }
0x32a: {  	[tilespmem:s4+$0xE4D8] =	vst.add.f32.msk $0xffff, v0  }
0x32b: {  	v0 =	vld [tilespmem:s0+$0xE4E8];
	_ =	sdelay $0x4  }
0x32c: {  	[tilespmem:s4+$0xE4E8] =	vst.add.f32.msk $0xffff, v0  }
0x32d: {  	v0 =	vld [tilespmem:s0+$0xE4F8];
	_ =	sdelay $0x4  }
0x32e: {  	[tilespmem:s4+$0xE4F8] =	vst.add.f32.msk $0xffff, v0  }
0x32f: {  	v0 =	vld [tilespmem:s0+$0xE508];
	_ =	sdelay $0x4  }
0x330: {  	[tilespmem:s4+$0xE508] =	vst.add.f32.msk $0xffff, v0  }
0x331: {  	v0 =	vld [tilespmem:s0+$0xE518];
	_ =	sdelay $0x4  }
0x332: {  	[tilespmem:s4+$0xE518] =	vst.add.f32.msk $0xffff, v0  }
0x333: {  	v0 =	vld [tilespmem:s0+$0xE528]  }
.Ltmp44:
0x334: {  	_ = 	snop;
	(pc) =	sbr.rel .LBB2_54-.Ltmp44, $2  }
0x335: {  	_ =	sdelay $0x2  }
0x336: {  	[tilespmem:s4+$0xE528] =	vst.add.f32.msk $0xffff, v0  }
.LBB2_55:
0x337: {  	p1 =	slt.s32 s2, $0x1  }
.Ltmp45:
0x338: {  	_ = 	snop;
	(pc) =	sbr.rel @p1 .LBB2_59-.Ltmp45, $3  }
0x339: {  	_ =	sdelay $0x1  }
0x33a: {  	s0 =	simm.s32 $0x8  }
0x33b: {  	s4 =	simm.s32 $0x0;
	[sflag:s0] =	ssyncpa.u1 $0x1  }
0x33c: {  	s0 =	simm.s32 $0xE418  }
0x33d: {  	v0 =	vld.msk [tilespmem:s0+$0x0], $0x1;
	_ =	sdelay $0x4  }
0x33e: {  	(v2sf) =	vpush v0, $0x0;
	_ =	sdelay $0xe  }
0x33f: {  	s0 =	sadd.s32 $0xFFFFFFFF, s2;
	s3 =	spop (v2sf)  }
0x340: {  	s6 =	simm.s32 $0xE438;
	p1 =	sne.s32 s0, $0x0;
	p2 =	sgt.u32 s3, $0x4E170  }
.Ltmp46:
0x341: {  	s2 =	simm.s32 $0xE538;
	s5 =	sand.u32 @!p2 $0x7FFF8, s3;
	(pc) =	sbr.rel @!p1 .LBB2_58-.Ltmp46, $4  }
0x342: {  	s7 =	sadd.s32 @!p2 $0x80, s3;
	s4 =	simm.s32 @!p2 $0x400;
	s8 =	sadd.s32 @!p2 s1, s5  }
0x343: {  	s5 =	sand.u32 @!p2 $0x7, s3;
	s3 =	simm.s32 $0xE419;
	s7 =	sand.u32 @!p2 $0xFFFF8, s7  }
0x344: {  	[hbm4b:s8+s5] =	stream.linear.scatter @!p2 [tilespmem:s6], [sflag:$0x7], $0x80, $0x38;
	[tilespmem:$0x1E678] =	vst v63  }
0x345: {  	s4 =	sadd.s32 $0x0, s4;
	s6 =	simm.s32 @!p2 $0xE4B8;
	s7 =	sadd.s32 @!p2 s1, s7  }
.LBB2_57:
0x346: {  	[hbm4b:s7+s5] =	stream.linear.scatter @!p2 [tilespmem:s6], [sflag:$0x7], $0x80, $0x38;
	[tilespmem:$0x1E678] =	vst v63  }
0x347: {  	s0 =	sadd.s32 $0xFFFFFFFF, s0;
	s6 =	smov.u32 s2;
	v0 =	vld.msk [tilespmem:s3+$0x0], $0x1  }
0x348: {  	p1 =	sne.s32 s0, $0x0;
	_ =	sdelay $0x3  }
0x349: {  	(v2sf) =	vpush v0, $0x0;
	_ =	sdelay $0xe  }
0x34a: {  	s2 =	sadd.s32 $0x100, s2;
	s8 =	simm.s32 $0x0;
	s5 =	spop (v2sf)  }
.Ltmp47:
0x34b: {  	s3 =	sadd.s32 $0x1, s3;
	p2 =	sgt.u32 s5, $0x4E170;
	(pc) =	sbr.rel @p1 .LBB2_57-.Ltmp47, $4  }
0x34c: {  	s8 =	simm.s32 @!p2 $0x400;
	s7 =	sand.u32 @!p2 $0x7FFF8, s5;
	s9 =	sadd.s32 @!p2 $0x80, s5  }
0x34d: {  	s5 =	sand.u32 @!p2 $0x7, s5;
	s7 =	sadd.s32 @!p2 s1, s7;
	s9 =	sand.u32 @!p2 $0xFFFF8, s9  }
0x34e: {  	[hbm4b:s7+s5] =	stream.linear.scatter @!p2 [tilespmem:s6], [sflag:$0x7], $0x80, $0x38;
	[tilespmem:$0x1E678] =	vst v63  }
0x34f: {  	s4 =	sadd.s32 s4, s8;
	s6 =	sadd.s32 @!p2 $0x80, s6;
	s7 =	sadd.s32 @!p2 s1, s9  }
.LBB2_58:
0x350: {  	[hbm4b:s7+s5] =	stream.linear.scatter @!p2 [tilespmem:s6], [sflag:$0x7], $0x80, $0x38;
	[tilespmem:$0x1E678] =	vst v63  }
0x351: {  	s4 =	sshrl.u32 s4, $0x2  }
.LBB2_59:
0x352: {  	s0 =	simm.s32 $0x7  }
0x353: {  	_ =	swait.ge [sflag:s0], s4  }
0x354: {  	s1 =	ssub.s32 $0x0, s4;
	[sflag:s0] =	ssyncset.done $0x0  }
0x355: {  	[sflag:s0] =	ssyncadd.s32 s1  }
0x356: {  	[sflag:s0] =	ssyncpa.u1 $0x1  }
.LBB2_60:
0x357: {  	_ =	sfence;
	s0 =	simm.s32 $0x1  }
0x358: {  	[sflag:s0] =	ssyncpa.u1 $0x1  }
0x359: {  	_ =	strace $0x9000005F  }
0x35a: {  	[bflag:$0x2] =	sbarrier.arrive $0xFFFF  }
0x35b: {  	s0 =	rddreg [dreg:$0x3]  }
0x35c: {  	s0 =	sadd.s32 @!p0 $0x100000, s0  }
0x35d: {  	[sflag:s0] =	ssyncadd.tile.s32 @!p0 $0x1;
	_ =	shalt  }
.Lfunc_end2:
_tile_overlayer_lowered:
.L_overlay_start_2:
0x35e: {  	(tag) =	ssettag $0x2  }
0x35f: {  	s0 =	rddreg [dreg:$0x0];
	s2 =	stileid.u32  }
0x360: {  	s1 =	rddreg [dreg:$0x1];
	p0 =	sne.s32 s2, $0x0  }
0x361: {  	s3 =	rddreg [dreg:$0x2];
	[bflag:$0x3] =	sbarrier.arrive $0xFFFF;
	s2 =	simm.s32 @!p0 $0x1C01  }
0x362: {  	[timem:s3], [sflag:s2] =	dma.local @!p0 [hbm:s0], s1  }
0x363: {  	s0 =	simm.s32 @!p0 $0x1  }
0x364: {  	_ =	swait.ge @!p0 [sflag:s0], s1  }
0x365: {  	s1 =	ssub.s32 @!p0 $0x0, s1;
	[sflag:s0] =	ssyncset.done @!p0 $0x0  }
0x366: {  	[sflag:s0] =	ssyncadd.s32 @!p0 s1  }
0x367: {  	[bflag:$0x3] =	sbarrier.arrive $0xFFFF  }
0x368: {  	_ =	shalt  }

// kernel: sparse-core-data-format-call.cloned.1.call-start
scs
called_computation.4_lowered:
.L_overlay_start_0:
0x0: {  	s2 =	sld [smem:$0x3FD9]  }
0x1: {  	s3 =	sld [smem:$0x3FFE];
	_ =	sdelay $0x1  }
0x2: {  	s1 =	srdreg.scid  }
0x3: {  	s0 =	sand.u32 $0x1, s1  }
0x4: {  	s18 =	sshll.u32 s0, $0xA;
	s2 =	sadd.s32 s3, s2  }
0x5: {  	s2 =	sadd.s32 s2, s18  }
0x6: {  	[smem:$0x3FB9] =	sst s2  }
0x7: {  	_ = 	snop  }
0x8: {  	(tm) =	ssettm $0x1  }
0x9: {  	s19 =	sld [smem:$0x3FFB];
	_ =	sdelay $0x3  }
0xa: {  	_ =	strace s19  }
0xb: {  	s2 =	sld [smem:$0x3FFC];
	_ =	sdelay $0x3  }
0xc: {  	_ =	strace s2  }
0xd: {  	s2 =	sld [smem:$0x3FFD];
	_ =	sdelay $0x3  }
0xe: {  	_ =	strace s2  }
0xf: {  	_ =	strace $0x8FFFFFFF  }
0x10: {  	s20 =	sld [smem:$0x3FDB];
	_ =	sdelay $0x1  }
0x11: {  	s21 =	simm.s32 $_scs_section_size  }
0x12: {  	s4 =	simm.s32 $_size__tile_overlayer_lowered;
	s5 =	simm.s32 $_tile_overlayer_lowered  }
0x13: {  	s6 =	simm.s32 $0x1BFF;
	s22 =	sshll.u32 s5, $0x1;
	s3 =	sadd.s32 s21, s20  }
0x14: {  	s23 =	simm.s32 $0x0;
	s4 =	sshll.u32 s4, $0x1;
	s5 =	sadd.s32 s22, s3  }
0x15: {  	[timem:s23], [sflag:s6] =	dma.local [hbm:s5], s4  }
0x16: {  	_ =	swait.ge [sflag:s6], s4  }
0x17: {  	s4 =	ssub.s32 $0x0, s4;
	[sflag:s6] =	ssyncset.done $0x0  }
0x18: {  	[sflag:s6] =	ssyncadd.s32 s4;
	_ =	sdelay $0x1  }
0x19: {  	s24 =	simm.s32 $0x1B8B  }
0x1a: {  	_ =	swait.ge [sflag:s24], $0x1  }
0x1b: {  	[sflag:s24] =	ssyncset.done $0x0  }
0x1c: {  	[sflag:s24] =	ssyncadd.s32 $0xFFFFFFFF  }
0x1d: {  	s4 =	sld [smem:$0x0]  }
0x1e: {  	s5 =	sand.u32 $0xFFFFFFFE, s1  }
0x1f: {  	p0 =	sne.s32 s1, s5  }
0x20: {  	s5 =	sshll.u32 @p0 s5, $0xE  }
0x21: {  	s5 =	sadd.s32 @p0 $0x11B8D, s5;
	s6 =	sshll.u32 @p0 s4, $0x11  }
0x22: {  	s5 =	sor.u32 @p0 s6, s5  }
0x23: {  	[sflag:s5] =	ssyncadd.remote.s32 @p0 $0x1;
	_ =	sdelay $0x1  }
0x24: {  	s5 =	simm.s32 @p0 $0x1B8D  }
0x25: {  	_ =	swait.eq @p0 [sflag:s5], $0x1  }
0x26: {  	[sflag:s5] =	ssyncadd.s32 @p0 $0xFFFFFFFF  }
0x27: {  	s6 =	sshll.u32 @!p0 s1, $0xE  }
0x28: {  	s6 =	sor.u32 @!p0 $0x4000, s6;
	s5 =	simm.s32 @!p0 $0x1B8D  }
0x29: {  	s4 =	sshll.u32 @!p0 s4, $0x11;
	s6 =	sadd.s32 @!p0 $0x11B8D, s6;
	_ =	swait.eq @!p0 [sflag:s5], $0x1  }
0x2a: {  	s4 =	sor.u32 @!p0 s4, s6;
	[sflag:s5] =	ssyncadd.s32 @!p0 $0xFFFFFFFF  }
0x2b: {  	s26 =	simm.s32 $0x1B8E;
	s25 =	sld [smem:$0x3FFE];
	[sflag:s4] =	ssyncadd.remote.s32 @!p0 $0x1  }
0x2c: {  	s27 =	simm.s32 $execute0_lowered;
	[smem:$0x3FD2] =	sst s26  }
0x2d: {  	s5 =	sshll.u32 s27, $0x1;
	_ =	strace $0x8000004C;
	[dreg:$0x1] =	wrdreg $0xFFFFFFFF  }
0x2e: {  	s28 =	simm.s32 $_size_execute0_lowered;
	s3 =	sadd.s32 s3, s5;
	[dreg:$0x0] =	wrdreg $0x0  }
0x2f: {  	s5 =	sshll.u32 s28, $0x1;
	[dreg:$0x2] =	wrdreg s3  }
0x30: {  	[dreg:$0x3] =	wrdreg s5  }
0x31: {  	[dreg:$0x4] =	wrdreg $0xC0  }
0x32: {  	_ =	task [dreg:s23], $0x5FFFF  }
0x33: {  	[dreg:$0x1] =	wrdreg $0xFFFFFFFF  }
0x34: {  	[dreg:$0x0] =	wrdreg $0x60  }
0x35: {  	[dreg:$0x2] =	wrdreg s25  }
0x36: {  	[dreg:$0x3] =	wrdreg $0xF  }
0x37: {  	_ =	task.clear_ibuf [dreg:s23], $0x4FFFF;
	_ =	strace $0x9000004C  }
0x38: {  	s29 =	simm.s32 $0xF;
	_ =	strace $0x8000004E  }
0x39: {  	_ =	swait.ge [sflag:s29], $0x1  }
0x3a: {  	[sflag:s29] =	ssyncadd.s32 $0xFFFFFFFF  }
0x3b: {  	_ =	strace $0x9000004E  }
0x3c: {  	_ =	sfence  }
0x3d: {  	s30 =	sld [smem:$0x0];
	_ =	sdelay $0x2  }
0x3e: {  	s31 =	sshll.u32 s1, $0xD;
	s1 =	sshrl.u32 s1, $0x2  }
0x3f: {  	s4 =	sand.u32 $0x4000, s31;
	s1 =	sadd.s32 s1, s30  }
0x40: {  	s0 =	sor.u32 s4, s0;
	s1 =	sshll.u32 s1, $0x11  }
0x41: {  	s0 =	sor.u32 s1, s0  }
0x42: {  	s0 =	sadd.s32 $0x8F2B, s0  }
0x43: {  	[sflag:s0] =	ssyncadd.remote.s32 $0x1  }
0x44: {  	_ =	sfence.sel $0xFFFF  }
0x45: {  	[dreg:$0x0] =	wrdreg $0xFFFFFFFF;
	(pc) =	sbr.abs _section_cstart, $3  }
0x46: {  	[dreg:$0x1] =	wrdreg $0xFFFFFFFF  }
0x47: {  	_ =	task.clear_ibuf [dreg:s23], $0x2FFFF;
	_ =	strace $0x9FFFFFFF  }
0x48: {  	(tm) =	ssettm $0x7FFFFFFF  }
0x49: {  	_ =	shalt  }
tec
execute0_lowered:
.L_overlay_start_1:
0x0: {  	(tag) =	ssettag $0x1  }
0x1: {  	s0 =	stileid.u32  }
0x2: {  	s1 =	srdreg.scid;
	s7 =	rddreg [dreg:$0x0]  }
0x3: {  	s31 =	simm.s32 $0x2;
	s14 =	simm.s32 $0x0;
	s13 =	simm.s32 $0x0  }
0x4: {  	s2 =	sshll.u32 s0, $0x6;
	s1 =	sshll.u32 s1, $0xA;
	s3 =	sshll.u32 s0, $0x7  }
0x5: {  	s12 =	simm.s32 $0x0;
	s1 =	sor.u32 s2, s1;
	s2 =	sand.u32 $0x80, s3  }
0x6: {  	s3 =	sand.u32 $0x780, s1;
	s1 =	rddreg [dreg:$0x1];
	s4 =	ssub.s32 $0x100, s2  }
0x7: {  	_ =	strace $0x8000004D;
	s11 =	smov.u32 s2;
	s5 =	ssub.s32 $0x4E200, s3  }
0x8: {  	s6 =	sshrl.u32 s4, $0x8;
	s4 =	sshrl.u32 s4, $0x7;
	s8 =	sand.u32 $0x780, s5  }
0x9: {  	s9 =	sand.u32 $0x1, s4;
	p0 =	sne.s32 s8, $0x0;
	s8 =	simm.s32 $0x1  }
.Ltmp0:
0xa: {  	s5 =	sshrl.u32 s5, $0xB;
	s8 =	simm.s32 @!p0 $0x0;
	(pc) =	sbr.rel .LBB1_1-.Ltmp0, $4  }
0xb: {  	s4 =	simm.s32 $0x1;
	s6 =	sadd.s32 s6, s9;
	s5 =	sadd.s32 s8, s5  }
0xc: {  	s10 =	smov.u32 s3;
	[sflag:s4] =	ssyncpa.u1 $0x0;
	s5 =	smul.u32 s6, s5  }
0xd: {  	s9 =	simm.s32 $0x800;
	[sflag:s31] =	ssyncpa.u1 $0x0;
	p0 =	por $0x0, $0x0  }
0xe: {  	s6 =	sadd.s32 $0xFC6C00, s7;
	s7 =	sadd.s32 $0x198AC00, s7;
	s8 =	sadd.s32 $0x1, s5  }
.LBB1_4:
0xf: {  	s20 =	sshll.u32 s14, $0x8;
	s21 =	sshll.u32 s13, $0x3  }
0x10: {  	v5 =	vld [tilespmem:s18+$0xFFFFFFD0];
	[tilespmem:s17+$0x2040 ss:$0x81] =	vst.msk $0xffff, v4;
	s25 =	sshll.u32 s14, $0x7;
	s20 =	sand.u32 $0xFFFFF800, s20;
	s21 =	sand.u32 $0xFFFFFC00, s21  }
0x11: {  	v58 =	vld [tilespmem:s18+$0xFFFFFFE0];
	[tilespmem:s17+$0x2850 ss:$0x81] =	vst.msk $0xffff, v3;
	s26 =	sand.u32 $0x300, s25;
	s20 =	sadd.s32 s21, s20  }
0x12: {  	s19 =	sshra.s32 s19, $0x2;
	v59 =	vld [tilespmem:s18+$0xFFFFFFF0];
	[tilespmem:s17+$0x3060 ss:$0x81] =	vst.msk $0xffff, v2;
	s20 =	sor.u32 s26, s20  }
0x13: {  	v60 =	vld [tilespmem:s18+$0x0];
	[tilespmem:s17+$0x0 ss:$0x81] =	vst.msk $0xffff, v0;
	s16 =	sadd.s32 s19, s16;
	s27 =	sshrl.u32 s20, $0x8  }
0x14: {  	v61 =	vld [tilespmem:s18+$0x10];
	[tilespmem:s16+$0x3870 ss:$0x81] =	vst.msk $0xffff, v1;
	s28 =	smulhi.u32 $0x1A36E3, s27  }
0x15: {  	v62 =	vld [tilespmem:s18+$0x20];
	[tilespmem:s16+$0x810 ss:$0x81] =	vst.msk $0xffff, v5  }
0x16: {  	v63 =	vld [tilespmem:s18+$0xFFFFFFC0];
	[tilespmem:s16+$0x1020 ss:$0x81] =	vst.msk $0xffff, v58;
	s29 =	sshrl.u32 s28, $0x7  }
0x17: {  	s30 =	sand.u32 $0x78, s13;
	s14 =	sand.u32 $0x80, s25;
	[tilespmem:s16+$0x1830 ss:$0x81] =	vst.msk $0xffff, v59;
	s18 =	smul.u32 $0x4E200, s29  }
0x18: {  	s14 =	sor.u32 s30, s14;
	[tilespmem:s16+$0x2040 ss:$0x81] =	vst.msk $0xffff, v60  }
0x19: {  	s31 =	sand.u32 $0x7, s13;
	s14 =	sshrl.u32 s14, $0x3;
	[tilespmem:s16+$0x2850 ss:$0x81] =	vst.msk $0xffff, v61;
	s17 =	ssub.s32 s27, s18  }
0x1a: {  	s13 =	sshll.u32 s31, $0x12;
	s14 =	sadd.s32 s7, s14;
	[tilespmem:s16+$0x3060 ss:$0x81] =	vst.msk $0xffff, v62;
	s17 =	sshll.u32 s17, $0x5  }
0x1b: {  	s13 =	sor.u32 $0x400, s13;
	[tilespmem:s16+$0x0 ss:$0x81] =	vst.msk $0xffff, v63;
	s14 =	sadd.s32 s17, s14  }
0x1c: {  	[hbm4b:s14+s13] =	stream.strided.scatter [tilespmem:s15], [sflag:$0x2], $0x4000, s9, s13, $0x20;
	[tilespmem:$0x10100] =	vst v63  }
.LBB1_5:
0x1d: {  	s15 =	sadd.s32 $0x800, s10  }
0x1e: {  	s13 =	sadd.s32 $0x100, s11;
	s17 =	smov.u32 s11;
	p2 =	sgt.s32 s15, $0x4E1FF  }
0x1f: {  	s17 =	smov.u32 @p2 s13  }
0x20: {  	s15 =	smov.u32 @p2 s3;
	p2 =	sgt.s32 s17, $0xFF  }
0x21: {  	s17 =	smov.u32 @p2 s2;
	p2 =	sne.s32 s12, s8  }
.Ltmp1:
0x22: {  	p1 =	slt.u32 s12, $0x2;
	(pc) =	sbr.rel @!p2 .LBB1_6-.Ltmp1, $4  }
0x23: {  	s16 =	simm.s32 @!p1 $0x2  }
0x24: {  	s14 =	smov.u32 s10;
	p0 =	por !p0, !p0;
	_ =	swait.ge @!p1 [sflag:s16], $0x4000  }
0x25: {  	s13 =	smov.u32 s11;
	[sflag:s16] =	ssyncset.done @!p1 $0x0;
	s10 =	smov.u32 s15  }
0x26: {  	s12 =	sadd.s32 $0x1, s12;
	[sflag:s16] =	ssyncadd.s32 @!p1 $0xFFFFC000;
	s11 =	smov.u32 s17  }
.LBB1_1:
0x27: {  	p1 =	sge.u32 s12, s5  }
0x28: {  	s15 =	sshrl.u32 @!p1 s11, $0x3  }
0x29: {  	s16 =	sshll.u32 @!p1 s10, $0x3;
	s15 =	smul.u32 @!p1 $0x271000, s15  }
0x2a: {  	s17 =	sshll.u32 @!p1 s11, $0x7;
	s16 =	sand.u32 @!p1 $0xFFFFFC00, s16  }
0x2b: {  	s15 =	sadd.s32 @!p1 s15, s16;
	s16 =	sand.u32 @!p1 $0x380, s17  }
0x2c: {  	s17 =	sand.u32 @!p1 $0x7F, s10;
	s15 =	sor.u32 @!p1 s16, s15  }
0x2d: {  	s16 =	sor.u32 @!p1 s17, s15  }
0x2e: {  	s17 =	smulhi.u32 @!p1 $0xD1B71759, s16;
	_ =	sdelay $0x1  }
0x2f: {  	s15 =	smulhi.u32 @!p1 $0xD1B71759, s15;
	s17 =	sshrl.u32 @!p1 s17, $0x12  }
0x30: {  	s17 =	smul.u32 @!p1 $0x4E200, s17  }
0x31: {  	s31 =	sadd.s32 $0xFFFFFFFF, s12;
	s18 =	sxor.u32 @!p1 $0xFFFFFFFF, s12;
	s15 =	sshrl.u32 @!p1 s15, $0x12  }
0x32: {  	s18 =	sshll.u32 @!p1 s18, $0xE;
	s15 =	sand.u32 @!p1 $0xFF, s15;
	s16 =	ssub.s32 @!p1 s16, s17  }
0x33: {  	s15 =	smul.u32 @!p1 $0x9C40, s15;
	s17 =	sshrl.u32 @!p1 s16, $0x3;
	s16 =	sand.u32 @!p1 $0x7, s16  }
0x34: {  	s18 =	sand.u32 @!p1 $0x4000, s18;
	s17 =	sadd.s32 @!p1 s6, s17;
	s16 =	sshll.u32 @!p1 s16, $0x12  }
0x35: {  	s15 =	sadd.s32 @!p1 s15, s17;
	s16 =	sor.u32 @!p1 $0x400, s16;
	s17 =	simm.s32 @!p1 $0x271000  }
0x36: {  	[tilespmem:s18], [sflag:$0x1] =	stream.strided.gather @!p1 [hbm4b:s15+s16], $0x4000, s17, s16, $0x38;
	[tilespmem:$0x10100] =	vst v63  }
0x37: {  	p1 =	sge.u32 s31, s5  }
.Ltmp2:
0x38: {  	_ = 	snop;
	(pc) =	sbr.rel @p1 .LBB1_5-.Ltmp2, $1  }
0x39: {  	_ =	sdelay $0x3  }
0x3a: {  	s15 =	simm.s32 $0x1  }
0x3b: {  	_ =	swait.ge [sflag:s4], $0x4000;
	s15 =	simm.s32 @!p0 $0x0  }
0x3c: {  	[sflag:s4] =	ssyncset.done $0x0;
	s16 =	sshll.u32 s15, $0xE  }
0x3d: {  	[sflag:s4] =	ssyncadd.s32 $0xFFFFC000;
	s18 =	sor.u32 $0x40, s16  }
0x3e: {  	s15 =	smul.u32 $0x10200, s15;
	v0 =	vld [tilespmem:s18+$0x30]  }
0x3f: {  	v1 =	vld [tilespmem:s18+$0xFFFFFFD0]  }
0x40: {  	s15 =	sshrl.u32 s15, $0x2;
	v5 =	vld [tilespmem:s18+$0xFFFFFFE0]  }
0x41: {  	v6 =	vld [tilespmem:s18+$0xFFFFFFF0];
	s16 =	sor.u32 $0x8000, s15  }
0x42: {  	s31 =	sand.u32 $0x1, s12;
	v4 =	vld [tilespmem:s18+$0x0];
	s17 =	sadd.s32 $0x0, s16  }
0x43: {  	v3 =	vld [tilespmem:s18+$0x10];
	s15 =	smul.u32 $0x10200, s31;
	[tilespmem:s17+$0x3870 ss:$0x81] =	vst.msk $0xffff, v0  }
0x44: {  	v2 =	vld [tilespmem:s18+$0x20];
	[tilespmem:s17+$0x810 ss:$0x81] =	vst.msk $0xffff, v1  }
0x45: {  	s15 =	sshrl.u32 s15, $0x2;
	v0 =	vld [tilespmem:s18+$0xFFFFFFC0];
	[tilespmem:s17+$0x1020 ss:$0x81] =	vst.msk $0xffff, v5;
	s18 =	sadd.s32 $0x80, s18  }
0x46: {  	s19 =	simm.s32 $0x4;
	s20 =	simm.s32 $0x8;
	s15 =	sor.u32 $0x8000, s15;
	[tilespmem:s17+$0x1830 ss:$0x81] =	vst.msk $0xffff, v6;
	v1 =	vld [tilespmem:s18+$0x30]  }
.LBB1_3:
0x47: {  	p1 =	sne.s32 s20, $0x1FC;
	v5 =	vld [tilespmem:s18+$0xFFFFFFD0];
	[tilespmem:s17+$0x2040 ss:$0x81] =	vst.msk $0xffff, v4  }
0x48: {  	v6 =	vld [tilespmem:s18+$0xFFFFFFE0];
	[tilespmem:s17+$0x2850 ss:$0x81] =	vst.msk $0xffff, v3  }
0x49: {  	s21 =	sshra.s32 s19, $0x2;
	s19 =	smov.u32 s20;
	v7 =	vld [tilespmem:s18+$0xFFFFFFF0];
	[tilespmem:s17+$0x3060 ss:$0x81] =	vst.msk $0xffff, v2  }
.Ltmp3:
0x4a: {  	v4 =	vld [tilespmem:s18+$0x0];
	[tilespmem:s17+$0x0 ss:$0x81] =	vst.msk $0xffff, v0;
	s17 =	sadd.s32 s21, s16;
	(pc) =	sbr.rel @p1 .LBB1_3-.Ltmp3, $4  }
0x4b: {  	v3 =	vld [tilespmem:s18+$0x10];
	[tilespmem:s17+$0x3870 ss:$0x81] =	vst.msk $0xffff, v1  }
0x4c: {  	[tilespmem:s17+$0x810 ss:$0x81] =	vst.msk $0xffff, v5;
	v2 =	vld [tilespmem:s18+$0x20]  }
0x4d: {  	v0 =	vld [tilespmem:s18+$0xFFFFFFC0];
	[tilespmem:s17+$0x1020 ss:$0x81] =	vst.msk $0xffff, v6;
	s18 =	sadd.s32 $0x80, s18  }
0x4e: {  	s20 =	sadd.s32 $0x4, s20;
	v1 =	vld [tilespmem:s18+$0x30];
	[tilespmem:s17+$0x1830 ss:$0x81] =	vst.msk $0xffff, v7  }
.Ltmp4:
0x4f: {  	_ = 	snop;
	(pc) =	sbr.rel .LBB1_4-.Ltmp4, $1  }
0x50: {  	_ =	sdelay $0x3  }
.LBB1_6:
0x51: {  	_ =	sfence.sel $0x180000  }
0x52: {  	s2 =	simm.s32 $0x1;
	[bflag:$0x0] =	sbarrier.arrive $0xFFFF  }
0x53: {  	s31 =	simm.s32 $0x2;
	[sflag:s2] =	ssyncpa.u1 $0x1  }
0x54: {  	[sflag:s31] =	ssyncpa.u1 $0x1  }
0x55: {  	p0 =	sne.s32 s0, $0x0;
	_ =	strace $0x9000004D  }
0x56: {  	s0 =	sadd.s32 @!p0 $0x100000, s1;
	[bflag:$0x2] =	sbarrier.arrive $0xFFFF  }
0x57: {  	[sflag:s0] =	ssyncadd.tile.s32 @!p0 $0x1;
	_ =	shalt  }
.Lfunc_end1:
_tile_overlayer_lowered:
.L_overlay_start_2:
0x58: {  	(tag) =	ssettag $0x2  }
0x59: {  	s0 =	rddreg [dreg:$0x0];
	s2 =	stileid.u32  }
0x5a: {  	s1 =	rddreg [dreg:$0x1];
	p0 =	sne.s32 s2, $0x0  }
0x5b: {  	s3 =	rddreg [dreg:$0x2];
	[bflag:$0x3] =	sbarrier.arrive $0xFFFF;
	s2 =	simm.s32 @!p0 $0x1C01  }
0x5c: {  	[timem:s3], [sflag:s2] =	dma.local @!p0 [hbm:s0], s1  }
0x5d: {  	s0 =	simm.s32 @!p0 $0x1  }
0x5e: {  	_ =	swait.ge @!p0 [sflag:s0], s1  }
0x5f: {  	s1 =	ssub.s32 @!p0 $0x0, s1;
	[sflag:s0] =	ssyncset.done @!p0 $0x0  }
0x60: {  	[sflag:s0] =	ssyncadd.s32 @!p0 s1  }
0x61: {  	[bflag:$0x3] =	sbarrier.arrive $0xFFFF  }
0x62: {  	_ =	shalt  }

</sc_bundles>
